<compile_context>
chip_gen: v7x
topology: tpu7x:2x2x1
jax: 0.10.2.dev20260603
libtpu: 0.0.44.dev20260713+nightly
codegen_flags: <defaults>
</compile_context>

<pallas_src>
import jax
import jax.numpy as jnp
from jax import lax
from jax.experimental import pallas as pl
from jax.experimental.pallas import tpu as pltpu
from jax.experimental.pallas import tpu_sc as plsc

N = 10000
E = 160000
D = 256
QD = D // 4
NS = 16
EPT = E // NS
CK = 80
NCH = EPT // CK
N_PAD = 10112
SLAB = N_PAD // NS
ZR = 8


def _prep_body(h_ref, att_ref, ab_ref, h4_ref):
    hh = h_ref[...]
    ab_ref[:, pl.ds(0, N)] = lax.dot_general(
        att_ref[...], hh,
        dimension_numbers=(((1,), (1,)), ((), ())),
        preferred_element_type=jnp.float32,
    )
    for q in range(4):
        h4_ref[q, pl.ds(0, N), :] = hh[:, q * QD:(q + 1) * QD]


def _sc_body(h4, row3, col3, adj3, ab, outp,
             row2d, col2d, adj2d, w2d, av, bv, gbuf, zbuf, statv,
             acc, stat_sh, gs0, gs1, ss0, ss1):
    c = lax.axis_index("c")
    s = lax.axis_index("s")

    pltpu.sync_copy(row3.at[s], row2d)
    pltpu.sync_copy(col3.at[s], col2d)
    pltpu.sync_copy(adj3.at[s], adj2d)
    pltpu.sync_copy(ab.at[0], av)
    pltpu.sync_copy(ab.at[1], bv)

    z16 = jnp.zeros((16,), jnp.float32)
    def _z_body(i, carry):
        for q in range(QD // 16):
            zbuf[i, pl.ds(q * 16, 16)] = z16
        return carry
    lax.fori_loop(0, ZR, _z_body, 0)

    def _p1_body(j, m):
        for k in range(CK // 16):
            sl = pl.ds(k * 16, 16)
            r16 = row2d[j, sl]
            c16 = col2d[j, sl]
            a16 = plsc.load_gather(av, [r16])
            b16 = plsc.load_gather(bv, [c16])
            s16 = a16 + b16
            s16 = jnp.where(s16 >= 0.0, s16, 0.2 * s16)
            w2d[j, sl] = s16
            m = jnp.maximum(m, s16)
        return m
    m = lax.fori_loop(0, NCH, _p1_body,
                      jnp.full((16,), -3.0e38, jnp.float32))

    statv[0, :] = m
    pltpu.sync_copy(statv.at[0], stat_sh.at[0, s])
    plsc.subcore_barrier()
    pltpu.sync_copy(stat_sh.at[0], statv)
    gmv = statv[0, :]
    for k in range(1, NS):
        gmv = jnp.maximum(gmv, statv[k, :])
    gm = jnp.max(gmv)

    def _p2_body(j, sv):
        for k in range(CK // 16):
            sl = pl.ds(k * 16, 16)
            e16 = jnp.exp(w2d[j, sl] - gm)
            sv = sv + e16
            w2d[j, sl] = e16 * adj2d[j, sl]
        return sv
    sv = lax.fori_loop(0, NCH, _p2_body, jnp.zeros((16,), jnp.float32))
    statv[0, :] = sv
    pltpu.sync_copy(statv.at[0], stat_sh.at[1, s])
    plsc.subcore_barrier()
    pltpu.sync_copy(stat_sh.at[1], statv)
    zv = statv[0, :]
    for k in range(1, NS):
        zv = zv + statv[k, :]
    inv_z = 1.0 / (jnp.zeros((16,), jnp.float32) + jnp.sum(zv))

    def _wz_body(j, carry):
        for k in range(CK // 16):
            sl = pl.ds(k * 16, 16)
            w2d[j, sl] = w2d[j, sl] * inv_z
        return carry
    lax.fori_loop(0, NCH, _wz_body, 0)

    b0 = gbuf.at[0]
    b1 = gbuf.at[1]
    for p in range(2):
        qo = pl.multiple_of((2 * c + p) * QD, QD)
        hq = h4.at[2 * c + p]

        def _zc_body(t, carry):
            off = pl.multiple_of(s * SLAB + t * ZR, 8)
            pltpu.async_copy(zbuf, acc.at[pl.ds(off, ZR)], gs0)
            return carry
        lax.fori_loop(0, SLAB // ZR, _zc_body, 0)

        def _zw_body(t, carry):
            off = pl.multiple_of(s * SLAB + t * ZR, 8)
            pltpu.make_async_copy(zbuf, acc.at[pl.ds(off, ZR)], gs0).wait()
            return carry
        lax.fori_loop(0, SLAB // ZR, _zw_body, 0)
        plsc.subcore_barrier()

        def _scale(j, buf):
            jsplat = jnp.zeros((16,), jnp.int32) + j

            def _sc(eb, c2):
                e0 = eb * 4
                for u in range(4):
                    esplat = jnp.zeros((16,), jnp.int32) + (e0 + u)
                    wv = plsc.load_gather(w2d, [jsplat, esplat])
                    for q in range(QD // 16):
                        sl = pl.ds(q * 16, 16)
                        buf[e0 + u, sl] = buf[e0 + u, sl] * wv
                return c2
            lax.fori_loop(0, CK // 4, _sc, 0)

        pltpu.async_copy(hq.at[col2d.at[0]], b0, gs0)
        pltpu.async_copy(hq.at[col2d.at[1]], b1, gs1)

        def _pair(j2, carry):
            j0 = 2 * j2
            j1 = j0 + 1
            pltpu.make_async_copy(hq.at[col2d.at[j0]], b0, gs0).wait()
            _scale(j0, b0)
            pltpu.async_copy(b0, acc.at[row2d.at[j0]], ss0, add=True)
            pltpu.make_async_copy(hq.at[col2d.at[j1]], b1, gs1).wait()
            _scale(j1, b1)
            pltpu.async_copy(b1, acc.at[row2d.at[j1]], ss1, add=True)
            pltpu.make_async_copy(b0, acc.at[row2d.at[j0]], ss0).wait()
            pltpu.async_copy(hq.at[col2d.at[j0 + 2]], b0, gs0)
            pltpu.make_async_copy(b1, acc.at[row2d.at[j1]], ss1).wait()

            @pl.when(j2 < (NCH - 3) // 2)
            def _():
                pltpu.async_copy(hq.at[col2d.at[j1 + 2]], b1, gs1)
            return carry
        lax.fori_loop(0, (NCH - 1) // 2, _pair, 0)

        jl = NCH - 1
        pltpu.make_async_copy(hq.at[col2d.at[jl]], b0, gs0).wait()
        _scale(jl, b0)
        pltpu.async_copy(b0, acc.at[row2d.at[jl]], ss0, add=True)
        pltpu.make_async_copy(b0, acc.at[row2d.at[jl]], ss0).wait()

        plsc.subcore_barrier()
        slab_off = pl.multiple_of(s * SLAB, 8)
        pltpu.sync_copy(acc.at[pl.ds(slab_off, SLAB)],
                        outp.at[pl.ds(slab_off, SLAB), pl.ds(qo, QD)])


_sc_call = pl.kernel(
    _sc_body,
    mesh=plsc.VectorSubcoreMesh(core_axis_name="c", subcore_axis_name="s"),
    compiler_params=pltpu.CompilerParams(
        needs_layout_passes=False, use_tc_tiling_on_sc=False),
    out_type=jax.ShapeDtypeStruct((N_PAD, D), jnp.float32),
    scratch_types=[
        pltpu.VMEM((NCH, CK), jnp.int32),
        pltpu.VMEM((NCH, CK), jnp.int32),
        pltpu.VMEM((NCH, CK), jnp.float32),
        pltpu.VMEM((NCH, CK), jnp.float32),
        pltpu.VMEM((N_PAD,), jnp.float32),
        pltpu.VMEM((N_PAD,), jnp.float32),
        pltpu.VMEM((2, CK, QD), jnp.float32),
        pltpu.VMEM((ZR, QD), jnp.float32),
        pltpu.VMEM((NS, 16), jnp.float32),
        pltpu.VMEM_SHARED((N_PAD, QD), jnp.float32),
        pltpu.VMEM_SHARED((2, NS, 16), jnp.float32),
        pltpu.SemaphoreType.DMA,
        pltpu.SemaphoreType.DMA,
        pltpu.SemaphoreType.DMA,
        pltpu.SemaphoreType.DMA,
    ],
)


def kernel(h, edge_index, adj_values, att):
    h = h.astype(jnp.float32)
    row = edge_index[0].astype(jnp.int32)
    col = edge_index[1].astype(jnp.int32)
    att2 = att.astype(jnp.float32).reshape(2, D)

    ab, h4 = pl.pallas_call(
        _prep_body,
        out_shape=(
            jax.ShapeDtypeStruct((2, N_PAD), jnp.float32),
            jax.ShapeDtypeStruct((4, N_PAD, QD), jnp.float32),
        ),
    )(h, att2)

    row3 = row.reshape(NS, NCH, CK)
    col3 = col.reshape(NS, NCH, CK)
    adj3 = adj_values.astype(jnp.float32).reshape(NS, NCH, CK)

    outp = _sc_call(h4, row3, col3, adj3, ab)
    return outp[:N]

# --- scband reference (transcript-rebuilt; emitter-appended) ---
"""Pipeline reference for scband-graph-attention-layer-52965536694517 (READ-ONLY COPY).

The authoritative reference and input builder live on the scoring server;
editing this copy changes nothing except your own understanding.
"""

import jax, jax.numpy as jnp
import numpy as np

N_NODES = 10000
N_EDGES = 160000
D = 256

def setup_inputs(seed: int = 0) -> dict:
    key = jax.random.key(seed)
    k1, k2, k3, k4 = jax.random.split(key, 4)
    h = jax.random.normal(k1, (N_NODES, D), dtype=jnp.float32)
    edge_index = jax.random.randint(k2, (2, N_EDGES), 0, N_NODES, dtype=jnp.int64)
    adj_values = jax.random.uniform(k3, (N_EDGES,), dtype=jnp.float32)
    # learned parameter: att [2*out_features, 1], xavier-uniform-ish init
    bound = 1.414 * np.sqrt(6.0 / (2 * D + 1))
    att = jax.random.uniform(k4, (2 * D, 1), dtype=jnp.float32, minval=-bound, maxval=bound)
    return {"h": h, "edge_index": edge_index, "adj_values": adj_values, "att": att}

def reference(h, edge_index, adj_values, att):
    row = edge_index[0]
    col = edge_index[1]
    h_i = jnp.take(h, row, axis=0)
    h_j = jnp.take(h, col, axis=0)
    attention_input = jnp.concatenate([h_i, h_j], axis=1)
    attention = jax.nn.leaky_relu(jnp.squeeze(jnp.matmul(attention_input, att), axis=1), negative_slope=0.2)
    attention = jax.nn.softmax(attention, axis=0)
    # dropout is identity in eval mode (training=False)
    new_vals = adj_values * attention
    # torch.sparse.mm(new_adj, h): out[row] += val * h[col]
    h_prime = jax.ops.segment_sum(new_vals[:, None] * jnp.take(h, col, axis=0), row, num_segments=N_NODES)
    return h_prime

if __name__ == "__main__":
    import jax
    _d = setup_inputs()
    print(jax.jit(kernel)(*tuple(_d.values())))

</pallas_src>

<mosaic_0001>
#map = affine_map<(d0, d1) -> (0, 0, 0)>
#map1 = affine_map<(d0, d1) -> (0, 0)>
module attributes {stable_mosaic.version = 14 : i64} {
  func.func @_sc_body(%arg0: i32, %arg1: i32, %arg2: memref<4x10112x64xf32, #tpu.memory_space<hbm>>, %arg3: memref<16x125x80xi32, #tpu.memory_space<hbm>>, %arg4: memref<16x125x80xi32, #tpu.memory_space<hbm>>, %arg5: memref<16x125x80xf32, #tpu.memory_space<hbm>>, %arg6: memref<2x10112xf32, #tpu.memory_space<hbm>>, %arg7: memref<10112x256xf32, #tpu.memory_space<hbm>>, %arg8: memref<125x80xi32, #tpu.memory_space<vmem>>, %arg9: memref<125x80xi32, #tpu.memory_space<vmem>>, %arg10: memref<125x80xf32, #tpu.memory_space<vmem>>, %arg11: memref<125x80xf32, #tpu.memory_space<vmem>>, %arg12: memref<10112xf32, #tpu.memory_space<vmem>>, %arg13: memref<10112xf32, #tpu.memory_space<vmem>>, %arg14: memref<2x80x64xf32, #tpu.memory_space<vmem>>, %arg15: memref<8x64xf32, #tpu.memory_space<vmem>>, %arg16: memref<16x16xf32, #tpu.memory_space<vmem>>, %arg17: memref<10112x64xf32, #tpu.memory_space<vmem_shared>>, %arg18: memref<2x16x16xf32, #tpu.memory_space<vmem_shared>>, %arg19: memref<!tpu.dma_semaphore, #tpu.memory_space<semaphore_mem>>, %arg20: memref<!tpu.dma_semaphore, #tpu.memory_space<semaphore_mem>>, %arg21: memref<!tpu.dma_semaphore, #tpu.memory_space<semaphore_mem>>, %arg22: memref<!tpu.dma_semaphore, #tpu.memory_space<semaphore_mem>>) attributes {dimension_semantics = [#tpu.dimension_semantics<core_parallel>, #tpu.dimension_semantics<subcore_parallel>], iteration_bounds = array<i64: 2, 16>, scalar_prefetch = 0 : i64, scratch_operands = 15 : i64, tpu.core_type = #tpu.core_type<sc_vector_subcore>, window_params = [{transform_indices = #map}, {transform_indices = #map}, {transform_indices = #map}, {transform_indices = #map}, {transform_indices = #map1}, {transform_indices = #map1}]} {
    "tpu.region"() ({
      %run_scoped3A_446 = tpu.sem_alloc : memref<!tpu.dma_semaphore, #tpu.memory_space<semaphore_mem>>
      %dma_start3A_447 = arith.constant 0 : i32
      %dma_start3A_448 = arith.constant 0 : i32
      %dma_start3A_449 = tpu.memref_slice %arg3[%arg1, %dma_start3A_447, %dma_start3A_448] : memref<16x125x80xi32, #tpu.memory_space<hbm>> -> memref<1x125x80xi32, #tpu.memory_space<hbm>>
      %dma_start3A_450 = tpu.memref_squeeze %dma_start3A_449 : memref<1x125x80xi32, #tpu.memory_space<hbm>> -> memref<125x80xi32, #tpu.memory_space<hbm>>
      %dma_start3A_451 = arith.constant 0 : i32
      %dma_start3A_452 = arith.constant 0 : i32
      %dma_start3A_453 = tpu.memref_slice %arg3[%arg1, %dma_start3A_451, %dma_start3A_452] : memref<16x125x80xi32, #tpu.memory_space<hbm>> -> memref<1x125x80xi32, #tpu.memory_space<hbm>>
      %dma_start3A_454 = tpu.memref_squeeze %dma_start3A_453 : memref<1x125x80xi32, #tpu.memory_space<hbm>> -> memref<125x80xi32, #tpu.memory_space<hbm>>
      tpu.enqueue_dma source(%dma_start3A_454 : memref<125x80xi32, #tpu.memory_space<hbm>>) target(%arg8 : memref<125x80xi32, #tpu.memory_space<vmem>>) target_semaphore(%run_scoped3A_446 : memref<!tpu.dma_semaphore, #tpu.memory_space<semaphore_mem>>)
      %dma_wait3A_455 = arith.constant 0 : i32
      %dma_wait3A_456 = arith.constant 0 : i32
      %dma_wait3A_457 = tpu.memref_slice %arg3[%arg1, %dma_wait3A_455, %dma_wait3A_456] : memref<16x125x80xi32, #tpu.memory_space<hbm>> -> memref<1x125x80xi32, #tpu.memory_space<hbm>>
      %dma_wait3A_458 = tpu.memref_squeeze %dma_wait3A_457 : memref<1x125x80xi32, #tpu.memory_space<hbm>> -> memref<125x80xi32, #tpu.memory_space<hbm>>
      %dma_wait3A_459 = arith.constant 0 : i32
      %dma_wait3A_460 = arith.constant 0 : i32
      %dma_wait3A_461 = tpu.memref_slice %arg3[%arg1, %dma_wait3A_459, %dma_wait3A_460] : memref<16x125x80xi32, #tpu.memory_space<hbm>> -> memref<1x125x80xi32, #tpu.memory_space<hbm>>
      %dma_wait3A_462 = tpu.memref_squeeze %dma_wait3A_461 : memref<1x125x80xi32, #tpu.memory_space<hbm>> -> memref<125x80xi32, #tpu.memory_space<hbm>>
      tpu.wait_dma2 semaphore(%run_scoped3A_446 : memref<!tpu.dma_semaphore, #tpu.memory_space<semaphore_mem>>) src(%dma_wait3A_462 : memref<125x80xi32, #tpu.memory_space<hbm>>) dst(%arg8 : memref<125x80xi32, #tpu.memory_space<vmem>>)
      tpu.yield
    }) : () -> ()
    "tpu.region"() ({
      %run_scoped3A_446 = tpu.sem_alloc : memref<!tpu.dma_semaphore, #tpu.memory_space<semaphore_mem>>
      %dma_start3A_447 = arith.constant 0 : i32
      %dma_start3A_448 = arith.constant 0 : i32
      %dma_start3A_449 = tpu.memref_slice %arg4[%arg1, %dma_start3A_447, %dma_start3A_448] : memref<16x125x80xi32, #tpu.memory_space<hbm>> -> memref<1x125x80xi32, #tpu.memory_space<hbm>>
      %dma_start3A_450 = tpu.memref_squeeze %dma_start3A_449 : memref<1x125x80xi32, #tpu.memory_space<hbm>> -> memref<125x80xi32, #tpu.memory_space<hbm>>
      %dma_start3A_451 = arith.constant 0 : i32
      %dma_start3A_452 = arith.constant 0 : i32
      %dma_start3A_453 = tpu.memref_slice %arg4[%arg1, %dma_start3A_451, %dma_start3A_452] : memref<16x125x80xi32, #tpu.memory_space<hbm>> -> memref<1x125x80xi32, #tpu.memory_space<hbm>>
      %dma_start3A_454 = tpu.memref_squeeze %dma_start3A_453 : memref<1x125x80xi32, #tpu.memory_space<hbm>> -> memref<125x80xi32, #tpu.memory_space<hbm>>
      tpu.enqueue_dma source(%dma_start3A_454 : memref<125x80xi32, #tpu.memory_space<hbm>>) target(%arg9 : memref<125x80xi32, #tpu.memory_space<vmem>>) target_semaphore(%run_scoped3A_446 : memref<!tpu.dma_semaphore, #tpu.memory_space<semaphore_mem>>)
      %dma_wait3A_455 = arith.constant 0 : i32
      %dma_wait3A_456 = arith.constant 0 : i32
      %dma_wait3A_457 = tpu.memref_slice %arg4[%arg1, %dma_wait3A_455, %dma_wait3A_456] : memref<16x125x80xi32, #tpu.memory_space<hbm>> -> memref<1x125x80xi32, #tpu.memory_space<hbm>>
      %dma_wait3A_458 = tpu.memref_squeeze %dma_wait3A_457 : memref<1x125x80xi32, #tpu.memory_space<hbm>> -> memref<125x80xi32, #tpu.memory_space<hbm>>
      %dma_wait3A_459 = arith.constant 0 : i32
      %dma_wait3A_460 = arith.constant 0 : i32
      %dma_wait3A_461 = tpu.memref_slice %arg4[%arg1, %dma_wait3A_459, %dma_wait3A_460] : memref<16x125x80xi32, #tpu.memory_space<hbm>> -> memref<1x125x80xi32, #tpu.memory_space<hbm>>
      %dma_wait3A_462 = tpu.memref_squeeze %dma_wait3A_461 : memref<1x125x80xi32, #tpu.memory_space<hbm>> -> memref<125x80xi32, #tpu.memory_space<hbm>>
      tpu.wait_dma2 semaphore(%run_scoped3A_446 : memref<!tpu.dma_semaphore, #tpu.memory_space<semaphore_mem>>) src(%dma_wait3A_462 : memref<125x80xi32, #tpu.memory_space<hbm>>) dst(%arg9 : memref<125x80xi32, #tpu.memory_space<vmem>>)
      tpu.yield
    }) : () -> ()
    "tpu.region"() ({
      %run_scoped3A_446 = tpu.sem_alloc : memref<!tpu.dma_semaphore, #tpu.memory_space<semaphore_mem>>
      %dma_start3A_447 = arith.constant 0 : i32
      %dma_start3A_448 = arith.constant 0 : i32
      %dma_start3A_449 = tpu.memref_slice %arg5[%arg1, %dma_start3A_447, %dma_start3A_448] : memref<16x125x80xf32, #tpu.memory_space<hbm>> -> memref<1x125x80xf32, #tpu.memory_space<hbm>>
      %dma_start3A_450 = tpu.memref_squeeze %dma_start3A_449 : memref<1x125x80xf32, #tpu.memory_space<hbm>> -> memref<125x80xf32, #tpu.memory_space<hbm>>
      %dma_start3A_451 = arith.constant 0 : i32
      %dma_start3A_452 = arith.constant 0 : i32
      %dma_start3A_453 = tpu.memref_slice %arg5[%arg1, %dma_start3A_451, %dma_start3A_452] : memref<16x125x80xf32, #tpu.memory_space<hbm>> -> memref<1x125x80xf32, #tpu.memory_space<hbm>>
      %dma_start3A_454 = tpu.memref_squeeze %dma_start3A_453 : memref<1x125x80xf32, #tpu.memory_space<hbm>> -> memref<125x80xf32, #tpu.memory_space<hbm>>
      tpu.enqueue_dma source(%dma_start3A_454 : memref<125x80xf32, #tpu.memory_space<hbm>>) target(%arg10 : memref<125x80xf32, #tpu.memory_space<vmem>>) target_semaphore(%run_scoped3A_446 : memref<!tpu.dma_semaphore, #tpu.memory_space<semaphore_mem>>)
      %dma_wait3A_455 = arith.constant 0 : i32
      %dma_wait3A_456 = arith.constant 0 : i32
      %dma_wait3A_457 = tpu.memref_slice %arg5[%arg1, %dma_wait3A_455, %dma_wait3A_456] : memref<16x125x80xf32, #tpu.memory_space<hbm>> -> memref<1x125x80xf32, #tpu.memory_space<hbm>>
      %dma_wait3A_458 = tpu.memref_squeeze %dma_wait3A_457 : memref<1x125x80xf32, #tpu.memory_space<hbm>> -> memref<125x80xf32, #tpu.memory_space<hbm>>
      %dma_wait3A_459 = arith.constant 0 : i32
      %dma_wait3A_460 = arith.constant 0 : i32
      %dma_wait3A_461 = tpu.memref_slice %arg5[%arg1, %dma_wait3A_459, %dma_wait3A_460] : memref<16x125x80xf32, #tpu.memory_space<hbm>> -> memref<1x125x80xf32, #tpu.memory_space<hbm>>
      %dma_wait3A_462 = tpu.memref_squeeze %dma_wait3A_461 : memref<1x125x80xf32, #tpu.memory_space<hbm>> -> memref<125x80xf32, #tpu.memory_space<hbm>>
      tpu.wait_dma2 semaphore(%run_scoped3A_446 : memref<!tpu.dma_semaphore, #tpu.memory_space<semaphore_mem>>) src(%dma_wait3A_462 : memref<125x80xf32, #tpu.memory_space<hbm>>) dst(%arg10 : memref<125x80xf32, #tpu.memory_space<vmem>>)
      tpu.yield
    }) : () -> ()
    %run_scoped3A = arith.constant 0 : i32
    "tpu.region"() ({
      %run_scoped3A_446 = tpu.sem_alloc : memref<!tpu.dma_semaphore, #tpu.memory_space<semaphore_mem>>
      %dma_start3A_447 = arith.constant 0 : i32
      %dma_start3A_448 = tpu.memref_slice %arg6[%run_scoped3A, %dma_start3A_447] : memref<2x10112xf32, #tpu.memory_space<hbm>> -> memref<1x10112xf32, #tpu.memory_space<hbm>>
      %dma_start3A_449 = tpu.memref_squeeze %dma_start3A_448 : memref<1x10112xf32, #tpu.memory_space<hbm>> -> memref<10112xf32, #tpu.memory_space<hbm>>
      %dma_start3A_450 = arith.constant 0 : i32
      %dma_start3A_451 = tpu.memref_slice %arg6[%run_scoped3A, %dma_start3A_450] : memref<2x10112xf32, #tpu.memory_space<hbm>> -> memref<1x10112xf32, #tpu.memory_space<hbm>>
      %dma_start3A_452 = tpu.memref_squeeze %dma_start3A_451 : memref<1x10112xf32, #tpu.memory_space<hbm>> -> memref<10112xf32, #tpu.memory_space<hbm>>
      tpu.enqueue_dma source(%dma_start3A_452 : memref<10112xf32, #tpu.memory_space<hbm>>) target(%arg12 : memref<10112xf32, #tpu.memory_space<vmem>>) target_semaphore(%run_scoped3A_446 : memref<!tpu.dma_semaphore, #tpu.memory_space<semaphore_mem>>)
      %dma_wait3A_453 = arith.constant 0 : i32
      %dma_wait3A_454 = tpu.memref_slice %arg6[%run_scoped3A, %dma_wait3A_453] : memref<2x10112xf32, #tpu.memory_space<hbm>> -> memref<1x10112xf32, #tpu.memory_space<hbm>>
      %dma_wait3A_455 = tpu.memref_squeeze %dma_wait3A_454 : memref<1x10112xf32, #tpu.memory_space<hbm>> -> memref<10112xf32, #tpu.memory_space<hbm>>
      %dma_wait3A_456 = arith.constant 0 : i32
      %dma_wait3A_457 = tpu.memref_slice %arg6[%run_scoped3A, %dma_wait3A_456] : memref<2x10112xf32, #tpu.memory_space<hbm>> -> memref<1x10112xf32, #tpu.memory_space<hbm>>
      %dma_wait3A_458 = tpu.memref_squeeze %dma_wait3A_457 : memref<1x10112xf32, #tpu.memory_space<hbm>> -> memref<10112xf32, #tpu.memory_space<hbm>>
      tpu.wait_dma2 semaphore(%run_scoped3A_446 : memref<!tpu.dma_semaphore, #tpu.memory_space<semaphore_mem>>) src(%dma_wait3A_458 : memref<10112xf32, #tpu.memory_space<hbm>>) dst(%arg12 : memref<10112xf32, #tpu.memory_space<vmem>>)
      tpu.yield
    }) : () -> ()
    %run_scoped3A_0 = arith.constant 1 : i32
    "tpu.region"() ({
      %run_scoped3A_446 = tpu.sem_alloc : memref<!tpu.dma_semaphore, #tpu.memory_space<semaphore_mem>>
      %dma_start3A_447 = arith.constant 0 : i32
      %dma_start3A_448 = tpu.memref_slice %arg6[%run_scoped3A_0, %dma_start3A_447] : memref<2x10112xf32, #tpu.memory_space<hbm>> -> memref<1x10112xf32, #tpu.memory_space<hbm>>
      %dma_start3A_449 = tpu.memref_squeeze %dma_start3A_448 : memref<1x10112xf32, #tpu.memory_space<hbm>> -> memref<10112xf32, #tpu.memory_space<hbm>>
      %dma_start3A_450 = arith.constant 0 : i32
      %dma_start3A_451 = tpu.memref_slice %arg6[%run_scoped3A_0, %dma_start3A_450] : memref<2x10112xf32, #tpu.memory_space<hbm>> -> memref<1x10112xf32, #tpu.memory_space<hbm>>
      %dma_start3A_452 = tpu.memref_squeeze %dma_start3A_451 : memref<1x10112xf32, #tpu.memory_space<hbm>> -> memref<10112xf32, #tpu.memory_space<hbm>>
      tpu.enqueue_dma source(%dma_start3A_452 : memref<10112xf32, #tpu.memory_space<hbm>>) target(%arg13 : memref<10112xf32, #tpu.memory_space<vmem>>) target_semaphore(%run_scoped3A_446 : memref<!tpu.dma_semaphore, #tpu.memory_space<semaphore_mem>>)
      %dma_wait3A_453 = arith.constant 0 : i32
      %dma_wait3A_454 = tpu.memref_slice %arg6[%run_scoped3A_0, %dma_wait3A_453] : memref<2x10112xf32, #tpu.memory_space<hbm>> -> memref<1x10112xf32, #tpu.memory_space<hbm>>
      %dma_wait3A_455 = tpu.memref_squeeze %dma_wait3A_454 : memref<1x10112xf32, #tpu.memory_space<hbm>> -> memref<10112xf32, #tpu.memory_space<hbm>>
      %dma_wait3A_456 = arith.constant 0 : i32
      %dma_wait3A_457 = tpu.memref_slice %arg6[%run_scoped3A_0, %dma_wait3A_456] : memref<2x10112xf32, #tpu.memory_space<hbm>> -> memref<1x10112xf32, #tpu.memory_space<hbm>>
      %dma_wait3A_458 = tpu.memref_squeeze %dma_wait3A_457 : memref<1x10112xf32, #tpu.memory_space<hbm>> -> memref<10112xf32, #tpu.memory_space<hbm>>
      tpu.wait_dma2 semaphore(%run_scoped3A_446 : memref<!tpu.dma_semaphore, #tpu.memory_space<semaphore_mem>>) src(%dma_wait3A_458 : memref<10112xf32, #tpu.memory_space<hbm>>) dst(%arg13 : memref<10112xf32, #tpu.memory_space<vmem>>)
      tpu.yield
    }) : () -> ()
    %broadcast_in_dim3A = arith.constant 0.000000e+00 : f32
    %broadcast_in_dim3A_1 = vector.broadcast %broadcast_in_dim3A : f32 to vector<16xf32>
    %scan3A = arith.constant 0 : i32
    %scan3A_2 = arith.constant 0 : i32
    %scan3A_3 = arith.constant 8 : i32
    %scan3A_4 = arith.addi %scan3A_2, %scan3A_3 : i32
    %scan3A_5 = arith.constant 1 : i32
    scf.for %scan3A_446 = %scan3A_2 to %scan3A_4 step %scan3A_5  : i32 {
      %swap3A_447 = arith.index_cast %scan3A_446 : i32 to index
      %swap3A_448 = arith.constant 0 : index
      %swap3A_449 = tpu.vector_load %arg15[%swap3A_447, %swap3A_448] {strides = array<i32>} : memref<8x64xf32, #tpu.memory_space<vmem>>, vector<16xf32>,
      tpu.vector_store %arg15[%swap3A_447, %swap3A_448], %broadcast_in_dim3A_1 {strides = array<i32>} : memref<8x64xf32, #tpu.memory_space<vmem>>, vector<16xf32>,
      %swap3A_450 = arith.index_cast %scan3A_446 : i32 to index
      %swap3A_451 = arith.constant 16 : index
      %swap3A_452 = tpu.vector_load %arg15[%swap3A_450, %swap3A_451] {strides = array<i32>} : memref<8x64xf32, #tpu.memory_space<vmem>>, vector<16xf32>,
      tpu.vector_store %arg15[%swap3A_450, %swap3A_451], %broadcast_in_dim3A_1 {strides = array<i32>} : memref<8x64xf32, #tpu.memory_space<vmem>>, vector<16xf32>,
      %swap3A_453 = arith.index_cast %scan3A_446 : i32 to index
      %swap3A_454 = arith.constant 32 : index
      %swap3A_455 = tpu.vector_load %arg15[%swap3A_453, %swap3A_454] {strides = array<i32>} : memref<8x64xf32, #tpu.memory_space<vmem>>, vector<16xf32>,
      tpu.vector_store %arg15[%swap3A_453, %swap3A_454], %broadcast_in_dim3A_1 {strides = array<i32>} : memref<8x64xf32, #tpu.memory_space<vmem>>, vector<16xf32>,
      %swap3A_456 = arith.index_cast %scan3A_446 : i32 to index
      %swap3A_457 = arith.constant 48 : index
      %swap3A_458 = tpu.vector_load %arg15[%swap3A_456, %swap3A_457] {strides = array<i32>} : memref<8x64xf32, #tpu.memory_space<vmem>>, vector<16xf32>,
      tpu.vector_store %arg15[%swap3A_456, %swap3A_457], %broadcast_in_dim3A_1 {strides = array<i32>} : memref<8x64xf32, #tpu.memory_space<vmem>>, vector<16xf32>,
    }
    %scan3A_6 = arith.constant 8 : i32
    %broadcast_in_dim3A_7 = arith.constant -3.000000e+38 : f32
    %broadcast_in_dim3A_8 = vector.broadcast %broadcast_in_dim3A_7 : f32 to vector<16xf32>
    %scan3A_9 = arith.constant 0 : i32
    %scan3A_10 = arith.constant 125 : i32
    %scan3A_11 = arith.addi %scan3A_9, %scan3A_10 : i32
    %scan3A_12 = arith.constant 1 : i32
    %scan3A_13 = scf.for %scan3A_446 = %scan3A_9 to %scan3A_11 step %scan3A_12 iter_args(%scan3A_447 = %broadcast_in_dim3A_8) -> (vector<16xf32>)  : i32 {
      %get3A_448 = arith.index_cast %scan3A_446 : i32 to index
      %get3A_449 = arith.constant 0 : index
      %get3A_450 = tpu.vector_load %arg8[%get3A_448, %get3A_449] {strides = array<i32>} : memref<125x80xi32, #tpu.memory_space<vmem>>, vector<16xi32>,
      %get3A_451 = arith.index_cast %scan3A_446 : i32 to index
      %get3A_452 = arith.constant 0 : index
      %get3A_453 = tpu.vector_load %arg9[%get3A_451, %get3A_452] {strides = array<i32>} : memref<125x80xi32, #tpu.memory_space<vmem>>, vector<16xi32>,
      %gather3A = tpu.vector_load_idx %arg12[%get3A_450] : memref<10112xf32, #tpu.memory_space<vmem>>[vector<16xi32>], vector<16xf32>,
      %gather3A_454 = tpu.vector_load_idx %arg13[%get3A_453] : memref<10112xf32, #tpu.memory_space<vmem>>[vector<16xi32>], vector<16xf32>,
      %add3A_455 = arith.addf %gather3A, %gather3A_454 : vector<16xf32>
      %ge3A = arith.constant 0.000000e+00 : f32
      %ge3A_456 = vector.broadcast %ge3A : f32 to vector<16xf32>
      %ge3A_457 = arith.cmpf oge, %add3A_455, %ge3A_456 : vector<16xf32>
      %mul3A_458 = arith.constant 2.000000e-01 : f32
      %mul3A_459 = vector.broadcast %mul3A_458 : f32 to vector<16xf32>
      %mul3A_460 = arith.mulf %mul3A_459, %add3A_455 : vector<16xf32>
      %select_n3A = arith.select %ge3A_457, %add3A_455, %mul3A_460 : vector<16xi1>, vector<16xf32>
      %swap3A_461 = arith.index_cast %scan3A_446 : i32 to index
      %swap3A_462 = arith.constant 0 : index
      %swap3A_463 = tpu.vector_load %arg11[%swap3A_461, %swap3A_462] {strides = array<i32>} : memref<125x80xf32, #tpu.memory_space<vmem>>, vector<16xf32>,
      tpu.vector_store %arg11[%swap3A_461, %swap3A_462], %select_n3A {strides = array<i32>} : memref<125x80xf32, #tpu.memory_space<vmem>>, vector<16xf32>,
      %max3A_464 = arith.maximumf %scan3A_447, %select_n3A : vector<16xf32>
      %get3A_465 = arith.index_cast %scan3A_446 : i32 to index
      %get3A_466 = arith.constant 16 : index
      %get3A_467 = tpu.vector_load %arg8[%get3A_465, %get3A_466] {strides = array<i32>} : memref<125x80xi32, #tpu.memory_space<vmem>>, vector<16xi32>,
      %get3A_468 = arith.index_cast %scan3A_446 : i32 to index
      %get3A_469 = arith.constant 16 : index
      %get3A_470 = tpu.vector_load %arg9[%get3A_468, %get3A_469] {strides = array<i32>} : memref<125x80xi32, #tpu.memory_space<vmem>>, vector<16xi32>,
      %gather3A_471 = tpu.vector_load_idx %arg12[%get3A_467] : memref<10112xf32, #tpu.memory_space<vmem>>[vector<16xi32>], vector<16xf32>,
      %gather3A_472 = tpu.vector_load_idx %arg13[%get3A_470] : memref<10112xf32, #tpu.memory_space<vmem>>[vector<16xi32>], vector<16xf32>,
      %add3A_473 = arith.addf %gather3A_471, %gather3A_472 : vector<16xf32>
      %ge3A_474 = arith.constant 0.000000e+00 : f32
      %ge3A_475 = vector.broadcast %ge3A_474 : f32 to vector<16xf32>
      %ge3A_476 = arith.cmpf oge, %add3A_473, %ge3A_475 : vector<16xf32>
      %mul3A_477 = arith.constant 2.000000e-01 : f32
      %mul3A_478 = vector.broadcast %mul3A_477 : f32 to vector<16xf32>
      %mul3A_479 = arith.mulf %mul3A_478, %add3A_473 : vector<16xf32>
      %select_n3A_480 = arith.select %ge3A_476, %add3A_473, %mul3A_479 : vector<16xi1>, vector<16xf32>
      %swap3A_481 = arith.index_cast %scan3A_446 : i32 to index
      %swap3A_482 = arith.constant 16 : index
      %swap3A_483 = tpu.vector_load %arg11[%swap3A_481, %swap3A_482] {strides = array<i32>} : memref<125x80xf32, #tpu.memory_space<vmem>>, vector<16xf32>,
      tpu.vector_store %arg11[%swap3A_481, %swap3A_482], %select_n3A_480 {strides = array<i32>} : memref<125x80xf32, #tpu.memory_space<vmem>>, vector<16xf32>,
      %max3A_484 = arith.maximumf %max3A_464, %select_n3A_480 : vector<16xf32>
      %get3A_485 = arith.index_cast %scan3A_446 : i32 to index
      %get3A_486 = arith.constant 32 : index
      %get3A_487 = tpu.vector_load %arg8[%get3A_485, %get3A_486] {strides = array<i32>} : memref<125x80xi32, #tpu.memory_space<vmem>>, vector<16xi32>,
      %get3A_488 = arith.index_cast %scan3A_446 : i32 to index
      %get3A_489 = arith.constant 32 : index
      %get3A_490 = tpu.vector_load %arg9[%get3A_488, %get3A_489] {strides = array<i32>} : memref<125x80xi32, #tpu.memory_space<vmem>>, vector<16xi32>,
      %gather3A_491 = tpu.vector_load_idx %arg12[%get3A_487] : memref<10112xf32, #tpu.memory_space<vmem>>[vector<16xi32>], vector<16xf32>,
      %gather3A_492 = tpu.vector_load_idx %arg13[%get3A_490] : memref<10112xf32, #tpu.memory_space<vmem>>[vector<16xi32>], vector<16xf32>,
      %add3A_493 = arith.addf %gather3A_491, %gather3A_492 : vector<16xf32>
      %ge3A_494 = arith.constant 0.000000e+00 : f32
      %ge3A_495 = vector.broadcast %ge3A_494 : f32 to vector<16xf32>
      %ge3A_496 = arith.cmpf oge, %add3A_493, %ge3A_495 : vector<16xf32>
      %mul3A_497 = arith.constant 2.000000e-01 : f32
      %mul3A_498 = vector.broadcast %mul3A_497 : f32 to vector<16xf32>
      %mul3A_499 = arith.mulf %mul3A_498, %add3A_493 : vector<16xf32>
      %select_n3A_500 = arith.select %ge3A_496, %add3A_493, %mul3A_499 : vector<16xi1>, vector<16xf32>
      %swap3A_501 = arith.index_cast %scan3A_446 : i32 to index
      %swap3A_502 = arith.constant 32 : index
      %swap3A_503 = tpu.vector_load %arg11[%swap3A_501, %swap3A_502] {strides = array<i32>} : memref<125x80xf32, #tpu.memory_space<vmem>>, vector<16xf32>,
      tpu.vector_store %arg11[%swap3A_501, %swap3A_502], %select_n3A_500 {strides = array<i32>} : memref<125x80xf32, #tpu.memory_space<vmem>>, vector<16xf32>,
      %max3A_504 = arith.maximumf %max3A_484, %select_n3A_500 : vector<16xf32>
      %get3A_505 = arith.index_cast %scan3A_446 : i32 to index
      %get3A_506 = arith.constant 48 : index
      %get3A_507 = tpu.vector_load %arg8[%get3A_505, %get3A_506] {strides = array<i32>} : memref<125x80xi32, #tpu.memory_space<vmem>>, vector<16xi32>,
      %get3A_508 = arith.index_cast %scan3A_446 : i32 to index
      %get3A_509 = arith.constant 48 : index
      %get3A_510 = tpu.vector_load %arg9[%get3A_508, %get3A_509] {strides = array<i32>} : memref<125x80xi32, #tpu.memory_space<vmem>>, vector<16xi32>,
      %gather3A_511 = tpu.vector_load_idx %arg12[%get3A_507] : memref<10112xf32, #tpu.memory_space<vmem>>[vector<16xi32>], vector<16xf32>,
      %gather3A_512 = tpu.vector_load_idx %arg13[%get3A_510] : memref<10112xf32, #tpu.memory_space<vmem>>[vector<16xi32>], vector<16xf32>,
      %add3A_513 = arith.addf %gather3A_511, %gather3A_512 : vector<16xf32>
      %ge3A_514 = arith.constant 0.000000e+00 : f32
      %ge3A_515 = vector.broadcast %ge3A_514 : f32 to vector<16xf32>
      %ge3A_516 = arith.cmpf oge, %add3A_513, %ge3A_515 : vector<16xf32>
      %mul3A_517 = arith.constant 2.000000e-01 : f32
      %mul3A_518 = vector.broadcast %mul3A_517 : f32 to vector<16xf32>
      %mul3A_519 = arith.mulf %mul3A_518, %add3A_513 : vector<16xf32>
      %select_n3A_520 = arith.select %ge3A_516, %add3A_513, %mul3A_519 : vector<16xi1>, vector<16xf32>
      %swap3A_521 = arith.index_cast %scan3A_446 : i32 to index
      %swap3A_522 = arith.constant 48 : index
      %swap3A_523 = tpu.vector_load %arg11[%swap3A_521, %swap3A_522] {strides = array<i32>} : memref<125x80xf32, #tpu.memory_space<vmem>>, vector<16xf32>,
      tpu.vector_store %arg11[%swap3A_521, %swap3A_522], %select_n3A_520 {strides = array<i32>} : memref<125x80xf32, #tpu.memory_space<vmem>>, vector<16xf32>,
      %max3A_524 = arith.maximumf %max3A_504, %select_n3A_520 : vector<16xf32>
      %get3A_525 = arith.index_cast %scan3A_446 : i32 to index
      %get3A_526 = arith.constant 64 : index
      %get3A_527 = tpu.vector_load %arg8[%get3A_525, %get3A_526] {strides = array<i32>} : memref<125x80xi32, #tpu.memory_space<vmem>>, vector<16xi32>,
      %get3A_528 = arith.index_cast %scan3A_446 : i32 to index
      %get3A_529 = arith.constant 64 : index
      %get3A_530 = tpu.vector_load %arg9[%get3A_528, %get3A_529] {strides = array<i32>} : memref<125x80xi32, #tpu.memory_space<vmem>>, vector<16xi32>,
      %gather3A_531 = tpu.vector_load_idx %arg12[%get3A_527] : memref<10112xf32, #tpu.memory_space<vmem>>[vector<16xi32>], vector<16xf32>,
      %gather3A_532 = tpu.vector_load_idx %arg13[%get3A_530] : memref<10112xf32, #tpu.memory_space<vmem>>[vector<16xi32>], vector<16xf32>,
      %add3A_533 = arith.addf %gather3A_531, %gather3A_532 : vector<16xf32>
      %ge3A_534 = arith.constant 0.000000e+00 : f32
      %ge3A_535 = vector.broadcast %ge3A_534 : f32 to vector<16xf32>
      %ge3A_536 = arith.cmpf oge, %add3A_533, %ge3A_535 : vector<16xf32>
      %mul3A_537 = arith.constant 2.000000e-01 : f32
      %mul3A_538 = vector.broadcast %mul3A_537 : f32 to vector<16xf32>
      %mul3A_539 = arith.mulf %mul3A_538, %add3A_533 : vector<16xf32>
      %select_n3A_540 = arith.select %ge3A_536, %add3A_533, %mul3A_539 : vector<16xi1>, vector<16xf32>
      %swap3A_541 = arith.index_cast %scan3A_446 : i32 to index
      %swap3A_542 = arith.constant 64 : index
      %swap3A_543 = tpu.vector_load %arg11[%swap3A_541, %swap3A_542] {strides = array<i32>} : memref<125x80xf32, #tpu.memory_space<vmem>>, vector<16xf32>,
      tpu.vector_store %arg11[%swap3A_541, %swap3A_542], %select_n3A_540 {strides = array<i32>} : memref<125x80xf32, #tpu.memory_space<vmem>>, vector<16xf32>,
      %max3A_544 = arith.maximumf %max3A_524, %select_n3A_540 : vector<16xf32>
      scf.yield %max3A_544 : vector<16xf32>
    }
    %scan3A_14 = arith.constant 125 : i32
    %swap3A = arith.constant 0 : i32
    %swap3A_15 = arith.index_cast %swap3A : i32 to index
    %swap3A_16 = arith.constant 0 : index
    %swap3A_17 = tpu.vector_load %arg16[%swap3A_15, %swap3A_16] {strides = array<i32>} : memref<16x16xf32, #tpu.memory_space<vmem>>, vector<16xf32>,
    tpu.vector_store %arg16[%swap3A_15, %swap3A_16], %scan3A_13 {strides = array<i32>} : memref<16x16xf32, #tpu.memory_space<vmem>>, vector<16xf32>,
    %run_scoped3A_18 = arith.constant 0 : i32
    %run_scoped3A_19 = arith.constant 0 : i32
    "tpu.region"() ({
      %run_scoped3A_446 = tpu.sem_alloc : memref<!tpu.dma_semaphore, #tpu.memory_space<semaphore_mem>>
      %dma_start3A_447 = arith.constant 0 : i32
      %dma_start3A_448 = tpu.memref_slice %arg16[%run_scoped3A_18, %dma_start3A_447] : memref<16x16xf32, #tpu.memory_space<vmem>> -> memref<1x16xf32, #tpu.memory_space<vmem>>
      %dma_start3A_449 = tpu.memref_squeeze %dma_start3A_448 : memref<1x16xf32, #tpu.memory_space<vmem>> -> memref<16xf32, #tpu.memory_space<vmem>>
      %dma_start3A_450 = arith.constant 0 : i32
      %dma_start3A_451 = tpu.memref_slice %arg18[%run_scoped3A_19, %arg1, %dma_start3A_450] : memref<2x16x16xf32, #tpu.memory_space<vmem_shared>> -> memref<1x1x16xf32, #tpu.memory_space<vmem_shared>>
      %dma_start3A_452 = tpu.memref_squeeze %dma_start3A_451 : memref<1x1x16xf32, #tpu.memory_space<vmem_shared>> -> memref<16xf32, #tpu.memory_space<vmem_shared>>
      %dma_start3A_453 = arith.constant 0 : i32
      %dma_start3A_454 = tpu.memref_slice %arg18[%run_scoped3A_19, %arg1, %dma_start3A_453] : memref<2x16x16xf32, #tpu.memory_space<vmem_shared>> -> memref<1x1x16xf32, #tpu.memory_space<vmem_shared>>
      %dma_start3A_455 = tpu.memref_squeeze %dma_start3A_454 : memref<1x1x16xf32, #tpu.memory_space<vmem_shared>> -> memref<16xf32, #tpu.memory_space<vmem_shared>>
      %dma_start3A_456 = arith.constant 0 : i32
      %dma_start3A_457 = tpu.memref_slice %arg16[%run_scoped3A_18, %dma_start3A_456] : memref<16x16xf32, #tpu.memory_space<vmem>> -> memref<1x16xf32, #tpu.memory_space<vmem>>
      %dma_start3A_458 = tpu.memref_squeeze %dma_start3A_457 : memref<1x16xf32, #tpu.memory_space<vmem>> -> memref<16xf32, #tpu.memory_space<vmem>>
      tpu.enqueue_dma source(%dma_start3A_458 : memref<16xf32, #tpu.memory_space<vmem>>) target(%dma_start3A_455 : memref<16xf32, #tpu.memory_space<vmem_shared>>) target_semaphore(%run_scoped3A_446 : memref<!tpu.dma_semaphore, #tpu.memory_space<semaphore_mem>>)
      %dma_wait3A_459 = arith.constant 0 : i32
      %dma_wait3A_460 = tpu.memref_slice %arg16[%run_scoped3A_18, %dma_wait3A_459] : memref<16x16xf32, #tpu.memory_space<vmem>> -> memref<1x16xf32, #tpu.memory_space<vmem>>
      %dma_wait3A_461 = tpu.memref_squeeze %dma_wait3A_460 : memref<1x16xf32, #tpu.memory_space<vmem>> -> memref<16xf32, #tpu.memory_space<vmem>>
      %dma_wait3A_462 = arith.constant 0 : i32
      %dma_wait3A_463 = tpu.memref_slice %arg18[%run_scoped3A_19, %arg1, %dma_wait3A_462] : memref<2x16x16xf32, #tpu.memory_space<vmem_shared>> -> memref<1x1x16xf32, #tpu.memory_space<vmem_shared>>
      %dma_wait3A_464 = tpu.memref_squeeze %dma_wait3A_463 : memref<1x1x16xf32, #tpu.memory_space<vmem_shared>> -> memref<16xf32, #tpu.memory_space<vmem_shared>>
      %dma_wait3A_465 = arith.constant 0 : i32
      %dma_wait3A_466 = tpu.memref_slice %arg18[%run_scoped3A_19, %arg1, %dma_wait3A_465] : memref<2x16x16xf32, #tpu.memory_space<vmem_shared>> -> memref<1x1x16xf32, #tpu.memory_space<vmem_shared>>
      %dma_wait3A_467 = tpu.memref_squeeze %dma_wait3A_466 : memref<1x1x16xf32, #tpu.memory_space<vmem_shared>> -> memref<16xf32, #tpu.memory_space<vmem_shared>>
      %dma_wait3A_468 = arith.constant 0 : i32
      %dma_wait3A_469 = tpu.memref_slice %arg16[%run_scoped3A_18, %dma_wait3A_468] : memref<16x16xf32, #tpu.memory_space<vmem>> -> memref<1x16xf32, #tpu.memory_space<vmem>>
      %dma_wait3A_470 = tpu.memref_squeeze %dma_wait3A_469 : memref<1x16xf32, #tpu.memory_space<vmem>> -> memref<16xf32, #tpu.memory_space<vmem>>
      tpu.wait_dma2 semaphore(%run_scoped3A_446 : memref<!tpu.dma_semaphore, #tpu.memory_space<semaphore_mem>>) src(%dma_wait3A_470 : memref<16xf32, #tpu.memory_space<vmem>>) dst(%dma_wait3A_467 : memref<16xf32, #tpu.memory_space<vmem_shared>>)
      tpu.yield
    }) : () -> ()
    %barrier3A = arith.constant 0 : index
    tpu.barrier barrier_id(%barrier3A)
    %run_scoped3A_20 = arith.constant 0 : i32
    "tpu.region"() ({
      %run_scoped3A_446 = tpu.sem_alloc : memref<!tpu.dma_semaphore, #tpu.memory_space<semaphore_mem>>
      %dma_start3A_447 = arith.constant 0 : i32
      %dma_start3A_448 = arith.constant 0 : i32
      %dma_start3A_449 = tpu.memref_slice %arg18[%run_scoped3A_20, %dma_start3A_447, %dma_start3A_448] : memref<2x16x16xf32, #tpu.memory_space<vmem_shared>> -> memref<1x16x16xf32, #tpu.memory_space<vmem_shared>>
      %dma_start3A_450 = tpu.memref_squeeze %dma_start3A_449 : memref<1x16x16xf32, #tpu.memory_space<vmem_shared>> -> memref<16x16xf32, #tpu.memory_space<vmem_shared>>
      %dma_start3A_451 = arith.constant 0 : i32
      %dma_start3A_452 = arith.constant 0 : i32
      %dma_start3A_453 = tpu.memref_slice %arg18[%run_scoped3A_20, %dma_start3A_451, %dma_start3A_452] : memref<2x16x16xf32, #tpu.memory_space<vmem_shared>> -> memref<1x16x16xf32, #tpu.memory_space<vmem_shared>>
      %dma_start3A_454 = tpu.memref_squeeze %dma_start3A_453 : memref<1x16x16xf32, #tpu.memory_space<vmem_shared>> -> memref<16x16xf32, #tpu.memory_space<vmem_shared>>
      tpu.enqueue_dma source(%dma_start3A_454 : memref<16x16xf32, #tpu.memory_space<vmem_shared>>) target(%arg16 : memref<16x16xf32, #tpu.memory_space<vmem>>) target_semaphore(%run_scoped3A_446 : memref<!tpu.dma_semaphore, #tpu.memory_space<semaphore_mem>>)
      %dma_wait3A_455 = arith.constant 0 : i32
      %dma_wait3A_456 = arith.constant 0 : i32
      %dma_wait3A_457 = tpu.memref_slice %arg18[%run_scoped3A_20, %dma_wait3A_455, %dma_wait3A_456] : memref<2x16x16xf32, #tpu.memory_space<vmem_shared>> -> memref<1x16x16xf32, #tpu.memory_space<vmem_shared>>
      %dma_wait3A_458 = tpu.memref_squeeze %dma_wait3A_457 : memref<1x16x16xf32, #tpu.memory_space<vmem_shared>> -> memref<16x16xf32, #tpu.memory_space<vmem_shared>>
      %dma_wait3A_459 = arith.constant 0 : i32
      %dma_wait3A_460 = arith.constant 0 : i32
      %dma_wait3A_461 = tpu.memref_slice %arg18[%run_scoped3A_20, %dma_wait3A_459, %dma_wait3A_460] : memref<2x16x16xf32, #tpu.memory_space<vmem_shared>> -> memref<1x16x16xf32, #tpu.memory_space<vmem_shared>>
      %dma_wait3A_462 = tpu.memref_squeeze %dma_wait3A_461 : memref<1x16x16xf32, #tpu.memory_space<vmem_shared>> -> memref<16x16xf32, #tpu.memory_space<vmem_shared>>
      tpu.wait_dma2 semaphore(%run_scoped3A_446 : memref<!tpu.dma_semaphore, #tpu.memory_space<semaphore_mem>>) src(%dma_wait3A_462 : memref<16x16xf32, #tpu.memory_space<vmem_shared>>) dst(%arg16 : memref<16x16xf32, #tpu.memory_space<vmem>>)
      tpu.yield
    }) : () -> ()
    %get3A = arith.constant 0 : i32
    %get3A_21 = arith.index_cast %get3A : i32 to index
    %get3A_22 = arith.constant 0 : index
    %get3A_23 = tpu.vector_load %arg16[%get3A_21, %get3A_22] {strides = array<i32>} : memref<16x16xf32, #tpu.memory_space<vmem>>, vector<16xf32>,
    %get3A_24 = arith.constant 1 : i32
    %get3A_25 = arith.index_cast %get3A_24 : i32 to index
    %get3A_26 = arith.constant 0 : index
    %get3A_27 = tpu.vector_load %arg16[%get3A_25, %get3A_26] {strides = array<i32>} : memref<16x16xf32, #tpu.memory_space<vmem>>, vector<16xf32>,
    %max3A = arith.maximumf %get3A_23, %get3A_27 : vector<16xf32>
    %get3A_28 = arith.constant 2 : i32
    %get3A_29 = arith.index_cast %get3A_28 : i32 to index
    %get3A_30 = arith.constant 0 : index
    %get3A_31 = tpu.vector_load %arg16[%get3A_29, %get3A_30] {strides = array<i32>} : memref<16x16xf32, #tpu.memory_space<vmem>>, vector<16xf32>,
    %max3A_32 = arith.maximumf %max3A, %get3A_31 : vector<16xf32>
    %get3A_33 = arith.constant 3 : i32
    %get3A_34 = arith.index_cast %get3A_33 : i32 to index
    %get3A_35 = arith.constant 0 : index
    %get3A_36 = tpu.vector_load %arg16[%get3A_34, %get3A_35] {strides = array<i32>} : memref<16x16xf32, #tpu.memory_space<vmem>>, vector<16xf32>,
    %max3A_37 = arith.maximumf %max3A_32, %get3A_36 : vector<16xf32>
    %get3A_38 = arith.constant 4 : i32
    %get3A_39 = arith.index_cast %get3A_38 : i32 to index
    %get3A_40 = arith.constant 0 : index
    %get3A_41 = tpu.vector_load %arg16[%get3A_39, %get3A_40] {strides = array<i32>} : memref<16x16xf32, #tpu.memory_space<vmem>>, vector<16xf32>,
    %max3A_42 = arith.maximumf %max3A_37, %get3A_41 : vector<16xf32>
    %get3A_43 = arith.constant 5 : i32
    %get3A_44 = arith.index_cast %get3A_43 : i32 to index
    %get3A_45 = arith.constant 0 : index
    %get3A_46 = tpu.vector_load %arg16[%get3A_44, %get3A_45] {strides = array<i32>} : memref<16x16xf32, #tpu.memory_space<vmem>>, vector<16xf32>,
    %max3A_47 = arith.maximumf %max3A_42, %get3A_46 : vector<16xf32>
    %get3A_48 = arith.constant 6 : i32
    %get3A_49 = arith.index_cast %get3A_48 : i32 to index
    %get3A_50 = arith.constant 0 : index
    %get3A_51 = tpu.vector_load %arg16[%get3A_49, %get3A_50] {strides = array<i32>} : memref<16x16xf32, #tpu.memory_space<vmem>>, vector<16xf32>,
    %max3A_52 = arith.maximumf %max3A_47, %get3A_51 : vector<16xf32>
    %get3A_53 = arith.constant 7 : i32
    %get3A_54 = arith.index_cast %get3A_53 : i32 to index
    %get3A_55 = arith.constant 0 : index
    %get3A_56 = tpu.vector_load %arg16[%get3A_54, %get3A_55] {strides = array<i32>} : memref<16x16xf32, #tpu.memory_space<vmem>>, vector<16xf32>,
    %max3A_57 = arith.maximumf %max3A_52, %get3A_56 : vector<16xf32>
    %get3A_58 = arith.constant 8 : i32
    %get3A_59 = arith.index_cast %get3A_58 : i32 to index
    %get3A_60 = arith.constant 0 : index
    %get3A_61 = tpu.vector_load %arg16[%get3A_59, %get3A_60] {strides = array<i32>} : memref<16x16xf32, #tpu.memory_space<vmem>>, vector<16xf32>,
    %max3A_62 = arith.maximumf %max3A_57, %get3A_61 : vector<16xf32>
    %get3A_63 = arith.constant 9 : i32
    %get3A_64 = arith.index_cast %get3A_63 : i32 to index
    %get3A_65 = arith.constant 0 : index
    %get3A_66 = tpu.vector_load %arg16[%get3A_64, %get3A_65] {strides = array<i32>} : memref<16x16xf32, #tpu.memory_space<vmem>>, vector<16xf32>,
    %max3A_67 = arith.maximumf %max3A_62, %get3A_66 : vector<16xf32>
    %get3A_68 = arith.constant 10 : i32
    %get3A_69 = arith.index_cast %get3A_68 : i32 to index
    %get3A_70 = arith.constant 0 : index
    %get3A_71 = tpu.vector_load %arg16[%get3A_69, %get3A_70] {strides = array<i32>} : memref<16x16xf32, #tpu.memory_space<vmem>>, vector<16xf32>,
    %max3A_72 = arith.maximumf %max3A_67, %get3A_71 : vector<16xf32>
    %get3A_73 = arith.constant 11 : i32
    %get3A_74 = arith.index_cast %get3A_73 : i32 to index
    %get3A_75 = arith.constant 0 : index
    %get3A_76 = tpu.vector_load %arg16[%get3A_74, %get3A_75] {strides = array<i32>} : memref<16x16xf32, #tpu.memory_space<vmem>>, vector<16xf32>,
    %max3A_77 = arith.maximumf %max3A_72, %get3A_76 : vector<16xf32>
    %get3A_78 = arith.constant 12 : i32
    %get3A_79 = arith.index_cast %get3A_78 : i32 to index
    %get3A_80 = arith.constant 0 : index
    %get3A_81 = tpu.vector_load %arg16[%get3A_79, %get3A_80] {strides = array<i32>} : memref<16x16xf32, #tpu.memory_space<vmem>>, vector<16xf32>,
    %max3A_82 = arith.maximumf %max3A_77, %get3A_81 : vector<16xf32>
    %get3A_83 = arith.constant 13 : i32
    %get3A_84 = arith.index_cast %get3A_83 : i32 to index
    %get3A_85 = arith.constant 0 : index
    %get3A_86 = tpu.vector_load %arg16[%get3A_84, %get3A_85] {strides = array<i32>} : memref<16x16xf32, #tpu.memory_space<vmem>>, vector<16xf32>,
    %max3A_87 = arith.maximumf %max3A_82, %get3A_86 : vector<16xf32>
    %get3A_88 = arith.constant 14 : i32
    %get3A_89 = arith.index_cast %get3A_88 : i32 to index
    %get3A_90 = arith.constant 0 : index
    %get3A_91 = tpu.vector_load %arg16[%get3A_89, %get3A_90] {strides = array<i32>} : memref<16x16xf32, #tpu.memory_space<vmem>>, vector<16xf32>,
    %max3A_92 = arith.maximumf %max3A_87, %get3A_91 : vector<16xf32>
    %get3A_93 = arith.constant 15 : i32
    %get3A_94 = arith.index_cast %get3A_93 : i32 to index
    %get3A_95 = arith.constant 0 : index
    %get3A_96 = tpu.vector_load %arg16[%get3A_94, %get3A_95] {strides = array<i32>} : memref<16x16xf32, #tpu.memory_space<vmem>>, vector<16xf32>,
    %max3A_97 = arith.maximumf %max3A_92, %get3A_96 : vector<16xf32>
    %reduce_max3A = arith.constant true
    %reduce_max3A_98 = vector.broadcast %reduce_max3A : i1 to vector<16xi1>
    %reduce_max3A_99 = tpu.scan <max>, %max3A_97 masked %reduce_max3A_98 : vector<16xf32>, vector<16xi1> -> vector<16xf32>
    %reduce_max3A_100 = vector.extract %reduce_max3A_99[15] : f32 from vector<16xf32>
    %broadcast_in_dim3A_101 = arith.constant 0.000000e+00 : f32
    %broadcast_in_dim3A_102 = vector.broadcast %broadcast_in_dim3A_101 : f32 to vector<16xf32>
    %scan3A_103 = arith.constant 0 : i32
    %scan3A_104 = arith.constant 125 : i32
    %scan3A_105 = arith.addi %scan3A_103, %scan3A_104 : i32
    %scan3A_106 = arith.constant 1 : i32
    %scan3A_107 = scf.for %scan3A_446 = %scan3A_103 to %scan3A_105 step %scan3A_106 iter_args(%scan3A_447 = %broadcast_in_dim3A_102) -> (vector<16xf32>)  : i32 {
      %get3A_448 = arith.index_cast %scan3A_446 : i32 to index
      %get3A_449 = arith.constant 0 : index
      %get3A_450 = tpu.vector_load %arg11[%get3A_448, %get3A_449] {strides = array<i32>} : memref<125x80xf32, #tpu.memory_space<vmem>>, vector<16xf32>,
      %sub3A = vector.broadcast %reduce_max3A_100 : f32 to vector<16xf32>
      %sub3A_451 = arith.subf %get3A_450, %sub3A : vector<16xf32>
      %exp3A = math.exp %sub3A_451 : vector<16xf32>
      %add3A_452 = arith.addf %scan3A_447, %exp3A : vector<16xf32>
      %get3A_453 = arith.index_cast %scan3A_446 : i32 to index
      %get3A_454 = arith.constant 0 : index
      %get3A_455 = tpu.vector_load %arg10[%get3A_453, %get3A_454] {strides = array<i32>} : memref<125x80xf32, #tpu.memory_space<vmem>>, vector<16xf32>,
      %mul3A_456 = arith.mulf %exp3A, %get3A_455 : vector<16xf32>
      %swap3A_457 = arith.index_cast %scan3A_446 : i32 to index
      %swap3A_458 = arith.constant 0 : index
      %swap3A_459 = tpu.vector_load %arg11[%swap3A_457, %swap3A_458] {strides = array<i32>} : memref<125x80xf32, #tpu.memory_space<vmem>>, vector<16xf32>,
      tpu.vector_store %arg11[%swap3A_457, %swap3A_458], %mul3A_456 {strides = array<i32>} : memref<125x80xf32, #tpu.memory_space<vmem>>, vector<16xf32>,
      %get3A_460 = arith.index_cast %scan3A_446 : i32 to index
      %get3A_461 = arith.constant 16 : index
      %get3A_462 = tpu.vector_load %arg11[%get3A_460, %get3A_461] {strides = array<i32>} : memref<125x80xf32, #tpu.memory_space<vmem>>, vector<16xf32>,
      %sub3A_463 = vector.broadcast %reduce_max3A_100 : f32 to vector<16xf32>
      %sub3A_464 = arith.subf %get3A_462, %sub3A_463 : vector<16xf32>
      %exp3A_465 = math.exp %sub3A_464 : vector<16xf32>
      %add3A_466 = arith.addf %add3A_452, %exp3A_465 : vector<16xf32>
      %get3A_467 = arith.index_cast %scan3A_446 : i32 to index
      %get3A_468 = arith.constant 16 : index
      %get3A_469 = tpu.vector_load %arg10[%get3A_467, %get3A_468] {strides = array<i32>} : memref<125x80xf32, #tpu.memory_space<vmem>>, vector<16xf32>,
      %mul3A_470 = arith.mulf %exp3A_465, %get3A_469 : vector<16xf32>
      %swap3A_471 = arith.index_cast %scan3A_446 : i32 to index
      %swap3A_472 = arith.constant 16 : index
      %swap3A_473 = tpu.vector_load %arg11[%swap3A_471, %swap3A_472] {strides = array<i32>} : memref<125x80xf32, #tpu.memory_space<vmem>>, vector<16xf32>,
      tpu.vector_store %arg11[%swap3A_471, %swap3A_472], %mul3A_470 {strides = array<i32>} : memref<125x80xf32, #tpu.memory_space<vmem>>, vector<16xf32>,
      %get3A_474 = arith.index_cast %scan3A_446 : i32 to index
      %get3A_475 = arith.constant 32 : index
      %get3A_476 = tpu.vector_load %arg11[%get3A_474, %get3A_475] {strides = array<i32>} : memref<125x80xf32, #tpu.memory_space<vmem>>, vector<16xf32>,
      %sub3A_477 = vector.broadcast %reduce_max3A_100 : f32 to vector<16xf32>
      %sub3A_478 = arith.subf %get3A_476, %sub3A_477 : vector<16xf32>
      %exp3A_479 = math.exp %sub3A_478 : vector<16xf32>
      %add3A_480 = arith.addf %add3A_466, %exp3A_479 : vector<16xf32>
      %get3A_481 = arith.index_cast %scan3A_446 : i32 to index
      %get3A_482 = arith.constant 32 : index
      %get3A_483 = tpu.vector_load %arg10[%get3A_481, %get3A_482] {strides = array<i32>} : memref<125x80xf32, #tpu.memory_space<vmem>>, vector<16xf32>,
      %mul3A_484 = arith.mulf %exp3A_479, %get3A_483 : vector<16xf32>
      %swap3A_485 = arith.index_cast %scan3A_446 : i32 to index
      %swap3A_486 = arith.constant 32 : index
      %swap3A_487 = tpu.vector_load %arg11[%swap3A_485, %swap3A_486] {strides = array<i32>} : memref<125x80xf32, #tpu.memory_space<vmem>>, vector<16xf32>,
      tpu.vector_store %arg11[%swap3A_485, %swap3A_486], %mul3A_484 {strides = array<i32>} : memref<125x80xf32, #tpu.memory_space<vmem>>, vector<16xf32>,
      %get3A_488 = arith.index_cast %scan3A_446 : i32 to index
      %get3A_489 = arith.constant 48 : index
      %get3A_490 = tpu.vector_load %arg11[%get3A_488, %get3A_489] {strides = array<i32>} : memref<125x80xf32, #tpu.memory_space<vmem>>, vector<16xf32>,
      %sub3A_491 = vector.broadcast %reduce_max3A_100 : f32 to vector<16xf32>
      %sub3A_492 = arith.subf %get3A_490, %sub3A_491 : vector<16xf32>
      %exp3A_493 = math.exp %sub3A_492 : vector<16xf32>
      %add3A_494 = arith.addf %add3A_480, %exp3A_493 : vector<16xf32>
      %get3A_495 = arith.index_cast %scan3A_446 : i32 to index
      %get3A_496 = arith.constant 48 : index
      %get3A_497 = tpu.vector_load %arg10[%get3A_495, %get3A_496] {strides = array<i32>} : memref<125x80xf32, #tpu.memory_space<vmem>>, vector<16xf32>,
      %mul3A_498 = arith.mulf %exp3A_493, %get3A_497 : vector<16xf32>
      %swap3A_499 = arith.index_cast %scan3A_446 : i32 to index
      %swap3A_500 = arith.constant 48 : index
      %swap3A_501 = tpu.vector_load %arg11[%swap3A_499, %swap3A_500] {strides = array<i32>} : memref<125x80xf32, #tpu.memory_space<vmem>>, vector<16xf32>,
      tpu.vector_store %arg11[%swap3A_499, %swap3A_500], %mul3A_498 {strides = array<i32>} : memref<125x80xf32, #tpu.memory_space<vmem>>, vector<16xf32>,
      %get3A_502 = arith.index_cast %scan3A_446 : i32 to index
      %get3A_503 = arith.constant 64 : index
      %get3A_504 = tpu.vector_load %arg11[%get3A_502, %get3A_503] {strides = array<i32>} : memref<125x80xf32, #tpu.memory_space<vmem>>, vector<16xf32>,
      %sub3A_505 = vector.broadcast %reduce_max3A_100 : f32 to vector<16xf32>
      %sub3A_506 = arith.subf %get3A_504, %sub3A_505 : vector<16xf32>
      %exp3A_507 = math.exp %sub3A_506 : vector<16xf32>
      %add3A_508 = arith.addf %add3A_494, %exp3A_507 : vector<16xf32>
      %get3A_509 = arith.index_cast %scan3A_446 : i32 to index
      %get3A_510 = arith.constant 64 : index
      %get3A_511 = tpu.vector_load %arg10[%get3A_509, %get3A_510] {strides = array<i32>} : memref<125x80xf32, #tpu.memory_space<vmem>>, vector<16xf32>,
      %mul3A_512 = arith.mulf %exp3A_507, %get3A_511 : vector<16xf32>
      %swap3A_513 = arith.index_cast %scan3A_446 : i32 to index
      %swap3A_514 = arith.constant 64 : index
      %swap3A_515 = tpu.vector_load %arg11[%swap3A_513, %swap3A_514] {strides = array<i32>} : memref<125x80xf32, #tpu.memory_space<vmem>>, vector<16xf32>,
      tpu.vector_store %arg11[%swap3A_513, %swap3A_514], %mul3A_512 {strides = array<i32>} : memref<125x80xf32, #tpu.memory_space<vmem>>, vector<16xf32>,
      scf.yield %add3A_508 : vector<16xf32>
    }
    %scan3A_108 = arith.constant 125 : i32
    %swap3A_109 = arith.constant 0 : i32
    %swap3A_110 = arith.index_cast %swap3A_109 : i32 to index
    %swap3A_111 = arith.constant 0 : index
    %swap3A_112 = tpu.vector_load %arg16[%swap3A_110, %swap3A_111] {strides = array<i32>} : memref<16x16xf32, #tpu.memory_space<vmem>>, vector<16xf32>,
    tpu.vector_store %arg16[%swap3A_110, %swap3A_111], %scan3A_107 {strides = array<i32>} : memref<16x16xf32, #tpu.memory_space<vmem>>, vector<16xf32>,
    %run_scoped3A_113 = arith.constant 0 : i32
    %run_scoped3A_114 = arith.constant 1 : i32
    "tpu.region"() ({
      %run_scoped3A_446 = tpu.sem_alloc : memref<!tpu.dma_semaphore, #tpu.memory_space<semaphore_mem>>
      %dma_start3A_447 = arith.constant 0 : i32
      %dma_start3A_448 = tpu.memref_slice %arg16[%run_scoped3A_113, %dma_start3A_447] : memref<16x16xf32, #tpu.memory_space<vmem>> -> memref<1x16xf32, #tpu.memory_space<vmem>>
      %dma_start3A_449 = tpu.memref_squeeze %dma_start3A_448 : memref<1x16xf32, #tpu.memory_space<vmem>> -> memref<16xf32, #tpu.memory_space<vmem>>
      %dma_start3A_450 = arith.constant 0 : i32
      %dma_start3A_451 = tpu.memref_slice %arg18[%run_scoped3A_114, %arg1, %dma_start3A_450] : memref<2x16x16xf32, #tpu.memory_space<vmem_shared>> -> memref<1x1x16xf32, #tpu.memory_space<vmem_shared>>
      %dma_start3A_452 = tpu.memref_squeeze %dma_start3A_451 : memref<1x1x16xf32, #tpu.memory_space<vmem_shared>> -> memref<16xf32, #tpu.memory_space<vmem_shared>>
      %dma_start3A_453 = arith.constant 0 : i32
      %dma_start3A_454 = tpu.memref_slice %arg18[%run_scoped3A_114, %arg1, %dma_start3A_453] : memref<2x16x16xf32, #tpu.memory_space<vmem_shared>> -> memref<1x1x16xf32, #tpu.memory_space<vmem_shared>>
      %dma_start3A_455 = tpu.memref_squeeze %dma_start3A_454 : memref<1x1x16xf32, #tpu.memory_space<vmem_shared>> -> memref<16xf32, #tpu.memory_space<vmem_shared>>
      %dma_start3A_456 = arith.constant 0 : i32
      %dma_start3A_457 = tpu.memref_slice %arg16[%run_scoped3A_113, %dma_start3A_456] : memref<16x16xf32, #tpu.memory_space<vmem>> -> memref<1x16xf32, #tpu.memory_space<vmem>>
      %dma_start3A_458 = tpu.memref_squeeze %dma_start3A_457 : memref<1x16xf32, #tpu.memory_space<vmem>> -> memref<16xf32, #tpu.memory_space<vmem>>
      tpu.enqueue_dma source(%dma_start3A_458 : memref<16xf32, #tpu.memory_space<vmem>>) target(%dma_start3A_455 : memref<16xf32, #tpu.memory_space<vmem_shared>>) target_semaphore(%run_scoped3A_446 : memref<!tpu.dma_semaphore, #tpu.memory_space<semaphore_mem>>)
      %dma_wait3A_459 = arith.constant 0 : i32
      %dma_wait3A_460 = tpu.memref_slice %arg16[%run_scoped3A_113, %dma_wait3A_459] : memref<16x16xf32, #tpu.memory_space<vmem>> -> memref<1x16xf32, #tpu.memory_space<vmem>>
      %dma_wait3A_461 = tpu.memref_squeeze %dma_wait3A_460 : memref<1x16xf32, #tpu.memory_space<vmem>> -> memref<16xf32, #tpu.memory_space<vmem>>
      %dma_wait3A_462 = arith.constant 0 : i32
      %dma_wait3A_463 = tpu.memref_slice %arg18[%run_scoped3A_114, %arg1, %dma_wait3A_462] : memref<2x16x16xf32, #tpu.memory_space<vmem_shared>> -> memref<1x1x16xf32, #tpu.memory_space<vmem_shared>>
      %dma_wait3A_464 = tpu.memref_squeeze %dma_wait3A_463 : memref<1x1x16xf32, #tpu.memory_space<vmem_shared>> -> memref<16xf32, #tpu.memory_space<vmem_shared>>
      %dma_wait3A_465 = arith.constant 0 : i32
      %dma_wait3A_466 = tpu.memref_slice %arg18[%run_scoped3A_114, %arg1, %dma_wait3A_465] : memref<2x16x16xf32, #tpu.memory_space<vmem_shared>> -> memref<1x1x16xf32, #tpu.memory_space<vmem_shared>>
      %dma_wait3A_467 = tpu.memref_squeeze %dma_wait3A_466 : memref<1x1x16xf32, #tpu.memory_space<vmem_shared>> -> memref<16xf32, #tpu.memory_space<vmem_shared>>
      %dma_wait3A_468 = arith.constant 0 : i32
      %dma_wait3A_469 = tpu.memref_slice %arg16[%run_scoped3A_113, %dma_wait3A_468] : memref<16x16xf32, #tpu.memory_space<vmem>> -> memref<1x16xf32, #tpu.memory_space<vmem>>
      %dma_wait3A_470 = tpu.memref_squeeze %dma_wait3A_469 : memref<1x16xf32, #tpu.memory_space<vmem>> -> memref<16xf32, #tpu.memory_space<vmem>>
      tpu.wait_dma2 semaphore(%run_scoped3A_446 : memref<!tpu.dma_semaphore, #tpu.memory_space<semaphore_mem>>) src(%dma_wait3A_470 : memref<16xf32, #tpu.memory_space<vmem>>) dst(%dma_wait3A_467 : memref<16xf32, #tpu.memory_space<vmem_shared>>)
      tpu.yield
    }) : () -> ()
    %barrier3A_115 = arith.constant 0 : index
    tpu.barrier barrier_id(%barrier3A_115)
    %run_scoped3A_116 = arith.constant 1 : i32
    "tpu.region"() ({
      %run_scoped3A_446 = tpu.sem_alloc : memref<!tpu.dma_semaphore, #tpu.memory_space<semaphore_mem>>
      %dma_start3A_447 = arith.constant 0 : i32
      %dma_start3A_448 = arith.constant 0 : i32
      %dma_start3A_449 = tpu.memref_slice %arg18[%run_scoped3A_116, %dma_start3A_447, %dma_start3A_448] : memref<2x16x16xf32, #tpu.memory_space<vmem_shared>> -> memref<1x16x16xf32, #tpu.memory_space<vmem_shared>>
      %dma_start3A_450 = tpu.memref_squeeze %dma_start3A_449 : memref<1x16x16xf32, #tpu.memory_space<vmem_shared>> -> memref<16x16xf32, #tpu.memory_space<vmem_shared>>
      %dma_start3A_451 = arith.constant 0 : i32
      %dma_start3A_452 = arith.constant 0 : i32
      %dma_start3A_453 = tpu.memref_slice %arg18[%run_scoped3A_116, %dma_start3A_451, %dma_start3A_452] : memref<2x16x16xf32, #tpu.memory_space<vmem_shared>> -> memref<1x16x16xf32, #tpu.memory_space<vmem_shared>>
      %dma_start3A_454 = tpu.memref_squeeze %dma_start3A_453 : memref<1x16x16xf32, #tpu.memory_space<vmem_shared>> -> memref<16x16xf32, #tpu.memory_space<vmem_shared>>
      tpu.enqueue_dma source(%dma_start3A_454 : memref<16x16xf32, #tpu.memory_space<vmem_shared>>) target(%arg16 : memref<16x16xf32, #tpu.memory_space<vmem>>) target_semaphore(%run_scoped3A_446 : memref<!tpu.dma_semaphore, #tpu.memory_space<semaphore_mem>>)
      %dma_wait3A_455 = arith.constant 0 : i32
      %dma_wait3A_456 = arith.constant 0 : i32
      %dma_wait3A_457 = tpu.memref_slice %arg18[%run_scoped3A_116, %dma_wait3A_455, %dma_wait3A_456] : memref<2x16x16xf32, #tpu.memory_space<vmem_shared>> -> memref<1x16x16xf32, #tpu.memory_space<vmem_shared>>
      %dma_wait3A_458 = tpu.memref_squeeze %dma_wait3A_457 : memref<1x16x16xf32, #tpu.memory_space<vmem_shared>> -> memref<16x16xf32, #tpu.memory_space<vmem_shared>>
      %dma_wait3A_459 = arith.constant 0 : i32
      %dma_wait3A_460 = arith.constant 0 : i32
      %dma_wait3A_461 = tpu.memref_slice %arg18[%run_scoped3A_116, %dma_wait3A_459, %dma_wait3A_460] : memref<2x16x16xf32, #tpu.memory_space<vmem_shared>> -> memref<1x16x16xf32, #tpu.memory_space<vmem_shared>>
      %dma_wait3A_462 = tpu.memref_squeeze %dma_wait3A_461 : memref<1x16x16xf32, #tpu.memory_space<vmem_shared>> -> memref<16x16xf32, #tpu.memory_space<vmem_shared>>
      tpu.wait_dma2 semaphore(%run_scoped3A_446 : memref<!tpu.dma_semaphore, #tpu.memory_space<semaphore_mem>>) src(%dma_wait3A_462 : memref<16x16xf32, #tpu.memory_space<vmem_shared>>) dst(%arg16 : memref<16x16xf32, #tpu.memory_space<vmem>>)
      tpu.yield
    }) : () -> ()
    %get3A_117 = arith.constant 0 : i32
    %get3A_118 = arith.index_cast %get3A_117 : i32 to index
    %get3A_119 = arith.constant 0 : index
    %get3A_120 = tpu.vector_load %arg16[%get3A_118, %get3A_119] {strides = array<i32>} : memref<16x16xf32, #tpu.memory_space<vmem>>, vector<16xf32>,
    %get3A_121 = arith.constant 1 : i32
    %get3A_122 = arith.index_cast %get3A_121 : i32 to index
    %get3A_123 = arith.constant 0 : index
    %get3A_124 = tpu.vector_load %arg16[%get3A_122, %get3A_123] {strides = array<i32>} : memref<16x16xf32, #tpu.memory_space<vmem>>, vector<16xf32>,
    %add3A = arith.addf %get3A_120, %get3A_124 : vector<16xf32>
    %get3A_125 = arith.constant 2 : i32
    %get3A_126 = arith.index_cast %get3A_125 : i32 to index
    %get3A_127 = arith.constant 0 : index
    %get3A_128 = tpu.vector_load %arg16[%get3A_126, %get3A_127] {strides = array<i32>} : memref<16x16xf32, #tpu.memory_space<vmem>>, vector<16xf32>,
    %add3A_129 = arith.addf %add3A, %get3A_128 : vector<16xf32>
    %get3A_130 = arith.constant 3 : i32
    %get3A_131 = arith.index_cast %get3A_130 : i32 to index
    %get3A_132 = arith.constant 0 : index
    %get3A_133 = tpu.vector_load %arg16[%get3A_131, %get3A_132] {strides = array<i32>} : memref<16x16xf32, #tpu.memory_space<vmem>>, vector<16xf32>,
    %add3A_134 = arith.addf %add3A_129, %get3A_133 : vector<16xf32>
    %get3A_135 = arith.constant 4 : i32
    %get3A_136 = arith.index_cast %get3A_135 : i32 to index
    %get3A_137 = arith.constant 0 : index
    %get3A_138 = tpu.vector_load %arg16[%get3A_136, %get3A_137] {strides = array<i32>} : memref<16x16xf32, #tpu.memory_space<vmem>>, vector<16xf32>,
    %add3A_139 = arith.addf %add3A_134, %get3A_138 : vector<16xf32>
    %get3A_140 = arith.constant 5 : i32
    %get3A_141 = arith.index_cast %get3A_140 : i32 to index
    %get3A_142 = arith.constant 0 : index
    %get3A_143 = tpu.vector_load %arg16[%get3A_141, %get3A_142] {strides = array<i32>} : memref<16x16xf32, #tpu.memory_space<vmem>>, vector<16xf32>,
    %add3A_144 = arith.addf %add3A_139, %get3A_143 : vector<16xf32>
    %get3A_145 = arith.constant 6 : i32
    %get3A_146 = arith.index_cast %get3A_145 : i32 to index
    %get3A_147 = arith.constant 0 : index
    %get3A_148 = tpu.vector_load %arg16[%get3A_146, %get3A_147] {strides = array<i32>} : memref<16x16xf32, #tpu.memory_space<vmem>>, vector<16xf32>,
    %add3A_149 = arith.addf %add3A_144, %get3A_148 : vector<16xf32>
    %get3A_150 = arith.constant 7 : i32
    %get3A_151 = arith.index_cast %get3A_150 : i32 to index
    %get3A_152 = arith.constant 0 : index
    %get3A_153 = tpu.vector_load %arg16[%get3A_151, %get3A_152] {strides = array<i32>} : memref<16x16xf32, #tpu.memory_space<vmem>>, vector<16xf32>,
    %add3A_154 = arith.addf %add3A_149, %get3A_153 : vector<16xf32>
    %get3A_155 = arith.constant 8 : i32
    %get3A_156 = arith.index_cast %get3A_155 : i32 to index
    %get3A_157 = arith.constant 0 : index
    %get3A_158 = tpu.vector_load %arg16[%get3A_156, %get3A_157] {strides = array<i32>} : memref<16x16xf32, #tpu.memory_space<vmem>>, vector<16xf32>,
    %add3A_159 = arith.addf %add3A_154, %get3A_158 : vector<16xf32>
    %get3A_160 = arith.constant 9 : i32
    %get3A_161 = arith.index_cast %get3A_160 : i32 to index
    %get3A_162 = arith.constant 0 : index
    %get3A_163 = tpu.vector_load %arg16[%get3A_161, %get3A_162] {strides = array<i32>} : memref<16x16xf32, #tpu.memory_space<vmem>>, vector<16xf32>,
    %add3A_164 = arith.addf %add3A_159, %get3A_163 : vector<16xf32>
    %get3A_165 = arith.constant 10 : i32
    %get3A_166 = arith.index_cast %get3A_165 : i32 to index
    %get3A_167 = arith.constant 0 : index
    %get3A_168 = tpu.vector_load %arg16[%get3A_166, %get3A_167] {strides = array<i32>} : memref<16x16xf32, #tpu.memory_space<vmem>>, vector<16xf32>,
    %add3A_169 = arith.addf %add3A_164, %get3A_168 : vector<16xf32>
    %get3A_170 = arith.constant 11 : i32
    %get3A_171 = arith.index_cast %get3A_170 : i32 to index
    %get3A_172 = arith.constant 0 : index
    %get3A_173 = tpu.vector_load %arg16[%get3A_171, %get3A_172] {strides = array<i32>} : memref<16x16xf32, #tpu.memory_space<vmem>>, vector<16xf32>,
    %add3A_174 = arith.addf %add3A_169, %get3A_173 : vector<16xf32>
    %get3A_175 = arith.constant 12 : i32
    %get3A_176 = arith.index_cast %get3A_175 : i32 to index
    %get3A_177 = arith.constant 0 : index
    %get3A_178 = tpu.vector_load %arg16[%get3A_176, %get3A_177] {strides = array<i32>} : memref<16x16xf32, #tpu.memory_space<vmem>>, vector<16xf32>,
    %add3A_179 = arith.addf %add3A_174, %get3A_178 : vector<16xf32>
    %get3A_180 = arith.constant 13 : i32
    %get3A_181 = arith.index_cast %get3A_180 : i32 to index
    %get3A_182 = arith.constant 0 : index
    %get3A_183 = tpu.vector_load %arg16[%get3A_181, %get3A_182] {strides = array<i32>} : memref<16x16xf32, #tpu.memory_space<vmem>>, vector<16xf32>,
    %add3A_184 = arith.addf %add3A_179, %get3A_183 : vector<16xf32>
    %get3A_185 = arith.constant 14 : i32
    %get3A_186 = arith.index_cast %get3A_185 : i32 to index
    %get3A_187 = arith.constant 0 : index
    %get3A_188 = tpu.vector_load %arg16[%get3A_186, %get3A_187] {strides = array<i32>} : memref<16x16xf32, #tpu.memory_space<vmem>>, vector<16xf32>,
    %add3A_189 = arith.addf %add3A_184, %get3A_188 : vector<16xf32>
    %get3A_190 = arith.constant 15 : i32
    %get3A_191 = arith.index_cast %get3A_190 : i32 to index
    %get3A_192 = arith.constant 0 : index
    %get3A_193 = tpu.vector_load %arg16[%get3A_191, %get3A_192] {strides = array<i32>} : memref<16x16xf32, #tpu.memory_space<vmem>>, vector<16xf32>,
    %add3A_194 = arith.addf %add3A_189, %get3A_193 : vector<16xf32>
    %broadcast_in_dim3A_195 = arith.constant 0.000000e+00 : f32
    %broadcast_in_dim3A_196 = vector.broadcast %broadcast_in_dim3A_195 : f32 to vector<16xf32>
    %reduce_sum3A = arith.constant true
    %reduce_sum3A_197 = vector.broadcast %reduce_sum3A : i1 to vector<16xi1>
    %reduce_sum3A_198 = tpu.scan <sum>, %add3A_194 masked %reduce_sum3A_197 : vector<16xf32>, vector<16xi1> -> vector<16xf32>
    %reduce_sum3A_199 = vector.extract %reduce_sum3A_198[15] : f32 from vector<16xf32>
    %add3A_200 = vector.broadcast %reduce_sum3A_199 : f32 to vector<16xf32>
    %add3A_201 = arith.addf %broadcast_in_dim3A_196, %add3A_200 : vector<16xf32>
    %div3A = arith.constant 1.000000e+00 : f32
    %div3A_202 = vector.broadcast %div3A : f32 to vector<16xf32>
    %div3A_203 = arith.divf %div3A_202, %add3A_201 : vector<16xf32>
    %scan3A_204 = arith.constant 0 : i32
    %scan3A_205 = arith.constant 0 : i32
    %scan3A_206 = arith.constant 125 : i32
    %scan3A_207 = arith.addi %scan3A_205, %scan3A_206 : i32
    %scan3A_208 = arith.constant 1 : i32
    scf.for %scan3A_446 = %scan3A_205 to %scan3A_207 step %scan3A_208  : i32 {
      %get3A_447 = arith.index_cast %scan3A_446 : i32 to index
      %get3A_448 = arith.constant 0 : index
      %get3A_449 = tpu.vector_load %arg11[%get3A_447, %get3A_448] {strides = array<i32>} : memref<125x80xf32, #tpu.memory_space<vmem>>, vector<16xf32>,
      %mul3A_450 = arith.mulf %get3A_449, %div3A_203 : vector<16xf32>
      %swap3A_451 = arith.index_cast %scan3A_446 : i32 to index
      %swap3A_452 = arith.constant 0 : index
      %swap3A_453 = tpu.vector_load %arg11[%swap3A_451, %swap3A_452] {strides = array<i32>} : memref<125x80xf32, #tpu.memory_space<vmem>>, vector<16xf32>,
      tpu.vector_store %arg11[%swap3A_451, %swap3A_452], %mul3A_450 {strides = array<i32>} : memref<125x80xf32, #tpu.memory_space<vmem>>, vector<16xf32>,
      %get3A_454 = arith.index_cast %scan3A_446 : i32 to index
      %get3A_455 = arith.constant 16 : index
      %get3A_456 = tpu.vector_load %arg11[%get3A_454, %get3A_455] {strides = array<i32>} : memref<125x80xf32, #tpu.memory_space<vmem>>, vector<16xf32>,
      %mul3A_457 = arith.mulf %get3A_456, %div3A_203 : vector<16xf32>
      %swap3A_458 = arith.index_cast %scan3A_446 : i32 to index
      %swap3A_459 = arith.constant 16 : index
      %swap3A_460 = tpu.vector_load %arg11[%swap3A_458, %swap3A_459] {strides = array<i32>} : memref<125x80xf32, #tpu.memory_space<vmem>>, vector<16xf32>,
      tpu.vector_store %arg11[%swap3A_458, %swap3A_459], %mul3A_457 {strides = array<i32>} : memref<125x80xf32, #tpu.memory_space<vmem>>, vector<16xf32>,
      %get3A_461 = arith.index_cast %scan3A_446 : i32 to index
      %get3A_462 = arith.constant 32 : index
      %get3A_463 = tpu.vector_load %arg11[%get3A_461, %get3A_462] {strides = array<i32>} : memref<125x80xf32, #tpu.memory_space<vmem>>, vector<16xf32>,
      %mul3A_464 = arith.mulf %get3A_463, %div3A_203 : vector<16xf32>
      %swap3A_465 = arith.index_cast %scan3A_446 : i32 to index
      %swap3A_466 = arith.constant 32 : index
      %swap3A_467 = tpu.vector_load %arg11[%swap3A_465, %swap3A_466] {strides = array<i32>} : memref<125x80xf32, #tpu.memory_space<vmem>>, vector<16xf32>,
      tpu.vector_store %arg11[%swap3A_465, %swap3A_466], %mul3A_464 {strides = array<i32>} : memref<125x80xf32, #tpu.memory_space<vmem>>, vector<16xf32>,
      %get3A_468 = arith.index_cast %scan3A_446 : i32 to index
      %get3A_469 = arith.constant 48 : index
      %get3A_470 = tpu.vector_load %arg11[%get3A_468, %get3A_469] {strides = array<i32>} : memref<125x80xf32, #tpu.memory_space<vmem>>, vector<16xf32>,
      %mul3A_471 = arith.mulf %get3A_470, %div3A_203 : vector<16xf32>
      %swap3A_472 = arith.index_cast %scan3A_446 : i32 to index
      %swap3A_473 = arith.constant 48 : index
      %swap3A_474 = tpu.vector_load %arg11[%swap3A_472, %swap3A_473] {strides = array<i32>} : memref<125x80xf32, #tpu.memory_space<vmem>>, vector<16xf32>,
      tpu.vector_store %arg11[%swap3A_472, %swap3A_473], %mul3A_471 {strides = array<i32>} : memref<125x80xf32, #tpu.memory_space<vmem>>, vector<16xf32>,
      %get3A_475 = arith.index_cast %scan3A_446 : i32 to index
      %get3A_476 = arith.constant 64 : index
      %get3A_477 = tpu.vector_load %arg11[%get3A_475, %get3A_476] {strides = array<i32>} : memref<125x80xf32, #tpu.memory_space<vmem>>, vector<16xf32>,
      %mul3A_478 = arith.mulf %get3A_477, %div3A_203 : vector<16xf32>
      %swap3A_479 = arith.index_cast %scan3A_446 : i32 to index
      %swap3A_480 = arith.constant 64 : index
      %swap3A_481 = tpu.vector_load %arg11[%swap3A_479, %swap3A_480] {strides = array<i32>} : memref<125x80xf32, #tpu.memory_space<vmem>>, vector<16xf32>,
      tpu.vector_store %arg11[%swap3A_479, %swap3A_480], %mul3A_478 {strides = array<i32>} : memref<125x80xf32, #tpu.memory_space<vmem>>, vector<16xf32>,
    }
    %scan3A_209 = arith.constant 125 : i32
    %mul3A = arith.constant 2 : i32
    %mul3A_210 = arith.muli %mul3A, %arg0 : i32
    %add3A_211 = arith.constant 0 : i32
    %add3A_212 = arith.addi %mul3A_210, %add3A_211 : i32
    %mul3A_213 = arith.constant 64 : i32
    %mul3A_214 = arith.muli %add3A_212, %mul3A_213 : i32
    %multiple_of3A = tpu.assume_multiple %mul3A_214, 64 : i32
    %mul3A_215 = arith.constant 2 : i32
    %mul3A_216 = arith.muli %mul3A_215, %arg0 : i32
    %add3A_217 = arith.constant 0 : i32
    %add3A_218 = arith.addi %mul3A_216, %add3A_217 : i32
    %scan3A_219 = arith.constant 0 : i32
    %scan3A_220 = arith.constant 0 : i32
    %scan3A_221 = arith.constant 79 : i32
    %scan3A_222 = arith.addi %scan3A_220, %scan3A_221 : i32
    %scan3A_223 = arith.constant 1 : i32
    scf.for %scan3A_446 = %scan3A_220 to %scan3A_222 step %scan3A_223  : i32 {
      %mul3A_447 = arith.constant 632 : i32
      %mul3A_448 = arith.muli %arg1, %mul3A_447 : i32
      %mul3A_449 = arith.constant 8 : i32
      %mul3A_450 = arith.muli %scan3A_446, %mul3A_449 : i32
      %add3A_451 = arith.addi %mul3A_448, %mul3A_450 : i32
      %multiple_of3A_452 = tpu.assume_multiple %add3A_451, 8 : i32
      %dma_start3A_453 = arith.constant 0 : i32
      %dma_start3A_454 = tpu.memref_slice %arg17[%multiple_of3A_452, %dma_start3A_453] : memref<10112x64xf32, #tpu.memory_space<vmem_shared>> -> memref<8x64xf32, #tpu.memory_space<vmem_shared>>
      %dma_start3A_455 = arith.constant 0 : i32
      %dma_start3A_456 = tpu.memref_slice %arg17[%multiple_of3A_452, %dma_start3A_455] : memref<10112x64xf32, #tpu.memory_space<vmem_shared>> -> memref<8x64xf32, #tpu.memory_space<vmem_shared>>
      tpu.enqueue_dma source(%arg15 : memref<8x64xf32, #tpu.memory_space<vmem>>) target(%dma_start3A_456 : memref<8x64xf32, #tpu.memory_space<vmem_shared>>) target_semaphore(%arg19 : memref<!tpu.dma_semaphore, #tpu.memory_space<semaphore_mem>>)
    }
    %scan3A_224 = arith.constant 79 : i32
    %scan3A_225 = arith.constant 0 : i32
    %scan3A_226 = arith.constant 0 : i32
    %scan3A_227 = arith.constant 79 : i32
    %scan3A_228 = arith.addi %scan3A_226, %scan3A_227 : i32
    %scan3A_229 = arith.constant 1 : i32
    scf.for %scan3A_446 = %scan3A_226 to %scan3A_228 step %scan3A_229  : i32 {
      %mul3A_447 = arith.constant 632 : i32
      %mul3A_448 = arith.muli %arg1, %mul3A_447 : i32
      %mul3A_449 = arith.constant 8 : i32
      %mul3A_450 = arith.muli %scan3A_446, %mul3A_449 : i32
      %add3A_451 = arith.addi %mul3A_448, %mul3A_450 : i32
      %multiple_of3A_452 = tpu.assume_multiple %add3A_451, 8 : i32
      %dma_wait3A_453 = arith.constant 0 : i32
      %dma_wait3A_454 = tpu.memref_slice %arg17[%multiple_of3A_452, %dma_wait3A_453] : memref<10112x64xf32, #tpu.memory_space<vmem_shared>> -> memref<8x64xf32, #tpu.memory_space<vmem_shared>>
      %dma_wait3A_455 = arith.constant 0 : i32
      %dma_wait3A_456 = tpu.memref_slice %arg17[%multiple_of3A_452, %dma_wait3A_455] : memref<10112x64xf32, #tpu.memory_space<vmem_shared>> -> memref<8x64xf32, #tpu.memory_space<vmem_shared>>
      tpu.wait_dma2 semaphore(%arg19 : memref<!tpu.dma_semaphore, #tpu.memory_space<semaphore_mem>>) src(%arg15 : memref<8x64xf32, #tpu.memory_space<vmem>>) dst(%dma_wait3A_456 : memref<8x64xf32, #tpu.memory_space<vmem_shared>>)
    }
    %scan3A_230 = arith.constant 79 : i32
    %barrier3A_231 = arith.constant 0 : index
    tpu.barrier barrier_id(%barrier3A_231)
    %dma_start3A = arith.constant 0 : i32
    %dma_start3A_232 = arith.constant 0 : i32
    %dma_start3A_233 = arith.constant 0 : i32
    %dma_start3A_234 = arith.constant 0 : i32
    %dma_start3A_235 = tpu.memref_slice %arg14[%dma_start3A_232, %dma_start3A_233, %dma_start3A_234] : memref<2x80x64xf32, #tpu.memory_space<vmem>> -> memref<1x80x64xf32, #tpu.memory_space<vmem>>
    %dma_start3A_236 = tpu.memref_squeeze %dma_start3A_235 : memref<1x80x64xf32, #tpu.memory_space<vmem>> -> memref<80x64xf32, #tpu.memory_space<vmem>>
    %dma_start3A_237 = arith.constant 0 : i32
    %dma_start3A_238 = tpu.memref_slice %arg9[%dma_start3A, %dma_start3A_237] : memref<125x80xi32, #tpu.memory_space<vmem>> -> memref<1x80xi32, #tpu.memory_space<vmem>>
    %dma_start3A_239 = tpu.memref_squeeze %dma_start3A_238 : memref<1x80xi32, #tpu.memory_space<vmem>> -> memref<80xi32, #tpu.memory_space<vmem>>
    %dma_start3A_240 = arith.constant 0 : i32
    %dma_start3A_241 = arith.constant 0 : i32
    %dma_start3A_242 = tpu.memref_slice %arg2[%add3A_218, %dma_start3A_240, %dma_start3A_241] : memref<4x10112x64xf32, #tpu.memory_space<hbm>> -> memref<1x10112x64xf32, #tpu.memory_space<hbm>>
    %dma_start3A_243 = tpu.memref_squeeze %dma_start3A_242 : memref<1x10112x64xf32, #tpu.memory_space<hbm>> -> memref<10112x64xf32, #tpu.memory_space<hbm>>
    %dma_start3A_244 = arith.constant 0 : i32
    %dma_start3A_245 = arith.constant 0 : i32
    %dma_start3A_246 = tpu.memref_slice %dma_start3A_243[%dma_start3A_244, %dma_start3A_245] : memref<10112x64xf32, #tpu.memory_space<hbm>> -> memref<10112x64xf32, #tpu.memory_space<hbm>>
    tpu.enqueue_indirect_dma source(%dma_start3A_246 : memref<10112x64xf32, #tpu.memory_space<hbm>>) target(%dma_start3A_236 : memref<80x64xf32, #tpu.memory_space<vmem>>) offsets(%dma_start3A_239 : memref<80xi32, #tpu.memory_space<vmem>>) semaphore(%arg19 : memref<!tpu.dma_semaphore, #tpu.memory_space<semaphore_mem>>)
    %dma_start3A_247 = arith.constant 1 : i32
    %dma_start3A_248 = arith.constant 1 : i32
    %dma_start3A_249 = arith.constant 0 : i32
    %dma_start3A_250 = arith.constant 0 : i32
    %dma_start3A_251 = tpu.memref_slice %arg14[%dma_start3A_248, %dma_start3A_249, %dma_start3A_250] : memref<2x80x64xf32, #tpu.memory_space<vmem>> -> memref<1x80x64xf32, #tpu.memory_space<vmem>>
    %dma_start3A_252 = tpu.memref_squeeze %dma_start3A_251 : memref<1x80x64xf32, #tpu.memory_space<vmem>> -> memref<80x64xf32, #tpu.memory_space<vmem>>
    %dma_start3A_253 = arith.constant 0 : i32
    %dma_start3A_254 = tpu.memref_slice %arg9[%dma_start3A_247, %dma_start3A_253] : memref<125x80xi32, #tpu.memory_space<vmem>> -> memref<1x80xi32, #tpu.memory_space<vmem>>
    %dma_start3A_255 = tpu.memref_squeeze %dma_start3A_254 : memref<1x80xi32, #tpu.memory_space<vmem>> -> memref<80xi32, #tpu.memory_space<vmem>>
    %dma_start3A_256 = arith.constant 0 : i32
    %dma_start3A_257 = arith.constant 0 : i32
    %dma_start3A_258 = tpu.memref_slice %arg2[%add3A_218, %dma_start3A_256, %dma_start3A_257] : memref<4x10112x64xf32, #tpu.memory_space<hbm>> -> memref<1x10112x64xf32, #tpu.memory_space<hbm>>
    %dma_start3A_259 = tpu.memref_squeeze %dma_start3A_258 : memref<1x10112x64xf32, #tpu.memory_space<hbm>> -> memref<10112x64xf32, #tpu.memory_space<hbm>>
    %dma_start3A_260 = arith.constant 0 : i32
    %dma_start3A_261 = arith.constant 0 : i32
    %dma_start3A_262 = tpu.memref_slice %dma_start3A_259[%dma_start3A_260, %dma_start3A_261] : memref<10112x64xf32, #tpu.memory_space<hbm>> -> memref<10112x64xf32, #tpu.memory_space<hbm>>
    tpu.enqueue_indirect_dma source(%dma_start3A_262 : memref<10112x64xf32, #tpu.memory_space<hbm>>) target(%dma_start3A_252 : memref<80x64xf32, #tpu.memory_space<vmem>>) offsets(%dma_start3A_255 : memref<80xi32, #tpu.memory_space<vmem>>) semaphore(%arg20 : memref<!tpu.dma_semaphore, #tpu.memory_space<semaphore_mem>>)
    %scan3A_263 = arith.constant 0 : i32
    %scan3A_264 = arith.constant 0 : i32
    %scan3A_265 = arith.constant 1 : i32
    %scan3A_266 = arith.constant 0 : i32
    %scan3A_267 = arith.constant 62 : i32
    %scan3A_268 = arith.addi %scan3A_266, %scan3A_267 : i32
    %scan3A_269 = arith.constant 1 : i32
    scf.for %scan3A_446 = %scan3A_266 to %scan3A_268 step %scan3A_269  : i32 {
      %mul3A_447 = arith.constant 2 : i32
      %mul3A_448 = arith.muli %mul3A_447, %scan3A_446 : i32
      %add3A_449 = arith.constant 1 : i32
      %add3A_450 = arith.addi %mul3A_448, %add3A_449 : i32
      %dma_wait3A_451 = arith.constant 0 : i32
      %dma_wait3A_452 = arith.constant 0 : i32
      %dma_wait3A_453 = tpu.memref_slice %arg14[%scan3A_264, %dma_wait3A_451, %dma_wait3A_452] : memref<2x80x64xf32, #tpu.memory_space<vmem>> -> memref<1x80x64xf32, #tpu.memory_space<vmem>>
      %dma_wait3A_454 = tpu.memref_squeeze %dma_wait3A_453 : memref<1x80x64xf32, #tpu.memory_space<vmem>> -> memref<80x64xf32, #tpu.memory_space<vmem>>
      %dma_wait3A_455 = arith.constant 0 : i32
      %dma_wait3A_456 = tpu.memref_slice %arg9[%mul3A_448, %dma_wait3A_455] : memref<125x80xi32, #tpu.memory_space<vmem>> -> memref<1x80xi32, #tpu.memory_space<vmem>>
      %dma_wait3A_457 = tpu.memref_squeeze %dma_wait3A_456 : memref<1x80xi32, #tpu.memory_space<vmem>> -> memref<80xi32, #tpu.memory_space<vmem>>
      %dma_wait3A_458 = arith.constant 0 : i32
      %dma_wait3A_459 = arith.constant 0 : i32
      %dma_wait3A_460 = tpu.memref_slice %arg2[%add3A_218, %dma_wait3A_458, %dma_wait3A_459] : memref<4x10112x64xf32, #tpu.memory_space<hbm>> -> memref<1x10112x64xf32, #tpu.memory_space<hbm>>
      %dma_wait3A_461 = tpu.memref_squeeze %dma_wait3A_460 : memref<1x10112x64xf32, #tpu.memory_space<hbm>> -> memref<10112x64xf32, #tpu.memory_space<hbm>>
      %dma_wait3A_462 = arith.constant 0 : i32
      %dma_wait3A_463 = arith.constant 0 : i32
      %dma_wait3A_464 = tpu.memref_slice %dma_wait3A_461[%dma_wait3A_462, %dma_wait3A_463] : memref<10112x64xf32, #tpu.memory_space<hbm>> -> memref<10112x64xf32, #tpu.memory_space<hbm>>
      tpu.wait_indirect_dma semaphore(%arg19 : memref<!tpu.dma_semaphore, #tpu.memory_space<semaphore_mem>>) src(%dma_wait3A_464 : memref<10112x64xf32, #tpu.memory_space<hbm>>) dst(%dma_wait3A_454 : memref<80x64xf32, #tpu.memory_space<vmem>>)
      %broadcast_in_dim3A_465 = arith.constant 0 : i32
      %broadcast_in_dim3A_466 = vector.broadcast %broadcast_in_dim3A_465 : i32 to vector<16xi32>
      %add3A_467 = vector.broadcast %mul3A_448 : i32 to vector<16xi32>
      %add3A_468 = arith.addi %broadcast_in_dim3A_466, %add3A_467 : vector<16xi32>
      %scan3A_469 = arith.constant 0 : i32
      %scan3A_470 = arith.constant 0 : i32
      %scan3A_471 = arith.constant 20 : i32
      %scan3A_472 = arith.addi %scan3A_470, %scan3A_471 : i32
      %scan3A_473 = arith.constant 1 : i32
      scf.for %scan3A_557 = %scan3A_470 to %scan3A_472 step %scan3A_473  : i32 {
        %mul3A_558 = arith.constant 4 : i32
        %mul3A_559 = arith.muli %scan3A_557, %mul3A_558 : i32
        %broadcast_in_dim3A_560 = arith.constant 0 : i32
        %broadcast_in_dim3A_561 = vector.broadcast %broadcast_in_dim3A_560 : i32 to vector<16xi32>
        %add3A_562 = arith.constant 0 : i32
        %add3A_563 = arith.addi %mul3A_559, %add3A_562 : i32
        %add3A_564 = vector.broadcast %add3A_563 : i32 to vector<16xi32>
        %add3A_565 = arith.addi %broadcast_in_dim3A_561, %add3A_564 : vector<16xi32>
        %gather3A = tpu.vector_load_idx %arg11[%add3A_468, %add3A_565] : memref<125x80xf32, #tpu.memory_space<vmem>>[vector<16xi32>, vector<16xi32>], vector<16xf32>,
        %add3A_566 = arith.constant 0 : i32
        %add3A_567 = arith.addi %mul3A_559, %add3A_566 : i32
        %get3A_568 = arith.constant 0 : i32
        %get3A_569 = arith.constant 0 : i32
        %get3A_570 = tpu.memref_slice %arg14[%scan3A_264, %get3A_568, %get3A_569] : memref<2x80x64xf32, #tpu.memory_space<vmem>> -> memref<1x80x64xf32, #tpu.memory_space<vmem>>
        %get3A_571 = tpu.memref_squeeze %get3A_570 : memref<1x80x64xf32, #tpu.memory_space<vmem>> -> memref<80x64xf32, #tpu.memory_space<vmem>>
        %get3A_572 = arith.index_cast %add3A_567 : i32 to index
        %get3A_573 = arith.constant 0 : index
        %get3A_574 = tpu.vector_load %get3A_571[%get3A_572, %get3A_573] {strides = array<i32>} : memref<80x64xf32, #tpu.memory_space<vmem>>, vector<16xf32>,
        %mul3A_575 = arith.mulf %get3A_574, %gather3A : vector<16xf32>
        %add3A_576 = arith.constant 0 : i32
        %add3A_577 = arith.addi %mul3A_559, %add3A_576 : i32
        %swap3A_578 = arith.constant 0 : i32
        %swap3A_579 = arith.constant 0 : i32
        %swap3A_580 = tpu.memref_slice %arg14[%scan3A_264, %swap3A_578, %swap3A_579] : memref<2x80x64xf32, #tpu.memory_space<vmem>> -> memref<1x80x64xf32, #tpu.memory_space<vmem>>
        %swap3A_581 = tpu.memref_squeeze %swap3A_580 : memref<1x80x64xf32, #tpu.memory_space<vmem>> -> memref<80x64xf32, #tpu.memory_space<vmem>>
        %swap3A_582 = arith.index_cast %add3A_577 : i32 to index
        %swap3A_583 = arith.constant 0 : index
        %swap3A_584 = tpu.vector_load %swap3A_581[%swap3A_582, %swap3A_583] {strides = array<i32>} : memref<80x64xf32, #tpu.memory_space<vmem>>, vector<16xf32>,
        tpu.vector_store %swap3A_581[%swap3A_582, %swap3A_583], %mul3A_575 {strides = array<i32>} : memref<80x64xf32, #tpu.memory_space<vmem>>, vector<16xf32>,
        %add3A_585 = arith.constant 0 : i32
        %add3A_586 = arith.addi %mul3A_559, %add3A_585 : i32
        %get3A_587 = arith.constant 0 : i32
        %get3A_588 = arith.constant 0 : i32
        %get3A_589 = tpu.memref_slice %arg14[%scan3A_264, %get3A_587, %get3A_588] : memref<2x80x64xf32, #tpu.memory_space<vmem>> -> memref<1x80x64xf32, #tpu.memory_space<vmem>>
        %get3A_590 = tpu.memref_squeeze %get3A_589 : memref<1x80x64xf32, #tpu.memory_space<vmem>> -> memref<80x64xf32, #tpu.memory_space<vmem>>
        %get3A_591 = arith.index_cast %add3A_586 : i32 to index
        %get3A_592 = arith.constant 16 : index
        %get3A_593 = tpu.vector_load %get3A_590[%get3A_591, %get3A_592] {strides = array<i32>} : memref<80x64xf32, #tpu.memory_space<vmem>>, vector<16xf32>,
        %mul3A_594 = arith.mulf %get3A_593, %gather3A : vector<16xf32>
        %add3A_595 = arith.constant 0 : i32
        %add3A_596 = arith.addi %mul3A_559, %add3A_595 : i32
        %swap3A_597 = arith.constant 0 : i32
        %swap3A_598 = arith.constant 0 : i32
        %swap3A_599 = tpu.memref_slice %arg14[%scan3A_264, %swap3A_597, %swap3A_598] : memref<2x80x64xf32, #tpu.memory_space<vmem>> -> memref<1x80x64xf32, #tpu.memory_space<vmem>>
        %swap3A_600 = tpu.memref_squeeze %swap3A_599 : memref<1x80x64xf32, #tpu.memory_space<vmem>> -> memref<80x64xf32, #tpu.memory_space<vmem>>
        %swap3A_601 = arith.index_cast %add3A_596 : i32 to index
        %swap3A_602 = arith.constant 16 : index
        %swap3A_603 = tpu.vector_load %swap3A_600[%swap3A_601, %swap3A_602] {strides = array<i32>} : memref<80x64xf32, #tpu.memory_space<vmem>>, vector<16xf32>,
        tpu.vector_store %swap3A_600[%swap3A_601, %swap3A_602], %mul3A_594 {strides = array<i32>} : memref<80x64xf32, #tpu.memory_space<vmem>>, vector<16xf32>,
        %add3A_604 = arith.constant 0 : i32
        %add3A_605 = arith.addi %mul3A_559, %add3A_604 : i32
        %get3A_606 = arith.constant 0 : i32
        %get3A_607 = arith.constant 0 : i32
        %get3A_608 = tpu.memref_slice %arg14[%scan3A_264, %get3A_606, %get3A_607] : memref<2x80x64xf32, #tpu.memory_space<vmem>> -> memref<1x80x64xf32, #tpu.memory_space<vmem>>
        %get3A_609 = tpu.memref_squeeze %get3A_608 : memref<1x80x64xf32, #tpu.memory_space<vmem>> -> memref<80x64xf32, #tpu.memory_space<vmem>>
        %get3A_610 = arith.index_cast %add3A_605 : i32 to index
        %get3A_611 = arith.constant 32 : index
        %get3A_612 = tpu.vector_load %get3A_609[%get3A_610, %get3A_611] {strides = array<i32>} : memref<80x64xf32, #tpu.memory_space<vmem>>, vector<16xf32>,
        %mul3A_613 = arith.mulf %get3A_612, %gather3A : vector<16xf32>
        %add3A_614 = arith.constant 0 : i32
        %add3A_615 = arith.addi %mul3A_559, %add3A_614 : i32
        %swap3A_616 = arith.constant 0 : i32
        %swap3A_617 = arith.constant 0 : i32
        %swap3A_618 = tpu.memref_slice %arg14[%scan3A_264, %swap3A_616, %swap3A_617] : memref<2x80x64xf32, #tpu.memory_space<vmem>> -> memref<1x80x64xf32, #tpu.memory_space<vmem>>
        %swap3A_619 = tpu.memref_squeeze %swap3A_618 : memref<1x80x64xf32, #tpu.memory_space<vmem>> -> memref<80x64xf32, #tpu.memory_space<vmem>>
        %swap3A_620 = arith.index_cast %add3A_615 : i32 to index
        %swap3A_621 = arith.constant 32 : index
        %swap3A_622 = tpu.vector_load %swap3A_619[%swap3A_620, %swap3A_621] {strides = array<i32>} : memref<80x64xf32, #tpu.memory_space<vmem>>, vector<16xf32>,
        tpu.vector_store %swap3A_619[%swap3A_620, %swap3A_621], %mul3A_613 {strides = array<i32>} : memref<80x64xf32, #tpu.memory_space<vmem>>, vector<16xf32>,
        %add3A_623 = arith.constant 0 : i32
        %add3A_624 = arith.addi %mul3A_559, %add3A_623 : i32
        %get3A_625 = arith.constant 0 : i32
        %get3A_626 = arith.constant 0 : i32
        %get3A_627 = tpu.memref_slice %arg14[%scan3A_264, %get3A_625, %get3A_626] : memref<2x80x64xf32, #tpu.memory_space<vmem>> -> memref<1x80x64xf32, #tpu.memory_space<vmem>>
        %get3A_628 = tpu.memref_squeeze %get3A_627 : memref<1x80x64xf32, #tpu.memory_space<vmem>> -> memref<80x64xf32, #tpu.memory_space<vmem>>
        %get3A_629 = arith.index_cast %add3A_624 : i32 to index
        %get3A_630 = arith.constant 48 : index
        %get3A_631 = tpu.vector_load %get3A_628[%get3A_629, %get3A_630] {strides = array<i32>} : memref<80x64xf32, #tpu.memory_space<vmem>>, vector<16xf32>,
        %mul3A_632 = arith.mulf %get3A_631, %gather3A : vector<16xf32>
        %add3A_633 = arith.constant 0 : i32
        %add3A_634 = arith.addi %mul3A_559, %add3A_633 : i32
        %swap3A_635 = arith.constant 0 : i32
        %swap3A_636 = arith.constant 0 : i32
        %swap3A_637 = tpu.memref_slice %arg14[%scan3A_264, %swap3A_635, %swap3A_636] : memref<2x80x64xf32, #tpu.memory_space<vmem>> -> memref<1x80x64xf32, #tpu.memory_space<vmem>>
        %swap3A_638 = tpu.memref_squeeze %swap3A_637 : memref<1x80x64xf32, #tpu.memory_space<vmem>> -> memref<80x64xf32, #tpu.memory_space<vmem>>
        %swap3A_639 = arith.index_cast %add3A_634 : i32 to index
        %swap3A_640 = arith.constant 48 : index
        %swap3A_641 = tpu.vector_load %swap3A_638[%swap3A_639, %swap3A_640] {strides = array<i32>} : memref<80x64xf32, #tpu.memory_space<vmem>>, vector<16xf32>,
        tpu.vector_store %swap3A_638[%swap3A_639, %swap3A_640], %mul3A_632 {strides = array<i32>} : memref<80x64xf32, #tpu.memory_space<vmem>>, vector<16xf32>,
        %broadcast_in_dim3A_642 = arith.constant 0 : i32
        %broadcast_in_dim3A_643 = vector.broadcast %broadcast_in_dim3A_642 : i32 to vector<16xi32>
        %add3A_644 = arith.constant 1 : i32
        %add3A_645 = arith.addi %mul3A_559, %add3A_644 : i32
        %add3A_646 = vector.broadcast %add3A_645 : i32 to vector<16xi32>
        %add3A_647 = arith.addi %broadcast_in_dim3A_643, %add3A_646 : vector<16xi32>
        %gather3A_648 = tpu.vector_load_idx %arg11[%add3A_468, %add3A_647] : memref<125x80xf32, #tpu.memory_space<vmem>>[vector<16xi32>, vector<16xi32>], vector<16xf32>,
        %add3A_649 = arith.constant 1 : i32
        %add3A_650 = arith.addi %mul3A_559, %add3A_649 : i32
        %get3A_651 = arith.constant 0 : i32
        %get3A_652 = arith.constant 0 : i32
        %get3A_653 = tpu.memref_slice %arg14[%scan3A_264, %get3A_651, %get3A_652] : memref<2x80x64xf32, #tpu.memory_space<vmem>> -> memref<1x80x64xf32, #tpu.memory_space<vmem>>
        %get3A_654 = tpu.memref_squeeze %get3A_653 : memref<1x80x64xf32, #tpu.memory_space<vmem>> -> memref<80x64xf32, #tpu.memory_space<vmem>>
        %get3A_655 = arith.index_cast %add3A_650 : i32 to index
        %get3A_656 = arith.constant 0 : index
        %get3A_657 = tpu.vector_load %get3A_654[%get3A_655, %get3A_656] {strides = array<i32>} : memref<80x64xf32, #tpu.memory_space<vmem>>, vector<16xf32>,
        %mul3A_658 = arith.mulf %get3A_657, %gather3A_648 : vector<16xf32>
        %add3A_659 = arith.constant 1 : i32
        %add3A_660 = arith.addi %mul3A_559, %add3A_659 : i32
        %swap3A_661 = arith.constant 0 : i32
        %swap3A_662 = arith.constant 0 : i32
        %swap3A_663 = tpu.memref_slice %arg14[%scan3A_264, %swap3A_661, %swap3A_662] : memref<2x80x64xf32, #tpu.memory_space<vmem>> -> memref<1x80x64xf32, #tpu.memory_space<vmem>>
        %swap3A_664 = tpu.memref_squeeze %swap3A_663 : memref<1x80x64xf32, #tpu.memory_space<vmem>> -> memref<80x64xf32, #tpu.memory_space<vmem>>
        %swap3A_665 = arith.index_cast %add3A_660 : i32 to index
        %swap3A_666 = arith.constant 0 : index
        %swap3A_667 = tpu.vector_load %swap3A_664[%swap3A_665, %swap3A_666] {strides = array<i32>} : memref<80x64xf32, #tpu.memory_space<vmem>>, vector<16xf32>,
        tpu.vector_store %swap3A_664[%swap3A_665, %swap3A_666], %mul3A_658 {strides = array<i32>} : memref<80x64xf32, #tpu.memory_space<vmem>>, vector<16xf32>,
        %add3A_668 = arith.constant 1 : i32
        %add3A_669 = arith.addi %mul3A_559, %add3A_668 : i32
        %get3A_670 = arith.constant 0 : i32
        %get3A_671 = arith.constant 0 : i32
        %get3A_672 = tpu.memref_slice %arg14[%scan3A_264, %get3A_670, %get3A_671] : memref<2x80x64xf32, #tpu.memory_space<vmem>> -> memref<1x80x64xf32, #tpu.memory_space<vmem>>
        %get3A_673 = tpu.memref_squeeze %get3A_672 : memref<1x80x64xf32, #tpu.memory_space<vmem>> -> memref<80x64xf32, #tpu.memory_space<vmem>>
        %get3A_674 = arith.index_cast %add3A_669 : i32 to index
        %get3A_675 = arith.constant 16 : index
        %get3A_676 = tpu.vector_load %get3A_673[%get3A_674, %get3A_675] {strides = array<i32>} : memref<80x64xf32, #tpu.memory_space<vmem>>, vector<16xf32>,
        %mul3A_677 = arith.mulf %get3A_676, %gather3A_648 : vector<16xf32>
        %add3A_678 = arith.constant 1 : i32
        %add3A_679 = arith.addi %mul3A_559, %add3A_678 : i32
        %swap3A_680 = arith.constant 0 : i32
        %swap3A_681 = arith.constant 0 : i32
        %swap3A_682 = tpu.memref_slice %arg14[%scan3A_264, %swap3A_680, %swap3A_681] : memref<2x80x64xf32, #tpu.memory_space<vmem>> -> memref<1x80x64xf32, #tpu.memory_space<vmem>>
        %swap3A_683 = tpu.memref_squeeze %swap3A_682 : memref<1x80x64xf32, #tpu.memory_space<vmem>> -> memref<80x64xf32, #tpu.memory_space<vmem>>
        %swap3A_684 = arith.index_cast %add3A_679 : i32 to index
        %swap3A_685 = arith.constant 16 : index
        %swap3A_686 = tpu.vector_load %swap3A_683[%swap3A_684, %swap3A_685] {strides = array<i32>} : memref<80x64xf32, #tpu.memory_space<vmem>>, vector<16xf32>,
        tpu.vector_store %swap3A_683[%swap3A_684, %swap3A_685], %mul3A_677 {strides = array<i32>} : memref<80x64xf32, #tpu.memory_space<vmem>>, vector<16xf32>,
        %add3A_687 = arith.constant 1 : i32
        %add3A_688 = arith.addi %mul3A_559, %add3A_687 : i32
        %get3A_689 = arith.constant 0 : i32
        %get3A_690 = arith.constant 0 : i32
        %get3A_691 = tpu.memref_slice %arg14[%scan3A_264, %get3A_689, %get3A_690] : memref<2x80x64xf32, #tpu.memory_space<vmem>> -> memref<1x80x64xf32, #tpu.memory_space<vmem>>
        %get3A_692 = tpu.memref_squeeze %get3A_691 : memref<1x80x64xf32, #tpu.memory_space<vmem>> -> memref<80x64xf32, #tpu.memory_space<vmem>>
        %get3A_693 = arith.index_cast %add3A_688 : i32 to index
        %get3A_694 = arith.constant 32 : index
        %get3A_695 = tpu.vector_load %get3A_692[%get3A_693, %get3A_694] {strides = array<i32>} : memref<80x64xf32, #tpu.memory_space<vmem>>, vector<16xf32>,
        %mul3A_696 = arith.mulf %get3A_695, %gather3A_648 : vector<16xf32>
        %add3A_697 = arith.constant 1 : i32
        %add3A_698 = arith.addi %mul3A_559, %add3A_697 : i32
        %swap3A_699 = arith.constant 0 : i32
        %swap3A_700 = arith.constant 0 : i32
        %swap3A_701 = tpu.memref_slice %arg14[%scan3A_264, %swap3A_699, %swap3A_700] : memref<2x80x64xf32, #tpu.memory_space<vmem>> -> memref<1x80x64xf32, #tpu.memory_space<vmem>>
        %swap3A_702 = tpu.memref_squeeze %swap3A_701 : memref<1x80x64xf32, #tpu.memory_space<vmem>> -> memref<80x64xf32, #tpu.memory_space<vmem>>
        %swap3A_703 = arith.index_cast %add3A_698 : i32 to index
        %swap3A_704 = arith.constant 32 : index
        %swap3A_705 = tpu.vector_load %swap3A_702[%swap3A_703, %swap3A_704] {strides = array<i32>} : memref<80x64xf32, #tpu.memory_space<vmem>>, vector<16xf32>,
        tpu.vector_store %swap3A_702[%swap3A_703, %swap3A_704], %mul3A_696 {strides = array<i32>} : memref<80x64xf32, #tpu.memory_space<vmem>>, vector<16xf32>,
        %add3A_706 = arith.constant 1 : i32
        %add3A_707 = arith.addi %mul3A_559, %add3A_706 : i32
        %get3A_708 = arith.constant 0 : i32
        %get3A_709 = arith.constant 0 : i32
        %get3A_710 = tpu.memref_slice %arg14[%scan3A_264, %get3A_708, %get3A_709] : memref<2x80x64xf32, #tpu.memory_space<vmem>> -> memref<1x80x64xf32, #tpu.memory_space<vmem>>
        %get3A_711 = tpu.memref_squeeze %get3A_710 : memref<1x80x64xf32, #tpu.memory_space<vmem>> -> memref<80x64xf32, #tpu.memory_space<vmem>>
        %get3A_712 = arith.index_cast %add3A_707 : i32 to index
        %get3A_713 = arith.constant 48 : index
        %get3A_714 = tpu.vector_load %get3A_711[%get3A_712, %get3A_713] {strides = array<i32>} : memref<80x64xf32, #tpu.memory_space<vmem>>, vector<16xf32>,
        %mul3A_715 = arith.mulf %get3A_714, %gather3A_648 : vector<16xf32>
        %add3A_716 = arith.constant 1 : i32
        %add3A_717 = arith.addi %mul3A_559, %add3A_716 : i32
        %swap3A_718 = arith.constant 0 : i32
        %swap3A_719 = arith.constant 0 : i32
        %swap3A_720 = tpu.memref_slice %arg14[%scan3A_264, %swap3A_718, %swap3A_719] : memref<2x80x64xf32, #tpu.memory_space<vmem>> -> memref<1x80x64xf32, #tpu.memory_space<vmem>>
        %swap3A_721 = tpu.memref_squeeze %swap3A_720 : memref<1x80x64xf32, #tpu.memory_space<vmem>> -> memref<80x64xf32, #tpu.memory_space<vmem>>
        %swap3A_722 = arith.index_cast %add3A_717 : i32 to index
        %swap3A_723 = arith.constant 48 : index
        %swap3A_724 = tpu.vector_load %swap3A_721[%swap3A_722, %swap3A_723] {strides = array<i32>} : memref<80x64xf32, #tpu.memory_space<vmem>>, vector<16xf32>,
        tpu.vector_store %swap3A_721[%swap3A_722, %swap3A_723], %mul3A_715 {strides = array<i32>} : memref<80x64xf32, #tpu.memory_space<vmem>>, vector<16xf32>,
        %broadcast_in_dim3A_725 = arith.constant 0 : i32
        %broadcast_in_dim3A_726 = vector.broadcast %broadcast_in_dim3A_725 : i32 to vector<16xi32>
        %add3A_727 = arith.constant 2 : i32
        %add3A_728 = arith.addi %mul3A_559, %add3A_727 : i32
        %add3A_729 = vector.broadcast %add3A_728 : i32 to vector<16xi32>
        %add3A_730 = arith.addi %broadcast_in_dim3A_726, %add3A_729 : vector<16xi32>
        %gather3A_731 = tpu.vector_load_idx %arg11[%add3A_468, %add3A_730] : memref<125x80xf32, #tpu.memory_space<vmem>>[vector<16xi32>, vector<16xi32>], vector<16xf32>,
        %add3A_732 = arith.constant 2 : i32
        %add3A_733 = arith.addi %mul3A_559, %add3A_732 : i32
        %get3A_734 = arith.constant 0 : i32
        %get3A_735 = arith.constant 0 : i32
        %get3A_736 = tpu.memref_slice %arg14[%scan3A_264, %get3A_734, %get3A_735] : memref<2x80x64xf32, #tpu.memory_space<vmem>> -> memref<1x80x64xf32, #tpu.memory_space<vmem>>
        %get3A_737 = tpu.memref_squeeze %get3A_736 : memref<1x80x64xf32, #tpu.memory_space<vmem>> -> memref<80x64xf32, #tpu.memory_space<vmem>>
        %get3A_738 = arith.index_cast %add3A_733 : i32 to index
        %get3A_739 = arith.constant 0 : index
        %get3A_740 = tpu.vector_load %get3A_737[%get3A_738, %get3A_739] {strides = array<i32>} : memref<80x64xf32, #tpu.memory_space<vmem>>, vector<16xf32>,
        %mul3A_741 = arith.mulf %get3A_740, %gather3A_731 : vector<16xf32>
        %add3A_742 = arith.constant 2 : i32
        %add3A_743 = arith.addi %mul3A_559, %add3A_742 : i32
        %swap3A_744 = arith.constant 0 : i32
        %swap3A_745 = arith.constant 0 : i32
        %swap3A_746 = tpu.memref_slice %arg14[%scan3A_264, %swap3A_744, %swap3A_745] : memref<2x80x64xf32, #tpu.memory_space<vmem>> -> memref<1x80x64xf32, #tpu.memory_space<vmem>>
        %swap3A_747 = tpu.memref_squeeze %swap3A_746 : memref<1x80x64xf32, #tpu.memory_space<vmem>> -> memref<80x64xf32, #tpu.memory_space<vmem>>
        %swap3A_748 = arith.index_cast %add3A_743 : i32 to index
        %swap3A_749 = arith.constant 0 : index
        %swap3A_750 = tpu.vector_load %swap3A_747[%swap3A_748, %swap3A_749] {strides = array<i32>} : memref<80x64xf32, #tpu.memory_space<vmem>>, vector<16xf32>,
        tpu.vector_store %swap3A_747[%swap3A_748, %swap3A_749], %mul3A_741 {strides = array<i32>} : memref<80x64xf32, #tpu.memory_space<vmem>>, vector<16xf32>,
        %add3A_751 = arith.constant 2 : i32
        %add3A_752 = arith.addi %mul3A_559, %add3A_751 : i32
        %get3A_753 = arith.constant 0 : i32
        %get3A_754 = arith.constant 0 : i32
        %get3A_755 = tpu.memref_slice %arg14[%scan3A_264, %get3A_753, %get3A_754] : memref<2x80x64xf32, #tpu.memory_space<vmem>> -> memref<1x80x64xf32, #tpu.memory_space<vmem>>
        %get3A_756 = tpu.memref_squeeze %get3A_755 : memref<1x80x64xf32, #tpu.memory_space<vmem>> -> memref<80x64xf32, #tpu.memory_space<vmem>>
        %get3A_757 = arith.index_cast %add3A_752 : i32 to index
        %get3A_758 = arith.constant 16 : index
        %get3A_759 = tpu.vector_load %get3A_756[%get3A_757, %get3A_758] {strides = array<i32>} : memref<80x64xf32, #tpu.memory_space<vmem>>, vector<16xf32>,
        %mul3A_760 = arith.mulf %get3A_759, %gather3A_731 : vector<16xf32>
        %add3A_761 = arith.constant 2 : i32
        %add3A_762 = arith.addi %mul3A_559, %add3A_761 : i32
        %swap3A_763 = arith.constant 0 : i32
        %swap3A_764 = arith.constant 0 : i32
        %swap3A_765 = tpu.memref_slice %arg14[%scan3A_264, %swap3A_763, %swap3A_764] : memref<2x80x64xf32, #tpu.memory_space<vmem>> -> memref<1x80x64xf32, #tpu.memory_space<vmem>>
        %swap3A_766 = tpu.memref_squeeze %swap3A_765 : memref<1x80x64xf32, #tpu.memory_space<vmem>> -> memref<80x64xf32, #tpu.memory_space<vmem>>
        %swap3A_767 = arith.index_cast %add3A_762 : i32 to index
        %swap3A_768 = arith.constant 16 : index
        %swap3A_769 = tpu.vector_load %swap3A_766[%swap3A_767, %swap3A_768] {strides = array<i32>} : memref<80x64xf32, #tpu.memory_space<vmem>>, vector<16xf32>,
        tpu.vector_store %swap3A_766[%swap3A_767, %swap3A_768], %mul3A_760 {strides = array<i32>} : memref<80x64xf32, #tpu.memory_space<vmem>>, vector<16xf32>,
        %add3A_770 = arith.constant 2 : i32
        %add3A_771 = arith.addi %mul3A_559, %add3A_770 : i32
        %get3A_772 = arith.constant 0 : i32
        %get3A_773 = arith.constant 0 : i32
        %get3A_774 = tpu.memref_slice %arg14[%scan3A_264, %get3A_772, %get3A_773] : memref<2x80x64xf32, #tpu.memory_space<vmem>> -> memref<1x80x64xf32, #tpu.memory_space<vmem>>
        %get3A_775 = tpu.memref_squeeze %get3A_774 : memref<1x80x64xf32, #tpu.memory_space<vmem>> -> memref<80x64xf32, #tpu.memory_space<vmem>>
        %get3A_776 = arith.index_cast %add3A_771 : i32 to index
        %get3A_777 = arith.constant 32 : index
        %get3A_778 = tpu.vector_load %get3A_775[%get3A_776, %get3A_777] {strides = array<i32>} : memref<80x64xf32, #tpu.memory_space<vmem>>, vector<16xf32>,
        %mul3A_779 = arith.mulf %get3A_778, %gather3A_731 : vector<16xf32>
        %add3A_780 = arith.constant 2 : i32
        %add3A_781 = arith.addi %mul3A_559, %add3A_780 : i32
        %swap3A_782 = arith.constant 0 : i32
        %swap3A_783 = arith.constant 0 : i32
        %swap3A_784 = tpu.memref_slice %arg14[%scan3A_264, %swap3A_782, %swap3A_783] : memref<2x80x64xf32, #tpu.memory_space<vmem>> -> memref<1x80x64xf32, #tpu.memory_space<vmem>>
        %swap3A_785 = tpu.memref_squeeze %swap3A_784 : memref<1x80x64xf32, #tpu.memory_space<vmem>> -> memref<80x64xf32, #tpu.memory_space<vmem>>
        %swap3A_786 = arith.index_cast %add3A_781 : i32 to index
        %swap3A_787 = arith.constant 32 : index
        %swap3A_788 = tpu.vector_load %swap3A_785[%swap3A_786, %swap3A_787] {strides = array<i32>} : memref<80x64xf32, #tpu.memory_space<vmem>>, vector<16xf32>,
        tpu.vector_store %swap3A_785[%swap3A_786, %swap3A_787], %mul3A_779 {strides = array<i32>} : memref<80x64xf32, #tpu.memory_space<vmem>>, vector<16xf32>,
        %add3A_789 = arith.constant 2 : i32
        %add3A_790 = arith.addi %mul3A_559, %add3A_789 : i32
        %get3A_791 = arith.constant 0 : i32
        %get3A_792 = arith.constant 0 : i32
        %get3A_793 = tpu.memref_slice %arg14[%scan3A_264, %get3A_791, %get3A_792] : memref<2x80x64xf32, #tpu.memory_space<vmem>> -> memref<1x80x64xf32, #tpu.memory_space<vmem>>
        %get3A_794 = tpu.memref_squeeze %get3A_793 : memref<1x80x64xf32, #tpu.memory_space<vmem>> -> memref<80x64xf32, #tpu.memory_space<vmem>>
        %get3A_795 = arith.index_cast %add3A_790 : i32 to index
        %get3A_796 = arith.constant 48 : index
        %get3A_797 = tpu.vector_load %get3A_794[%get3A_795, %get3A_796] {strides = array<i32>} : memref<80x64xf32, #tpu.memory_space<vmem>>, vector<16xf32>,
        %mul3A_798 = arith.mulf %get3A_797, %gather3A_731 : vector<16xf32>
        %add3A_799 = arith.constant 2 : i32
        %add3A_800 = arith.addi %mul3A_559, %add3A_799 : i32
        %swap3A_801 = arith.constant 0 : i32
        %swap3A_802 = arith.constant 0 : i32
        %swap3A_803 = tpu.memref_slice %arg14[%scan3A_264, %swap3A_801, %swap3A_802] : memref<2x80x64xf32, #tpu.memory_space<vmem>> -> memref<1x80x64xf32, #tpu.memory_space<vmem>>
        %swap3A_804 = tpu.memref_squeeze %swap3A_803 : memref<1x80x64xf32, #tpu.memory_space<vmem>> -> memref<80x64xf32, #tpu.memory_space<vmem>>
        %swap3A_805 = arith.index_cast %add3A_800 : i32 to index
        %swap3A_806 = arith.constant 48 : index
        %swap3A_807 = tpu.vector_load %swap3A_804[%swap3A_805, %swap3A_806] {strides = array<i32>} : memref<80x64xf32, #tpu.memory_space<vmem>>, vector<16xf32>,
        tpu.vector_store %swap3A_804[%swap3A_805, %swap3A_806], %mul3A_798 {strides = array<i32>} : memref<80x64xf32, #tpu.memory_space<vmem>>, vector<16xf32>,
        %broadcast_in_dim3A_808 = arith.constant 0 : i32
        %broadcast_in_dim3A_809 = vector.broadcast %broadcast_in_dim3A_808 : i32 to vector<16xi32>
        %add3A_810 = arith.constant 3 : i32
        %add3A_811 = arith.addi %mul3A_559, %add3A_810 : i32
        %add3A_812 = vector.broadcast %add3A_811 : i32 to vector<16xi32>
        %add3A_813 = arith.addi %broadcast_in_dim3A_809, %add3A_812 : vector<16xi32>
        %gather3A_814 = tpu.vector_load_idx %arg11[%add3A_468, %add3A_813] : memref<125x80xf32, #tpu.memory_space<vmem>>[vector<16xi32>, vector<16xi32>], vector<16xf32>,
        %add3A_815 = arith.constant 3 : i32
        %add3A_816 = arith.addi %mul3A_559, %add3A_815 : i32
        %get3A_817 = arith.constant 0 : i32
        %get3A_818 = arith.constant 0 : i32
        %get3A_819 = tpu.memref_slice %arg14[%scan3A_264, %get3A_817, %get3A_818] : memref<2x80x64xf32, #tpu.memory_space<vmem>> -> memref<1x80x64xf32, #tpu.memory_space<vmem>>
        %get3A_820 = tpu.memref_squeeze %get3A_819 : memref<1x80x64xf32, #tpu.memory_space<vmem>> -> memref<80x64xf32, #tpu.memory_space<vmem>>
        %get3A_821 = arith.index_cast %add3A_816 : i32 to index
        %get3A_822 = arith.constant 0 : index
        %get3A_823 = tpu.vector_load %get3A_820[%get3A_821, %get3A_822] {strides = array<i32>} : memref<80x64xf32, #tpu.memory_space<vmem>>, vector<16xf32>,
        %mul3A_824 = arith.mulf %get3A_823, %gather3A_814 : vector<16xf32>
        %add3A_825 = arith.constant 3 : i32
        %add3A_826 = arith.addi %mul3A_559, %add3A_825 : i32
        %swap3A_827 = arith.constant 0 : i32
        %swap3A_828 = arith.constant 0 : i32
        %swap3A_829 = tpu.memref_slice %arg14[%scan3A_264, %swap3A_827, %swap3A_828] : memref<2x80x64xf32, #tpu.memory_space<vmem>> -> memref<1x80x64xf32, #tpu.memory_space<vmem>>
        %swap3A_830 = tpu.memref_squeeze %swap3A_829 : memref<1x80x64xf32, #tpu.memory_space<vmem>> -> memref<80x64xf32, #tpu.memory_space<vmem>>
        %swap3A_831 = arith.index_cast %add3A_826 : i32 to index
        %swap3A_832 = arith.constant 0 : index
        %swap3A_833 = tpu.vector_load %swap3A_830[%swap3A_831, %swap3A_832] {strides = array<i32>} : memref<80x64xf32, #tpu.memory_space<vmem>>, vector<16xf32>,
        tpu.vector_store %swap3A_830[%swap3A_831, %swap3A_832], %mul3A_824 {strides = array<i32>} : memref<80x64xf32, #tpu.memory_space<vmem>>, vector<16xf32>,
        %add3A_834 = arith.constant 3 : i32
        %add3A_835 = arith.addi %mul3A_559, %add3A_834 : i32
        %get3A_836 = arith.constant 0 : i32
        %get3A_837 = arith.constant 0 : i32
        %get3A_838 = tpu.memref_slice %arg14[%scan3A_264, %get3A_836, %get3A_837] : memref<2x80x64xf32, #tpu.memory_space<vmem>> -> memref<1x80x64xf32, #tpu.memory_space<vmem>>
        %get3A_839 = tpu.memref_squeeze %get3A_838 : memref<1x80x64xf32, #tpu.memory_space<vmem>> -> memref<80x64xf32, #tpu.memory_space<vmem>>
        %get3A_840 = arith.index_cast %add3A_835 : i32 to index
        %get3A_841 = arith.constant 16 : index
        %get3A_842 = tpu.vector_load %get3A_839[%get3A_840, %get3A_841] {strides = array<i32>} : memref<80x64xf32, #tpu.memory_space<vmem>>, vector<16xf32>,
        %mul3A_843 = arith.mulf %get3A_842, %gather3A_814 : vector<16xf32>
        %add3A_844 = arith.constant 3 : i32
        %add3A_845 = arith.addi %mul3A_559, %add3A_844 : i32
        %swap3A_846 = arith.constant 0 : i32
        %swap3A_847 = arith.constant 0 : i32
        %swap3A_848 = tpu.memref_slice %arg14[%scan3A_264, %swap3A_846, %swap3A_847] : memref<2x80x64xf32, #tpu.memory_space<vmem>> -> memref<1x80x64xf32, #tpu.memory_space<vmem>>
        %swap3A_849 = tpu.memref_squeeze %swap3A_848 : memref<1x80x64xf32, #tpu.memory_space<vmem>> -> memref<80x64xf32, #tpu.memory_space<vmem>>
        %swap3A_850 = arith.index_cast %add3A_845 : i32 to index
        %swap3A_851 = arith.constant 16 : index
        %swap3A_852 = tpu.vector_load %swap3A_849[%swap3A_850, %swap3A_851] {strides = array<i32>} : memref<80x64xf32, #tpu.memory_space<vmem>>, vector<16xf32>,
        tpu.vector_store %swap3A_849[%swap3A_850, %swap3A_851], %mul3A_843 {strides = array<i32>} : memref<80x64xf32, #tpu.memory_space<vmem>>, vector<16xf32>,
        %add3A_853 = arith.constant 3 : i32
        %add3A_854 = arith.addi %mul3A_559, %add3A_853 : i32
        %get3A_855 = arith.constant 0 : i32
        %get3A_856 = arith.constant 0 : i32
        %get3A_857 = tpu.memref_slice %arg14[%scan3A_264, %get3A_855, %get3A_856] : memref<2x80x64xf32, #tpu.memory_space<vmem>> -> memref<1x80x64xf32, #tpu.memory_space<vmem>>
        %get3A_858 = tpu.memref_squeeze %get3A_857 : memref<1x80x64xf32, #tpu.memory_space<vmem>> -> memref<80x64xf32, #tpu.memory_space<vmem>>
        %get3A_859 = arith.index_cast %add3A_854 : i32 to index
        %get3A_860 = arith.constant 32 : index
        %get3A_861 = tpu.vector_load %get3A_858[%get3A_859, %get3A_860] {strides = array<i32>} : memref<80x64xf32, #tpu.memory_space<vmem>>, vector<16xf32>,
        %mul3A_862 = arith.mulf %get3A_861, %gather3A_814 : vector<16xf32>
        %add3A_863 = arith.constant 3 : i32
        %add3A_864 = arith.addi %mul3A_559, %add3A_863 : i32
        %swap3A_865 = arith.constant 0 : i32
        %swap3A_866 = arith.constant 0 : i32
        %swap3A_867 = tpu.memref_slice %arg14[%scan3A_264, %swap3A_865, %swap3A_866] : memref<2x80x64xf32, #tpu.memory_space<vmem>> -> memref<1x80x64xf32, #tpu.memory_space<vmem>>
        %swap3A_868 = tpu.memref_squeeze %swap3A_867 : memref<1x80x64xf32, #tpu.memory_space<vmem>> -> memref<80x64xf32, #tpu.memory_space<vmem>>
        %swap3A_869 = arith.index_cast %add3A_864 : i32 to index
        %swap3A_870 = arith.constant 32 : index
        %swap3A_871 = tpu.vector_load %swap3A_868[%swap3A_869, %swap3A_870] {strides = array<i32>} : memref<80x64xf32, #tpu.memory_space<vmem>>, vector<16xf32>,
        tpu.vector_store %swap3A_868[%swap3A_869, %swap3A_870], %mul3A_862 {strides = array<i32>} : memref<80x64xf32, #tpu.memory_space<vmem>>, vector<16xf32>,
        %add3A_872 = arith.constant 3 : i32
        %add3A_873 = arith.addi %mul3A_559, %add3A_872 : i32
        %get3A_874 = arith.constant 0 : i32
        %get3A_875 = arith.constant 0 : i32
        %get3A_876 = tpu.memref_slice %arg14[%scan3A_264, %get3A_874, %get3A_875] : memref<2x80x64xf32, #tpu.memory_space<vmem>> -> memref<1x80x64xf32, #tpu.memory_space<vmem>>
        %get3A_877 = tpu.memref_squeeze %get3A_876 : memref<1x80x64xf32, #tpu.memory_space<vmem>> -> memref<80x64xf32, #tpu.memory_space<vmem>>
        %get3A_878 = arith.index_cast %add3A_873 : i32 to index
        %get3A_879 = arith.constant 48 : index
        %get3A_880 = tpu.vector_load %get3A_877[%get3A_878, %get3A_879] {strides = array<i32>} : memref<80x64xf32, #tpu.memory_space<vmem>>, vector<16xf32>,
        %mul3A_881 = arith.mulf %get3A_880, %gather3A_814 : vector<16xf32>
        %add3A_882 = arith.constant 3 : i32
        %add3A_883 = arith.addi %mul3A_559, %add3A_882 : i32
        %swap3A_884 = arith.constant 0 : i32
        %swap3A_885 = arith.constant 0 : i32
        %swap3A_886 = tpu.memref_slice %arg14[%scan3A_264, %swap3A_884, %swap3A_885] : memref<2x80x64xf32, #tpu.memory_space<vmem>> -> memref<1x80x64xf32, #tpu.memory_space<vmem>>
        %swap3A_887 = tpu.memref_squeeze %swap3A_886 : memref<1x80x64xf32, #tpu.memory_space<vmem>> -> memref<80x64xf32, #tpu.memory_space<vmem>>
        %swap3A_888 = arith.index_cast %add3A_883 : i32 to index
        %swap3A_889 = arith.constant 48 : index
        %swap3A_890 = tpu.vector_load %swap3A_887[%swap3A_888, %swap3A_889] {strides = array<i32>} : memref<80x64xf32, #tpu.memory_space<vmem>>, vector<16xf32>,
        tpu.vector_store %swap3A_887[%swap3A_888, %swap3A_889], %mul3A_881 {strides = array<i32>} : memref<80x64xf32, #tpu.memory_space<vmem>>, vector<16xf32>,
      }
      %scan3A_474 = arith.constant 20 : i32
      %dma_start3A_475 = arith.constant 0 : i32
      %dma_start3A_476 = arith.constant 0 : i32
      %dma_start3A_477 = tpu.memref_slice %arg14[%scan3A_264, %dma_start3A_475, %dma_start3A_476] : memref<2x80x64xf32, #tpu.memory_space<vmem>> -> memref<1x80x64xf32, #tpu.memory_space<vmem>>
      %dma_start3A_478 = tpu.memref_squeeze %dma_start3A_477 : memref<1x80x64xf32, #tpu.memory_space<vmem>> -> memref<80x64xf32, #tpu.memory_space<vmem>>
      %dma_start3A_479 = arith.constant 0 : i32
      %dma_start3A_480 = tpu.memref_slice %arg8[%mul3A_448, %dma_start3A_479] : memref<125x80xi32, #tpu.memory_space<vmem>> -> memref<1x80xi32, #tpu.memory_space<vmem>>
      %dma_start3A_481 = tpu.memref_squeeze %dma_start3A_480 : memref<1x80xi32, #tpu.memory_space<vmem>> -> memref<80xi32, #tpu.memory_space<vmem>>
      %dma_start3A_482 = arith.constant 0 : i32
      %dma_start3A_483 = arith.constant 0 : i32
      %dma_start3A_484 = tpu.memref_slice %arg17[%dma_start3A_482, %dma_start3A_483] : memref<10112x64xf32, #tpu.memory_space<vmem_shared>> -> memref<10112x64xf32, #tpu.memory_space<vmem_shared>>
      tpu.enqueue_indirect_dma source(%dma_start3A_478 : memref<80x64xf32, #tpu.memory_space<vmem>>) target(%dma_start3A_484 : memref<10112x64xf32, #tpu.memory_space<vmem_shared>>) offsets(%dma_start3A_481 : memref<80xi32, #tpu.memory_space<vmem>>) semaphore(%arg21 : memref<!tpu.dma_semaphore, #tpu.memory_space<semaphore_mem>>) {add = true}
      %dma_wait3A_485 = arith.constant 0 : i32
      %dma_wait3A_486 = arith.constant 0 : i32
      %dma_wait3A_487 = tpu.memref_slice %arg14[%scan3A_265, %dma_wait3A_485, %dma_wait3A_486] : memref<2x80x64xf32, #tpu.memory_space<vmem>> -> memref<1x80x64xf32, #tpu.memory_space<vmem>>
      %dma_wait3A_488 = tpu.memref_squeeze %dma_wait3A_487 : memref<1x80x64xf32, #tpu.memory_space<vmem>> -> memref<80x64xf32, #tpu.memory_space<vmem>>
      %dma_wait3A_489 = arith.constant 0 : i32
      %dma_wait3A_490 = tpu.memref_slice %arg9[%add3A_450, %dma_wait3A_489] : memref<125x80xi32, #tpu.memory_space<vmem>> -> memref<1x80xi32, #tpu.memory_space<vmem>>
      %dma_wait3A_491 = tpu.memref_squeeze %dma_wait3A_490 : memref<1x80xi32, #tpu.memory_space<vmem>> -> memref<80xi32, #tpu.memory_space<vmem>>
      %dma_wait3A_492 = arith.constant 0 : i32
      %dma_wait3A_493 = arith.constant 0 : i32
      %dma_wait3A_494 = tpu.memref_slice %arg2[%add3A_218, %dma_wait3A_492, %dma_wait3A_493] : memref<4x10112x64xf32, #tpu.memory_space<hbm>> -> memref<1x10112x64xf32, #tpu.memory_space<hbm>>
      %dma_wait3A_495 = tpu.memref_squeeze %dma_wait3A_494 : memref<1x10112x64xf32, #tpu.memory_space<hbm>> -> memref<10112x64xf32, #tpu.memory_space<hbm>>
      %dma_wait3A_496 = arith.constant 0 : i32
      %dma_wait3A_497 = arith.constant 0 : i32
      %dma_wait3A_498 = tpu.memref_slice %dma_wait3A_495[%dma_wait3A_496, %dma_wait3A_497] : memref<10112x64xf32, #tpu.memory_space<hbm>> -> memref<10112x64xf32, #tpu.memory_space<hbm>>
      tpu.wait_indirect_dma semaphore(%arg20 : memref<!tpu.dma_semaphore, #tpu.memory_space<semaphore_mem>>) src(%dma_wait3A_498 : memref<10112x64xf32, #tpu.memory_space<hbm>>) dst(%dma_wait3A_488 : memref<80x64xf32, #tpu.memory_space<vmem>>)
      %broadcast_in_dim3A_499 = arith.constant 0 : i32
      %broadcast_in_dim3A_500 = vector.broadcast %broadcast_in_dim3A_499 : i32 to vector<16xi32>
      %add3A_501 = vector.broadcast %add3A_450 : i32 to vector<16xi32>
      %add3A_502 = arith.addi %broadcast_in_dim3A_500, %add3A_501 : vector<16xi32>
      %scan3A_503 = arith.constant 0 : i32
      %scan3A_504 = arith.constant 0 : i32
      %scan3A_505 = arith.constant 20 : i32
      %scan3A_506 = arith.addi %scan3A_504, %scan3A_505 : i32
      %scan3A_507 = arith.constant 1 : i32
      scf.for %scan3A_557 = %scan3A_504 to %scan3A_506 step %scan3A_507  : i32 {
        %mul3A_558 = arith.constant 4 : i32
        %mul3A_559 = arith.muli %scan3A_557, %mul3A_558 : i32
        %broadcast_in_dim3A_560 = arith.constant 0 : i32
        %broadcast_in_dim3A_561 = vector.broadcast %broadcast_in_dim3A_560 : i32 to vector<16xi32>
        %add3A_562 = arith.constant 0 : i32
        %add3A_563 = arith.addi %mul3A_559, %add3A_562 : i32
        %add3A_564 = vector.broadcast %add3A_563 : i32 to vector<16xi32>
        %add3A_565 = arith.addi %broadcast_in_dim3A_561, %add3A_564 : vector<16xi32>
        %gather3A = tpu.vector_load_idx %arg11[%add3A_502, %add3A_565] : memref<125x80xf32, #tpu.memory_space<vmem>>[vector<16xi32>, vector<16xi32>], vector<16xf32>,
        %add3A_566 = arith.constant 0 : i32
        %add3A_567 = arith.addi %mul3A_559, %add3A_566 : i32
        %get3A_568 = arith.constant 0 : i32
        %get3A_569 = arith.constant 0 : i32
        %get3A_570 = tpu.memref_slice %arg14[%scan3A_265, %get3A_568, %get3A_569] : memref<2x80x64xf32, #tpu.memory_space<vmem>> -> memref<1x80x64xf32, #tpu.memory_space<vmem>>
        %get3A_571 = tpu.memref_squeeze %get3A_570 : memref<1x80x64xf32, #tpu.memory_space<vmem>> -> memref<80x64xf32, #tpu.memory_space<vmem>>
        %get3A_572 = arith.index_cast %add3A_567 : i32 to index
        %get3A_573 = arith.constant 0 : index
        %get3A_574 = tpu.vector_load %get3A_571[%get3A_572, %get3A_573] {strides = array<i32>} : memref<80x64xf32, #tpu.memory_space<vmem>>, vector<16xf32>,
        %mul3A_575 = arith.mulf %get3A_574, %gather3A : vector<16xf32>
        %add3A_576 = arith.constant 0 : i32
        %add3A_577 = arith.addi %mul3A_559, %add3A_576 : i32
        %swap3A_578 = arith.constant 0 : i32
        %swap3A_579 = arith.constant 0 : i32
        %swap3A_580 = tpu.memref_slice %arg14[%scan3A_265, %swap3A_578, %swap3A_579] : memref<2x80x64xf32, #tpu.memory_space<vmem>> -> memref<1x80x64xf32, #tpu.memory_space<vmem>>
        %swap3A_581 = tpu.memref_squeeze %swap3A_580 : memref<1x80x64xf32, #tpu.memory_space<vmem>> -> memref<80x64xf32, #tpu.memory_space<vmem>>
        %swap3A_582 = arith.index_cast %add3A_577 : i32 to index
        %swap3A_583 = arith.constant 0 : index
        %swap3A_584 = tpu.vector_load %swap3A_581[%swap3A_582, %swap3A_583] {strides = array<i32>} : memref<80x64xf32, #tpu.memory_space<vmem>>, vector<16xf32>,
        tpu.vector_store %swap3A_581[%swap3A_582, %swap3A_583], %mul3A_575 {strides = array<i32>} : memref<80x64xf32, #tpu.memory_space<vmem>>, vector<16xf32>,
        %add3A_585 = arith.constant 0 : i32
        %add3A_586 = arith.addi %mul3A_559, %add3A_585 : i32
        %get3A_587 = arith.constant 0 : i32
        %get3A_588 = arith.constant 0 : i32
        %get3A_589 = tpu.memref_slice %arg14[%scan3A_265, %get3A_587, %get3A_588] : memref<2x80x64xf32, #tpu.memory_space<vmem>> -> memref<1x80x64xf32, #tpu.memory_space<vmem>>
        %get3A_590 = tpu.memref_squeeze %get3A_589 : memref<1x80x64xf32, #tpu.memory_space<vmem>> -> memref<80x64xf32, #tpu.memory_space<vmem>>
        %get3A_591 = arith.index_cast %add3A_586 : i32 to index
        %get3A_592 = arith.constant 16 : index
        %get3A_593 = tpu.vector_load %get3A_590[%get3A_591, %get3A_592] {strides = array<i32>} : memref<80x64xf32, #tpu.memory_space<vmem>>, vector<16xf32>,
        %mul3A_594 = arith.mulf %get3A_593, %gather3A : vector<16xf32>
        %add3A_595 = arith.constant 0 : i32
        %add3A_596 = arith.addi %mul3A_559, %add3A_595 : i32
        %swap3A_597 = arith.constant 0 : i32
        %swap3A_598 = arith.constant 0 : i32
        %swap3A_599 = tpu.memref_slice %arg14[%scan3A_265, %swap3A_597, %swap3A_598] : memref<2x80x64xf32, #tpu.memory_space<vmem>> -> memref<1x80x64xf32, #tpu.memory_space<vmem>>
        %swap3A_600 = tpu.memref_squeeze %swap3A_599 : memref<1x80x64xf32, #tpu.memory_space<vmem>> -> memref<80x64xf32, #tpu.memory_space<vmem>>
        %swap3A_601 = arith.index_cast %add3A_596 : i32 to index
        %swap3A_602 = arith.constant 16 : index
        %swap3A_603 = tpu.vector_load %swap3A_600[%swap3A_601, %swap3A_602] {strides = array<i32>} : memref<80x64xf32, #tpu.memory_space<vmem>>, vector<16xf32>,
        tpu.vector_store %swap3A_600[%swap3A_601, %swap3A_602], %mul3A_594 {strides = array<i32>} : memref<80x64xf32, #tpu.memory_space<vmem>>, vector<16xf32>,
        %add3A_604 = arith.constant 0 : i32
        %add3A_605 = arith.addi %mul3A_559, %add3A_604 : i32
        %get3A_606 = arith.constant 0 : i32
        %get3A_607 = arith.constant 0 : i32
        %get3A_608 = tpu.memref_slice %arg14[%scan3A_265, %get3A_606, %get3A_607] : memref<2x80x64xf32, #tpu.memory_space<vmem>> -> memref<1x80x64xf32, #tpu.memory_space<vmem>>
        %get3A_609 = tpu.memref_squeeze %get3A_608 : memref<1x80x64xf32, #tpu.memory_space<vmem>> -> memref<80x64xf32, #tpu.memory_space<vmem>>
        %get3A_610 = arith.index_cast %add3A_605 : i32 to index
        %get3A_611 = arith.constant 32 : index
        %get3A_612 = tpu.vector_load %get3A_609[%get3A_610, %get3A_611] {strides = array<i32>} : memref<80x64xf32, #tpu.memory_space<vmem>>, vector<16xf32>,
        %mul3A_613 = arith.mulf %get3A_612, %gather3A : vector<16xf32>
        %add3A_614 = arith.constant 0 : i32
        %add3A_615 = arith.addi %mul3A_559, %add3A_614 : i32
        %swap3A_616 = arith.constant 0 : i32
        %swap3A_617 = arith.constant 0 : i32
        %swap3A_618 = tpu.memref_slice %arg14[%scan3A_265, %swap3A_616, %swap3A_617] : memref<2x80x64xf32, #tpu.memory_space<vmem>> -> memref<1x80x64xf32, #tpu.memory_space<vmem>>
        %swap3A_619 = tpu.memref_squeeze %swap3A_618 : memref<1x80x64xf32, #tpu.memory_space<vmem>> -> memref<80x64xf32, #tpu.memory_space<vmem>>
        %swap3A_620 = arith.index_cast %add3A_615 : i32 to index
        %swap3A_621 = arith.constant 32 : index
        %swap3A_622 = tpu.vector_load %swap3A_619[%swap3A_620, %swap3A_621] {strides = array<i32>} : memref<80x64xf32, #tpu.memory_space<vmem>>, vector<16xf32>,
        tpu.vector_store %swap3A_619[%swap3A_620, %swap3A_621], %mul3A_613 {strides = array<i32>} : memref<80x64xf32, #tpu.memory_space<vmem>>, vector<16xf32>,
        %add3A_623 = arith.constant 0 : i32
        %add3A_624 = arith.addi %mul3A_559, %add3A_623 : i32
        %get3A_625 = arith.constant 0 : i32
        %get3A_626 = arith.constant 0 : i32
        %get3A_627 = tpu.memref_slice %arg14[%scan3A_265, %get3A_625, %get3A_626] : memref<2x80x64xf32, #tpu.memory_space<vmem>> -> memref<1x80x64xf32, #tpu.memory_space<vmem>>
        %get3A_628 = tpu.memref_squeeze %get3A_627 : memref<1x80x64xf32, #tpu.memory_space<vmem>> -> memref<80x64xf32, #tpu.memory_space<vmem>>
        %get3A_629 = arith.index_cast %add3A_624 : i32 to index
        %get3A_630 = arith.constant 48 : index
        %get3A_631 = tpu.vector_load %get3A_628[%get3A_629, %get3A_630] {strides = array<i32>} : memref<80x64xf32, #tpu.memory_space<vmem>>, vector<16xf32>,
        %mul3A_632 = arith.mulf %get3A_631, %gather3A : vector<16xf32>
        %add3A_633 = arith.constant 0 : i32
        %add3A_634 = arith.addi %mul3A_559, %add3A_633 : i32
        %swap3A_635 = arith.constant 0 : i32
        %swap3A_636 = arith.constant 0 : i32
        %swap3A_637 = tpu.memref_slice %arg14[%scan3A_265, %swap3A_635, %swap3A_636] : memref<2x80x64xf32, #tpu.memory_space<vmem>> -> memref<1x80x64xf32, #tpu.memory_space<vmem>>
        %swap3A_638 = tpu.memref_squeeze %swap3A_637 : memref<1x80x64xf32, #tpu.memory_space<vmem>> -> memref<80x64xf32, #tpu.memory_space<vmem>>
        %swap3A_639 = arith.index_cast %add3A_634 : i32 to index
        %swap3A_640 = arith.constant 48 : index
        %swap3A_641 = tpu.vector_load %swap3A_638[%swap3A_639, %swap3A_640] {strides = array<i32>} : memref<80x64xf32, #tpu.memory_space<vmem>>, vector<16xf32>,
        tpu.vector_store %swap3A_638[%swap3A_639, %swap3A_640], %mul3A_632 {strides = array<i32>} : memref<80x64xf32, #tpu.memory_space<vmem>>, vector<16xf32>,
        %broadcast_in_dim3A_642 = arith.constant 0 : i32
        %broadcast_in_dim3A_643 = vector.broadcast %broadcast_in_dim3A_642 : i32 to vector<16xi32>
        %add3A_644 = arith.constant 1 : i32
        %add3A_645 = arith.addi %mul3A_559, %add3A_644 : i32
        %add3A_646 = vector.broadcast %add3A_645 : i32 to vector<16xi32>
        %add3A_647 = arith.addi %broadcast_in_dim3A_643, %add3A_646 : vector<16xi32>
        %gather3A_648 = tpu.vector_load_idx %arg11[%add3A_502, %add3A_647] : memref<125x80xf32, #tpu.memory_space<vmem>>[vector<16xi32>, vector<16xi32>], vector<16xf32>,
        %add3A_649 = arith.constant 1 : i32
        %add3A_650 = arith.addi %mul3A_559, %add3A_649 : i32
        %get3A_651 = arith.constant 0 : i32
        %get3A_652 = arith.constant 0 : i32
        %get3A_653 = tpu.memref_slice %arg14[%scan3A_265, %get3A_651, %get3A_652] : memref<2x80x64xf32, #tpu.memory_space<vmem>> -> memref<1x80x64xf32, #tpu.memory_space<vmem>>
        %get3A_654 = tpu.memref_squeeze %get3A_653 : memref<1x80x64xf32, #tpu.memory_space<vmem>> -> memref<80x64xf32, #tpu.memory_space<vmem>>
        %get3A_655 = arith.index_cast %add3A_650 : i32 to index
        %get3A_656 = arith.constant 0 : index
        %get3A_657 = tpu.vector_load %get3A_654[%get3A_655, %get3A_656] {strides = array<i32>} : memref<80x64xf32, #tpu.memory_space<vmem>>, vector<16xf32>,
        %mul3A_658 = arith.mulf %get3A_657, %gather3A_648 : vector<16xf32>
        %add3A_659 = arith.constant 1 : i32
        %add3A_660 = arith.addi %mul3A_559, %add3A_659 : i32
        %swap3A_661 = arith.constant 0 : i32
        %swap3A_662 = arith.constant 0 : i32
        %swap3A_663 = tpu.memref_slice %arg14[%scan3A_265, %swap3A_661, %swap3A_662] : memref<2x80x64xf32, #tpu.memory_space<vmem>> -> memref<1x80x64xf32, #tpu.memory_space<vmem>>
        %swap3A_664 = tpu.memref_squeeze %swap3A_663 : memref<1x80x64xf32, #tpu.memory_space<vmem>> -> memref<80x64xf32, #tpu.memory_space<vmem>>
        %swap3A_665 = arith.index_cast %add3A_660 : i32 to index
        %swap3A_666 = arith.constant 0 : index
        %swap3A_667 = tpu.vector_load %swap3A_664[%swap3A_665, %swap3A_666] {strides = array<i32>} : memref<80x64xf32, #tpu.memory_space<vmem>>, vector<16xf32>,
        tpu.vector_store %swap3A_664[%swap3A_665, %swap3A_666], %mul3A_658 {strides = array<i32>} : memref<80x64xf32, #tpu.memory_space<vmem>>, vector<16xf32>,
        %add3A_668 = arith.constant 1 : i32
        %add3A_669 = arith.addi %mul3A_559, %add3A_668 : i32
        %get3A_670 = arith.constant 0 : i32
        %get3A_671 = arith.constant 0 : i32
        %get3A_672 = tpu.memref_slice %arg14[%scan3A_265, %get3A_670, %get3A_671] : memref<2x80x64xf32, #tpu.memory_space<vmem>> -> memref<1x80x64xf32, #tpu.memory_space<vmem>>
        %get3A_673 = tpu.memref_squeeze %get3A_672 : memref<1x80x64xf32, #tpu.memory_space<vmem>> -> memref<80x64xf32, #tpu.memory_space<vmem>>
        %get3A_674 = arith.index_cast %add3A_669 : i32 to index
        %get3A_675 = arith.constant 16 : index
        %get3A_676 = tpu.vector_load %get3A_673[%get3A_674, %get3A_675] {strides = array<i32>} : memref<80x64xf32, #tpu.memory_space<vmem>>, vector<16xf32>,
        %mul3A_677 = arith.mulf %get3A_676, %gather3A_648 : vector<16xf32>
        %add3A_678 = arith.constant 1 : i32
        %add3A_679 = arith.addi %mul3A_559, %add3A_678 : i32
        %swap3A_680 = arith.constant 0 : i32
        %swap3A_681 = arith.constant 0 : i32
        %swap3A_682 = tpu.memref_slice %arg14[%scan3A_265, %swap3A_680, %swap3A_681] : memref<2x80x64xf32, #tpu.memory_space<vmem>> -> memref<1x80x64xf32, #tpu.memory_space<vmem>>
        %swap3A_683 = tpu.memref_squeeze %swap3A_682 : memref<1x80x64xf32, #tpu.memory_space<vmem>> -> memref<80x64xf32, #tpu.memory_space<vmem>>
        %swap3A_684 = arith.index_cast %add3A_679 : i32 to index
        %swap3A_685 = arith.constant 16 : index
        %swap3A_686 = tpu.vector_load %swap3A_683[%swap3A_684, %swap3A_685] {strides = array<i32>} : memref<80x64xf32, #tpu.memory_space<vmem>>, vector<16xf32>,
        tpu.vector_store %swap3A_683[%swap3A_684, %swap3A_685], %mul3A_677 {strides = array<i32>} : memref<80x64xf32, #tpu.memory_space<vmem>>, vector<16xf32>,
        %add3A_687 = arith.constant 1 : i32
        %add3A_688 = arith.addi %mul3A_559, %add3A_687 : i32
        %get3A_689 = arith.constant 0 : i32
        %get3A_690 = arith.constant 0 : i32
        %get3A_691 = tpu.memref_slice %arg14[%scan3A_265, %get3A_689, %get3A_690] : memref<2x80x64xf32, #tpu.memory_space<vmem>> -> memref<1x80x64xf32, #tpu.memory_space<vmem>>
        %get3A_692 = tpu.memref_squeeze %get3A_691 : memref<1x80x64xf32, #tpu.memory_space<vmem>> -> memref<80x64xf32, #tpu.memory_space<vmem>>
        %get3A_693 = arith.index_cast %add3A_688 : i32 to index
        %get3A_694 = arith.constant 32 : index
        %get3A_695 = tpu.vector_load %get3A_692[%get3A_693, %get3A_694] {strides = array<i32>} : memref<80x64xf32, #tpu.memory_space<vmem>>, vector<16xf32>,
        %mul3A_696 = arith.mulf %get3A_695, %gather3A_648 : vector<16xf32>
        %add3A_697 = arith.constant 1 : i32
        %add3A_698 = arith.addi %mul3A_559, %add3A_697 : i32
        %swap3A_699 = arith.constant 0 : i32
        %swap3A_700 = arith.constant 0 : i32
        %swap3A_701 = tpu.memref_slice %arg14[%scan3A_265, %swap3A_699, %swap3A_700] : memref<2x80x64xf32, #tpu.memory_space<vmem>> -> memref<1x80x64xf32, #tpu.memory_space<vmem>>
        %swap3A_702 = tpu.memref_squeeze %swap3A_701 : memref<1x80x64xf32, #tpu.memory_space<vmem>> -> memref<80x64xf32, #tpu.memory_space<vmem>>
        %swap3A_703 = arith.index_cast %add3A_698 : i32 to index
        %swap3A_704 = arith.constant 32 : index
        %swap3A_705 = tpu.vector_load %swap3A_702[%swap3A_703, %swap3A_704] {strides = array<i32>} : memref<80x64xf32, #tpu.memory_space<vmem>>, vector<16xf32>,
        tpu.vector_store %swap3A_702[%swap3A_703, %swap3A_704], %mul3A_696 {strides = array<i32>} : memref<80x64xf32, #tpu.memory_space<vmem>>, vector<16xf32>,
        %add3A_706 = arith.constant 1 : i32
        %add3A_707 = arith.addi %mul3A_559, %add3A_706 : i32
        %get3A_708 = arith.constant 0 : i32
        %get3A_709 = arith.constant 0 : i32
        %get3A_710 = tpu.memref_slice %arg14[%scan3A_265, %get3A_708, %get3A_709] : memref<2x80x64xf32, #tpu.memory_space<vmem>> -> memref<1x80x64xf32, #tpu.memory_space<vmem>>
        %get3A_711 = tpu.memref_squeeze %get3A_710 : memref<1x80x64xf32, #tpu.memory_space<vmem>> -> memref<80x64xf32, #tpu.memory_space<vmem>>
        %get3A_712 = arith.index_cast %add3A_707 : i32 to index
        %get3A_713 = arith.constant 48 : index
        %get3A_714 = tpu.vector_load %get3A_711[%get3A_712, %get3A_713] {strides = array<i32>} : memref<80x64xf32, #tpu.memory_space<vmem>>, vector<16xf32>,
        %mul3A_715 = arith.mulf %get3A_714, %gather3A_648 : vector<16xf32>
        %add3A_716 = arith.constant 1 : i32
        %add3A_717 = arith.addi %mul3A_559, %add3A_716 : i32
        %swap3A_718 = arith.constant 0 : i32
        %swap3A_719 = arith.constant 0 : i32
        %swap3A_720 = tpu.memref_slice %arg14[%scan3A_265, %swap3A_718, %swap3A_719] : memref<2x80x64xf32, #tpu.memory_space<vmem>> -> memref<1x80x64xf32, #tpu.memory_space<vmem>>
        %swap3A_721 = tpu.memref_squeeze %swap3A_720 : memref<1x80x64xf32, #tpu.memory_space<vmem>> -> memref<80x64xf32, #tpu.memory_space<vmem>>
        %swap3A_722 = arith.index_cast %add3A_717 : i32 to index
        %swap3A_723 = arith.constant 48 : index
        %swap3A_724 = tpu.vector_load %swap3A_721[%swap3A_722, %swap3A_723] {strides = array<i32>} : memref<80x64xf32, #tpu.memory_space<vmem>>, vector<16xf32>,
        tpu.vector_store %swap3A_721[%swap3A_722, %swap3A_723], %mul3A_715 {strides = array<i32>} : memref<80x64xf32, #tpu.memory_space<vmem>>, vector<16xf32>,
        %broadcast_in_dim3A_725 = arith.constant 0 : i32
        %broadcast_in_dim3A_726 = vector.broadcast %broadcast_in_dim3A_725 : i32 to vector<16xi32>
        %add3A_727 = arith.constant 2 : i32
        %add3A_728 = arith.addi %mul3A_559, %add3A_727 : i32
        %add3A_729 = vector.broadcast %add3A_728 : i32 to vector<16xi32>
        %add3A_730 = arith.addi %broadcast_in_dim3A_726, %add3A_729 : vector<16xi32>
        %gather3A_731 = tpu.vector_load_idx %arg11[%add3A_502, %add3A_730] : memref<125x80xf32, #tpu.memory_space<vmem>>[vector<16xi32>, vector<16xi32>], vector<16xf32>,
        %add3A_732 = arith.constant 2 : i32
        %add3A_733 = arith.addi %mul3A_559, %add3A_732 : i32
        %get3A_734 = arith.constant 0 : i32
        %get3A_735 = arith.constant 0 : i32
        %get3A_736 = tpu.memref_slice %arg14[%scan3A_265, %get3A_734, %get3A_735] : memref<2x80x64xf32, #tpu.memory_space<vmem>> -> memref<1x80x64xf32, #tpu.memory_space<vmem>>
        %get3A_737 = tpu.memref_squeeze %get3A_736 : memref<1x80x64xf32, #tpu.memory_space<vmem>> -> memref<80x64xf32, #tpu.memory_space<vmem>>
        %get3A_738 = arith.index_cast %add3A_733 : i32 to index
        %get3A_739 = arith.constant 0 : index
        %get3A_740 = tpu.vector_load %get3A_737[%get3A_738, %get3A_739] {strides = array<i32>} : memref<80x64xf32, #tpu.memory_space<vmem>>, vector<16xf32>,
        %mul3A_741 = arith.mulf %get3A_740, %gather3A_731 : vector<16xf32>
        %add3A_742 = arith.constant 2 : i32
        %add3A_743 = arith.addi %mul3A_559, %add3A_742 : i32
        %swap3A_744 = arith.constant 0 : i32
        %swap3A_745 = arith.constant 0 : i32
        %swap3A_746 = tpu.memref_slice %arg14[%scan3A_265, %swap3A_744, %swap3A_745] : memref<2x80x64xf32, #tpu.memory_space<vmem>> -> memref<1x80x64xf32, #tpu.memory_space<vmem>>
        %swap3A_747 = tpu.memref_squeeze %swap3A_746 : memref<1x80x64xf32, #tpu.memory_space<vmem>> -> memref<80x64xf32, #tpu.memory_space<vmem>>
        %swap3A_748 = arith.index_cast %add3A_743 : i32 to index
        %swap3A_749 = arith.constant 0 : index
        %swap3A_750 = tpu.vector_load %swap3A_747[%swap3A_748, %swap3A_749] {strides = array<i32>} : memref<80x64xf32, #tpu.memory_space<vmem>>, vector<16xf32>,
        tpu.vector_store %swap3A_747[%swap3A_748, %swap3A_749], %mul3A_741 {strides = array<i32>} : memref<80x64xf32, #tpu.memory_space<vmem>>, vector<16xf32>,
        %add3A_751 = arith.constant 2 : i32
        %add3A_752 = arith.addi %mul3A_559, %add3A_751 : i32
        %get3A_753 = arith.constant 0 : i32
        %get3A_754 = arith.constant 0 : i32
        %get3A_755 = tpu.memref_slice %arg14[%scan3A_265, %get3A_753, %get3A_754] : memref<2x80x64xf32, #tpu.memory_space<vmem>> -> memref<1x80x64xf32, #tpu.memory_space<vmem>>
        %get3A_756 = tpu.memref_squeeze %get3A_755 : memref<1x80x64xf32, #tpu.memory_space<vmem>> -> memref<80x64xf32, #tpu.memory_space<vmem>>
        %get3A_757 = arith.index_cast %add3A_752 : i32 to index
        %get3A_758 = arith.constant 16 : index
        %get3A_759 = tpu.vector_load %get3A_756[%get3A_757, %get3A_758] {strides = array<i32>} : memref<80x64xf32, #tpu.memory_space<vmem>>, vector<16xf32>,
        %mul3A_760 = arith.mulf %get3A_759, %gather3A_731 : vector<16xf32>
        %add3A_761 = arith.constant 2 : i32
        %add3A_762 = arith.addi %mul3A_559, %add3A_761 : i32
        %swap3A_763 = arith.constant 0 : i32
        %swap3A_764 = arith.constant 0 : i32
        %swap3A_765 = tpu.memref_slice %arg14[%scan3A_265, %swap3A_763, %swap3A_764] : memref<2x80x64xf32, #tpu.memory_space<vmem>> -> memref<1x80x64xf32, #tpu.memory_space<vmem>>
        %swap3A_766 = tpu.memref_squeeze %swap3A_765 : memref<1x80x64xf32, #tpu.memory_space<vmem>> -> memref<80x64xf32, #tpu.memory_space<vmem>>
        %swap3A_767 = arith.index_cast %add3A_762 : i32 to index
        %swap3A_768 = arith.constant 16 : index
        %swap3A_769 = tpu.vector_load %swap3A_766[%swap3A_767, %swap3A_768] {strides = array<i32>} : memref<80x64xf32, #tpu.memory_space<vmem>>, vector<16xf32>,
        tpu.vector_store %swap3A_766[%swap3A_767, %swap3A_768], %mul3A_760 {strides = array<i32>} : memref<80x64xf32, #tpu.memory_space<vmem>>, vector<16xf32>,
        %add3A_770 = arith.constant 2 : i32
        %add3A_771 = arith.addi %mul3A_559, %add3A_770 : i32
        %get3A_772 = arith.constant 0 : i32
        %get3A_773 = arith.constant 0 : i32
        %get3A_774 = tpu.memref_slice %arg14[%scan3A_265, %get3A_772, %get3A_773] : memref<2x80x64xf32, #tpu.memory_space<vmem>> -> memref<1x80x64xf32, #tpu.memory_space<vmem>>
        %get3A_775 = tpu.memref_squeeze %get3A_774 : memref<1x80x64xf32, #tpu.memory_space<vmem>> -> memref<80x64xf32, #tpu.memory_space<vmem>>
        %get3A_776 = arith.index_cast %add3A_771 : i32 to index
        %get3A_777 = arith.constant 32 : index
        %get3A_778 = tpu.vector_load %get3A_775[%get3A_776, %get3A_777] {strides = array<i32>} : memref<80x64xf32, #tpu.memory_space<vmem>>, vector<16xf32>,
        %mul3A_779 = arith.mulf %get3A_778, %gather3A_731 : vector<16xf32>
        %add3A_780 = arith.constant 2 : i32
        %add3A_781 = arith.addi %mul3A_559, %add3A_780 : i32
        %swap3A_782 = arith.constant 0 : i32
        %swap3A_783 = arith.constant 0 : i32
        %swap3A_784 = tpu.memref_slice %arg14[%scan3A_265, %swap3A_782, %swap3A_783] : memref<2x80x64xf32, #tpu.memory_space<vmem>> -> memref<1x80x64xf32, #tpu.memory_space<vmem>>
        %swap3A_785 = tpu.memref_squeeze %swap3A_784 : memref<1x80x64xf32, #tpu.memory_space<vmem>> -> memref<80x64xf32, #tpu.memory_space<vmem>>
        %swap3A_786 = arith.index_cast %add3A_781 : i32 to index
        %swap3A_787 = arith.constant 32 : index
        %swap3A_788 = tpu.vector_load %swap3A_785[%swap3A_786, %swap3A_787] {strides = array<i32>} : memref<80x64xf32, #tpu.memory_space<vmem>>, vector<16xf32>,
        tpu.vector_store %swap3A_785[%swap3A_786, %swap3A_787], %mul3A_779 {strides = array<i32>} : memref<80x64xf32, #tpu.memory_space<vmem>>, vector<16xf32>,
        %add3A_789 = arith.constant 2 : i32
        %add3A_790 = arith.addi %mul3A_559, %add3A_789 : i32
        %get3A_791 = arith.constant 0 : i32
        %get3A_792 = arith.constant 0 : i32
        %get3A_793 = tpu.memref_slice %arg14[%scan3A_265, %get3A_791, %get3A_792] : memref<2x80x64xf32, #tpu.memory_space<vmem>> -> memref<1x80x64xf32, #tpu.memory_space<vmem>>
        %get3A_794 = tpu.memref_squeeze %get3A_793 : memref<1x80x64xf32, #tpu.memory_space<vmem>> -> memref<80x64xf32, #tpu.memory_space<vmem>>
        %get3A_795 = arith.index_cast %add3A_790 : i32 to index
        %get3A_796 = arith.constant 48 : index
        %get3A_797 = tpu.vector_load %get3A_794[%get3A_795, %get3A_796] {strides = array<i32>} : memref<80x64xf32, #tpu.memory_space<vmem>>, vector<16xf32>,
        %mul3A_798 = arith.mulf %get3A_797, %gather3A_731 : vector<16xf32>
        %add3A_799 = arith.constant 2 : i32
        %add3A_800 = arith.addi %mul3A_559, %add3A_799 : i32
        %swap3A_801 = arith.constant 0 : i32
        %swap3A_802 = arith.constant 0 : i32
        %swap3A_803 = tpu.memref_slice %arg14[%scan3A_265, %swap3A_801, %swap3A_802] : memref<2x80x64xf32, #tpu.memory_space<vmem>> -> memref<1x80x64xf32, #tpu.memory_space<vmem>>
        %swap3A_804 = tpu.memref_squeeze %swap3A_803 : memref<1x80x64xf32, #tpu.memory_space<vmem>> -> memref<80x64xf32, #tpu.memory_space<vmem>>
        %swap3A_805 = arith.index_cast %add3A_800 : i32 to index
        %swap3A_806 = arith.constant 48 : index
        %swap3A_807 = tpu.vector_load %swap3A_804[%swap3A_805, %swap3A_806] {strides = array<i32>} : memref<80x64xf32, #tpu.memory_space<vmem>>, vector<16xf32>,
        tpu.vector_store %swap3A_804[%swap3A_805, %swap3A_806], %mul3A_798 {strides = array<i32>} : memref<80x64xf32, #tpu.memory_space<vmem>>, vector<16xf32>,
        %broadcast_in_dim3A_808 = arith.constant 0 : i32
        %broadcast_in_dim3A_809 = vector.broadcast %broadcast_in_dim3A_808 : i32 to vector<16xi32>
        %add3A_810 = arith.constant 3 : i32
        %add3A_811 = arith.addi %mul3A_559, %add3A_810 : i32
        %add3A_812 = vector.broadcast %add3A_811 : i32 to vector<16xi32>
        %add3A_813 = arith.addi %broadcast_in_dim3A_809, %add3A_812 : vector<16xi32>
        %gather3A_814 = tpu.vector_load_idx %arg11[%add3A_502, %add3A_813] : memref<125x80xf32, #tpu.memory_space<vmem>>[vector<16xi32>, vector<16xi32>], vector<16xf32>,
        %add3A_815 = arith.constant 3 : i32
        %add3A_816 = arith.addi %mul3A_559, %add3A_815 : i32
        %get3A_817 = arith.constant 0 : i32
        %get3A_818 = arith.constant 0 : i32
        %get3A_819 = tpu.memref_slice %arg14[%scan3A_265, %get3A_817, %get3A_818] : memref<2x80x64xf32, #tpu.memory_space<vmem>> -> memref<1x80x64xf32, #tpu.memory_space<vmem>>
        %get3A_820 = tpu.memref_squeeze %get3A_819 : memref<1x80x64xf32, #tpu.memory_space<vmem>> -> memref<80x64xf32, #tpu.memory_space<vmem>>
        %get3A_821 = arith.index_cast %add3A_816 : i32 to index
        %get3A_822 = arith.constant 0 : index
        %get3A_823 = tpu.vector_load %get3A_820[%get3A_821, %get3A_822] {strides = array<i32>} : memref<80x64xf32, #tpu.memory_space<vmem>>, vector<16xf32>,
        %mul3A_824 = arith.mulf %get3A_823, %gather3A_814 : vector<16xf32>
        %add3A_825 = arith.constant 3 : i32
        %add3A_826 = arith.addi %mul3A_559, %add3A_825 : i32
        %swap3A_827 = arith.constant 0 : i32
        %swap3A_828 = arith.constant 0 : i32
        %swap3A_829 = tpu.memref_slice %arg14[%scan3A_265, %swap3A_827, %swap3A_828] : memref<2x80x64xf32, #tpu.memory_space<vmem>> -> memref<1x80x64xf32, #tpu.memory_space<vmem>>
        %swap3A_830 = tpu.memref_squeeze %swap3A_829 : memref<1x80x64xf32, #tpu.memory_space<vmem>> -> memref<80x64xf32, #tpu.memory_space<vmem>>
        %swap3A_831 = arith.index_cast %add3A_826 : i32 to index
        %swap3A_832 = arith.constant 0 : index
        %swap3A_833 = tpu.vector_load %swap3A_830[%swap3A_831, %swap3A_832] {strides = array<i32>} : memref<80x64xf32, #tpu.memory_space<vmem>>, vector<16xf32>,
        tpu.vector_store %swap3A_830[%swap3A_831, %swap3A_832], %mul3A_824 {strides = array<i32>} : memref<80x64xf32, #tpu.memory_space<vmem>>, vector<16xf32>,
        %add3A_834 = arith.constant 3 : i32
        %add3A_835 = arith.addi %mul3A_559, %add3A_834 : i32
        %get3A_836 = arith.constant 0 : i32
        %get3A_837 = arith.constant 0 : i32
        %get3A_838 = tpu.memref_slice %arg14[%scan3A_265, %get3A_836, %get3A_837] : memref<2x80x64xf32, #tpu.memory_space<vmem>> -> memref<1x80x64xf32, #tpu.memory_space<vmem>>
        %get3A_839 = tpu.memref_squeeze %get3A_838 : memref<1x80x64xf32, #tpu.memory_space<vmem>> -> memref<80x64xf32, #tpu.memory_space<vmem>>
        %get3A_840 = arith.index_cast %add3A_835 : i32 to index
        %get3A_841 = arith.constant 16 : index
        %get3A_842 = tpu.vector_load %get3A_839[%get3A_840, %get3A_841] {strides = array<i32>} : memref<80x64xf32, #tpu.memory_space<vmem>>, vector<16xf32>,
        %mul3A_843 = arith.mulf %get3A_842, %gather3A_814 : vector<16xf32>
        %add3A_844 = arith.constant 3 : i32
        %add3A_845 = arith.addi %mul3A_559, %add3A_844 : i32
        %swap3A_846 = arith.constant 0 : i32
        %swap3A_847 = arith.constant 0 : i32
        %swap3A_848 = tpu.memref_slice %arg14[%scan3A_265, %swap3A_846, %swap3A_847] : memref<2x80x64xf32, #tpu.memory_space<vmem>> -> memref<1x80x64xf32, #tpu.memory_space<vmem>>
        %swap3A_849 = tpu.memref_squeeze %swap3A_848 : memref<1x80x64xf32, #tpu.memory_space<vmem>> -> memref<80x64xf32, #tpu.memory_space<vmem>>
        %swap3A_850 = arith.index_cast %add3A_845 : i32 to index
        %swap3A_851 = arith.constant 16 : index
        %swap3A_852 = tpu.vector_load %swap3A_849[%swap3A_850, %swap3A_851] {strides = array<i32>} : memref<80x64xf32, #tpu.memory_space<vmem>>, vector<16xf32>,
        tpu.vector_store %swap3A_849[%swap3A_850, %swap3A_851], %mul3A_843 {strides = array<i32>} : memref<80x64xf32, #tpu.memory_space<vmem>>, vector<16xf32>,
        %add3A_853 = arith.constant 3 : i32
        %add3A_854 = arith.addi %mul3A_559, %add3A_853 : i32
        %get3A_855 = arith.constant 0 : i32
        %get3A_856 = arith.constant 0 : i32
        %get3A_857 = tpu.memref_slice %arg14[%scan3A_265, %get3A_855, %get3A_856] : memref<2x80x64xf32, #tpu.memory_space<vmem>> -> memref<1x80x64xf32, #tpu.memory_space<vmem>>
        %get3A_858 = tpu.memref_squeeze %get3A_857 : memref<1x80x64xf32, #tpu.memory_space<vmem>> -> memref<80x64xf32, #tpu.memory_space<vmem>>
        %get3A_859 = arith.index_cast %add3A_854 : i32 to index
        %get3A_860 = arith.constant 32 : index
        %get3A_861 = tpu.vector_load %get3A_858[%get3A_859, %get3A_860] {strides = array<i32>} : memref<80x64xf32, #tpu.memory_space<vmem>>, vector<16xf32>,
        %mul3A_862 = arith.mulf %get3A_861, %gather3A_814 : vector<16xf32>
        %add3A_863 = arith.constant 3 : i32
        %add3A_864 = arith.addi %mul3A_559, %add3A_863 : i32
        %swap3A_865 = arith.constant 0 : i32
        %swap3A_866 = arith.constant 0 : i32
        %swap3A_867 = tpu.memref_slice %arg14[%scan3A_265, %swap3A_865, %swap3A_866] : memref<2x80x64xf32, #tpu.memory_space<vmem>> -> memref<1x80x64xf32, #tpu.memory_space<vmem>>
        %swap3A_868 = tpu.memref_squeeze %swap3A_867 : memref<1x80x64xf32, #tpu.memory_space<vmem>> -> memref<80x64xf32, #tpu.memory_space<vmem>>
        %swap3A_869 = arith.index_cast %add3A_864 : i32 to index
        %swap3A_870 = arith.constant 32 : index
        %swap3A_871 = tpu.vector_load %swap3A_868[%swap3A_869, %swap3A_870] {strides = array<i32>} : memref<80x64xf32, #tpu.memory_space<vmem>>, vector<16xf32>,
        tpu.vector_store %swap3A_868[%swap3A_869, %swap3A_870], %mul3A_862 {strides = array<i32>} : memref<80x64xf32, #tpu.memory_space<vmem>>, vector<16xf32>,
        %add3A_872 = arith.constant 3 : i32
        %add3A_873 = arith.addi %mul3A_559, %add3A_872 : i32
        %get3A_874 = arith.constant 0 : i32
        %get3A_875 = arith.constant 0 : i32
        %get3A_876 = tpu.memref_slice %arg14[%scan3A_265, %get3A_874, %get3A_875] : memref<2x80x64xf32, #tpu.memory_space<vmem>> -> memref<1x80x64xf32, #tpu.memory_space<vmem>>
        %get3A_877 = tpu.memref_squeeze %get3A_876 : memref<1x80x64xf32, #tpu.memory_space<vmem>> -> memref<80x64xf32, #tpu.memory_space<vmem>>
        %get3A_878 = arith.index_cast %add3A_873 : i32 to index
        %get3A_879 = arith.constant 48 : index
        %get3A_880 = tpu.vector_load %get3A_877[%get3A_878, %get3A_879] {strides = array<i32>} : memref<80x64xf32, #tpu.memory_space<vmem>>, vector<16xf32>,
        %mul3A_881 = arith.mulf %get3A_880, %gather3A_814 : vector<16xf32>
        %add3A_882 = arith.constant 3 : i32
        %add3A_883 = arith.addi %mul3A_559, %add3A_882 : i32
        %swap3A_884 = arith.constant 0 : i32
        %swap3A_885 = arith.constant 0 : i32
        %swap3A_886 = tpu.memref_slice %arg14[%scan3A_265, %swap3A_884, %swap3A_885] : memref<2x80x64xf32, #tpu.memory_space<vmem>> -> memref<1x80x64xf32, #tpu.memory_space<vmem>>
        %swap3A_887 = tpu.memref_squeeze %swap3A_886 : memref<1x80x64xf32, #tpu.memory_space<vmem>> -> memref<80x64xf32, #tpu.memory_space<vmem>>
        %swap3A_888 = arith.index_cast %add3A_883 : i32 to index
        %swap3A_889 = arith.constant 48 : index
        %swap3A_890 = tpu.vector_load %swap3A_887[%swap3A_888, %swap3A_889] {strides = array<i32>} : memref<80x64xf32, #tpu.memory_space<vmem>>, vector<16xf32>,
        tpu.vector_store %swap3A_887[%swap3A_888, %swap3A_889], %mul3A_881 {strides = array<i32>} : memref<80x64xf32, #tpu.memory_space<vmem>>, vector<16xf32>,
      }
      %scan3A_508 = arith.constant 20 : i32
      %dma_start3A_509 = arith.constant 0 : i32
      %dma_start3A_510 = arith.constant 0 : i32
      %dma_start3A_511 = tpu.memref_slice %arg14[%scan3A_265, %dma_start3A_509, %dma_start3A_510] : memref<2x80x64xf32, #tpu.memory_space<vmem>> -> memref<1x80x64xf32, #tpu.memory_space<vmem>>
      %dma_start3A_512 = tpu.memref_squeeze %dma_start3A_511 : memref<1x80x64xf32, #tpu.memory_space<vmem>> -> memref<80x64xf32, #tpu.memory_space<vmem>>
      %dma_start3A_513 = arith.constant 0 : i32
      %dma_start3A_514 = tpu.memref_slice %arg8[%add3A_450, %dma_start3A_513] : memref<125x80xi32, #tpu.memory_space<vmem>> -> memref<1x80xi32, #tpu.memory_space<vmem>>
      %dma_start3A_515 = tpu.memref_squeeze %dma_start3A_514 : memref<1x80xi32, #tpu.memory_space<vmem>> -> memref<80xi32, #tpu.memory_space<vmem>>
      %dma_start3A_516 = arith.constant 0 : i32
      %dma_start3A_517 = arith.constant 0 : i32
      %dma_start3A_518 = tpu.memref_slice %arg17[%dma_start3A_516, %dma_start3A_517] : memref<10112x64xf32, #tpu.memory_space<vmem_shared>> -> memref<10112x64xf32, #tpu.memory_space<vmem_shared>>
      tpu.enqueue_indirect_dma source(%dma_start3A_512 : memref<80x64xf32, #tpu.memory_space<vmem>>) target(%dma_start3A_518 : memref<10112x64xf32, #tpu.memory_space<vmem_shared>>) offsets(%dma_start3A_515 : memref<80xi32, #tpu.memory_space<vmem>>) semaphore(%arg22 : memref<!tpu.dma_semaphore, #tpu.memory_space<semaphore_mem>>) {add = true}
      %dma_wait3A_519 = arith.constant 0 : i32
      %dma_wait3A_520 = arith.constant 0 : i32
      %dma_wait3A_521 = tpu.memref_slice %arg14[%scan3A_264, %dma_wait3A_519, %dma_wait3A_520] : memref<2x80x64xf32, #tpu.memory_space<vmem>> -> memref<1x80x64xf32, #tpu.memory_space<vmem>>
      %dma_wait3A_522 = tpu.memref_squeeze %dma_wait3A_521 : memref<1x80x64xf32, #tpu.memory_space<vmem>> -> memref<80x64xf32, #tpu.memory_space<vmem>>
      %dma_wait3A_523 = arith.constant 0 : i32
      %dma_wait3A_524 = tpu.memref_slice %arg8[%mul3A_448, %dma_wait3A_523] : memref<125x80xi32, #tpu.memory_space<vmem>> -> memref<1x80xi32, #tpu.memory_space<vmem>>
      %dma_wait3A_525 = tpu.memref_squeeze %dma_wait3A_524 : memref<1x80xi32, #tpu.memory_space<vmem>> -> memref<80xi32, #tpu.memory_space<vmem>>
      %dma_wait3A_526 = arith.constant 0 : i32
      %dma_wait3A_527 = arith.constant 0 : i32
      %dma_wait3A_528 = tpu.memref_slice %arg17[%dma_wait3A_526, %dma_wait3A_527] : memref<10112x64xf32, #tpu.memory_space<vmem_shared>> -> memref<10112x64xf32, #tpu.memory_space<vmem_shared>>
      tpu.wait_indirect_dma semaphore(%arg21 : memref<!tpu.dma_semaphore, #tpu.memory_space<semaphore_mem>>) src(%dma_wait3A_522 : memref<80x64xf32, #tpu.memory_space<vmem>>) dst(%dma_wait3A_528 : memref<10112x64xf32, #tpu.memory_space<vmem_shared>>)
      %add3A_529 = arith.constant 2 : i32
      %add3A_530 = arith.addi %mul3A_448, %add3A_529 : i32
      %dma_start3A_531 = arith.constant 0 : i32
      %dma_start3A_532 = arith.constant 0 : i32
      %dma_start3A_533 = tpu.memref_slice %arg14[%scan3A_264, %dma_start3A_531, %dma_start3A_532] : memref<2x80x64xf32, #tpu.memory_space<vmem>> -> memref<1x80x64xf32, #tpu.memory_space<vmem>>
      %dma_start3A_534 = tpu.memref_squeeze %dma_start3A_533 : memref<1x80x64xf32, #tpu.memory_space<vmem>> -> memref<80x64xf32, #tpu.memory_space<vmem>>
      %dma_start3A_535 = arith.constant 0 : i32
      %dma_start3A_536 = tpu.memref_slice %arg9[%add3A_530, %dma_start3A_535] : memref<125x80xi32, #tpu.memory_space<vmem>> -> memref<1x80xi32, #tpu.memory_space<vmem>>
      %dma_start3A_537 = tpu.memref_squeeze %dma_start3A_536 : memref<1x80xi32, #tpu.memory_space<vmem>> -> memref<80xi32, #tpu.memory_space<vmem>>
      %dma_start3A_538 = arith.constant 0 : i32
      %dma_start3A_539 = arith.constant 0 : i32
      %dma_start3A_540 = tpu.memref_slice %arg2[%add3A_218, %dma_start3A_538, %dma_start3A_539] : memref<4x10112x64xf32, #tpu.memory_space<hbm>> -> memref<1x10112x64xf32, #tpu.memory_space<hbm>>
      %dma_start3A_541 = tpu.memref_squeeze %dma_start3A_540 : memref<1x10112x64xf32, #tpu.memory_space<hbm>> -> memref<10112x64xf32, #tpu.memory_space<hbm>>
      %dma_start3A_542 = arith.constant 0 : i32
      %dma_start3A_543 = arith.constant 0 : i32
      %dma_start3A_544 = tpu.memref_slice %dma_start3A_541[%dma_start3A_542, %dma_start3A_543] : memref<10112x64xf32, #tpu.memory_space<hbm>> -> memref<10112x64xf32, #tpu.memory_space<hbm>>
      tpu.enqueue_indirect_dma source(%dma_start3A_544 : memref<10112x64xf32, #tpu.memory_space<hbm>>) target(%dma_start3A_534 : memref<80x64xf32, #tpu.memory_space<vmem>>) offsets(%dma_start3A_537 : memref<80xi32, #tpu.memory_space<vmem>>) semaphore(%arg19 : memref<!tpu.dma_semaphore, #tpu.memory_space<semaphore_mem>>)
      %dma_wait3A_545 = arith.constant 0 : i32
      %dma_wait3A_546 = arith.constant 0 : i32
      %dma_wait3A_547 = tpu.memref_slice %arg14[%scan3A_265, %dma_wait3A_545, %dma_wait3A_546] : memref<2x80x64xf32, #tpu.memory_space<vmem>> -> memref<1x80x64xf32, #tpu.memory_space<vmem>>
      %dma_wait3A_548 = tpu.memref_squeeze %dma_wait3A_547 : memref<1x80x64xf32, #tpu.memory_space<vmem>> -> memref<80x64xf32, #tpu.memory_space<vmem>>
      %dma_wait3A_549 = arith.constant 0 : i32
      %dma_wait3A_550 = tpu.memref_slice %arg8[%add3A_450, %dma_wait3A_549] : memref<125x80xi32, #tpu.memory_space<vmem>> -> memref<1x80xi32, #tpu.memory_space<vmem>>
      %dma_wait3A_551 = tpu.memref_squeeze %dma_wait3A_550 : memref<1x80xi32, #tpu.memory_space<vmem>> -> memref<80xi32, #tpu.memory_space<vmem>>
      %dma_wait3A_552 = arith.constant 0 : i32
      %dma_wait3A_553 = arith.constant 0 : i32
      %dma_wait3A_554 = tpu.memref_slice %arg17[%dma_wait3A_552, %dma_wait3A_553] : memref<10112x64xf32, #tpu.memory_space<vmem_shared>> -> memref<10112x64xf32, #tpu.memory_space<vmem_shared>>
      tpu.wait_indirect_dma semaphore(%arg22 : memref<!tpu.dma_semaphore, #tpu.memory_space<semaphore_mem>>) src(%dma_wait3A_548 : memref<80x64xf32, #tpu.memory_space<vmem>>) dst(%dma_wait3A_554 : memref<10112x64xf32, #tpu.memory_space<vmem_shared>>)
      %lt3A = arith.constant 61 : i32
      %lt3A_555 = arith.cmpi slt, %scan3A_446, %lt3A : i32
      %convert_element_type3A = arith.extui %lt3A_555 : i1 to i32
      %cond3A = arith.constant 0 : i32
      %cond3A_556 = arith.cmpi ne, %convert_element_type3A, %cond3A : i32
      scf.if %cond3A_556 {
        %add3A_557 = arith.constant 2 : i32
        %add3A_558 = arith.addi %add3A_450, %add3A_557 : i32
        %dma_start3A_559 = arith.constant 0 : i32
        %dma_start3A_560 = arith.constant 0 : i32
        %dma_start3A_561 = tpu.memref_slice %arg14[%scan3A_265, %dma_start3A_559, %dma_start3A_560] : memref<2x80x64xf32, #tpu.memory_space<vmem>> -> memref<1x80x64xf32, #tpu.memory_space<vmem>>
        %dma_start3A_562 = tpu.memref_squeeze %dma_start3A_561 : memref<1x80x64xf32, #tpu.memory_space<vmem>> -> memref<80x64xf32, #tpu.memory_space<vmem>>
        %dma_start3A_563 = arith.constant 0 : i32
        %dma_start3A_564 = tpu.memref_slice %arg9[%add3A_558, %dma_start3A_563] : memref<125x80xi32, #tpu.memory_space<vmem>> -> memref<1x80xi32, #tpu.memory_space<vmem>>
        %dma_start3A_565 = tpu.memref_squeeze %dma_start3A_564 : memref<1x80xi32, #tpu.memory_space<vmem>> -> memref<80xi32, #tpu.memory_space<vmem>>
        %dma_start3A_566 = arith.constant 0 : i32
        %dma_start3A_567 = arith.constant 0 : i32
        %dma_start3A_568 = tpu.memref_slice %arg2[%add3A_218, %dma_start3A_566, %dma_start3A_567] : memref<4x10112x64xf32, #tpu.memory_space<hbm>> -> memref<1x10112x64xf32, #tpu.memory_space<hbm>>
        %dma_start3A_569 = tpu.memref_squeeze %dma_start3A_568 : memref<1x10112x64xf32, #tpu.memory_space<hbm>> -> memref<10112x64xf32, #tpu.memory_space<hbm>>
        %dma_start3A_570 = arith.constant 0 : i32
        %dma_start3A_571 = arith.constant 0 : i32
        %dma_start3A_572 = tpu.memref_slice %dma_start3A_569[%dma_start3A_570, %dma_start3A_571] : memref<10112x64xf32, #tpu.memory_space<hbm>> -> memref<10112x64xf32, #tpu.memory_space<hbm>>
        tpu.enqueue_indirect_dma source(%dma_start3A_572 : memref<10112x64xf32, #tpu.memory_space<hbm>>) target(%dma_start3A_562 : memref<80x64xf32, #tpu.memory_space<vmem>>) offsets(%dma_start3A_565 : memref<80xi32, #tpu.memory_space<vmem>>) semaphore(%arg20 : memref<!tpu.dma_semaphore, #tpu.memory_space<semaphore_mem>>)
      } else {
      }
    }
    %scan3A_270 = arith.constant 62 : i32
    %dma_wait3A = arith.constant 124 : i32
    %dma_wait3A_271 = arith.constant 0 : i32
    %dma_wait3A_272 = arith.constant 0 : i32
    %dma_wait3A_273 = arith.constant 0 : i32
    %dma_wait3A_274 = tpu.memref_slice %arg14[%dma_wait3A_271, %dma_wait3A_272, %dma_wait3A_273] : memref<2x80x64xf32, #tpu.memory_space<vmem>> -> memref<1x80x64xf32, #tpu.memory_space<vmem>>
    %dma_wait3A_275 = tpu.memref_squeeze %dma_wait3A_274 : memref<1x80x64xf32, #tpu.memory_space<vmem>> -> memref<80x64xf32, #tpu.memory_space<vmem>>
    %dma_wait3A_276 = arith.constant 0 : i32
    %dma_wait3A_277 = tpu.memref_slice %arg9[%dma_wait3A, %dma_wait3A_276] : memref<125x80xi32, #tpu.memory_space<vmem>> -> memref<1x80xi32, #tpu.memory_space<vmem>>
    %dma_wait3A_278 = tpu.memref_squeeze %dma_wait3A_277 : memref<1x80xi32, #tpu.memory_space<vmem>> -> memref<80xi32, #tpu.memory_space<vmem>>
    %dma_wait3A_279 = arith.constant 0 : i32
    %dma_wait3A_280 = arith.constant 0 : i32
    %dma_wait3A_281 = tpu.memref_slice %arg2[%add3A_218, %dma_wait3A_279, %dma_wait3A_280] : memref<4x10112x64xf32, #tpu.memory_space<hbm>> -> memref<1x10112x64xf32, #tpu.memory_space<hbm>>
    %dma_wait3A_282 = tpu.memref_squeeze %dma_wait3A_281 : memref<1x10112x64xf32, #tpu.memory_space<hbm>> -> memref<10112x64xf32, #tpu.memory_space<hbm>>
    %dma_wait3A_283 = arith.constant 0 : i32
    %dma_wait3A_284 = arith.constant 0 : i32
    %dma_wait3A_285 = tpu.memref_slice %dma_wait3A_282[%dma_wait3A_283, %dma_wait3A_284] : memref<10112x64xf32, #tpu.memory_space<hbm>> -> memref<10112x64xf32, #tpu.memory_space<hbm>>
    tpu.wait_indirect_dma semaphore(%arg19 : memref<!tpu.dma_semaphore, #tpu.memory_space<semaphore_mem>>) src(%dma_wait3A_285 : memref<10112x64xf32, #tpu.memory_space<hbm>>) dst(%dma_wait3A_275 : memref<80x64xf32, #tpu.memory_space<vmem>>)
    %broadcast_in_dim3A_286 = arith.constant 0 : i32
    %broadcast_in_dim3A_287 = vector.broadcast %broadcast_in_dim3A_286 : i32 to vector<16xi32>
    %add3A_288 = arith.constant 124 : i32
    %add3A_289 = vector.broadcast %add3A_288 : i32 to vector<16xi32>
    %add3A_290 = arith.addi %broadcast_in_dim3A_287, %add3A_289 : vector<16xi32>
    %scan3A_291 = arith.constant 0 : i32
    %scan3A_292 = arith.constant 0 : i32
    %scan3A_293 = arith.constant 0 : i32
    %scan3A_294 = arith.constant 20 : i32
    %scan3A_295 = arith.addi %scan3A_293, %scan3A_294 : i32
    %scan3A_296 = arith.constant 1 : i32
    scf.for %scan3A_446 = %scan3A_293 to %scan3A_295 step %scan3A_296  : i32 {
      %mul3A_447 = arith.constant 4 : i32
      %mul3A_448 = arith.muli %scan3A_446, %mul3A_447 : i32
      %broadcast_in_dim3A_449 = arith.constant 0 : i32
      %broadcast_in_dim3A_450 = vector.broadcast %broadcast_in_dim3A_449 : i32 to vector<16xi32>
      %add3A_451 = arith.constant 0 : i32
      %add3A_452 = arith.addi %mul3A_448, %add3A_451 : i32
      %add3A_453 = vector.broadcast %add3A_452 : i32 to vector<16xi32>
      %add3A_454 = arith.addi %broadcast_in_dim3A_450, %add3A_453 : vector<16xi32>
      %gather3A = tpu.vector_load_idx %arg11[%add3A_290, %add3A_454] : memref<125x80xf32, #tpu.memory_space<vmem>>[vector<16xi32>, vector<16xi32>], vector<16xf32>,
      %add3A_455 = arith.constant 0 : i32
      %add3A_456 = arith.addi %mul3A_448, %add3A_455 : i32
      %get3A_457 = arith.constant 0 : i32
      %get3A_458 = arith.constant 0 : i32
      %get3A_459 = tpu.memref_slice %arg14[%scan3A_292, %get3A_457, %get3A_458] : memref<2x80x64xf32, #tpu.memory_space<vmem>> -> memref<1x80x64xf32, #tpu.memory_space<vmem>>
      %get3A_460 = tpu.memref_squeeze %get3A_459 : memref<1x80x64xf32, #tpu.memory_space<vmem>> -> memref<80x64xf32, #tpu.memory_space<vmem>>
      %get3A_461 = arith.index_cast %add3A_456 : i32 to index
      %get3A_462 = arith.constant 0 : index
      %get3A_463 = tpu.vector_load %get3A_460[%get3A_461, %get3A_462] {strides = array<i32>} : memref<80x64xf32, #tpu.memory_space<vmem>>, vector<16xf32>,
      %mul3A_464 = arith.mulf %get3A_463, %gather3A : vector<16xf32>
      %add3A_465 = arith.constant 0 : i32
      %add3A_466 = arith.addi %mul3A_448, %add3A_465 : i32
      %swap3A_467 = arith.constant 0 : i32
      %swap3A_468 = arith.constant 0 : i32
      %swap3A_469 = tpu.memref_slice %arg14[%scan3A_292, %swap3A_467, %swap3A_468] : memref<2x80x64xf32, #tpu.memory_space<vmem>> -> memref<1x80x64xf32, #tpu.memory_space<vmem>>
      %swap3A_470 = tpu.memref_squeeze %swap3A_469 : memref<1x80x64xf32, #tpu.memory_space<vmem>> -> memref<80x64xf32, #tpu.memory_space<vmem>>
      %swap3A_471 = arith.index_cast %add3A_466 : i32 to index
      %swap3A_472 = arith.constant 0 : index
      %swap3A_473 = tpu.vector_load %swap3A_470[%swap3A_471, %swap3A_472] {strides = array<i32>} : memref<80x64xf32, #tpu.memory_space<vmem>>, vector<16xf32>,
      tpu.vector_store %swap3A_470[%swap3A_471, %swap3A_472], %mul3A_464 {strides = array<i32>} : memref<80x64xf32, #tpu.memory_space<vmem>>, vector<16xf32>,
      %add3A_474 = arith.constant 0 : i32
      %add3A_475 = arith.addi %mul3A_448, %add3A_474 : i32
      %get3A_476 = arith.constant 0 : i32
      %get3A_477 = arith.constant 0 : i32
      %get3A_478 = tpu.memref_slice %arg14[%scan3A_292, %get3A_476, %get3A_477] : memref<2x80x64xf32, #tpu.memory_space<vmem>> -> memref<1x80x64xf32, #tpu.memory_space<vmem>>
      %get3A_479 = tpu.memref_squeeze %get3A_478 : memref<1x80x64xf32, #tpu.memory_space<vmem>> -> memref<80x64xf32, #tpu.memory_space<vmem>>
      %get3A_480 = arith.index_cast %add3A_475 : i32 to index
      %get3A_481 = arith.constant 16 : index
      %get3A_482 = tpu.vector_load %get3A_479[%get3A_480, %get3A_481] {strides = array<i32>} : memref<80x64xf32, #tpu.memory_space<vmem>>, vector<16xf32>,
      %mul3A_483 = arith.mulf %get3A_482, %gather3A : vector<16xf32>
      %add3A_484 = arith.constant 0 : i32
      %add3A_485 = arith.addi %mul3A_448, %add3A_484 : i32
      %swap3A_486 = arith.constant 0 : i32
      %swap3A_487 = arith.constant 0 : i32
      %swap3A_488 = tpu.memref_slice %arg14[%scan3A_292, %swap3A_486, %swap3A_487] : memref<2x80x64xf32, #tpu.memory_space<vmem>> -> memref<1x80x64xf32, #tpu.memory_space<vmem>>
      %swap3A_489 = tpu.memref_squeeze %swap3A_488 : memref<1x80x64xf32, #tpu.memory_space<vmem>> -> memref<80x64xf32, #tpu.memory_space<vmem>>
      %swap3A_490 = arith.index_cast %add3A_485 : i32 to index
      %swap3A_491 = arith.constant 16 : index
      %swap3A_492 = tpu.vector_load %swap3A_489[%swap3A_490, %swap3A_491] {strides = array<i32>} : memref<80x64xf32, #tpu.memory_space<vmem>>, vector<16xf32>,
      tpu.vector_store %swap3A_489[%swap3A_490, %swap3A_491], %mul3A_483 {strides = array<i32>} : memref<80x64xf32, #tpu.memory_space<vmem>>, vector<16xf32>,
      %add3A_493 = arith.constant 0 : i32
      %add3A_494 = arith.addi %mul3A_448, %add3A_493 : i32
      %get3A_495 = arith.constant 0 : i32
      %get3A_496 = arith.constant 0 : i32
      %get3A_497 = tpu.memref_slice %arg14[%scan3A_292, %get3A_495, %get3A_496] : memref<2x80x64xf32, #tpu.memory_space<vmem>> -> memref<1x80x64xf32, #tpu.memory_space<vmem>>
      %get3A_498 = tpu.memref_squeeze %get3A_497 : memref<1x80x64xf32, #tpu.memory_space<vmem>> -> memref<80x64xf32, #tpu.memory_space<vmem>>
      %get3A_499 = arith.index_cast %add3A_494 : i32 to index
      %get3A_500 = arith.constant 32 : index
      %get3A_501 = tpu.vector_load %get3A_498[%get3A_499, %get3A_500] {strides = array<i32>} : memref<80x64xf32, #tpu.memory_space<vmem>>, vector<16xf32>,
      %mul3A_502 = arith.mulf %get3A_501, %gather3A : vector<16xf32>
      %add3A_503 = arith.constant 0 : i32
      %add3A_504 = arith.addi %mul3A_448, %add3A_503 : i32
      %swap3A_505 = arith.constant 0 : i32
      %swap3A_506 = arith.constant 0 : i32
      %swap3A_507 = tpu.memref_slice %arg14[%scan3A_292, %swap3A_505, %swap3A_506] : memref<2x80x64xf32, #tpu.memory_space<vmem>> -> memref<1x80x64xf32, #tpu.memory_space<vmem>>
      %swap3A_508 = tpu.memref_squeeze %swap3A_507 : memref<1x80x64xf32, #tpu.memory_space<vmem>> -> memref<80x64xf32, #tpu.memory_space<vmem>>
      %swap3A_509 = arith.index_cast %add3A_504 : i32 to index
      %swap3A_510 = arith.constant 32 : index
      %swap3A_511 = tpu.vector_load %swap3A_508[%swap3A_509, %swap3A_510] {strides = array<i32>} : memref<80x64xf32, #tpu.memory_space<vmem>>, vector<16xf32>,
      tpu.vector_store %swap3A_508[%swap3A_509, %swap3A_510], %mul3A_502 {strides = array<i32>} : memref<80x64xf32, #tpu.memory_space<vmem>>, vector<16xf32>,
      %add3A_512 = arith.constant 0 : i32
      %add3A_513 = arith.addi %mul3A_448, %add3A_512 : i32
      %get3A_514 = arith.constant 0 : i32
      %get3A_515 = arith.constant 0 : i32
      %get3A_516 = tpu.memref_slice %arg14[%scan3A_292, %get3A_514, %get3A_515] : memref<2x80x64xf32, #tpu.memory_space<vmem>> -> memref<1x80x64xf32, #tpu.memory_space<vmem>>
      %get3A_517 = tpu.memref_squeeze %get3A_516 : memref<1x80x64xf32, #tpu.memory_space<vmem>> -> memref<80x64xf32, #tpu.memory_space<vmem>>
      %get3A_518 = arith.index_cast %add3A_513 : i32 to index
      %get3A_519 = arith.constant 48 : index
      %get3A_520 = tpu.vector_load %get3A_517[%get3A_518, %get3A_519] {strides = array<i32>} : memref<80x64xf32, #tpu.memory_space<vmem>>, vector<16xf32>,
      %mul3A_521 = arith.mulf %get3A_520, %gather3A : vector<16xf32>
      %add3A_522 = arith.constant 0 : i32
      %add3A_523 = arith.addi %mul3A_448, %add3A_522 : i32
      %swap3A_524 = arith.constant 0 : i32
      %swap3A_525 = arith.constant 0 : i32
      %swap3A_526 = tpu.memref_slice %arg14[%scan3A_292, %swap3A_524, %swap3A_525] : memref<2x80x64xf32, #tpu.memory_space<vmem>> -> memref<1x80x64xf32, #tpu.memory_space<vmem>>
      %swap3A_527 = tpu.memref_squeeze %swap3A_526 : memref<1x80x64xf32, #tpu.memory_space<vmem>> -> memref<80x64xf32, #tpu.memory_space<vmem>>
      %swap3A_528 = arith.index_cast %add3A_523 : i32 to index
      %swap3A_529 = arith.constant 48 : index
      %swap3A_530 = tpu.vector_load %swap3A_527[%swap3A_528, %swap3A_529] {strides = array<i32>} : memref<80x64xf32, #tpu.memory_space<vmem>>, vector<16xf32>,
      tpu.vector_store %swap3A_527[%swap3A_528, %swap3A_529], %mul3A_521 {strides = array<i32>} : memref<80x64xf32, #tpu.memory_space<vmem>>, vector<16xf32>,
      %broadcast_in_dim3A_531 = arith.constant 0 : i32
      %broadcast_in_dim3A_532 = vector.broadcast %broadcast_in_dim3A_531 : i32 to vector<16xi32>
      %add3A_533 = arith.constant 1 : i32
      %add3A_534 = arith.addi %mul3A_448, %add3A_533 : i32
      %add3A_535 = vector.broadcast %add3A_534 : i32 to vector<16xi32>
      %add3A_536 = arith.addi %broadcast_in_dim3A_532, %add3A_535 : vector<16xi32>
      %gather3A_537 = tpu.vector_load_idx %arg11[%add3A_290, %add3A_536] : memref<125x80xf32, #tpu.memory_space<vmem>>[vector<16xi32>, vector<16xi32>], vector<16xf32>,
      %add3A_538 = arith.constant 1 : i32
      %add3A_539 = arith.addi %mul3A_448, %add3A_538 : i32
      %get3A_540 = arith.constant 0 : i32
      %get3A_541 = arith.constant 0 : i32
      %get3A_542 = tpu.memref_slice %arg14[%scan3A_292, %get3A_540, %get3A_541] : memref<2x80x64xf32, #tpu.memory_space<vmem>> -> memref<1x80x64xf32, #tpu.memory_space<vmem>>
      %get3A_543 = tpu.memref_squeeze %get3A_542 : memref<1x80x64xf32, #tpu.memory_space<vmem>> -> memref<80x64xf32, #tpu.memory_space<vmem>>
      %get3A_544 = arith.index_cast %add3A_539 : i32 to index
      %get3A_545 = arith.constant 0 : index
      %get3A_546 = tpu.vector_load %get3A_543[%get3A_544, %get3A_545] {strides = array<i32>} : memref<80x64xf32, #tpu.memory_space<vmem>>, vector<16xf32>,
      %mul3A_547 = arith.mulf %get3A_546, %gather3A_537 : vector<16xf32>
      %add3A_548 = arith.constant 1 : i32
      %add3A_549 = arith.addi %mul3A_448, %add3A_548 : i32
      %swap3A_550 = arith.constant 0 : i32
      %swap3A_551 = arith.constant 0 : i32
      %swap3A_552 = tpu.memref_slice %arg14[%scan3A_292, %swap3A_550, %swap3A_551] : memref<2x80x64xf32, #tpu.memory_space<vmem>> -> memref<1x80x64xf32, #tpu.memory_space<vmem>>
      %swap3A_553 = tpu.memref_squeeze %swap3A_552 : memref<1x80x64xf32, #tpu.memory_space<vmem>> -> memref<80x64xf32, #tpu.memory_space<vmem>>
      %swap3A_554 = arith.index_cast %add3A_549 : i32 to index
      %swap3A_555 = arith.constant 0 : index
      %swap3A_556 = tpu.vector_load %swap3A_553[%swap3A_554, %swap3A_555] {strides = array<i32>} : memref<80x64xf32, #tpu.memory_space<vmem>>, vector<16xf32>,
      tpu.vector_store %swap3A_553[%swap3A_554, %swap3A_555], %mul3A_547 {strides = array<i32>} : memref<80x64xf32, #tpu.memory_space<vmem>>, vector<16xf32>,
      %add3A_557 = arith.constant 1 : i32
      %add3A_558 = arith.addi %mul3A_448, %add3A_557 : i32
      %get3A_559 = arith.constant 0 : i32
      %get3A_560 = arith.constant 0 : i32
      %get3A_561 = tpu.memref_slice %arg14[%scan3A_292, %get3A_559, %get3A_560] : memref<2x80x64xf32, #tpu.memory_space<vmem>> -> memref<1x80x64xf32, #tpu.memory_space<vmem>>
      %get3A_562 = tpu.memref_squeeze %get3A_561 : memref<1x80x64xf32, #tpu.memory_space<vmem>> -> memref<80x64xf32, #tpu.memory_space<vmem>>
      %get3A_563 = arith.index_cast %add3A_558 : i32 to index
      %get3A_564 = arith.constant 16 : index
      %get3A_565 = tpu.vector_load %get3A_562[%get3A_563, %get3A_564] {strides = array<i32>} : memref<80x64xf32, #tpu.memory_space<vmem>>, vector<16xf32>,
      %mul3A_566 = arith.mulf %get3A_565, %gather3A_537 : vector<16xf32>
      %add3A_567 = arith.constant 1 : i32
      %add3A_568 = arith.addi %mul3A_448, %add3A_567 : i32
      %swap3A_569 = arith.constant 0 : i32
      %swap3A_570 = arith.constant 0 : i32
      %swap3A_571 = tpu.memref_slice %arg14[%scan3A_292, %swap3A_569, %swap3A_570] : memref<2x80x64xf32, #tpu.memory_space<vmem>> -> memref<1x80x64xf32, #tpu.memory_space<vmem>>
      %swap3A_572 = tpu.memref_squeeze %swap3A_571 : memref<1x80x64xf32, #tpu.memory_space<vmem>> -> memref<80x64xf32, #tpu.memory_space<vmem>>
      %swap3A_573 = arith.index_cast %add3A_568 : i32 to index
      %swap3A_574 = arith.constant 16 : index
      %swap3A_575 = tpu.vector_load %swap3A_572[%swap3A_573, %swap3A_574] {strides = array<i32>} : memref<80x64xf32, #tpu.memory_space<vmem>>, vector<16xf32>,
      tpu.vector_store %swap3A_572[%swap3A_573, %swap3A_574], %mul3A_566 {strides = array<i32>} : memref<80x64xf32, #tpu.memory_space<vmem>>, vector<16xf32>,
      %add3A_576 = arith.constant 1 : i32
      %add3A_577 = arith.addi %mul3A_448, %add3A_576 : i32
      %get3A_578 = arith.constant 0 : i32
      %get3A_579 = arith.constant 0 : i32
      %get3A_580 = tpu.memref_slice %arg14[%scan3A_292, %get3A_578, %get3A_579] : memref<2x80x64xf32, #tpu.memory_space<vmem>> -> memref<1x80x64xf32, #tpu.memory_space<vmem>>
      %get3A_581 = tpu.memref_squeeze %get3A_580 : memref<1x80x64xf32, #tpu.memory_space<vmem>> -> memref<80x64xf32, #tpu.memory_space<vmem>>
      %get3A_582 = arith.index_cast %add3A_577 : i32 to index
      %get3A_583 = arith.constant 32 : index
      %get3A_584 = tpu.vector_load %get3A_581[%get3A_582, %get3A_583] {strides = array<i32>} : memref<80x64xf32, #tpu.memory_space<vmem>>, vector<16xf32>,
      %mul3A_585 = arith.mulf %get3A_584, %gather3A_537 : vector<16xf32>
      %add3A_586 = arith.constant 1 : i32
      %add3A_587 = arith.addi %mul3A_448, %add3A_586 : i32
      %swap3A_588 = arith.constant 0 : i32
      %swap3A_589 = arith.constant 0 : i32
      %swap3A_590 = tpu.memref_slice %arg14[%scan3A_292, %swap3A_588, %swap3A_589] : memref<2x80x64xf32, #tpu.memory_space<vmem>> -> memref<1x80x64xf32, #tpu.memory_space<vmem>>
      %swap3A_591 = tpu.memref_squeeze %swap3A_590 : memref<1x80x64xf32, #tpu.memory_space<vmem>> -> memref<80x64xf32, #tpu.memory_space<vmem>>
      %swap3A_592 = arith.index_cast %add3A_587 : i32 to index
      %swap3A_593 = arith.constant 32 : index
      %swap3A_594 = tpu.vector_load %swap3A_591[%swap3A_592, %swap3A_593] {strides = array<i32>} : memref<80x64xf32, #tpu.memory_space<vmem>>, vector<16xf32>,
      tpu.vector_store %swap3A_591[%swap3A_592, %swap3A_593], %mul3A_585 {strides = array<i32>} : memref<80x64xf32, #tpu.memory_space<vmem>>, vector<16xf32>,
      %add3A_595 = arith.constant 1 : i32
      %add3A_596 = arith.addi %mul3A_448, %add3A_595 : i32
      %get3A_597 = arith.constant 0 : i32
      %get3A_598 = arith.constant 0 : i32
      %get3A_599 = tpu.memref_slice %arg14[%scan3A_292, %get3A_597, %get3A_598] : memref<2x80x64xf32, #tpu.memory_space<vmem>> -> memref<1x80x64xf32, #tpu.memory_space<vmem>>
      %get3A_600 = tpu.memref_squeeze %get3A_599 : memref<1x80x64xf32, #tpu.memory_space<vmem>> -> memref<80x64xf32, #tpu.memory_space<vmem>>
      %get3A_601 = arith.index_cast %add3A_596 : i32 to index
      %get3A_602 = arith.constant 48 : index
      %get3A_603 = tpu.vector_load %get3A_600[%get3A_601, %get3A_602] {strides = array<i32>} : memref<80x64xf32, #tpu.memory_space<vmem>>, vector<16xf32>,
      %mul3A_604 = arith.mulf %get3A_603, %gather3A_537 : vector<16xf32>
      %add3A_605 = arith.constant 1 : i32
      %add3A_606 = arith.addi %mul3A_448, %add3A_605 : i32
      %swap3A_607 = arith.constant 0 : i32
      %swap3A_608 = arith.constant 0 : i32
      %swap3A_609 = tpu.memref_slice %arg14[%scan3A_292, %swap3A_607, %swap3A_608] : memref<2x80x64xf32, #tpu.memory_space<vmem>> -> memref<1x80x64xf32, #tpu.memory_space<vmem>>
      %swap3A_610 = tpu.memref_squeeze %swap3A_609 : memref<1x80x64xf32, #tpu.memory_space<vmem>> -> memref<80x64xf32, #tpu.memory_space<vmem>>
      %swap3A_611 = arith.index_cast %add3A_606 : i32 to index
      %swap3A_612 = arith.constant 48 : index
      %swap3A_613 = tpu.vector_load %swap3A_610[%swap3A_611, %swap3A_612] {strides = array<i32>} : memref<80x64xf32, #tpu.memory_space<vmem>>, vector<16xf32>,
      tpu.vector_store %swap3A_610[%swap3A_611, %swap3A_612], %mul3A_604 {strides = array<i32>} : memref<80x64xf32, #tpu.memory_space<vmem>>, vector<16xf32>,
      %broadcast_in_dim3A_614 = arith.constant 0 : i32
      %broadcast_in_dim3A_615 = vector.broadcast %broadcast_in_dim3A_614 : i32 to vector<16xi32>
      %add3A_616 = arith.constant 2 : i32
      %add3A_617 = arith.addi %mul3A_448, %add3A_616 : i32
      %add3A_618 = vector.broadcast %add3A_617 : i32 to vector<16xi32>
      %add3A_619 = arith.addi %broadcast_in_dim3A_615, %add3A_618 : vector<16xi32>
      %gather3A_620 = tpu.vector_load_idx %arg11[%add3A_290, %add3A_619] : memref<125x80xf32, #tpu.memory_space<vmem>>[vector<16xi32>, vector<16xi32>], vector<16xf32>,
      %add3A_621 = arith.constant 2 : i32
      %add3A_622 = arith.addi %mul3A_448, %add3A_621 : i32
      %get3A_623 = arith.constant 0 : i32
      %get3A_624 = arith.constant 0 : i32
      %get3A_625 = tpu.memref_slice %arg14[%scan3A_292, %get3A_623, %get3A_624] : memref<2x80x64xf32, #tpu.memory_space<vmem>> -> memref<1x80x64xf32, #tpu.memory_space<vmem>>
      %get3A_626 = tpu.memref_squeeze %get3A_625 : memref<1x80x64xf32, #tpu.memory_space<vmem>> -> memref<80x64xf32, #tpu.memory_space<vmem>>
      %get3A_627 = arith.index_cast %add3A_622 : i32 to index
      %get3A_628 = arith.constant 0 : index
      %get3A_629 = tpu.vector_load %get3A_626[%get3A_627, %get3A_628] {strides = array<i32>} : memref<80x64xf32, #tpu.memory_space<vmem>>, vector<16xf32>,
      %mul3A_630 = arith.mulf %get3A_629, %gather3A_620 : vector<16xf32>
      %add3A_631 = arith.constant 2 : i32
      %add3A_632 = arith.addi %mul3A_448, %add3A_631 : i32
      %swap3A_633 = arith.constant 0 : i32
      %swap3A_634 = arith.constant 0 : i32
      %swap3A_635 = tpu.memref_slice %arg14[%scan3A_292, %swap3A_633, %swap3A_634] : memref<2x80x64xf32, #tpu.memory_space<vmem>> -> memref<1x80x64xf32, #tpu.memory_space<vmem>>
      %swap3A_636 = tpu.memref_squeeze %swap3A_635 : memref<1x80x64xf32, #tpu.memory_space<vmem>> -> memref<80x64xf32, #tpu.memory_space<vmem>>
      %swap3A_637 = arith.index_cast %add3A_632 : i32 to index
      %swap3A_638 = arith.constant 0 : index
      %swap3A_639 = tpu.vector_load %swap3A_636[%swap3A_637, %swap3A_638] {strides = array<i32>} : memref<80x64xf32, #tpu.memory_space<vmem>>, vector<16xf32>,
      tpu.vector_store %swap3A_636[%swap3A_637, %swap3A_638], %mul3A_630 {strides = array<i32>} : memref<80x64xf32, #tpu.memory_space<vmem>>, vector<16xf32>,
      %add3A_640 = arith.constant 2 : i32
      %add3A_641 = arith.addi %mul3A_448, %add3A_640 : i32
      %get3A_642 = arith.constant 0 : i32
      %get3A_643 = arith.constant 0 : i32
      %get3A_644 = tpu.memref_slice %arg14[%scan3A_292, %get3A_642, %get3A_643] : memref<2x80x64xf32, #tpu.memory_space<vmem>> -> memref<1x80x64xf32, #tpu.memory_space<vmem>>
      %get3A_645 = tpu.memref_squeeze %get3A_644 : memref<1x80x64xf32, #tpu.memory_space<vmem>> -> memref<80x64xf32, #tpu.memory_space<vmem>>
      %get3A_646 = arith.index_cast %add3A_641 : i32 to index
      %get3A_647 = arith.constant 16 : index
      %get3A_648 = tpu.vector_load %get3A_645[%get3A_646, %get3A_647] {strides = array<i32>} : memref<80x64xf32, #tpu.memory_space<vmem>>, vector<16xf32>,
      %mul3A_649 = arith.mulf %get3A_648, %gather3A_620 : vector<16xf32>
      %add3A_650 = arith.constant 2 : i32
      %add3A_651 = arith.addi %mul3A_448, %add3A_650 : i32
      %swap3A_652 = arith.constant 0 : i32
      %swap3A_653 = arith.constant 0 : i32
      %swap3A_654 = tpu.memref_slice %arg14[%scan3A_292, %swap3A_652, %swap3A_653] : memref<2x80x64xf32, #tpu.memory_space<vmem>> -> memref<1x80x64xf32, #tpu.memory_space<vmem>>
      %swap3A_655 = tpu.memref_squeeze %swap3A_654 : memref<1x80x64xf32, #tpu.memory_space<vmem>> -> memref<80x64xf32, #tpu.memory_space<vmem>>
      %swap3A_656 = arith.index_cast %add3A_651 : i32 to index
      %swap3A_657 = arith.constant 16 : index
      %swap3A_658 = tpu.vector_load %swap3A_655[%swap3A_656, %swap3A_657] {strides = array<i32>} : memref<80x64xf32, #tpu.memory_space<vmem>>, vector<16xf32>,
      tpu.vector_store %swap3A_655[%swap3A_656, %swap3A_657], %mul3A_649 {strides = array<i32>} : memref<80x64xf32, #tpu.memory_space<vmem>>, vector<16xf32>,
      %add3A_659 = arith.constant 2 : i32
      %add3A_660 = arith.addi %mul3A_448, %add3A_659 : i32
      %get3A_661 = arith.constant 0 : i32
      %get3A_662 = arith.constant 0 : i32
      %get3A_663 = tpu.memref_slice %arg14[%scan3A_292, %get3A_661, %get3A_662] : memref<2x80x64xf32, #tpu.memory_space<vmem>> -> memref<1x80x64xf32, #tpu.memory_space<vmem>>
      %get3A_664 = tpu.memref_squeeze %get3A_663 : memref<1x80x64xf32, #tpu.memory_space<vmem>> -> memref<80x64xf32, #tpu.memory_space<vmem>>
      %get3A_665 = arith.index_cast %add3A_660 : i32 to index
      %get3A_666 = arith.constant 32 : index
      %get3A_667 = tpu.vector_load %get3A_664[%get3A_665, %get3A_666] {strides = array<i32>} : memref<80x64xf32, #tpu.memory_space<vmem>>, vector<16xf32>,
      %mul3A_668 = arith.mulf %get3A_667, %gather3A_620 : vector<16xf32>
      %add3A_669 = arith.constant 2 : i32
      %add3A_670 = arith.addi %mul3A_448, %add3A_669 : i32
      %swap3A_671 = arith.constant 0 : i32
      %swap3A_672 = arith.constant 0 : i32
      %swap3A_673 = tpu.memref_slice %arg14[%scan3A_292, %swap3A_671, %swap3A_672] : memref<2x80x64xf32, #tpu.memory_space<vmem>> -> memref<1x80x64xf32, #tpu.memory_space<vmem>>
      %swap3A_674 = tpu.memref_squeeze %swap3A_673 : memref<1x80x64xf32, #tpu.memory_space<vmem>> -> memref<80x64xf32, #tpu.memory_space<vmem>>
      %swap3A_675 = arith.index_cast %add3A_670 : i32 to index
      %swap3A_676 = arith.constant 32 : index
      %swap3A_677 = tpu.vector_load %swap3A_674[%swap3A_675, %swap3A_676] {strides = array<i32>} : memref<80x64xf32, #tpu.memory_space<vmem>>, vector<16xf32>,
      tpu.vector_store %swap3A_674[%swap3A_675, %swap3A_676], %mul3A_668 {strides = array<i32>} : memref<80x64xf32, #tpu.memory_space<vmem>>, vector<16xf32>,
      %add3A_678 = arith.constant 2 : i32
      %add3A_679 = arith.addi %mul3A_448, %add3A_678 : i32
      %get3A_680 = arith.constant 0 : i32
      %get3A_681 = arith.constant 0 : i32
      %get3A_682 = tpu.memref_slice %arg14[%scan3A_292, %get3A_680, %get3A_681] : memref<2x80x64xf32, #tpu.memory_space<vmem>> -> memref<1x80x64xf32, #tpu.memory_space<vmem>>
      %get3A_683 = tpu.memref_squeeze %get3A_682 : memref<1x80x64xf32, #tpu.memory_space<vmem>> -> memref<80x64xf32, #tpu.memory_space<vmem>>
      %get3A_684 = arith.index_cast %add3A_679 : i32 to index
      %get3A_685 = arith.constant 48 : index
      %get3A_686 = tpu.vector_load %get3A_683[%get3A_684, %get3A_685] {strides = array<i32>} : memref<80x64xf32, #tpu.memory_space<vmem>>, vector<16xf32>,
      %mul3A_687 = arith.mulf %get3A_686, %gather3A_620 : vector<16xf32>
      %add3A_688 = arith.constant 2 : i32
      %add3A_689 = arith.addi %mul3A_448, %add3A_688 : i32
      %swap3A_690 = arith.constant 0 : i32
      %swap3A_691 = arith.constant 0 : i32
      %swap3A_692 = tpu.memref_slice %arg14[%scan3A_292, %swap3A_690, %swap3A_691] : memref<2x80x64xf32, #tpu.memory_space<vmem>> -> memref<1x80x64xf32, #tpu.memory_space<vmem>>
      %swap3A_693 = tpu.memref_squeeze %swap3A_692 : memref<1x80x64xf32, #tpu.memory_space<vmem>> -> memref<80x64xf32, #tpu.memory_space<vmem>>
      %swap3A_694 = arith.index_cast %add3A_689 : i32 to index
      %swap3A_695 = arith.constant 48 : index
      %swap3A_696 = tpu.vector_load %swap3A_693[%swap3A_694, %swap3A_695] {strides = array<i32>} : memref<80x64xf32, #tpu.memory_space<vmem>>, vector<16xf32>,
      tpu.vector_store %swap3A_693[%swap3A_694, %swap3A_695], %mul3A_687 {strides = array<i32>} : memref<80x64xf32, #tpu.memory_space<vmem>>, vector<16xf32>,
      %broadcast_in_dim3A_697 = arith.constant 0 : i32
      %broadcast_in_dim3A_698 = vector.broadcast %broadcast_in_dim3A_697 : i32 to vector<16xi32>
      %add3A_699 = arith.constant 3 : i32
      %add3A_700 = arith.addi %mul3A_448, %add3A_699 : i32
      %add3A_701 = vector.broadcast %add3A_700 : i32 to vector<16xi32>
      %add3A_702 = arith.addi %broadcast_in_dim3A_698, %add3A_701 : vector<16xi32>
      %gather3A_703 = tpu.vector_load_idx %arg11[%add3A_290, %add3A_702] : memref<125x80xf32, #tpu.memory_space<vmem>>[vector<16xi32>, vector<16xi32>], vector<16xf32>,
      %add3A_704 = arith.constant 3 : i32
      %add3A_705 = arith.addi %mul3A_448, %add3A_704 : i32
      %get3A_706 = arith.constant 0 : i32
      %get3A_707 = arith.constant 0 : i32
      %get3A_708 = tpu.memref_slice %arg14[%scan3A_292, %get3A_706, %get3A_707] : memref<2x80x64xf32, #tpu.memory_space<vmem>> -> memref<1x80x64xf32, #tpu.memory_space<vmem>>
      %get3A_709 = tpu.memref_squeeze %get3A_708 : memref<1x80x64xf32, #tpu.memory_space<vmem>> -> memref<80x64xf32, #tpu.memory_space<vmem>>
      %get3A_710 = arith.index_cast %add3A_705 : i32 to index
      %get3A_711 = arith.constant 0 : index
      %get3A_712 = tpu.vector_load %get3A_709[%get3A_710, %get3A_711] {strides = array<i32>} : memref<80x64xf32, #tpu.memory_space<vmem>>, vector<16xf32>,
      %mul3A_713 = arith.mulf %get3A_712, %gather3A_703 : vector<16xf32>
      %add3A_714 = arith.constant 3 : i32
      %add3A_715 = arith.addi %mul3A_448, %add3A_714 : i32
      %swap3A_716 = arith.constant 0 : i32
      %swap3A_717 = arith.constant 0 : i32
      %swap3A_718 = tpu.memref_slice %arg14[%scan3A_292, %swap3A_716, %swap3A_717] : memref<2x80x64xf32, #tpu.memory_space<vmem>> -> memref<1x80x64xf32, #tpu.memory_space<vmem>>
      %swap3A_719 = tpu.memref_squeeze %swap3A_718 : memref<1x80x64xf32, #tpu.memory_space<vmem>> -> memref<80x64xf32, #tpu.memory_space<vmem>>
      %swap3A_720 = arith.index_cast %add3A_715 : i32 to index
      %swap3A_721 = arith.constant 0 : index
      %swap3A_722 = tpu.vector_load %swap3A_719[%swap3A_720, %swap3A_721] {strides = array<i32>} : memref<80x64xf32, #tpu.memory_space<vmem>>, vector<16xf32>,
      tpu.vector_store %swap3A_719[%swap3A_720, %swap3A_721], %mul3A_713 {strides = array<i32>} : memref<80x64xf32, #tpu.memory_space<vmem>>, vector<16xf32>,
      %add3A_723 = arith.constant 3 : i32
      %add3A_724 = arith.addi %mul3A_448, %add3A_723 : i32
      %get3A_725 = arith.constant 0 : i32
      %get3A_726 = arith.constant 0 : i32
      %get3A_727 = tpu.memref_slice %arg14[%scan3A_292, %get3A_725, %get3A_726] : memref<2x80x64xf32, #tpu.memory_space<vmem>> -> memref<1x80x64xf32, #tpu.memory_space<vmem>>
      %get3A_728 = tpu.memref_squeeze %get3A_727 : memref<1x80x64xf32, #tpu.memory_space<vmem>> -> memref<80x64xf32, #tpu.memory_space<vmem>>
      %get3A_729 = arith.index_cast %add3A_724 : i32 to index
      %get3A_730 = arith.constant 16 : index
      %get3A_731 = tpu.vector_load %get3A_728[%get3A_729, %get3A_730] {strides = array<i32>} : memref<80x64xf32, #tpu.memory_space<vmem>>, vector<16xf32>,
      %mul3A_732 = arith.mulf %get3A_731, %gather3A_703 : vector<16xf32>
      %add3A_733 = arith.constant 3 : i32
      %add3A_734 = arith.addi %mul3A_448, %add3A_733 : i32
      %swap3A_735 = arith.constant 0 : i32
      %swap3A_736 = arith.constant 0 : i32
      %swap3A_737 = tpu.memref_slice %arg14[%scan3A_292, %swap3A_735, %swap3A_736] : memref<2x80x64xf32, #tpu.memory_space<vmem>> -> memref<1x80x64xf32, #tpu.memory_space<vmem>>
      %swap3A_738 = tpu.memref_squeeze %swap3A_737 : memref<1x80x64xf32, #tpu.memory_space<vmem>> -> memref<80x64xf32, #tpu.memory_space<vmem>>
      %swap3A_739 = arith.index_cast %add3A_734 : i32 to index
      %swap3A_740 = arith.constant 16 : index
      %swap3A_741 = tpu.vector_load %swap3A_738[%swap3A_739, %swap3A_740] {strides = array<i32>} : memref<80x64xf32, #tpu.memory_space<vmem>>, vector<16xf32>,
      tpu.vector_store %swap3A_738[%swap3A_739, %swap3A_740], %mul3A_732 {strides = array<i32>} : memref<80x64xf32, #tpu.memory_space<vmem>>, vector<16xf32>,
      %add3A_742 = arith.constant 3 : i32
      %add3A_743 = arith.addi %mul3A_448, %add3A_742 : i32
      %get3A_744 = arith.constant 0 : i32
      %get3A_745 = arith.constant 0 : i32
      %get3A_746 = tpu.memref_slice %arg14[%scan3A_292, %get3A_744, %get3A_745] : memref<2x80x64xf32, #tpu.memory_space<vmem>> -> memref<1x80x64xf32, #tpu.memory_space<vmem>>
      %get3A_747 = tpu.memref_squeeze %get3A_746 : memref<1x80x64xf32, #tpu.memory_space<vmem>> -> memref<80x64xf32, #tpu.memory_space<vmem>>
      %get3A_748 = arith.index_cast %add3A_743 : i32 to index
      %get3A_749 = arith.constant 32 : index
      %get3A_750 = tpu.vector_load %get3A_747[%get3A_748, %get3A_749] {strides = array<i32>} : memref<80x64xf32, #tpu.memory_space<vmem>>, vector<16xf32>,
      %mul3A_751 = arith.mulf %get3A_750, %gather3A_703 : vector<16xf32>
      %add3A_752 = arith.constant 3 : i32
      %add3A_753 = arith.addi %mul3A_448, %add3A_752 : i32
      %swap3A_754 = arith.constant 0 : i32
      %swap3A_755 = arith.constant 0 : i32
      %swap3A_756 = tpu.memref_slice %arg14[%scan3A_292, %swap3A_754, %swap3A_755] : memref<2x80x64xf32, #tpu.memory_space<vmem>> -> memref<1x80x64xf32, #tpu.memory_space<vmem>>
      %swap3A_757 = tpu.memref_squeeze %swap3A_756 : memref<1x80x64xf32, #tpu.memory_space<vmem>> -> memref<80x64xf32, #tpu.memory_space<vmem>>
      %swap3A_758 = arith.index_cast %add3A_753 : i32 to index
      %swap3A_759 = arith.constant 32 : index
      %swap3A_760 = tpu.vector_load %swap3A_757[%swap3A_758, %swap3A_759] {strides = array<i32>} : memref<80x64xf32, #tpu.memory_space<vmem>>, vector<16xf32>,
      tpu.vector_store %swap3A_757[%swap3A_758, %swap3A_759], %mul3A_751 {strides = array<i32>} : memref<80x64xf32, #tpu.memory_space<vmem>>, vector<16xf32>,
      %add3A_761 = arith.constant 3 : i32
      %add3A_762 = arith.addi %mul3A_448, %add3A_761 : i32
      %get3A_763 = arith.constant 0 : i32
      %get3A_764 = arith.constant 0 : i32
      %get3A_765 = tpu.memref_slice %arg14[%scan3A_292, %get3A_763, %get3A_764] : memref<2x80x64xf32, #tpu.memory_space<vmem>> -> memref<1x80x64xf32, #tpu.memory_space<vmem>>
      %get3A_766 = tpu.memref_squeeze %get3A_765 : memref<1x80x64xf32, #tpu.memory_space<vmem>> -> memref<80x64xf32, #tpu.memory_space<vmem>>
      %get3A_767 = arith.index_cast %add3A_762 : i32 to index
      %get3A_768 = arith.constant 48 : index
      %get3A_769 = tpu.vector_load %get3A_766[%get3A_767, %get3A_768] {strides = array<i32>} : memref<80x64xf32, #tpu.memory_space<vmem>>, vector<16xf32>,
      %mul3A_770 = arith.mulf %get3A_769, %gather3A_703 : vector<16xf32>
      %add3A_771 = arith.constant 3 : i32
      %add3A_772 = arith.addi %mul3A_448, %add3A_771 : i32
      %swap3A_773 = arith.constant 0 : i32
      %swap3A_774 = arith.constant 0 : i32
      %swap3A_775 = tpu.memref_slice %arg14[%scan3A_292, %swap3A_773, %swap3A_774] : memref<2x80x64xf32, #tpu.memory_space<vmem>> -> memref<1x80x64xf32, #tpu.memory_space<vmem>>
      %swap3A_776 = tpu.memref_squeeze %swap3A_775 : memref<1x80x64xf32, #tpu.memory_space<vmem>> -> memref<80x64xf32, #tpu.memory_space<vmem>>
      %swap3A_777 = arith.index_cast %add3A_772 : i32 to index
      %swap3A_778 = arith.constant 48 : index
      %swap3A_779 = tpu.vector_load %swap3A_776[%swap3A_777, %swap3A_778] {strides = array<i32>} : memref<80x64xf32, #tpu.memory_space<vmem>>, vector<16xf32>,
      tpu.vector_store %swap3A_776[%swap3A_777, %swap3A_778], %mul3A_770 {strides = array<i32>} : memref<80x64xf32, #tpu.memory_space<vmem>>, vector<16xf32>,
    }
    %scan3A_297 = arith.constant 20 : i32
    %dma_start3A_298 = arith.constant 0 : i32
    %dma_start3A_299 = arith.constant 124 : i32
    %dma_start3A_300 = arith.constant 0 : i32
    %dma_start3A_301 = arith.constant 0 : i32
    %dma_start3A_302 = tpu.memref_slice %arg14[%dma_start3A_298, %dma_start3A_300, %dma_start3A_301] : memref<2x80x64xf32, #tpu.memory_space<vmem>> -> memref<1x80x64xf32, #tpu.memory_space<vmem>>
    %dma_start3A_303 = tpu.memref_squeeze %dma_start3A_302 : memref<1x80x64xf32, #tpu.memory_space<vmem>> -> memref<80x64xf32, #tpu.memory_space<vmem>>
    %dma_start3A_304 = arith.constant 0 : i32
    %dma_start3A_305 = tpu.memref_slice %arg8[%dma_start3A_299, %dma_start3A_304] : memref<125x80xi32, #tpu.memory_space<vmem>> -> memref<1x80xi32, #tpu.memory_space<vmem>>
    %dma_start3A_306 = tpu.memref_squeeze %dma_start3A_305 : memref<1x80xi32, #tpu.memory_space<vmem>> -> memref<80xi32, #tpu.memory_space<vmem>>
    %dma_start3A_307 = arith.constant 0 : i32
    %dma_start3A_308 = arith.constant 0 : i32
    %dma_start3A_309 = tpu.memref_slice %arg17[%dma_start3A_307, %dma_start3A_308] : memref<10112x64xf32, #tpu.memory_space<vmem_shared>> -> memref<10112x64xf32, #tpu.memory_space<vmem_shared>>
    tpu.enqueue_indirect_dma source(%dma_start3A_303 : memref<80x64xf32, #tpu.memory_space<vmem>>) target(%dma_start3A_309 : memref<10112x64xf32, #tpu.memory_space<vmem_shared>>) offsets(%dma_start3A_306 : memref<80xi32, #tpu.memory_space<vmem>>) semaphore(%arg21 : memref<!tpu.dma_semaphore, #tpu.memory_space<semaphore_mem>>) {add = true}
    %dma_wait3A_310 = arith.constant 0 : i32
    %dma_wait3A_311 = arith.constant 124 : i32
    %dma_wait3A_312 = arith.constant 0 : i32
    %dma_wait3A_313 = arith.constant 0 : i32
    %dma_wait3A_314 = tpu.memref_slice %arg14[%dma_wait3A_310, %dma_wait3A_312, %dma_wait3A_313] : memref<2x80x64xf32, #tpu.memory_space<vmem>> -> memref<1x80x64xf32, #tpu.memory_space<vmem>>
    %dma_wait3A_315 = tpu.memref_squeeze %dma_wait3A_314 : memref<1x80x64xf32, #tpu.memory_space<vmem>> -> memref<80x64xf32, #tpu.memory_space<vmem>>
    %dma_wait3A_316 = arith.constant 0 : i32
    %dma_wait3A_317 = tpu.memref_slice %arg8[%dma_wait3A_311, %dma_wait3A_316] : memref<125x80xi32, #tpu.memory_space<vmem>> -> memref<1x80xi32, #tpu.memory_space<vmem>>
    %dma_wait3A_318 = tpu.memref_squeeze %dma_wait3A_317 : memref<1x80xi32, #tpu.memory_space<vmem>> -> memref<80xi32, #tpu.memory_space<vmem>>
    %dma_wait3A_319 = arith.constant 0 : i32
    %dma_wait3A_320 = arith.constant 0 : i32
    %dma_wait3A_321 = tpu.memref_slice %arg17[%dma_wait3A_319, %dma_wait3A_320] : memref<10112x64xf32, #tpu.memory_space<vmem_shared>> -> memref<10112x64xf32, #tpu.memory_space<vmem_shared>>
    tpu.wait_indirect_dma semaphore(%arg21 : memref<!tpu.dma_semaphore, #tpu.memory_space<semaphore_mem>>) src(%dma_wait3A_315 : memref<80x64xf32, #tpu.memory_space<vmem>>) dst(%dma_wait3A_321 : memref<10112x64xf32, #tpu.memory_space<vmem_shared>>)
    %barrier3A_322 = arith.constant 0 : index
    tpu.barrier barrier_id(%barrier3A_322)
    %mul3A_323 = arith.constant 632 : i32
    %mul3A_324 = arith.muli %arg1, %mul3A_323 : i32
    %multiple_of3A_325 = tpu.assume_multiple %mul3A_324, 8 : i32
    "tpu.region"() ({
      %run_scoped3A_446 = tpu.sem_alloc : memref<!tpu.dma_semaphore, #tpu.memory_space<semaphore_mem>>
      %dma_start3A_447 = tpu.memref_slice %arg7[%multiple_of3A_325, %multiple_of3A] : memref<10112x256xf32, #tpu.memory_space<hbm>> -> memref<632x64xf32, #tpu.memory_space<hbm>>
      %dma_start3A_448 = arith.constant 0 : i32
      %dma_start3A_449 = tpu.memref_slice %arg17[%multiple_of3A_325, %dma_start3A_448] : memref<10112x64xf32, #tpu.memory_space<vmem_shared>> -> memref<632x64xf32, #tpu.memory_space<vmem_shared>>
      tpu.enqueue_dma source(%dma_start3A_449 : memref<632x64xf32, #tpu.memory_space<vmem_shared>>) target(%dma_start3A_447 : memref<632x64xf32, #tpu.memory_space<hbm>>) target_semaphore(%run_scoped3A_446 : memref<!tpu.dma_semaphore, #tpu.memory_space<semaphore_mem>>)
      %dma_wait3A_450 = tpu.memref_slice %arg7[%multiple_of3A_325, %multiple_of3A] : memref<10112x256xf32, #tpu.memory_space<hbm>> -> memref<632x64xf32, #tpu.memory_space<hbm>>
      %dma_wait3A_451 = arith.constant 0 : i32
      %dma_wait3A_452 = tpu.memref_slice %arg17[%multiple_of3A_325, %dma_wait3A_451] : memref<10112x64xf32, #tpu.memory_space<vmem_shared>> -> memref<632x64xf32, #tpu.memory_space<vmem_shared>>
      tpu.wait_dma2 semaphore(%run_scoped3A_446 : memref<!tpu.dma_semaphore, #tpu.memory_space<semaphore_mem>>) src(%dma_wait3A_452 : memref<632x64xf32, #tpu.memory_space<vmem_shared>>) dst(%dma_wait3A_450 : memref<632x64xf32, #tpu.memory_space<hbm>>)
      tpu.yield
    }) : () -> ()
    %mul3A_326 = arith.constant 2 : i32
    %mul3A_327 = arith.muli %mul3A_326, %arg0 : i32
    %add3A_328 = arith.constant 1 : i32
    %add3A_329 = arith.addi %mul3A_327, %add3A_328 : i32
    %mul3A_330 = arith.constant 64 : i32
    %mul3A_331 = arith.muli %add3A_329, %mul3A_330 : i32
    %multiple_of3A_332 = tpu.assume_multiple %mul3A_331, 64 : i32
    %mul3A_333 = arith.constant 2 : i32
    %mul3A_334 = arith.muli %mul3A_333, %arg0 : i32
    %add3A_335 = arith.constant 1 : i32
    %add3A_336 = arith.addi %mul3A_334, %add3A_335 : i32
    %scan3A_337 = arith.constant 0 : i32
    %scan3A_338 = arith.constant 0 : i32
    %scan3A_339 = arith.constant 79 : i32
    %scan3A_340 = arith.addi %scan3A_338, %scan3A_339 : i32
    %scan3A_341 = arith.constant 1 : i32
    scf.for %scan3A_446 = %scan3A_338 to %scan3A_340 step %scan3A_341  : i32 {
      %mul3A_447 = arith.constant 632 : i32
      %mul3A_448 = arith.muli %arg1, %mul3A_447 : i32
      %mul3A_449 = arith.constant 8 : i32
      %mul3A_450 = arith.muli %scan3A_446, %mul3A_449 : i32
      %add3A_451 = arith.addi %mul3A_448, %mul3A_450 : i32
      %multiple_of3A_452 = tpu.assume_multiple %add3A_451, 8 : i32
      %dma_start3A_453 = arith.constant 0 : i32
      %dma_start3A_454 = tpu.memref_slice %arg17[%multiple_of3A_452, %dma_start3A_453] : memref<10112x64xf32, #tpu.memory_space<vmem_shared>> -> memref<8x64xf32, #tpu.memory_space<vmem_shared>>
      %dma_start3A_455 = arith.constant 0 : i32
      %dma_start3A_456 = tpu.memref_slice %arg17[%multiple_of3A_452, %dma_start3A_455] : memref<10112x64xf32, #tpu.memory_space<vmem_shared>> -> memref<8x64xf32, #tpu.memory_space<vmem_shared>>
      tpu.enqueue_dma source(%arg15 : memref<8x64xf32, #tpu.memory_space<vmem>>) target(%dma_start3A_456 : memref<8x64xf32, #tpu.memory_space<vmem_shared>>) target_semaphore(%arg19 : memref<!tpu.dma_semaphore, #tpu.memory_space<semaphore_mem>>)
    }
    %scan3A_342 = arith.constant 79 : i32
    %scan3A_343 = arith.constant 0 : i32
    %scan3A_344 = arith.constant 0 : i32
    %scan3A_345 = arith.constant 79 : i32
    %scan3A_346 = arith.addi %scan3A_344, %scan3A_345 : i32
    %scan3A_347 = arith.constant 1 : i32
    scf.for %scan3A_446 = %scan3A_344 to %scan3A_346 step %scan3A_347  : i32 {
      %mul3A_447 = arith.constant 632 : i32
      %mul3A_448 = arith.muli %arg1, %mul3A_447 : i32
      %mul3A_449 = arith.constant 8 : i32
      %mul3A_450 = arith.muli %scan3A_446, %mul3A_449 : i32
      %add3A_451 = arith.addi %mul3A_448, %mul3A_450 : i32
      %multiple_of3A_452 = tpu.assume_multiple %add3A_451, 8 : i32
      %dma_wait3A_453 = arith.constant 0 : i32
      %dma_wait3A_454 = tpu.memref_slice %arg17[%multiple_of3A_452, %dma_wait3A_453] : memref<10112x64xf32, #tpu.memory_space<vmem_shared>> -> memref<8x64xf32, #tpu.memory_space<vmem_shared>>
      %dma_wait3A_455 = arith.constant 0 : i32
      %dma_wait3A_456 = tpu.memref_slice %arg17[%multiple_of3A_452, %dma_wait3A_455] : memref<10112x64xf32, #tpu.memory_space<vmem_shared>> -> memref<8x64xf32, #tpu.memory_space<vmem_shared>>
      tpu.wait_dma2 semaphore(%arg19 : memref<!tpu.dma_semaphore, #tpu.memory_space<semaphore_mem>>) src(%arg15 : memref<8x64xf32, #tpu.memory_space<vmem>>) dst(%dma_wait3A_456 : memref<8x64xf32, #tpu.memory_space<vmem_shared>>)
    }
    %scan3A_348 = arith.constant 79 : i32
    %barrier3A_349 = arith.constant 0 : index
    tpu.barrier barrier_id(%barrier3A_349)
    %dma_start3A_350 = arith.constant 0 : i32
    %dma_start3A_351 = arith.constant 0 : i32
    %dma_start3A_352 = arith.constant 0 : i32
    %dma_start3A_353 = arith.constant 0 : i32
    %dma_start3A_354 = tpu.memref_slice %arg14[%dma_start3A_351, %dma_start3A_352, %dma_start3A_353] : memref<2x80x64xf32, #tpu.memory_space<vmem>> -> memref<1x80x64xf32, #tpu.memory_space<vmem>>
    %dma_start3A_355 = tpu.memref_squeeze %dma_start3A_354 : memref<1x80x64xf32, #tpu.memory_space<vmem>> -> memref<80x64xf32, #tpu.memory_space<vmem>>
    %dma_start3A_356 = arith.constant 0 : i32
    %dma_start3A_357 = tpu.memref_slice %arg9[%dma_start3A_350, %dma_start3A_356] : memref<125x80xi32, #tpu.memory_space<vmem>> -> memref<1x80xi32, #tpu.memory_space<vmem>>
    %dma_start3A_358 = tpu.memref_squeeze %dma_start3A_357 : memref<1x80xi32, #tpu.memory_space<vmem>> -> memref<80xi32, #tpu.memory_space<vmem>>
    %dma_start3A_359 = arith.constant 0 : i32
    %dma_start3A_360 = arith.constant 0 : i32
    %dma_start3A_361 = tpu.memref_slice %arg2[%add3A_336, %dma_start3A_359, %dma_start3A_360] : memref<4x10112x64xf32, #tpu.memory_space<hbm>> -> memref<1x10112x64xf32, #tpu.memory_space<hbm>>
    %dma_start3A_362 = tpu.memref_squeeze %dma_start3A_361 : memref<1x10112x64xf32, #tpu.memory_space<hbm>> -> memref<10112x64xf32, #tpu.memory_space<hbm>>
    %dma_start3A_363 = arith.constant 0 : i32
    %dma_start3A_364 = arith.constant 0 : i32
    %dma_start3A_365 = tpu.memref_slice %dma_start3A_362[%dma_start3A_363, %dma_start3A_364] : memref<10112x64xf32, #tpu.memory_space<hbm>> -> memref<10112x64xf32, #tpu.memory_space<hbm>>
    tpu.enqueue_indirect_dma source(%dma_start3A_365 : memref<10112x64xf32, #tpu.memory_space<hbm>>) target(%dma_start3A_355 : memref<80x64xf32, #tpu.memory_space<vmem>>) offsets(%dma_start3A_358 : memref<80xi32, #tpu.memory_space<vmem>>) semaphore(%arg19 : memref<!tpu.dma_semaphore, #tpu.memory_space<semaphore_mem>>)
    %dma_start3A_366 = arith.constant 1 : i32
    %dma_start3A_367 = arith.constant 1 : i32
    %dma_start3A_368 = arith.constant 0 : i32
    %dma_start3A_369 = arith.constant 0 : i32
    %dma_start3A_370 = tpu.memref_slice %arg14[%dma_start3A_367, %dma_start3A_368, %dma_start3A_369] : memref<2x80x64xf32, #tpu.memory_space<vmem>> -> memref<1x80x64xf32, #tpu.memory_space<vmem>>
    %dma_start3A_371 = tpu.memref_squeeze %dma_start3A_370 : memref<1x80x64xf32, #tpu.memory_space<vmem>> -> memref<80x64xf32, #tpu.memory_space<vmem>>
    %dma_start3A_372 = arith.constant 0 : i32
    %dma_start3A_373 = tpu.memref_slice %arg9[%dma_start3A_366, %dma_start3A_372] : memref<125x80xi32, #tpu.memory_space<vmem>> -> memref<1x80xi32, #tpu.memory_space<vmem>>
    %dma_start3A_374 = tpu.memref_squeeze %dma_start3A_373 : memref<1x80xi32, #tpu.memory_space<vmem>> -> memref<80xi32, #tpu.memory_space<vmem>>
    %dma_start3A_375 = arith.constant 0 : i32
    %dma_start3A_376 = arith.constant 0 : i32
    %dma_start3A_377 = tpu.memref_slice %arg2[%add3A_336, %dma_start3A_375, %dma_start3A_376] : memref<4x10112x64xf32, #tpu.memory_space<hbm>> -> memref<1x10112x64xf32, #tpu.memory_space<hbm>>
    %dma_start3A_378 = tpu.memref_squeeze %dma_start3A_377 : memref<1x10112x64xf32, #tpu.memory_space<hbm>> -> memref<10112x64xf32, #tpu.memory_space<hbm>>
    %dma_start3A_379 = arith.constant 0 : i32
    %dma_start3A_380 = arith.constant 0 : i32
    %dma_start3A_381 = tpu.memref_slice %dma_start3A_378[%dma_start3A_379, %dma_start3A_380] : memref<10112x64xf32, #tpu.memory_space<hbm>> -> memref<10112x64xf32, #tpu.memory_space<hbm>>
    tpu.enqueue_indirect_dma source(%dma_start3A_381 : memref<10112x64xf32, #tpu.memory_space<hbm>>) target(%dma_start3A_371 : memref<80x64xf32, #tpu.memory_space<vmem>>) offsets(%dma_start3A_374 : memref<80xi32, #tpu.memory_space<vmem>>) semaphore(%arg20 : memref<!tpu.dma_semaphore, #tpu.memory_space<semaphore_mem>>)
    %scan3A_382 = arith.constant 0 : i32
    %scan3A_383 = arith.constant 0 : i32
    %scan3A_384 = arith.constant 1 : i32
    %scan3A_385 = arith.constant 0 : i32
    %scan3A_386 = arith.constant 62 : i32
    %scan3A_387 = arith.addi %scan3A_385, %scan3A_386 : i32
    %scan3A_388 = arith.constant 1 : i32
    scf.for %scan3A_446 = %scan3A_385 to %scan3A_387 step %scan3A_388  : i32 {
      %mul3A_447 = arith.constant 2 : i32
      %mul3A_448 = arith.muli %mul3A_447, %scan3A_446 : i32
      %add3A_449 = arith.constant 1 : i32
      %add3A_450 = arith.addi %mul3A_448, %add3A_449 : i32
      %dma_wait3A_451 = arith.constant 0 : i32
      %dma_wait3A_452 = arith.constant 0 : i32
      %dma_wait3A_453 = tpu.memref_slice %arg14[%scan3A_383, %dma_wait3A_451, %dma_wait3A_452] : memref<2x80x64xf32, #tpu.memory_space<vmem>> -> memref<1x80x64xf32, #tpu.memory_space<vmem>>
      %dma_wait3A_454 = tpu.memref_squeeze %dma_wait3A_453 : memref<1x80x64xf32, #tpu.memory_space<vmem>> -> memref<80x64xf32, #tpu.memory_space<vmem>>
      %dma_wait3A_455 = arith.constant 0 : i32
      %dma_wait3A_456 = tpu.memref_slice %arg9[%mul3A_448, %dma_wait3A_455] : memref<125x80xi32, #tpu.memory_space<vmem>> -> memref<1x80xi32, #tpu.memory_space<vmem>>
      %dma_wait3A_457 = tpu.memref_squeeze %dma_wait3A_456 : memref<1x80xi32, #tpu.memory_space<vmem>> -> memref<80xi32, #tpu.memory_space<vmem>>
      %dma_wait3A_458 = arith.constant 0 : i32
      %dma_wait3A_459 = arith.constant 0 : i32
      %dma_wait3A_460 = tpu.memref_slice %arg2[%add3A_336, %dma_wait3A_458, %dma_wait3A_459] : memref<4x10112x64xf32, #tpu.memory_space<hbm>> -> memref<1x10112x64xf32, #tpu.memory_space<hbm>>
      %dma_wait3A_461 = tpu.memref_squeeze %dma_wait3A_460 : memref<1x10112x64xf32, #tpu.memory_space<hbm>> -> memref<10112x64xf32, #tpu.memory_space<hbm>>
      %dma_wait3A_462 = arith.constant 0 : i32
      %dma_wait3A_463 = arith.constant 0 : i32
      %dma_wait3A_464 = tpu.memref_slice %dma_wait3A_461[%dma_wait3A_462, %dma_wait3A_463] : memref<10112x64xf32, #tpu.memory_space<hbm>> -> memref<10112x64xf32, #tpu.memory_space<hbm>>
      tpu.wait_indirect_dma semaphore(%arg19 : memref<!tpu.dma_semaphore, #tpu.memory_space<semaphore_mem>>) src(%dma_wait3A_464 : memref<10112x64xf32, #tpu.memory_space<hbm>>) dst(%dma_wait3A_454 : memref<80x64xf32, #tpu.memory_space<vmem>>)
      %broadcast_in_dim3A_465 = arith.constant 0 : i32
      %broadcast_in_dim3A_466 = vector.broadcast %broadcast_in_dim3A_465 : i32 to vector<16xi32>
      %add3A_467 = vector.broadcast %mul3A_448 : i32 to vector<16xi32>
      %add3A_468 = arith.addi %broadcast_in_dim3A_466, %add3A_467 : vector<16xi32>
      %scan3A_469 = arith.constant 0 : i32
      %scan3A_470 = arith.constant 0 : i32
      %scan3A_471 = arith.constant 20 : i32
      %scan3A_472 = arith.addi %scan3A_470, %scan3A_471 : i32
      %scan3A_473 = arith.constant 1 : i32
      scf.for %scan3A_557 = %scan3A_470 to %scan3A_472 step %scan3A_473  : i32 {
        %mul3A_558 = arith.constant 4 : i32
        %mul3A_559 = arith.muli %scan3A_557, %mul3A_558 : i32
        %broadcast_in_dim3A_560 = arith.constant 0 : i32
        %broadcast_in_dim3A_561 = vector.broadcast %broadcast_in_dim3A_560 : i32 to vector<16xi32>
        %add3A_562 = arith.constant 0 : i32
        %add3A_563 = arith.addi %mul3A_559, %add3A_562 : i32
        %add3A_564 = vector.broadcast %add3A_563 : i32 to vector<16xi32>
        %add3A_565 = arith.addi %broadcast_in_dim3A_561, %add3A_564 : vector<16xi32>
        %gather3A = tpu.vector_load_idx %arg11[%add3A_468, %add3A_565] : memref<125x80xf32, #tpu.memory_space<vmem>>[vector<16xi32>, vector<16xi32>], vector<16xf32>,
        %add3A_566 = arith.constant 0 : i32
        %add3A_567 = arith.addi %mul3A_559, %add3A_566 : i32
        %get3A_568 = arith.constant 0 : i32
        %get3A_569 = arith.constant 0 : i32
        %get3A_570 = tpu.memref_slice %arg14[%scan3A_383, %get3A_568, %get3A_569] : memref<2x80x64xf32, #tpu.memory_space<vmem>> -> memref<1x80x64xf32, #tpu.memory_space<vmem>>
        %get3A_571 = tpu.memref_squeeze %get3A_570 : memref<1x80x64xf32, #tpu.memory_space<vmem>> -> memref<80x64xf32, #tpu.memory_space<vmem>>
        %get3A_572 = arith.index_cast %add3A_567 : i32 to index
        %get3A_573 = arith.constant 0 : index
        %get3A_574 = tpu.vector_load %get3A_571[%get3A_572, %get3A_573] {strides = array<i32>} : memref<80x64xf32, #tpu.memory_space<vmem>>, vector<16xf32>,
        %mul3A_575 = arith.mulf %get3A_574, %gather3A : vector<16xf32>
        %add3A_576 = arith.constant 0 : i32
        %add3A_577 = arith.addi %mul3A_559, %add3A_576 : i32
        %swap3A_578 = arith.constant 0 : i32
        %swap3A_579 = arith.constant 0 : i32
        %swap3A_580 = tpu.memref_slice %arg14[%scan3A_383, %swap3A_578, %swap3A_579] : memref<2x80x64xf32, #tpu.memory_space<vmem>> -> memref<1x80x64xf32, #tpu.memory_space<vmem>>
        %swap3A_581 = tpu.memref_squeeze %swap3A_580 : memref<1x80x64xf32, #tpu.memory_space<vmem>> -> memref<80x64xf32, #tpu.memory_space<vmem>>
        %swap3A_582 = arith.index_cast %add3A_577 : i32 to index
        %swap3A_583 = arith.constant 0 : index
        %swap3A_584 = tpu.vector_load %swap3A_581[%swap3A_582, %swap3A_583] {strides = array<i32>} : memref<80x64xf32, #tpu.memory_space<vmem>>, vector<16xf32>,
        tpu.vector_store %swap3A_581[%swap3A_582, %swap3A_583], %mul3A_575 {strides = array<i32>} : memref<80x64xf32, #tpu.memory_space<vmem>>, vector<16xf32>,
        %add3A_585 = arith.constant 0 : i32
        %add3A_586 = arith.addi %mul3A_559, %add3A_585 : i32
        %get3A_587 = arith.constant 0 : i32
        %get3A_588 = arith.constant 0 : i32
        %get3A_589 = tpu.memref_slice %arg14[%scan3A_383, %get3A_587, %get3A_588] : memref<2x80x64xf32, #tpu.memory_space<vmem>> -> memref<1x80x64xf32, #tpu.memory_space<vmem>>
        %get3A_590 = tpu.memref_squeeze %get3A_589 : memref<1x80x64xf32, #tpu.memory_space<vmem>> -> memref<80x64xf32, #tpu.memory_space<vmem>>
        %get3A_591 = arith.index_cast %add3A_586 : i32 to index
        %get3A_592 = arith.constant 16 : index
        %get3A_593 = tpu.vector_load %get3A_590[%get3A_591, %get3A_592] {strides = array<i32>} : memref<80x64xf32, #tpu.memory_space<vmem>>, vector<16xf32>,
        %mul3A_594 = arith.mulf %get3A_593, %gather3A : vector<16xf32>
        %add3A_595 = arith.constant 0 : i32
        %add3A_596 = arith.addi %mul3A_559, %add3A_595 : i32
        %swap3A_597 = arith.constant 0 : i32
        %swap3A_598 = arith.constant 0 : i32
        %swap3A_599 = tpu.memref_slice %arg14[%scan3A_383, %swap3A_597, %swap3A_598] : memref<2x80x64xf32, #tpu.memory_space<vmem>> -> memref<1x80x64xf32, #tpu.memory_space<vmem>>
        %swap3A_600 = tpu.memref_squeeze %swap3A_599 : memref<1x80x64xf32, #tpu.memory_space<vmem>> -> memref<80x64xf32, #tpu.memory_space<vmem>>
        %swap3A_601 = arith.index_cast %add3A_596 : i32 to index
        %swap3A_602 = arith.constant 16 : index
        %swap3A_603 = tpu.vector_load %swap3A_600[%swap3A_601, %swap3A_602] {strides = array<i32>} : memref<80x64xf32, #tpu.memory_space<vmem>>, vector<16xf32>,
        tpu.vector_store %swap3A_600[%swap3A_601, %swap3A_602], %mul3A_594 {strides = array<i32>} : memref<80x64xf32, #tpu.memory_space<vmem>>, vector<16xf32>,
        %add3A_604 = arith.constant 0 : i32
        %add3A_605 = arith.addi %mul3A_559, %add3A_604 : i32
        %get3A_606 = arith.constant 0 : i32
        %get3A_607 = arith.constant 0 : i32
        %get3A_608 = tpu.memref_slice %arg14[%scan3A_383, %get3A_606, %get3A_607] : memref<2x80x64xf32, #tpu.memory_space<vmem>> -> memref<1x80x64xf32, #tpu.memory_space<vmem>>
        %get3A_609 = tpu.memref_squeeze %get3A_608 : memref<1x80x64xf32, #tpu.memory_space<vmem>> -> memref<80x64xf32, #tpu.memory_space<vmem>>
        %get3A_610 = arith.index_cast %add3A_605 : i32 to index
        %get3A_611 = arith.constant 32 : index
        %get3A_612 = tpu.vector_load %get3A_609[%get3A_610, %get3A_611] {strides = array<i32>} : memref<80x64xf32, #tpu.memory_space<vmem>>, vector<16xf32>,
        %mul3A_613 = arith.mulf %get3A_612, %gather3A : vector<16xf32>
        %add3A_614 = arith.constant 0 : i32
        %add3A_615 = arith.addi %mul3A_559, %add3A_614 : i32
        %swap3A_616 = arith.constant 0 : i32
        %swap3A_617 = arith.constant 0 : i32
        %swap3A_618 = tpu.memref_slice %arg14[%scan3A_383, %swap3A_616, %swap3A_617] : memref<2x80x64xf32, #tpu.memory_space<vmem>> -> memref<1x80x64xf32, #tpu.memory_space<vmem>>
        %swap3A_619 = tpu.memref_squeeze %swap3A_618 : memref<1x80x64xf32, #tpu.memory_space<vmem>> -> memref<80x64xf32, #tpu.memory_space<vmem>>
        %swap3A_620 = arith.index_cast %add3A_615 : i32 to index
        %swap3A_621 = arith.constant 32 : index
        %swap3A_622 = tpu.vector_load %swap3A_619[%swap3A_620, %swap3A_621] {strides = array<i32>} : memref<80x64xf32, #tpu.memory_space<vmem>>, vector<16xf32>,
        tpu.vector_store %swap3A_619[%swap3A_620, %swap3A_621], %mul3A_613 {strides = array<i32>} : memref<80x64xf32, #tpu.memory_space<vmem>>, vector<16xf32>,
        %add3A_623 = arith.constant 0 : i32
        %add3A_624 = arith.addi %mul3A_559, %add3A_623 : i32
        %get3A_625 = arith.constant 0 : i32
        %get3A_626 = arith.constant 0 : i32
        %get3A_627 = tpu.memref_slice %arg14[%scan3A_383, %get3A_625, %get3A_626] : memref<2x80x64xf32, #tpu.memory_space<vmem>> -> memref<1x80x64xf32, #tpu.memory_space<vmem>>
        %get3A_628 = tpu.memref_squeeze %get3A_627 : memref<1x80x64xf32, #tpu.memory_space<vmem>> -> memref<80x64xf32, #tpu.memory_space<vmem>>
        %get3A_629 = arith.index_cast %add3A_624 : i32 to index
        %get3A_630 = arith.constant 48 : index
        %get3A_631 = tpu.vector_load %get3A_628[%get3A_629, %get3A_630] {strides = array<i32>} : memref<80x64xf32, #tpu.memory_space<vmem>>, vector<16xf32>,
        %mul3A_632 = arith.mulf %get3A_631, %gather3A : vector<16xf32>
        %add3A_633 = arith.constant 0 : i32
        %add3A_634 = arith.addi %mul3A_559, %add3A_633 : i32
        %swap3A_635 = arith.constant 0 : i32
        %swap3A_636 = arith.constant 0 : i32
        %swap3A_637 = tpu.memref_slice %arg14[%scan3A_383, %swap3A_635, %swap3A_636] : memref<2x80x64xf32, #tpu.memory_space<vmem>> -> memref<1x80x64xf32, #tpu.memory_space<vmem>>
        %swap3A_638 = tpu.memref_squeeze %swap3A_637 : memref<1x80x64xf32, #tpu.memory_space<vmem>> -> memref<80x64xf32, #tpu.memory_space<vmem>>
        %swap3A_639 = arith.index_cast %add3A_634 : i32 to index
        %swap3A_640 = arith.constant 48 : index
        %swap3A_641 = tpu.vector_load %swap3A_638[%swap3A_639, %swap3A_640] {strides = array<i32>} : memref<80x64xf32, #tpu.memory_space<vmem>>, vector<16xf32>,
        tpu.vector_store %swap3A_638[%swap3A_639, %swap3A_640], %mul3A_632 {strides = array<i32>} : memref<80x64xf32, #tpu.memory_space<vmem>>, vector<16xf32>,
        %broadcast_in_dim3A_642 = arith.constant 0 : i32
        %broadcast_in_dim3A_643 = vector.broadcast %broadcast_in_dim3A_642 : i32 to vector<16xi32>
        %add3A_644 = arith.constant 1 : i32
        %add3A_645 = arith.addi %mul3A_559, %add3A_644 : i32
        %add3A_646 = vector.broadcast %add3A_645 : i32 to vector<16xi32>
        %add3A_647 = arith.addi %broadcast_in_dim3A_643, %add3A_646 : vector<16xi32>
        %gather3A_648 = tpu.vector_load_idx %arg11[%add3A_468, %add3A_647] : memref<125x80xf32, #tpu.memory_space<vmem>>[vector<16xi32>, vector<16xi32>], vector<16xf32>,
        %add3A_649 = arith.constant 1 : i32
        %add3A_650 = arith.addi %mul3A_559, %add3A_649 : i32
        %get3A_651 = arith.constant 0 : i32
        %get3A_652 = arith.constant 0 : i32
        %get3A_653 = tpu.memref_slice %arg14[%scan3A_383, %get3A_651, %get3A_652] : memref<2x80x64xf32, #tpu.memory_space<vmem>> -> memref<1x80x64xf32, #tpu.memory_space<vmem>>
        %get3A_654 = tpu.memref_squeeze %get3A_653 : memref<1x80x64xf32, #tpu.memory_space<vmem>> -> memref<80x64xf32, #tpu.memory_space<vmem>>
        %get3A_655 = arith.index_cast %add3A_650 : i32 to index
        %get3A_656 = arith.constant 0 : index
        %get3A_657 = tpu.vector_load %get3A_654[%get3A_655, %get3A_656] {strides = array<i32>} : memref<80x64xf32, #tpu.memory_space<vmem>>, vector<16xf32>,
        %mul3A_658 = arith.mulf %get3A_657, %gather3A_648 : vector<16xf32>
        %add3A_659 = arith.constant 1 : i32
        %add3A_660 = arith.addi %mul3A_559, %add3A_659 : i32
        %swap3A_661 = arith.constant 0 : i32
        %swap3A_662 = arith.constant 0 : i32
        %swap3A_663 = tpu.memref_slice %arg14[%scan3A_383, %swap3A_661, %swap3A_662] : memref<2x80x64xf32, #tpu.memory_space<vmem>> -> memref<1x80x64xf32, #tpu.memory_space<vmem>>
        %swap3A_664 = tpu.memref_squeeze %swap3A_663 : memref<1x80x64xf32, #tpu.memory_space<vmem>> -> memref<80x64xf32, #tpu.memory_space<vmem>>
        %swap3A_665 = arith.index_cast %add3A_660 : i32 to index
        %swap3A_666 = arith.constant 0 : index
        %swap3A_667 = tpu.vector_load %swap3A_664[%swap3A_665, %swap3A_666] {strides = array<i32>} : memref<80x64xf32, #tpu.memory_space<vmem>>, vector<16xf32>,
        tpu.vector_store %swap3A_664[%swap3A_665, %swap3A_666], %mul3A_658 {strides = array<i32>} : memref<80x64xf32, #tpu.memory_space<vmem>>, vector<16xf32>,
        %add3A_668 = arith.constant 1 : i32
        %add3A_669 = arith.addi %mul3A_559, %add3A_668 : i32
        %get3A_670 = arith.constant 0 : i32
        %get3A_671 = arith.constant 0 : i32
        %get3A_672 = tpu.memref_slice %arg14[%scan3A_383, %get3A_670, %get3A_671] : memref<2x80x64xf32, #tpu.memory_space<vmem>> -> memref<1x80x64xf32, #tpu.memory_space<vmem>>
        %get3A_673 = tpu.memref_squeeze %get3A_672 : memref<1x80x64xf32, #tpu.memory_space<vmem>> -> memref<80x64xf32, #tpu.memory_space<vmem>>
        %get3A_674 = arith.index_cast %add3A_669 : i32 to index
        %get3A_675 = arith.constant 16 : index
        %get3A_676 = tpu.vector_load %get3A_673[%get3A_674, %get3A_675] {strides = array<i32>} : memref<80x64xf32, #tpu.memory_space<vmem>>, vector<16xf32>,
        %mul3A_677 = arith.mulf %get3A_676, %gather3A_648 : vector<16xf32>
        %add3A_678 = arith.constant 1 : i32
        %add3A_679 = arith.addi %mul3A_559, %add3A_678 : i32
        %swap3A_680 = arith.constant 0 : i32
        %swap3A_681 = arith.constant 0 : i32
        %swap3A_682 = tpu.memref_slice %arg14[%scan3A_383, %swap3A_680, %swap3A_681] : memref<2x80x64xf32, #tpu.memory_space<vmem>> -> memref<1x80x64xf32, #tpu.memory_space<vmem>>
        %swap3A_683 = tpu.memref_squeeze %swap3A_682 : memref<1x80x64xf32, #tpu.memory_space<vmem>> -> memref<80x64xf32, #tpu.memory_space<vmem>>
        %swap3A_684 = arith.index_cast %add3A_679 : i32 to index
        %swap3A_685 = arith.constant 16 : index
        %swap3A_686 = tpu.vector_load %swap3A_683[%swap3A_684, %swap3A_685] {strides = array<i32>} : memref<80x64xf32, #tpu.memory_space<vmem>>, vector<16xf32>,
        tpu.vector_store %swap3A_683[%swap3A_684, %swap3A_685], %mul3A_677 {strides = array<i32>} : memref<80x64xf32, #tpu.memory_space<vmem>>, vector<16xf32>,
        %add3A_687 = arith.constant 1 : i32
        %add3A_688 = arith.addi %mul3A_559, %add3A_687 : i32
        %get3A_689 = arith.constant 0 : i32
        %get3A_690 = arith.constant 0 : i32
        %get3A_691 = tpu.memref_slice %arg14[%scan3A_383, %get3A_689, %get3A_690] : memref<2x80x64xf32, #tpu.memory_space<vmem>> -> memref<1x80x64xf32, #tpu.memory_space<vmem>>
        %get3A_692 = tpu.memref_squeeze %get3A_691 : memref<1x80x64xf32, #tpu.memory_space<vmem>> -> memref<80x64xf32, #tpu.memory_space<vmem>>
        %get3A_693 = arith.index_cast %add3A_688 : i32 to index
        %get3A_694 = arith.constant 32 : index
        %get3A_695 = tpu.vector_load %get3A_692[%get3A_693, %get3A_694] {strides = array<i32>} : memref<80x64xf32, #tpu.memory_space<vmem>>, vector<16xf32>,
        %mul3A_696 = arith.mulf %get3A_695, %gather3A_648 : vector<16xf32>
        %add3A_697 = arith.constant 1 : i32
        %add3A_698 = arith.addi %mul3A_559, %add3A_697 : i32
        %swap3A_699 = arith.constant 0 : i32
        %swap3A_700 = arith.constant 0 : i32
        %swap3A_701 = tpu.memref_slice %arg14[%scan3A_383, %swap3A_699, %swap3A_700] : memref<2x80x64xf32, #tpu.memory_space<vmem>> -> memref<1x80x64xf32, #tpu.memory_space<vmem>>
        %swap3A_702 = tpu.memref_squeeze %swap3A_701 : memref<1x80x64xf32, #tpu.memory_space<vmem>> -> memref<80x64xf32, #tpu.memory_space<vmem>>
        %swap3A_703 = arith.index_cast %add3A_698 : i32 to index
        %swap3A_704 = arith.constant 32 : index
        %swap3A_705 = tpu.vector_load %swap3A_702[%swap3A_703, %swap3A_704] {strides = array<i32>} : memref<80x64xf32, #tpu.memory_space<vmem>>, vector<16xf32>,
        tpu.vector_store %swap3A_702[%swap3A_703, %swap3A_704], %mul3A_696 {strides = array<i32>} : memref<80x64xf32, #tpu.memory_space<vmem>>, vector<16xf32>,
        %add3A_706 = arith.constant 1 : i32
        %add3A_707 = arith.addi %mul3A_559, %add3A_706 : i32
        %get3A_708 = arith.constant 0 : i32
        %get3A_709 = arith.constant 0 : i32
        %get3A_710 = tpu.memref_slice %arg14[%scan3A_383, %get3A_708, %get3A_709] : memref<2x80x64xf32, #tpu.memory_space<vmem>> -> memref<1x80x64xf32, #tpu.memory_space<vmem>>
        %get3A_711 = tpu.memref_squeeze %get3A_710 : memref<1x80x64xf32, #tpu.memory_space<vmem>> -> memref<80x64xf32, #tpu.memory_space<vmem>>
        %get3A_712 = arith.index_cast %add3A_707 : i32 to index
        %get3A_713 = arith.constant 48 : index
        %get3A_714 = tpu.vector_load %get3A_711[%get3A_712, %get3A_713] {strides = array<i32>} : memref<80x64xf32, #tpu.memory_space<vmem>>, vector<16xf32>,
        %mul3A_715 = arith.mulf %get3A_714, %gather3A_648 : vector<16xf32>
        %add3A_716 = arith.constant 1 : i32
        %add3A_717 = arith.addi %mul3A_559, %add3A_716 : i32
        %swap3A_718 = arith.constant 0 : i32
        %swap3A_719 = arith.constant 0 : i32
        %swap3A_720 = tpu.memref_slice %arg14[%scan3A_383, %swap3A_718, %swap3A_719] : memref<2x80x64xf32, #tpu.memory_space<vmem>> -> memref<1x80x64xf32, #tpu.memory_space<vmem>>
        %swap3A_721 = tpu.memref_squeeze %swap3A_720 : memref<1x80x64xf32, #tpu.memory_space<vmem>> -> memref<80x64xf32, #tpu.memory_space<vmem>>
        %swap3A_722 = arith.index_cast %add3A_717 : i32 to index
        %swap3A_723 = arith.constant 48 : index
        %swap3A_724 = tpu.vector_load %swap3A_721[%swap3A_722, %swap3A_723] {strides = array<i32>} : memref<80x64xf32, #tpu.memory_space<vmem>>, vector<16xf32>,
        tpu.vector_store %swap3A_721[%swap3A_722, %swap3A_723], %mul3A_715 {strides = array<i32>} : memref<80x64xf32, #tpu.memory_space<vmem>>, vector<16xf32>,
        %broadcast_in_dim3A_725 = arith.constant 0 : i32
        %broadcast_in_dim3A_726 = vector.broadcast %broadcast_in_dim3A_725 : i32 to vector<16xi32>
        %add3A_727 = arith.constant 2 : i32
        %add3A_728 = arith.addi %mul3A_559, %add3A_727 : i32
        %add3A_729 = vector.broadcast %add3A_728 : i32 to vector<16xi32>
        %add3A_730 = arith.addi %broadcast_in_dim3A_726, %add3A_729 : vector<16xi32>
        %gather3A_731 = tpu.vector_load_idx %arg11[%add3A_468, %add3A_730] : memref<125x80xf32, #tpu.memory_space<vmem>>[vector<16xi32>, vector<16xi32>], vector<16xf32>,
        %add3A_732 = arith.constant 2 : i32
        %add3A_733 = arith.addi %mul3A_559, %add3A_732 : i32
        %get3A_734 = arith.constant 0 : i32
        %get3A_735 = arith.constant 0 : i32
        %get3A_736 = tpu.memref_slice %arg14[%scan3A_383, %get3A_734, %get3A_735] : memref<2x80x64xf32, #tpu.memory_space<vmem>> -> memref<1x80x64xf32, #tpu.memory_space<vmem>>
        %get3A_737 = tpu.memref_squeeze %get3A_736 : memref<1x80x64xf32, #tpu.memory_space<vmem>> -> memref<80x64xf32, #tpu.memory_space<vmem>>
        %get3A_738 = arith.index_cast %add3A_733 : i32 to index
        %get3A_739 = arith.constant 0 : index
        %get3A_740 = tpu.vector_load %get3A_737[%get3A_738, %get3A_739] {strides = array<i32>} : memref<80x64xf32, #tpu.memory_space<vmem>>, vector<16xf32>,
        %mul3A_741 = arith.mulf %get3A_740, %gather3A_731 : vector<16xf32>
        %add3A_742 = arith.constant 2 : i32
        %add3A_743 = arith.addi %mul3A_559, %add3A_742 : i32
        %swap3A_744 = arith.constant 0 : i32
        %swap3A_745 = arith.constant 0 : i32
        %swap3A_746 = tpu.memref_slice %arg14[%scan3A_383, %swap3A_744, %swap3A_745] : memref<2x80x64xf32, #tpu.memory_space<vmem>> -> memref<1x80x64xf32, #tpu.memory_space<vmem>>
        %swap3A_747 = tpu.memref_squeeze %swap3A_746 : memref<1x80x64xf32, #tpu.memory_space<vmem>> -> memref<80x64xf32, #tpu.memory_space<vmem>>
        %swap3A_748 = arith.index_cast %add3A_743 : i32 to index
        %swap3A_749 = arith.constant 0 : index
        %swap3A_750 = tpu.vector_load %swap3A_747[%swap3A_748, %swap3A_749] {strides = array<i32>} : memref<80x64xf32, #tpu.memory_space<vmem>>, vector<16xf32>,
        tpu.vector_store %swap3A_747[%swap3A_748, %swap3A_749], %mul3A_741 {strides = array<i32>} : memref<80x64xf32, #tpu.memory_space<vmem>>, vector<16xf32>,
        %add3A_751 = arith.constant 2 : i32
        %add3A_752 = arith.addi %mul3A_559, %add3A_751 : i32
        %get3A_753 = arith.constant 0 : i32
        %get3A_754 = arith.constant 0 : i32
        %get3A_755 = tpu.memref_slice %arg14[%scan3A_383, %get3A_753, %get3A_754] : memref<2x80x64xf32, #tpu.memory_space<vmem>> -> memref<1x80x64xf32, #tpu.memory_space<vmem>>
        %get3A_756 = tpu.memref_squeeze %get3A_755 : memref<1x80x64xf32, #tpu.memory_space<vmem>> -> memref<80x64xf32, #tpu.memory_space<vmem>>
        %get3A_757 = arith.index_cast %add3A_752 : i32 to index
        %get3A_758 = arith.constant 16 : index
        %get3A_759 = tpu.vector_load %get3A_756[%get3A_757, %get3A_758] {strides = array<i32>} : memref<80x64xf32, #tpu.memory_space<vmem>>, vector<16xf32>,
        %mul3A_760 = arith.mulf %get3A_759, %gather3A_731 : vector<16xf32>
        %add3A_761 = arith.constant 2 : i32
        %add3A_762 = arith.addi %mul3A_559, %add3A_761 : i32
        %swap3A_763 = arith.constant 0 : i32
        %swap3A_764 = arith.constant 0 : i32
        %swap3A_765 = tpu.memref_slice %arg14[%scan3A_383, %swap3A_763, %swap3A_764] : memref<2x80x64xf32, #tpu.memory_space<vmem>> -> memref<1x80x64xf32, #tpu.memory_space<vmem>>
        %swap3A_766 = tpu.memref_squeeze %swap3A_765 : memref<1x80x64xf32, #tpu.memory_space<vmem>> -> memref<80x64xf32, #tpu.memory_space<vmem>>
        %swap3A_767 = arith.index_cast %add3A_762 : i32 to index
        %swap3A_768 = arith.constant 16 : index
        %swap3A_769 = tpu.vector_load %swap3A_766[%swap3A_767, %swap3A_768] {strides = array<i32>} : memref<80x64xf32, #tpu.memory_space<vmem>>, vector<16xf32>,
        tpu.vector_store %swap3A_766[%swap3A_767, %swap3A_768], %mul3A_760 {strides = array<i32>} : memref<80x64xf32, #tpu.memory_space<vmem>>, vector<16xf32>,
        %add3A_770 = arith.constant 2 : i32
        %add3A_771 = arith.addi %mul3A_559, %add3A_770 : i32
        %get3A_772 = arith.constant 0 : i32
        %get3A_773 = arith.constant 0 : i32
        %get3A_774 = tpu.memref_slice %arg14[%scan3A_383, %get3A_772, %get3A_773] : memref<2x80x64xf32, #tpu.memory_space<vmem>> -> memref<1x80x64xf32, #tpu.memory_space<vmem>>
        %get3A_775 = tpu.memref_squeeze %get3A_774 : memref<1x80x64xf32, #tpu.memory_space<vmem>> -> memref<80x64xf32, #tpu.memory_space<vmem>>
        %get3A_776 = arith.index_cast %add3A_771 : i32 to index
        %get3A_777 = arith.constant 32 : index
        %get3A_778 = tpu.vector_load %get3A_775[%get3A_776, %get3A_777] {strides = array<i32>} : memref<80x64xf32, #tpu.memory_space<vmem>>, vector<16xf32>,
        %mul3A_779 = arith.mulf %get3A_778, %gather3A_731 : vector<16xf32>
        %add3A_780 = arith.constant 2 : i32
        %add3A_781 = arith.addi %mul3A_559, %add3A_780 : i32
        %swap3A_782 = arith.constant 0 : i32
        %swap3A_783 = arith.constant 0 : i32
        %swap3A_784 = tpu.memref_slice %arg14[%scan3A_383, %swap3A_782, %swap3A_783] : memref<2x80x64xf32, #tpu.memory_space<vmem>> -> memref<1x80x64xf32, #tpu.memory_space<vmem>>
        %swap3A_785 = tpu.memref_squeeze %swap3A_784 : memref<1x80x64xf32, #tpu.memory_space<vmem>> -> memref<80x64xf32, #tpu.memory_space<vmem>>
        %swap3A_786 = arith.index_cast %add3A_781 : i32 to index
        %swap3A_787 = arith.constant 32 : index
        %swap3A_788 = tpu.vector_load %swap3A_785[%swap3A_786, %swap3A_787] {strides = array<i32>} : memref<80x64xf32, #tpu.memory_space<vmem>>, vector<16xf32>,
        tpu.vector_store %swap3A_785[%swap3A_786, %swap3A_787], %mul3A_779 {strides = array<i32>} : memref<80x64xf32, #tpu.memory_space<vmem>>, vector<16xf32>,
        %add3A_789 = arith.constant 2 : i32
        %add3A_790 = arith.addi %mul3A_559, %add3A_789 : i32
        %get3A_791 = arith.constant 0 : i32
        %get3A_792 = arith.constant 0 : i32
        %get3A_793 = tpu.memref_slice %arg14[%scan3A_383, %get3A_791, %get3A_792] : memref<2x80x64xf32, #tpu.memory_space<vmem>> -> memref<1x80x64xf32, #tpu.memory_space<vmem>>
        %get3A_794 = tpu.memref_squeeze %get3A_793 : memref<1x80x64xf32, #tpu.memory_space<vmem>> -> memref<80x64xf32, #tpu.memory_space<vmem>>
        %get3A_795 = arith.index_cast %add3A_790 : i32 to index
        %get3A_796 = arith.constant 48 : index
        %get3A_797 = tpu.vector_load %get3A_794[%get3A_795, %get3A_796] {strides = array<i32>} : memref<80x64xf32, #tpu.memory_space<vmem>>, vector<16xf32>,
        %mul3A_798 = arith.mulf %get3A_797, %gather3A_731 : vector<16xf32>
        %add3A_799 = arith.constant 2 : i32
        %add3A_800 = arith.addi %mul3A_559, %add3A_799 : i32
        %swap3A_801 = arith.constant 0 : i32
        %swap3A_802 = arith.constant 0 : i32
        %swap3A_803 = tpu.memref_slice %arg14[%scan3A_383, %swap3A_801, %swap3A_802] : memref<2x80x64xf32, #tpu.memory_space<vmem>> -> memref<1x80x64xf32, #tpu.memory_space<vmem>>
        %swap3A_804 = tpu.memref_squeeze %swap3A_803 : memref<1x80x64xf32, #tpu.memory_space<vmem>> -> memref<80x64xf32, #tpu.memory_space<vmem>>
        %swap3A_805 = arith.index_cast %add3A_800 : i32 to index
        %swap3A_806 = arith.constant 48 : index
        %swap3A_807 = tpu.vector_load %swap3A_804[%swap3A_805, %swap3A_806] {strides = array<i32>} : memref<80x64xf32, #tpu.memory_space<vmem>>, vector<16xf32>,
        tpu.vector_store %swap3A_804[%swap3A_805, %swap3A_806], %mul3A_798 {strides = array<i32>} : memref<80x64xf32, #tpu.memory_space<vmem>>, vector<16xf32>,
        %broadcast_in_dim3A_808 = arith.constant 0 : i32
        %broadcast_in_dim3A_809 = vector.broadcast %broadcast_in_dim3A_808 : i32 to vector<16xi32>
        %add3A_810 = arith.constant 3 : i32
        %add3A_811 = arith.addi %mul3A_559, %add3A_810 : i32
        %add3A_812 = vector.broadcast %add3A_811 : i32 to vector<16xi32>
        %add3A_813 = arith.addi %broadcast_in_dim3A_809, %add3A_812 : vector<16xi32>
        %gather3A_814 = tpu.vector_load_idx %arg11[%add3A_468, %add3A_813] : memref<125x80xf32, #tpu.memory_space<vmem>>[vector<16xi32>, vector<16xi32>], vector<16xf32>,
        %add3A_815 = arith.constant 3 : i32
        %add3A_816 = arith.addi %mul3A_559, %add3A_815 : i32
        %get3A_817 = arith.constant 0 : i32
        %get3A_818 = arith.constant 0 : i32
        %get3A_819 = tpu.memref_slice %arg14[%scan3A_383, %get3A_817, %get3A_818] : memref<2x80x64xf32, #tpu.memory_space<vmem>> -> memref<1x80x64xf32, #tpu.memory_space<vmem>>
        %get3A_820 = tpu.memref_squeeze %get3A_819 : memref<1x80x64xf32, #tpu.memory_space<vmem>> -> memref<80x64xf32, #tpu.memory_space<vmem>>
        %get3A_821 = arith.index_cast %add3A_816 : i32 to index
        %get3A_822 = arith.constant 0 : index
        %get3A_823 = tpu.vector_load %get3A_820[%get3A_821, %get3A_822] {strides = array<i32>} : memref<80x64xf32, #tpu.memory_space<vmem>>, vector<16xf32>,
        %mul3A_824 = arith.mulf %get3A_823, %gather3A_814 : vector<16xf32>
        %add3A_825 = arith.constant 3 : i32
        %add3A_826 = arith.addi %mul3A_559, %add3A_825 : i32
        %swap3A_827 = arith.constant 0 : i32
        %swap3A_828 = arith.constant 0 : i32
        %swap3A_829 = tpu.memref_slice %arg14[%scan3A_383, %swap3A_827, %swap3A_828] : memref<2x80x64xf32, #tpu.memory_space<vmem>> -> memref<1x80x64xf32, #tpu.memory_space<vmem>>
        %swap3A_830 = tpu.memref_squeeze %swap3A_829 : memref<1x80x64xf32, #tpu.memory_space<vmem>> -> memref<80x64xf32, #tpu.memory_space<vmem>>
        %swap3A_831 = arith.index_cast %add3A_826 : i32 to index
        %swap3A_832 = arith.constant 0 : index
        %swap3A_833 = tpu.vector_load %swap3A_830[%swap3A_831, %swap3A_832] {strides = array<i32>} : memref<80x64xf32, #tpu.memory_space<vmem>>, vector<16xf32>,
        tpu.vector_store %swap3A_830[%swap3A_831, %swap3A_832], %mul3A_824 {strides = array<i32>} : memref<80x64xf32, #tpu.memory_space<vmem>>, vector<16xf32>,
        %add3A_834 = arith.constant 3 : i32
        %add3A_835 = arith.addi %mul3A_559, %add3A_834 : i32
        %get3A_836 = arith.constant 0 : i32
        %get3A_837 = arith.constant 0 : i32
        %get3A_838 = tpu.memref_slice %arg14[%scan3A_383, %get3A_836, %get3A_837] : memref<2x80x64xf32, #tpu.memory_space<vmem>> -> memref<1x80x64xf32, #tpu.memory_space<vmem>>
        %get3A_839 = tpu.memref_squeeze %get3A_838 : memref<1x80x64xf32, #tpu.memory_space<vmem>> -> memref<80x64xf32, #tpu.memory_space<vmem>>
        %get3A_840 = arith.index_cast %add3A_835 : i32 to index
        %get3A_841 = arith.constant 16 : index
        %get3A_842 = tpu.vector_load %get3A_839[%get3A_840, %get3A_841] {strides = array<i32>} : memref<80x64xf32, #tpu.memory_space<vmem>>, vector<16xf32>,
        %mul3A_843 = arith.mulf %get3A_842, %gather3A_814 : vector<16xf32>
        %add3A_844 = arith.constant 3 : i32
        %add3A_845 = arith.addi %mul3A_559, %add3A_844 : i32
        %swap3A_846 = arith.constant 0 : i32
        %swap3A_847 = arith.constant 0 : i32
        %swap3A_848 = tpu.memref_slice %arg14[%scan3A_383, %swap3A_846, %swap3A_847] : memref<2x80x64xf32, #tpu.memory_space<vmem>> -> memref<1x80x64xf32, #tpu.memory_space<vmem>>
        %swap3A_849 = tpu.memref_squeeze %swap3A_848 : memref<1x80x64xf32, #tpu.memory_space<vmem>> -> memref<80x64xf32, #tpu.memory_space<vmem>>
        %swap3A_850 = arith.index_cast %add3A_845 : i32 to index
        %swap3A_851 = arith.constant 16 : index
        %swap3A_852 = tpu.vector_load %swap3A_849[%swap3A_850, %swap3A_851] {strides = array<i32>} : memref<80x64xf32, #tpu.memory_space<vmem>>, vector<16xf32>,
        tpu.vector_store %swap3A_849[%swap3A_850, %swap3A_851], %mul3A_843 {strides = array<i32>} : memref<80x64xf32, #tpu.memory_space<vmem>>, vector<16xf32>,
        %add3A_853 = arith.constant 3 : i32
        %add3A_854 = arith.addi %mul3A_559, %add3A_853 : i32
        %get3A_855 = arith.constant 0 : i32
        %get3A_856 = arith.constant 0 : i32
        %get3A_857 = tpu.memref_slice %arg14[%scan3A_383, %get3A_855, %get3A_856] : memref<2x80x64xf32, #tpu.memory_space<vmem>> -> memref<1x80x64xf32, #tpu.memory_space<vmem>>
        %get3A_858 = tpu.memref_squeeze %get3A_857 : memref<1x80x64xf32, #tpu.memory_space<vmem>> -> memref<80x64xf32, #tpu.memory_space<vmem>>
        %get3A_859 = arith.index_cast %add3A_854 : i32 to index
        %get3A_860 = arith.constant 32 : index
        %get3A_861 = tpu.vector_load %get3A_858[%get3A_859, %get3A_860] {strides = array<i32>} : memref<80x64xf32, #tpu.memory_space<vmem>>, vector<16xf32>,
        %mul3A_862 = arith.mulf %get3A_861, %gather3A_814 : vector<16xf32>
        %add3A_863 = arith.constant 3 : i32
        %add3A_864 = arith.addi %mul3A_559, %add3A_863 : i32
        %swap3A_865 = arith.constant 0 : i32
        %swap3A_866 = arith.constant 0 : i32
        %swap3A_867 = tpu.memref_slice %arg14[%scan3A_383, %swap3A_865, %swap3A_866] : memref<2x80x64xf32, #tpu.memory_space<vmem>> -> memref<1x80x64xf32, #tpu.memory_space<vmem>>
        %swap3A_868 = tpu.memref_squeeze %swap3A_867 : memref<1x80x64xf32, #tpu.memory_space<vmem>> -> memref<80x64xf32, #tpu.memory_space<vmem>>
        %swap3A_869 = arith.index_cast %add3A_864 : i32 to index
        %swap3A_870 = arith.constant 32 : index
        %swap3A_871 = tpu.vector_load %swap3A_868[%swap3A_869, %swap3A_870] {strides = array<i32>} : memref<80x64xf32, #tpu.memory_space<vmem>>, vector<16xf32>,
        tpu.vector_store %swap3A_868[%swap3A_869, %swap3A_870], %mul3A_862 {strides = array<i32>} : memref<80x64xf32, #tpu.memory_space<vmem>>, vector<16xf32>,
        %add3A_872 = arith.constant 3 : i32
        %add3A_873 = arith.addi %mul3A_559, %add3A_872 : i32
        %get3A_874 = arith.constant 0 : i32
        %get3A_875 = arith.constant 0 : i32
        %get3A_876 = tpu.memref_slice %arg14[%scan3A_383, %get3A_874, %get3A_875] : memref<2x80x64xf32, #tpu.memory_space<vmem>> -> memref<1x80x64xf32, #tpu.memory_space<vmem>>
        %get3A_877 = tpu.memref_squeeze %get3A_876 : memref<1x80x64xf32, #tpu.memory_space<vmem>> -> memref<80x64xf32, #tpu.memory_space<vmem>>
        %get3A_878 = arith.index_cast %add3A_873 : i32 to index
        %get3A_879 = arith.constant 48 : index
        %get3A_880 = tpu.vector_load %get3A_877[%get3A_878, %get3A_879] {strides = array<i32>} : memref<80x64xf32, #tpu.memory_space<vmem>>, vector<16xf32>,
        %mul3A_881 = arith.mulf %get3A_880, %gather3A_814 : vector<16xf32>
        %add3A_882 = arith.constant 3 : i32
        %add3A_883 = arith.addi %mul3A_559, %add3A_882 : i32
        %swap3A_884 = arith.constant 0 : i32
        %swap3A_885 = arith.constant 0 : i32
        %swap3A_886 = tpu.memref_slice %arg14[%scan3A_383, %swap3A_884, %swap3A_885] : memref<2x80x64xf32, #tpu.memory_space<vmem>> -> memref<1x80x64xf32, #tpu.memory_space<vmem>>
        %swap3A_887 = tpu.memref_squeeze %swap3A_886 : memref<1x80x64xf32, #tpu.memory_space<vmem>> -> memref<80x64xf32, #tpu.memory_space<vmem>>
        %swap3A_888 = arith.index_cast %add3A_883 : i32 to index
        %swap3A_889 = arith.constant 48 : index
        %swap3A_890 = tpu.vector_load %swap3A_887[%swap3A_888, %swap3A_889] {strides = array<i32>} : memref<80x64xf32, #tpu.memory_space<vmem>>, vector<16xf32>,
        tpu.vector_store %swap3A_887[%swap3A_888, %swap3A_889], %mul3A_881 {strides = array<i32>} : memref<80x64xf32, #tpu.memory_space<vmem>>, vector<16xf32>,
      }
      %scan3A_474 = arith.constant 20 : i32
      %dma_start3A_475 = arith.constant 0 : i32
      %dma_start3A_476 = arith.constant 0 : i32
      %dma_start3A_477 = tpu.memref_slice %arg14[%scan3A_383, %dma_start3A_475, %dma_start3A_476] : memref<2x80x64xf32, #tpu.memory_space<vmem>> -> memref<1x80x64xf32, #tpu.memory_space<vmem>>
      %dma_start3A_478 = tpu.memref_squeeze %dma_start3A_477 : memref<1x80x64xf32, #tpu.memory_space<vmem>> -> memref<80x64xf32, #tpu.memory_space<vmem>>
      %dma_start3A_479 = arith.constant 0 : i32
      %dma_start3A_480 = tpu.memref_slice %arg8[%mul3A_448, %dma_start3A_479] : memref<125x80xi32, #tpu.memory_space<vmem>> -> memref<1x80xi32, #tpu.memory_space<vmem>>
      %dma_start3A_481 = tpu.memref_squeeze %dma_start3A_480 : memref<1x80xi32, #tpu.memory_space<vmem>> -> memref<80xi32, #tpu.memory_space<vmem>>
      %dma_start3A_482 = arith.constant 0 : i32
      %dma_start3A_483 = arith.constant 0 : i32
      %dma_start3A_484 = tpu.memref_slice %arg17[%dma_start3A_482, %dma_start3A_483] : memref<10112x64xf32, #tpu.memory_space<vmem_shared>> -> memref<10112x64xf32, #tpu.memory_space<vmem_shared>>
      tpu.enqueue_indirect_dma source(%dma_start3A_478 : memref<80x64xf32, #tpu.memory_space<vmem>>) target(%dma_start3A_484 : memref<10112x64xf32, #tpu.memory_space<vmem_shared>>) offsets(%dma_start3A_481 : memref<80xi32, #tpu.memory_space<vmem>>) semaphore(%arg21 : memref<!tpu.dma_semaphore, #tpu.memory_space<semaphore_mem>>) {add = true}
      %dma_wait3A_485 = arith.constant 0 : i32
      %dma_wait3A_486 = arith.constant 0 : i32
      %dma_wait3A_487 = tpu.memref_slice %arg14[%scan3A_384, %dma_wait3A_485, %dma_wait3A_486] : memref<2x80x64xf32, #tpu.memory_space<vmem>> -> memref<1x80x64xf32, #tpu.memory_space<vmem>>
      %dma_wait3A_488 = tpu.memref_squeeze %dma_wait3A_487 : memref<1x80x64xf32, #tpu.memory_space<vmem>> -> memref<80x64xf32, #tpu.memory_space<vmem>>
      %dma_wait3A_489 = arith.constant 0 : i32
      %dma_wait3A_490 = tpu.memref_slice %arg9[%add3A_450, %dma_wait3A_489] : memref<125x80xi32, #tpu.memory_space<vmem>> -> memref<1x80xi32, #tpu.memory_space<vmem>>
      %dma_wait3A_491 = tpu.memref_squeeze %dma_wait3A_490 : memref<1x80xi32, #tpu.memory_space<vmem>> -> memref<80xi32, #tpu.memory_space<vmem>>
      %dma_wait3A_492 = arith.constant 0 : i32
      %dma_wait3A_493 = arith.constant 0 : i32
      %dma_wait3A_494 = tpu.memref_slice %arg2[%add3A_336, %dma_wait3A_492, %dma_wait3A_493] : memref<4x10112x64xf32, #tpu.memory_space<hbm>> -> memref<1x10112x64xf32, #tpu.memory_space<hbm>>
      %dma_wait3A_495 = tpu.memref_squeeze %dma_wait3A_494 : memref<1x10112x64xf32, #tpu.memory_space<hbm>> -> memref<10112x64xf32, #tpu.memory_space<hbm>>
      %dma_wait3A_496 = arith.constant 0 : i32
      %dma_wait3A_497 = arith.constant 0 : i32
      %dma_wait3A_498 = tpu.memref_slice %dma_wait3A_495[%dma_wait3A_496, %dma_wait3A_497] : memref<10112x64xf32, #tpu.memory_space<hbm>> -> memref<10112x64xf32, #tpu.memory_space<hbm>>
      tpu.wait_indirect_dma semaphore(%arg20 : memref<!tpu.dma_semaphore, #tpu.memory_space<semaphore_mem>>) src(%dma_wait3A_498 : memref<10112x64xf32, #tpu.memory_space<hbm>>) dst(%dma_wait3A_488 : memref<80x64xf32, #tpu.memory_space<vmem>>)
      %broadcast_in_dim3A_499 = arith.constant 0 : i32
      %broadcast_in_dim3A_500 = vector.broadcast %broadcast_in_dim3A_499 : i32 to vector<16xi32>
      %add3A_501 = vector.broadcast %add3A_450 : i32 to vector<16xi32>
      %add3A_502 = arith.addi %broadcast_in_dim3A_500, %add3A_501 : vector<16xi32>
      %scan3A_503 = arith.constant 0 : i32
      %scan3A_504 = arith.constant 0 : i32
      %scan3A_505 = arith.constant 20 : i32
      %scan3A_506 = arith.addi %scan3A_504, %scan3A_505 : i32
      %scan3A_507 = arith.constant 1 : i32
      scf.for %scan3A_557 = %scan3A_504 to %scan3A_506 step %scan3A_507  : i32 {
        %mul3A_558 = arith.constant 4 : i32
        %mul3A_559 = arith.muli %scan3A_557, %mul3A_558 : i32
        %broadcast_in_dim3A_560 = arith.constant 0 : i32
        %broadcast_in_dim3A_561 = vector.broadcast %broadcast_in_dim3A_560 : i32 to vector<16xi32>
        %add3A_562 = arith.constant 0 : i32
        %add3A_563 = arith.addi %mul3A_559, %add3A_562 : i32
        %add3A_564 = vector.broadcast %add3A_563 : i32 to vector<16xi32>
        %add3A_565 = arith.addi %broadcast_in_dim3A_561, %add3A_564 : vector<16xi32>
        %gather3A = tpu.vector_load_idx %arg11[%add3A_502, %add3A_565] : memref<125x80xf32, #tpu.memory_space<vmem>>[vector<16xi32>, vector<16xi32>], vector<16xf32>,
        %add3A_566 = arith.constant 0 : i32
        %add3A_567 = arith.addi %mul3A_559, %add3A_566 : i32
        %get3A_568 = arith.constant 0 : i32
        %get3A_569 = arith.constant 0 : i32
        %get3A_570 = tpu.memref_slice %arg14[%scan3A_384, %get3A_568, %get3A_569] : memref<2x80x64xf32, #tpu.memory_space<vmem>> -> memref<1x80x64xf32, #tpu.memory_space<vmem>>
        %get3A_571 = tpu.memref_squeeze %get3A_570 : memref<1x80x64xf32, #tpu.memory_space<vmem>> -> memref<80x64xf32, #tpu.memory_space<vmem>>
        %get3A_572 = arith.index_cast %add3A_567 : i32 to index
        %get3A_573 = arith.constant 0 : index
        %get3A_574 = tpu.vector_load %get3A_571[%get3A_572, %get3A_573] {strides = array<i32>} : memref<80x64xf32, #tpu.memory_space<vmem>>, vector<16xf32>,
        %mul3A_575 = arith.mulf %get3A_574, %gather3A : vector<16xf32>
        %add3A_576 = arith.constant 0 : i32
        %add3A_577 = arith.addi %mul3A_559, %add3A_576 : i32
        %swap3A_578 = arith.constant 0 : i32
        %swap3A_579 = arith.constant 0 : i32
        %swap3A_580 = tpu.memref_slice %arg14[%scan3A_384, %swap3A_578, %swap3A_579] : memref<2x80x64xf32, #tpu.memory_space<vmem>> -> memref<1x80x64xf32, #tpu.memory_space<vmem>>
        %swap3A_581 = tpu.memref_squeeze %swap3A_580 : memref<1x80x64xf32, #tpu.memory_space<vmem>> -> memref<80x64xf32, #tpu.memory_space<vmem>>
        %swap3A_582 = arith.index_cast %add3A_577 : i32 to index
        %swap3A_583 = arith.constant 0 : index
        %swap3A_584 = tpu.vector_load %swap3A_581[%swap3A_582, %swap3A_583] {strides = array<i32>} : memref<80x64xf32, #tpu.memory_space<vmem>>, vector<16xf32>,
        tpu.vector_store %swap3A_581[%swap3A_582, %swap3A_583], %mul3A_575 {strides = array<i32>} : memref<80x64xf32, #tpu.memory_space<vmem>>, vector<16xf32>,
        %add3A_585 = arith.constant 0 : i32
        %add3A_586 = arith.addi %mul3A_559, %add3A_585 : i32
        %get3A_587 = arith.constant 0 : i32
        %get3A_588 = arith.constant 0 : i32
        %get3A_589 = tpu.memref_slice %arg14[%scan3A_384, %get3A_587, %get3A_588] : memref<2x80x64xf32, #tpu.memory_space<vmem>> -> memref<1x80x64xf32, #tpu.memory_space<vmem>>
        %get3A_590 = tpu.memref_squeeze %get3A_589 : memref<1x80x64xf32, #tpu.memory_space<vmem>> -> memref<80x64xf32, #tpu.memory_space<vmem>>
        %get3A_591 = arith.index_cast %add3A_586 : i32 to index
        %get3A_592 = arith.constant 16 : index
        %get3A_593 = tpu.vector_load %get3A_590[%get3A_591, %get3A_592] {strides = array<i32>} : memref<80x64xf32, #tpu.memory_space<vmem>>, vector<16xf32>,
        %mul3A_594 = arith.mulf %get3A_593, %gather3A : vector<16xf32>
        %add3A_595 = arith.constant 0 : i32
        %add3A_596 = arith.addi %mul3A_559, %add3A_595 : i32
        %swap3A_597 = arith.constant 0 : i32
        %swap3A_598 = arith.constant 0 : i32
        %swap3A_599 = tpu.memref_slice %arg14[%scan3A_384, %swap3A_597, %swap3A_598] : memref<2x80x64xf32, #tpu.memory_space<vmem>> -> memref<1x80x64xf32, #tpu.memory_space<vmem>>
        %swap3A_600 = tpu.memref_squeeze %swap3A_599 : memref<1x80x64xf32, #tpu.memory_space<vmem>> -> memref<80x64xf32, #tpu.memory_space<vmem>>
        %swap3A_601 = arith.index_cast %add3A_596 : i32 to index
        %swap3A_602 = arith.constant 16 : index
        %swap3A_603 = tpu.vector_load %swap3A_600[%swap3A_601, %swap3A_602] {strides = array<i32>} : memref<80x64xf32, #tpu.memory_space<vmem>>, vector<16xf32>,
        tpu.vector_store %swap3A_600[%swap3A_601, %swap3A_602], %mul3A_594 {strides = array<i32>} : memref<80x64xf32, #tpu.memory_space<vmem>>, vector<16xf32>,
        %add3A_604 = arith.constant 0 : i32
        %add3A_605 = arith.addi %mul3A_559, %add3A_604 : i32
        %get3A_606 = arith.constant 0 : i32
        %get3A_607 = arith.constant 0 : i32
        %get3A_608 = tpu.memref_slice %arg14[%scan3A_384, %get3A_606, %get3A_607] : memref<2x80x64xf32, #tpu.memory_space<vmem>> -> memref<1x80x64xf32, #tpu.memory_space<vmem>>
        %get3A_609 = tpu.memref_squeeze %get3A_608 : memref<1x80x64xf32, #tpu.memory_space<vmem>> -> memref<80x64xf32, #tpu.memory_space<vmem>>
        %get3A_610 = arith.index_cast %add3A_605 : i32 to index
        %get3A_611 = arith.constant 32 : index
        %get3A_612 = tpu.vector_load %get3A_609[%get3A_610, %get3A_611] {strides = array<i32>} : memref<80x64xf32, #tpu.memory_space<vmem>>, vector<16xf32>,
        %mul3A_613 = arith.mulf %get3A_612, %gather3A : vector<16xf32>
        %add3A_614 = arith.constant 0 : i32
        %add3A_615 = arith.addi %mul3A_559, %add3A_614 : i32
        %swap3A_616 = arith.constant 0 : i32
        %swap3A_617 = arith.constant 0 : i32
        %swap3A_618 = tpu.memref_slice %arg14[%scan3A_384, %swap3A_616, %swap3A_617] : memref<2x80x64xf32, #tpu.memory_space<vmem>> -> memref<1x80x64xf32, #tpu.memory_space<vmem>>
        %swap3A_619 = tpu.memref_squeeze %swap3A_618 : memref<1x80x64xf32, #tpu.memory_space<vmem>> -> memref<80x64xf32, #tpu.memory_space<vmem>>
        %swap3A_620 = arith.index_cast %add3A_615 : i32 to index
        %swap3A_621 = arith.constant 32 : index
        %swap3A_622 = tpu.vector_load %swap3A_619[%swap3A_620, %swap3A_621] {strides = array<i32>} : memref<80x64xf32, #tpu.memory_space<vmem>>, vector<16xf32>,
        tpu.vector_store %swap3A_619[%swap3A_620, %swap3A_621], %mul3A_613 {strides = array<i32>} : memref<80x64xf32, #tpu.memory_space<vmem>>, vector<16xf32>,
        %add3A_623 = arith.constant 0 : i32
        %add3A_624 = arith.addi %mul3A_559, %add3A_623 : i32
        %get3A_625 = arith.constant 0 : i32
        %get3A_626 = arith.constant 0 : i32
        %get3A_627 = tpu.memref_slice %arg14[%scan3A_384, %get3A_625, %get3A_626] : memref<2x80x64xf32, #tpu.memory_space<vmem>> -> memref<1x80x64xf32, #tpu.memory_space<vmem>>
        %get3A_628 = tpu.memref_squeeze %get3A_627 : memref<1x80x64xf32, #tpu.memory_space<vmem>> -> memref<80x64xf32, #tpu.memory_space<vmem>>
        %get3A_629 = arith.index_cast %add3A_624 : i32 to index
        %get3A_630 = arith.constant 48 : index
        %get3A_631 = tpu.vector_load %get3A_628[%get3A_629, %get3A_630] {strides = array<i32>} : memref<80x64xf32, #tpu.memory_space<vmem>>, vector<16xf32>,
        %mul3A_632 = arith.mulf %get3A_631, %gather3A : vector<16xf32>
        %add3A_633 = arith.constant 0 : i32
        %add3A_634 = arith.addi %mul3A_559, %add3A_633 : i32
        %swap3A_635 = arith.constant 0 : i32
        %swap3A_636 = arith.constant 0 : i32
        %swap3A_637 = tpu.memref_slice %arg14[%scan3A_384, %swap3A_635, %swap3A_636] : memref<2x80x64xf32, #tpu.memory_space<vmem>> -> memref<1x80x64xf32, #tpu.memory_space<vmem>>
        %swap3A_638 = tpu.memref_squeeze %swap3A_637 : memref<1x80x64xf32, #tpu.memory_space<vmem>> -> memref<80x64xf32, #tpu.memory_space<vmem>>
        %swap3A_639 = arith.index_cast %add3A_634 : i32 to index
        %swap3A_640 = arith.constant 48 : index
        %swap3A_641 = tpu.vector_load %swap3A_638[%swap3A_639, %swap3A_640] {strides = array<i32>} : memref<80x64xf32, #tpu.memory_space<vmem>>, vector<16xf32>,
        tpu.vector_store %swap3A_638[%swap3A_639, %swap3A_640], %mul3A_632 {strides = array<i32>} : memref<80x64xf32, #tpu.memory_space<vmem>>, vector<16xf32>,
        %broadcast_in_dim3A_642 = arith.constant 0 : i32
        %broadcast_in_dim3A_643 = vector.broadcast %broadcast_in_dim3A_642 : i32 to vector<16xi32>
        %add3A_644 = arith.constant 1 : i32
        %add3A_645 = arith.addi %mul3A_559, %add3A_644 : i32
        %add3A_646 = vector.broadcast %add3A_645 : i32 to vector<16xi32>
        %add3A_647 = arith.addi %broadcast_in_dim3A_643, %add3A_646 : vector<16xi32>
        %gather3A_648 = tpu.vector_load_idx %arg11[%add3A_502, %add3A_647] : memref<125x80xf32, #tpu.memory_space<vmem>>[vector<16xi32>, vector<16xi32>], vector<16xf32>,
        %add3A_649 = arith.constant 1 : i32
        %add3A_650 = arith.addi %mul3A_559, %add3A_649 : i32
        %get3A_651 = arith.constant 0 : i32
        %get3A_652 = arith.constant 0 : i32
        %get3A_653 = tpu.memref_slice %arg14[%scan3A_384, %get3A_651, %get3A_652] : memref<2x80x64xf32, #tpu.memory_space<vmem>> -> memref<1x80x64xf32, #tpu.memory_space<vmem>>
        %get3A_654 = tpu.memref_squeeze %get3A_653 : memref<1x80x64xf32, #tpu.memory_space<vmem>> -> memref<80x64xf32, #tpu.memory_space<vmem>>
        %get3A_655 = arith.index_cast %add3A_650 : i32 to index
        %get3A_656 = arith.constant 0 : index
        %get3A_657 = tpu.vector_load %get3A_654[%get3A_655, %get3A_656] {strides = array<i32>} : memref<80x64xf32, #tpu.memory_space<vmem>>, vector<16xf32>,
        %mul3A_658 = arith.mulf %get3A_657, %gather3A_648 : vector<16xf32>
        %add3A_659 = arith.constant 1 : i32
        %add3A_660 = arith.addi %mul3A_559, %add3A_659 : i32
        %swap3A_661 = arith.constant 0 : i32
        %swap3A_662 = arith.constant 0 : i32
        %swap3A_663 = tpu.memref_slice %arg14[%scan3A_384, %swap3A_661, %swap3A_662] : memref<2x80x64xf32, #tpu.memory_space<vmem>> -> memref<1x80x64xf32, #tpu.memory_space<vmem>>
        %swap3A_664 = tpu.memref_squeeze %swap3A_663 : memref<1x80x64xf32, #tpu.memory_space<vmem>> -> memref<80x64xf32, #tpu.memory_space<vmem>>
        %swap3A_665 = arith.index_cast %add3A_660 : i32 to index
        %swap3A_666 = arith.constant 0 : index
        %swap3A_667 = tpu.vector_load %swap3A_664[%swap3A_665, %swap3A_666] {strides = array<i32>} : memref<80x64xf32, #tpu.memory_space<vmem>>, vector<16xf32>,
        tpu.vector_store %swap3A_664[%swap3A_665, %swap3A_666], %mul3A_658 {strides = array<i32>} : memref<80x64xf32, #tpu.memory_space<vmem>>, vector<16xf32>,
        %add3A_668 = arith.constant 1 : i32
        %add3A_669 = arith.addi %mul3A_559, %add3A_668 : i32
        %get3A_670 = arith.constant 0 : i32
        %get3A_671 = arith.constant 0 : i32
        %get3A_672 = tpu.memref_slice %arg14[%scan3A_384, %get3A_670, %get3A_671] : memref<2x80x64xf32, #tpu.memory_space<vmem>> -> memref<1x80x64xf32, #tpu.memory_space<vmem>>
        %get3A_673 = tpu.memref_squeeze %get3A_672 : memref<1x80x64xf32, #tpu.memory_space<vmem>> -> memref<80x64xf32, #tpu.memory_space<vmem>>
        %get3A_674 = arith.index_cast %add3A_669 : i32 to index
        %get3A_675 = arith.constant 16 : index
        %get3A_676 = tpu.vector_load %get3A_673[%get3A_674, %get3A_675] {strides = array<i32>} : memref<80x64xf32, #tpu.memory_space<vmem>>, vector<16xf32>,
        %mul3A_677 = arith.mulf %get3A_676, %gather3A_648 : vector<16xf32>
        %add3A_678 = arith.constant 1 : i32
        %add3A_679 = arith.addi %mul3A_559, %add3A_678 : i32
        %swap3A_680 = arith.constant 0 : i32
        %swap3A_681 = arith.constant 0 : i32
        %swap3A_682 = tpu.memref_slice %arg14[%scan3A_384, %swap3A_680, %swap3A_681] : memref<2x80x64xf32, #tpu.memory_space<vmem>> -> memref<1x80x64xf32, #tpu.memory_space<vmem>>
        %swap3A_683 = tpu.memref_squeeze %swap3A_682 : memref<1x80x64xf32, #tpu.memory_space<vmem>> -> memref<80x64xf32, #tpu.memory_space<vmem>>
        %swap3A_684 = arith.index_cast %add3A_679 : i32 to index
        %swap3A_685 = arith.constant 16 : index
        %swap3A_686 = tpu.vector_load %swap3A_683[%swap3A_684, %swap3A_685] {strides = array<i32>} : memref<80x64xf32, #tpu.memory_space<vmem>>, vector<16xf32>,
        tpu.vector_store %swap3A_683[%swap3A_684, %swap3A_685], %mul3A_677 {strides = array<i32>} : memref<80x64xf32, #tpu.memory_space<vmem>>, vector<16xf32>,
        %add3A_687 = arith.constant 1 : i32
        %add3A_688 = arith.addi %mul3A_559, %add3A_687 : i32
        %get3A_689 = arith.constant 0 : i32
        %get3A_690 = arith.constant 0 : i32
        %get3A_691 = tpu.memref_slice %arg14[%scan3A_384, %get3A_689, %get3A_690] : memref<2x80x64xf32, #tpu.memory_space<vmem>> -> memref<1x80x64xf32, #tpu.memory_space<vmem>>
        %get3A_692 = tpu.memref_squeeze %get3A_691 : memref<1x80x64xf32, #tpu.memory_space<vmem>> -> memref<80x64xf32, #tpu.memory_space<vmem>>
        %get3A_693 = arith.index_cast %add3A_688 : i32 to index
        %get3A_694 = arith.constant 32 : index
        %get3A_695 = tpu.vector_load %get3A_692[%get3A_693, %get3A_694] {strides = array<i32>} : memref<80x64xf32, #tpu.memory_space<vmem>>, vector<16xf32>,
        %mul3A_696 = arith.mulf %get3A_695, %gather3A_648 : vector<16xf32>
        %add3A_697 = arith.constant 1 : i32
        %add3A_698 = arith.addi %mul3A_559, %add3A_697 : i32
        %swap3A_699 = arith.constant 0 : i32
        %swap3A_700 = arith.constant 0 : i32
        %swap3A_701 = tpu.memref_slice %arg14[%scan3A_384, %swap3A_699, %swap3A_700] : memref<2x80x64xf32, #tpu.memory_space<vmem>> -> memref<1x80x64xf32, #tpu.memory_space<vmem>>
        %swap3A_702 = tpu.memref_squeeze %swap3A_701 : memref<1x80x64xf32, #tpu.memory_space<vmem>> -> memref<80x64xf32, #tpu.memory_space<vmem>>
        %swap3A_703 = arith.index_cast %add3A_698 : i32 to index
        %swap3A_704 = arith.constant 32 : index
        %swap3A_705 = tpu.vector_load %swap3A_702[%swap3A_703, %swap3A_704] {strides = array<i32>} : memref<80x64xf32, #tpu.memory_space<vmem>>, vector<16xf32>,
        tpu.vector_store %swap3A_702[%swap3A_703, %swap3A_704], %mul3A_696 {strides = array<i32>} : memref<80x64xf32, #tpu.memory_space<vmem>>, vector<16xf32>,
        %add3A_706 = arith.constant 1 : i32
        %add3A_707 = arith.addi %mul3A_559, %add3A_706 : i32
        %get3A_708 = arith.constant 0 : i32
        %get3A_709 = arith.constant 0 : i32
        %get3A_710 = tpu.memref_slice %arg14[%scan3A_384, %get3A_708, %get3A_709] : memref<2x80x64xf32, #tpu.memory_space<vmem>> -> memref<1x80x64xf32, #tpu.memory_space<vmem>>
        %get3A_711 = tpu.memref_squeeze %get3A_710 : memref<1x80x64xf32, #tpu.memory_space<vmem>> -> memref<80x64xf32, #tpu.memory_space<vmem>>
        %get3A_712 = arith.index_cast %add3A_707 : i32 to index
        %get3A_713 = arith.constant 48 : index
        %get3A_714 = tpu.vector_load %get3A_711[%get3A_712, %get3A_713] {strides = array<i32>} : memref<80x64xf32, #tpu.memory_space<vmem>>, vector<16xf32>,
        %mul3A_715 = arith.mulf %get3A_714, %gather3A_648 : vector<16xf32>
        %add3A_716 = arith.constant 1 : i32
        %add3A_717 = arith.addi %mul3A_559, %add3A_716 : i32
        %swap3A_718 = arith.constant 0 : i32
        %swap3A_719 = arith.constant 0 : i32
        %swap3A_720 = tpu.memref_slice %arg14[%scan3A_384, %swap3A_718, %swap3A_719] : memref<2x80x64xf32, #tpu.memory_space<vmem>> -> memref<1x80x64xf32, #tpu.memory_space<vmem>>
        %swap3A_721 = tpu.memref_squeeze %swap3A_720 : memref<1x80x64xf32, #tpu.memory_space<vmem>> -> memref<80x64xf32, #tpu.memory_space<vmem>>
        %swap3A_722 = arith.index_cast %add3A_717 : i32 to index
        %swap3A_723 = arith.constant 48 : index
        %swap3A_724 = tpu.vector_load %swap3A_721[%swap3A_722, %swap3A_723] {strides = array<i32>} : memref<80x64xf32, #tpu.memory_space<vmem>>, vector<16xf32>,
        tpu.vector_store %swap3A_721[%swap3A_722, %swap3A_723], %mul3A_715 {strides = array<i32>} : memref<80x64xf32, #tpu.memory_space<vmem>>, vector<16xf32>,
        %broadcast_in_dim3A_725 = arith.constant 0 : i32
        %broadcast_in_dim3A_726 = vector.broadcast %broadcast_in_dim3A_725 : i32 to vector<16xi32>
        %add3A_727 = arith.constant 2 : i32
        %add3A_728 = arith.addi %mul3A_559, %add3A_727 : i32
        %add3A_729 = vector.broadcast %add3A_728 : i32 to vector<16xi32>
        %add3A_730 = arith.addi %broadcast_in_dim3A_726, %add3A_729 : vector<16xi32>
        %gather3A_731 = tpu.vector_load_idx %arg11[%add3A_502, %add3A_730] : memref<125x80xf32, #tpu.memory_space<vmem>>[vector<16xi32>, vector<16xi32>], vector<16xf32>,
        %add3A_732 = arith.constant 2 : i32
        %add3A_733 = arith.addi %mul3A_559, %add3A_732 : i32
        %get3A_734 = arith.constant 0 : i32
        %get3A_735 = arith.constant 0 : i32
        %get3A_736 = tpu.memref_slice %arg14[%scan3A_384, %get3A_734, %get3A_735] : memref<2x80x64xf32, #tpu.memory_space<vmem>> -> memref<1x80x64xf32, #tpu.memory_space<vmem>>
        %get3A_737 = tpu.memref_squeeze %get3A_736 : memref<1x80x64xf32, #tpu.memory_space<vmem>> -> memref<80x64xf32, #tpu.memory_space<vmem>>
        %get3A_738 = arith.index_cast %add3A_733 : i32 to index
        %get3A_739 = arith.constant 0 : index
        %get3A_740 = tpu.vector_load %get3A_737[%get3A_738, %get3A_739] {strides = array<i32>} : memref<80x64xf32, #tpu.memory_space<vmem>>, vector<16xf32>,
        %mul3A_741 = arith.mulf %get3A_740, %gather3A_731 : vector<16xf32>
        %add3A_742 = arith.constant 2 : i32
        %add3A_743 = arith.addi %mul3A_559, %add3A_742 : i32
        %swap3A_744 = arith.constant 0 : i32
        %swap3A_745 = arith.constant 0 : i32
        %swap3A_746 = tpu.memref_slice %arg14[%scan3A_384, %swap3A_744, %swap3A_745] : memref<2x80x64xf32, #tpu.memory_space<vmem>> -> memref<1x80x64xf32, #tpu.memory_space<vmem>>
        %swap3A_747 = tpu.memref_squeeze %swap3A_746 : memref<1x80x64xf32, #tpu.memory_space<vmem>> -> memref<80x64xf32, #tpu.memory_space<vmem>>
        %swap3A_748 = arith.index_cast %add3A_743 : i32 to index
        %swap3A_749 = arith.constant 0 : index
        %swap3A_750 = tpu.vector_load %swap3A_747[%swap3A_748, %swap3A_749] {strides = array<i32>} : memref<80x64xf32, #tpu.memory_space<vmem>>, vector<16xf32>,
        tpu.vector_store %swap3A_747[%swap3A_748, %swap3A_749], %mul3A_741 {strides = array<i32>} : memref<80x64xf32, #tpu.memory_space<vmem>>, vector<16xf32>,
        %add3A_751 = arith.constant 2 : i32
        %add3A_752 = arith.addi %mul3A_559, %add3A_751 : i32
        %get3A_753 = arith.constant 0 : i32
        %get3A_754 = arith.constant 0 : i32
        %get3A_755 = tpu.memref_slice %arg14[%scan3A_384, %get3A_753, %get3A_754] : memref<2x80x64xf32, #tpu.memory_space<vmem>> -> memref<1x80x64xf32, #tpu.memory_space<vmem>>
        %get3A_756 = tpu.memref_squeeze %get3A_755 : memref<1x80x64xf32, #tpu.memory_space<vmem>> -> memref<80x64xf32, #tpu.memory_space<vmem>>
        %get3A_757 = arith.index_cast %add3A_752 : i32 to index
        %get3A_758 = arith.constant 16 : index
        %get3A_759 = tpu.vector_load %get3A_756[%get3A_757, %get3A_758] {strides = array<i32>} : memref<80x64xf32, #tpu.memory_space<vmem>>, vector<16xf32>,
        %mul3A_760 = arith.mulf %get3A_759, %gather3A_731 : vector<16xf32>
        %add3A_761 = arith.constant 2 : i32
        %add3A_762 = arith.addi %mul3A_559, %add3A_761 : i32
        %swap3A_763 = arith.constant 0 : i32
        %swap3A_764 = arith.constant 0 : i32
        %swap3A_765 = tpu.memref_slice %arg14[%scan3A_384, %swap3A_763, %swap3A_764] : memref<2x80x64xf32, #tpu.memory_space<vmem>> -> memref<1x80x64xf32, #tpu.memory_space<vmem>>
        %swap3A_766 = tpu.memref_squeeze %swap3A_765 : memref<1x80x64xf32, #tpu.memory_space<vmem>> -> memref<80x64xf32, #tpu.memory_space<vmem>>
        %swap3A_767 = arith.index_cast %add3A_762 : i32 to index
        %swap3A_768 = arith.constant 16 : index
        %swap3A_769 = tpu.vector_load %swap3A_766[%swap3A_767, %swap3A_768] {strides = array<i32>} : memref<80x64xf32, #tpu.memory_space<vmem>>, vector<16xf32>,
        tpu.vector_store %swap3A_766[%swap3A_767, %swap3A_768], %mul3A_760 {strides = array<i32>} : memref<80x64xf32, #tpu.memory_space<vmem>>, vector<16xf32>,
        %add3A_770 = arith.constant 2 : i32
        %add3A_771 = arith.addi %mul3A_559, %add3A_770 : i32
        %get3A_772 = arith.constant 0 : i32
        %get3A_773 = arith.constant 0 : i32
        %get3A_774 = tpu.memref_slice %arg14[%scan3A_384, %get3A_772, %get3A_773] : memref<2x80x64xf32, #tpu.memory_space<vmem>> -> memref<1x80x64xf32, #tpu.memory_space<vmem>>
        %get3A_775 = tpu.memref_squeeze %get3A_774 : memref<1x80x64xf32, #tpu.memory_space<vmem>> -> memref<80x64xf32, #tpu.memory_space<vmem>>
        %get3A_776 = arith.index_cast %add3A_771 : i32 to index
        %get3A_777 = arith.constant 32 : index
        %get3A_778 = tpu.vector_load %get3A_775[%get3A_776, %get3A_777] {strides = array<i32>} : memref<80x64xf32, #tpu.memory_space<vmem>>, vector<16xf32>,
        %mul3A_779 = arith.mulf %get3A_778, %gather3A_731 : vector<16xf32>
        %add3A_780 = arith.constant 2 : i32
        %add3A_781 = arith.addi %mul3A_559, %add3A_780 : i32
        %swap3A_782 = arith.constant 0 : i32
        %swap3A_783 = arith.constant 0 : i32
        %swap3A_784 = tpu.memref_slice %arg14[%scan3A_384, %swap3A_782, %swap3A_783] : memref<2x80x64xf32, #tpu.memory_space<vmem>> -> memref<1x80x64xf32, #tpu.memory_space<vmem>>
        %swap3A_785 = tpu.memref_squeeze %swap3A_784 : memref<1x80x64xf32, #tpu.memory_space<vmem>> -> memref<80x64xf32, #tpu.memory_space<vmem>>
        %swap3A_786 = arith.index_cast %add3A_781 : i32 to index
        %swap3A_787 = arith.constant 32 : index
        %swap3A_788 = tpu.vector_load %swap3A_785[%swap3A_786, %swap3A_787] {strides = array<i32>} : memref<80x64xf32, #tpu.memory_space<vmem>>, vector<16xf32>,
        tpu.vector_store %swap3A_785[%swap3A_786, %swap3A_787], %mul3A_779 {strides = array<i32>} : memref<80x64xf32, #tpu.memory_space<vmem>>, vector<16xf32>,
        %add3A_789 = arith.constant 2 : i32
        %add3A_790 = arith.addi %mul3A_559, %add3A_789 : i32
        %get3A_791 = arith.constant 0 : i32
        %get3A_792 = arith.constant 0 : i32
        %get3A_793 = tpu.memref_slice %arg14[%scan3A_384, %get3A_791, %get3A_792] : memref<2x80x64xf32, #tpu.memory_space<vmem>> -> memref<1x80x64xf32, #tpu.memory_space<vmem>>
        %get3A_794 = tpu.memref_squeeze %get3A_793 : memref<1x80x64xf32, #tpu.memory_space<vmem>> -> memref<80x64xf32, #tpu.memory_space<vmem>>
        %get3A_795 = arith.index_cast %add3A_790 : i32 to index
        %get3A_796 = arith.constant 48 : index
        %get3A_797 = tpu.vector_load %get3A_794[%get3A_795, %get3A_796] {strides = array<i32>} : memref<80x64xf32, #tpu.memory_space<vmem>>, vector<16xf32>,
        %mul3A_798 = arith.mulf %get3A_797, %gather3A_731 : vector<16xf32>
        %add3A_799 = arith.constant 2 : i32
        %add3A_800 = arith.addi %mul3A_559, %add3A_799 : i32
        %swap3A_801 = arith.constant 0 : i32
        %swap3A_802 = arith.constant 0 : i32
        %swap3A_803 = tpu.memref_slice %arg14[%scan3A_384, %swap3A_801, %swap3A_802] : memref<2x80x64xf32, #tpu.memory_space<vmem>> -> memref<1x80x64xf32, #tpu.memory_space<vmem>>
        %swap3A_804 = tpu.memref_squeeze %swap3A_803 : memref<1x80x64xf32, #tpu.memory_space<vmem>> -> memref<80x64xf32, #tpu.memory_space<vmem>>
        %swap3A_805 = arith.index_cast %add3A_800 : i32 to index
        %swap3A_806 = arith.constant 48 : index
        %swap3A_807 = tpu.vector_load %swap3A_804[%swap3A_805, %swap3A_806] {strides = array<i32>} : memref<80x64xf32, #tpu.memory_space<vmem>>, vector<16xf32>,
        tpu.vector_store %swap3A_804[%swap3A_805, %swap3A_806], %mul3A_798 {strides = array<i32>} : memref<80x64xf32, #tpu.memory_space<vmem>>, vector<16xf32>,
        %broadcast_in_dim3A_808 = arith.constant 0 : i32
        %broadcast_in_dim3A_809 = vector.broadcast %broadcast_in_dim3A_808 : i32 to vector<16xi32>
        %add3A_810 = arith.constant 3 : i32
        %add3A_811 = arith.addi %mul3A_559, %add3A_810 : i32
        %add3A_812 = vector.broadcast %add3A_811 : i32 to vector<16xi32>
        %add3A_813 = arith.addi %broadcast_in_dim3A_809, %add3A_812 : vector<16xi32>
        %gather3A_814 = tpu.vector_load_idx %arg11[%add3A_502, %add3A_813] : memref<125x80xf32, #tpu.memory_space<vmem>>[vector<16xi32>, vector<16xi32>], vector<16xf32>,
        %add3A_815 = arith.constant 3 : i32
        %add3A_816 = arith.addi %mul3A_559, %add3A_815 : i32
        %get3A_817 = arith.constant 0 : i32
        %get3A_818 = arith.constant 0 : i32
        %get3A_819 = tpu.memref_slice %arg14[%scan3A_384, %get3A_817, %get3A_818] : memref<2x80x64xf32, #tpu.memory_space<vmem>> -> memref<1x80x64xf32, #tpu.memory_space<vmem>>
        %get3A_820 = tpu.memref_squeeze %get3A_819 : memref<1x80x64xf32, #tpu.memory_space<vmem>> -> memref<80x64xf32, #tpu.memory_space<vmem>>
        %get3A_821 = arith.index_cast %add3A_816 : i32 to index
        %get3A_822 = arith.constant 0 : index
        %get3A_823 = tpu.vector_load %get3A_820[%get3A_821, %get3A_822] {strides = array<i32>} : memref<80x64xf32, #tpu.memory_space<vmem>>, vector<16xf32>,
        %mul3A_824 = arith.mulf %get3A_823, %gather3A_814 : vector<16xf32>
        %add3A_825 = arith.constant 3 : i32
        %add3A_826 = arith.addi %mul3A_559, %add3A_825 : i32
        %swap3A_827 = arith.constant 0 : i32
        %swap3A_828 = arith.constant 0 : i32
        %swap3A_829 = tpu.memref_slice %arg14[%scan3A_384, %swap3A_827, %swap3A_828] : memref<2x80x64xf32, #tpu.memory_space<vmem>> -> memref<1x80x64xf32, #tpu.memory_space<vmem>>
        %swap3A_830 = tpu.memref_squeeze %swap3A_829 : memref<1x80x64xf32, #tpu.memory_space<vmem>> -> memref<80x64xf32, #tpu.memory_space<vmem>>
        %swap3A_831 = arith.index_cast %add3A_826 : i32 to index
        %swap3A_832 = arith.constant 0 : index
        %swap3A_833 = tpu.vector_load %swap3A_830[%swap3A_831, %swap3A_832] {strides = array<i32>} : memref<80x64xf32, #tpu.memory_space<vmem>>, vector<16xf32>,
        tpu.vector_store %swap3A_830[%swap3A_831, %swap3A_832], %mul3A_824 {strides = array<i32>} : memref<80x64xf32, #tpu.memory_space<vmem>>, vector<16xf32>,
        %add3A_834 = arith.constant 3 : i32
        %add3A_835 = arith.addi %mul3A_559, %add3A_834 : i32
        %get3A_836 = arith.constant 0 : i32
        %get3A_837 = arith.constant 0 : i32
        %get3A_838 = tpu.memref_slice %arg14[%scan3A_384, %get3A_836, %get3A_837] : memref<2x80x64xf32, #tpu.memory_space<vmem>> -> memref<1x80x64xf32, #tpu.memory_space<vmem>>
        %get3A_839 = tpu.memref_squeeze %get3A_838 : memref<1x80x64xf32, #tpu.memory_space<vmem>> -> memref<80x64xf32, #tpu.memory_space<vmem>>
        %get3A_840 = arith.index_cast %add3A_835 : i32 to index
        %get3A_841 = arith.constant 16 : index
        %get3A_842 = tpu.vector_load %get3A_839[%get3A_840, %get3A_841] {strides = array<i32>} : memref<80x64xf32, #tpu.memory_space<vmem>>, vector<16xf32>,
        %mul3A_843 = arith.mulf %get3A_842, %gather3A_814 : vector<16xf32>
        %add3A_844 = arith.constant 3 : i32
        %add3A_845 = arith.addi %mul3A_559, %add3A_844 : i32
        %swap3A_846 = arith.constant 0 : i32
        %swap3A_847 = arith.constant 0 : i32
        %swap3A_848 = tpu.memref_slice %arg14[%scan3A_384, %swap3A_846, %swap3A_847] : memref<2x80x64xf32, #tpu.memory_space<vmem>> -> memref<1x80x64xf32, #tpu.memory_space<vmem>>
        %swap3A_849 = tpu.memref_squeeze %swap3A_848 : memref<1x80x64xf32, #tpu.memory_space<vmem>> -> memref<80x64xf32, #tpu.memory_space<vmem>>
        %swap3A_850 = arith.index_cast %add3A_845 : i32 to index
        %swap3A_851 = arith.constant 16 : index
        %swap3A_852 = tpu.vector_load %swap3A_849[%swap3A_850, %swap3A_851] {strides = array<i32>} : memref<80x64xf32, #tpu.memory_space<vmem>>, vector<16xf32>,
        tpu.vector_store %swap3A_849[%swap3A_850, %swap3A_851], %mul3A_843 {strides = array<i32>} : memref<80x64xf32, #tpu.memory_space<vmem>>, vector<16xf32>,
        %add3A_853 = arith.constant 3 : i32
        %add3A_854 = arith.addi %mul3A_559, %add3A_853 : i32
        %get3A_855 = arith.constant 0 : i32
        %get3A_856 = arith.constant 0 : i32
        %get3A_857 = tpu.memref_slice %arg14[%scan3A_384, %get3A_855, %get3A_856] : memref<2x80x64xf32, #tpu.memory_space<vmem>> -> memref<1x80x64xf32, #tpu.memory_space<vmem>>
        %get3A_858 = tpu.memref_squeeze %get3A_857 : memref<1x80x64xf32, #tpu.memory_space<vmem>> -> memref<80x64xf32, #tpu.memory_space<vmem>>
        %get3A_859 = arith.index_cast %add3A_854 : i32 to index
        %get3A_860 = arith.constant 32 : index
        %get3A_861 = tpu.vector_load %get3A_858[%get3A_859, %get3A_860] {strides = array<i32>} : memref<80x64xf32, #tpu.memory_space<vmem>>, vector<16xf32>,
        %mul3A_862 = arith.mulf %get3A_861, %gather3A_814 : vector<16xf32>
        %add3A_863 = arith.constant 3 : i32
        %add3A_864 = arith.addi %mul3A_559, %add3A_863 : i32
        %swap3A_865 = arith.constant 0 : i32
        %swap3A_866 = arith.constant 0 : i32
        %swap3A_867 = tpu.memref_slice %arg14[%scan3A_384, %swap3A_865, %swap3A_866] : memref<2x80x64xf32, #tpu.memory_space<vmem>> -> memref<1x80x64xf32, #tpu.memory_space<vmem>>
        %swap3A_868 = tpu.memref_squeeze %swap3A_867 : memref<1x80x64xf32, #tpu.memory_space<vmem>> -> memref<80x64xf32, #tpu.memory_space<vmem>>
        %swap3A_869 = arith.index_cast %add3A_864 : i32 to index
        %swap3A_870 = arith.constant 32 : index
        %swap3A_871 = tpu.vector_load %swap3A_868[%swap3A_869, %swap3A_870] {strides = array<i32>} : memref<80x64xf32, #tpu.memory_space<vmem>>, vector<16xf32>,
        tpu.vector_store %swap3A_868[%swap3A_869, %swap3A_870], %mul3A_862 {strides = array<i32>} : memref<80x64xf32, #tpu.memory_space<vmem>>, vector<16xf32>,
        %add3A_872 = arith.constant 3 : i32
        %add3A_873 = arith.addi %mul3A_559, %add3A_872 : i32
        %get3A_874 = arith.constant 0 : i32
        %get3A_875 = arith.constant 0 : i32
        %get3A_876 = tpu.memref_slice %arg14[%scan3A_384, %get3A_874, %get3A_875] : memref<2x80x64xf32, #tpu.memory_space<vmem>> -> memref<1x80x64xf32, #tpu.memory_space<vmem>>
        %get3A_877 = tpu.memref_squeeze %get3A_876 : memref<1x80x64xf32, #tpu.memory_space<vmem>> -> memref<80x64xf32, #tpu.memory_space<vmem>>
        %get3A_878 = arith.index_cast %add3A_873 : i32 to index
        %get3A_879 = arith.constant 48 : index
        %get3A_880 = tpu.vector_load %get3A_877[%get3A_878, %get3A_879] {strides = array<i32>} : memref<80x64xf32, #tpu.memory_space<vmem>>, vector<16xf32>,
        %mul3A_881 = arith.mulf %get3A_880, %gather3A_814 : vector<16xf32>
        %add3A_882 = arith.constant 3 : i32
        %add3A_883 = arith.addi %mul3A_559, %add3A_882 : i32
        %swap3A_884 = arith.constant 0 : i32
        %swap3A_885 = arith.constant 0 : i32
        %swap3A_886 = tpu.memref_slice %arg14[%scan3A_384, %swap3A_884, %swap3A_885] : memref<2x80x64xf32, #tpu.memory_space<vmem>> -> memref<1x80x64xf32, #tpu.memory_space<vmem>>
        %swap3A_887 = tpu.memref_squeeze %swap3A_886 : memref<1x80x64xf32, #tpu.memory_space<vmem>> -> memref<80x64xf32, #tpu.memory_space<vmem>>
        %swap3A_888 = arith.index_cast %add3A_883 : i32 to index
        %swap3A_889 = arith.constant 48 : index
        %swap3A_890 = tpu.vector_load %swap3A_887[%swap3A_888, %swap3A_889] {strides = array<i32>} : memref<80x64xf32, #tpu.memory_space<vmem>>, vector<16xf32>,
        tpu.vector_store %swap3A_887[%swap3A_888, %swap3A_889], %mul3A_881 {strides = array<i32>} : memref<80x64xf32, #tpu.memory_space<vmem>>, vector<16xf32>,
      }
      %scan3A_508 = arith.constant 20 : i32
      %dma_start3A_509 = arith.constant 0 : i32
      %dma_start3A_510 = arith.constant 0 : i32
      %dma_start3A_511 = tpu.memref_slice %arg14[%scan3A_384, %dma_start3A_509, %dma_start3A_510] : memref<2x80x64xf32, #tpu.memory_space<vmem>> -> memref<1x80x64xf32, #tpu.memory_space<vmem>>
      %dma_start3A_512 = tpu.memref_squeeze %dma_start3A_511 : memref<1x80x64xf32, #tpu.memory_space<vmem>> -> memref<80x64xf32, #tpu.memory_space<vmem>>
      %dma_start3A_513 = arith.constant 0 : i32
      %dma_start3A_514 = tpu.memref_slice %arg8[%add3A_450, %dma_start3A_513] : memref<125x80xi32, #tpu.memory_space<vmem>> -> memref<1x80xi32, #tpu.memory_space<vmem>>
      %dma_start3A_515 = tpu.memref_squeeze %dma_start3A_514 : memref<1x80xi32, #tpu.memory_space<vmem>> -> memref<80xi32, #tpu.memory_space<vmem>>
      %dma_start3A_516 = arith.constant 0 : i32
      %dma_start3A_517 = arith.constant 0 : i32
      %dma_start3A_518 = tpu.memref_slice %arg17[%dma_start3A_516, %dma_start3A_517] : memref<10112x64xf32, #tpu.memory_space<vmem_shared>> -> memref<10112x64xf32, #tpu.memory_space<vmem_shared>>
      tpu.enqueue_indirect_dma source(%dma_start3A_512 : memref<80x64xf32, #tpu.memory_space<vmem>>) target(%dma_start3A_518 : memref<10112x64xf32, #tpu.memory_space<vmem_shared>>) offsets(%dma_start3A_515 : memref<80xi32, #tpu.memory_space<vmem>>) semaphore(%arg22 : memref<!tpu.dma_semaphore, #tpu.memory_space<semaphore_mem>>) {add = true}
      %dma_wait3A_519 = arith.constant 0 : i32
      %dma_wait3A_520 = arith.constant 0 : i32
      %dma_wait3A_521 = tpu.memref_slice %arg14[%scan3A_383, %dma_wait3A_519, %dma_wait3A_520] : memref<2x80x64xf32, #tpu.memory_space<vmem>> -> memref<1x80x64xf32, #tpu.memory_space<vmem>>
      %dma_wait3A_522 = tpu.memref_squeeze %dma_wait3A_521 : memref<1x80x64xf32, #tpu.memory_space<vmem>> -> memref<80x64xf32, #tpu.memory_space<vmem>>
      %dma_wait3A_523 = arith.constant 0 : i32
      %dma_wait3A_524 = tpu.memref_slice %arg8[%mul3A_448, %dma_wait3A_523] : memref<125x80xi32, #tpu.memory_space<vmem>> -> memref<1x80xi32, #tpu.memory_space<vmem>>
      %dma_wait3A_525 = tpu.memref_squeeze %dma_wait3A_524 : memref<1x80xi32, #tpu.memory_space<vmem>> -> memref<80xi32, #tpu.memory_space<vmem>>
      %dma_wait3A_526 = arith.constant 0 : i32
      %dma_wait3A_527 = arith.constant 0 : i32
      %dma_wait3A_528 = tpu.memref_slice %arg17[%dma_wait3A_526, %dma_wait3A_527] : memref<10112x64xf32, #tpu.memory_space<vmem_shared>> -> memref<10112x64xf32, #tpu.memory_space<vmem_shared>>
      tpu.wait_indirect_dma semaphore(%arg21 : memref<!tpu.dma_semaphore, #tpu.memory_space<semaphore_mem>>) src(%dma_wait3A_522 : memref<80x64xf32, #tpu.memory_space<vmem>>) dst(%dma_wait3A_528 : memref<10112x64xf32, #tpu.memory_space<vmem_shared>>)
      %add3A_529 = arith.constant 2 : i32
      %add3A_530 = arith.addi %mul3A_448, %add3A_529 : i32
      %dma_start3A_531 = arith.constant 0 : i32
      %dma_start3A_532 = arith.constant 0 : i32
      %dma_start3A_533 = tpu.memref_slice %arg14[%scan3A_383, %dma_start3A_531, %dma_start3A_532] : memref<2x80x64xf32, #tpu.memory_space<vmem>> -> memref<1x80x64xf32, #tpu.memory_space<vmem>>
      %dma_start3A_534 = tpu.memref_squeeze %dma_start3A_533 : memref<1x80x64xf32, #tpu.memory_space<vmem>> -> memref<80x64xf32, #tpu.memory_space<vmem>>
      %dma_start3A_535 = arith.constant 0 : i32
      %dma_start3A_536 = tpu.memref_slice %arg9[%add3A_530, %dma_start3A_535] : memref<125x80xi32, #tpu.memory_space<vmem>> -> memref<1x80xi32, #tpu.memory_space<vmem>>
      %dma_start3A_537 = tpu.memref_squeeze %dma_start3A_536 : memref<1x80xi32, #tpu.memory_space<vmem>> -> memref<80xi32, #tpu.memory_space<vmem>>
      %dma_start3A_538 = arith.constant 0 : i32
      %dma_start3A_539 = arith.constant 0 : i32
      %dma_start3A_540 = tpu.memref_slice %arg2[%add3A_336, %dma_start3A_538, %dma_start3A_539] : memref<4x10112x64xf32, #tpu.memory_space<hbm>> -> memref<1x10112x64xf32, #tpu.memory_space<hbm>>
      %dma_start3A_541 = tpu.memref_squeeze %dma_start3A_540 : memref<1x10112x64xf32, #tpu.memory_space<hbm>> -> memref<10112x64xf32, #tpu.memory_space<hbm>>
      %dma_start3A_542 = arith.constant 0 : i32
      %dma_start3A_543 = arith.constant 0 : i32
      %dma_start3A_544 = tpu.memref_slice %dma_start3A_541[%dma_start3A_542, %dma_start3A_543] : memref<10112x64xf32, #tpu.memory_space<hbm>> -> memref<10112x64xf32, #tpu.memory_space<hbm>>
      tpu.enqueue_indirect_dma source(%dma_start3A_544 : memref<10112x64xf32, #tpu.memory_space<hbm>>) target(%dma_start3A_534 : memref<80x64xf32, #tpu.memory_space<vmem>>) offsets(%dma_start3A_537 : memref<80xi32, #tpu.memory_space<vmem>>) semaphore(%arg19 : memref<!tpu.dma_semaphore, #tpu.memory_space<semaphore_mem>>)
      %dma_wait3A_545 = arith.constant 0 : i32
      %dma_wait3A_546 = arith.constant 0 : i32
      %dma_wait3A_547 = tpu.memref_slice %arg14[%scan3A_384, %dma_wait3A_545, %dma_wait3A_546] : memref<2x80x64xf32, #tpu.memory_space<vmem>> -> memref<1x80x64xf32, #tpu.memory_space<vmem>>
      %dma_wait3A_548 = tpu.memref_squeeze %dma_wait3A_547 : memref<1x80x64xf32, #tpu.memory_space<vmem>> -> memref<80x64xf32, #tpu.memory_space<vmem>>
      %dma_wait3A_549 = arith.constant 0 : i32
      %dma_wait3A_550 = tpu.memref_slice %arg8[%add3A_450, %dma_wait3A_549] : memref<125x80xi32, #tpu.memory_space<vmem>> -> memref<1x80xi32, #tpu.memory_space<vmem>>
      %dma_wait3A_551 = tpu.memref_squeeze %dma_wait3A_550 : memref<1x80xi32, #tpu.memory_space<vmem>> -> memref<80xi32, #tpu.memory_space<vmem>>
      %dma_wait3A_552 = arith.constant 0 : i32
      %dma_wait3A_553 = arith.constant 0 : i32
      %dma_wait3A_554 = tpu.memref_slice %arg17[%dma_wait3A_552, %dma_wait3A_553] : memref<10112x64xf32, #tpu.memory_space<vmem_shared>> -> memref<10112x64xf32, #tpu.memory_space<vmem_shared>>
      tpu.wait_indirect_dma semaphore(%arg22 : memref<!tpu.dma_semaphore, #tpu.memory_space<semaphore_mem>>) src(%dma_wait3A_548 : memref<80x64xf32, #tpu.memory_space<vmem>>) dst(%dma_wait3A_554 : memref<10112x64xf32, #tpu.memory_space<vmem_shared>>)
      %lt3A = arith.constant 61 : i32
      %lt3A_555 = arith.cmpi slt, %scan3A_446, %lt3A : i32
      %convert_element_type3A = arith.extui %lt3A_555 : i1 to i32
      %cond3A = arith.constant 0 : i32
      %cond3A_556 = arith.cmpi ne, %convert_element_type3A, %cond3A : i32
      scf.if %cond3A_556 {
        %add3A_557 = arith.constant 2 : i32
        %add3A_558 = arith.addi %add3A_450, %add3A_557 : i32
        %dma_start3A_559 = arith.constant 0 : i32
        %dma_start3A_560 = arith.constant 0 : i32
        %dma_start3A_561 = tpu.memref_slice %arg14[%scan3A_384, %dma_start3A_559, %dma_start3A_560] : memref<2x80x64xf32, #tpu.memory_space<vmem>> -> memref<1x80x64xf32, #tpu.memory_space<vmem>>
        %dma_start3A_562 = tpu.memref_squeeze %dma_start3A_561 : memref<1x80x64xf32, #tpu.memory_space<vmem>> -> memref<80x64xf32, #tpu.memory_space<vmem>>
        %dma_start3A_563 = arith.constant 0 : i32
        %dma_start3A_564 = tpu.memref_slice %arg9[%add3A_558, %dma_start3A_563] : memref<125x80xi32, #tpu.memory_space<vmem>> -> memref<1x80xi32, #tpu.memory_space<vmem>>
        %dma_start3A_565 = tpu.memref_squeeze %dma_start3A_564 : memref<1x80xi32, #tpu.memory_space<vmem>> -> memref<80xi32, #tpu.memory_space<vmem>>
        %dma_start3A_566 = arith.constant 0 : i32
        %dma_start3A_567 = arith.constant 0 : i32
        %dma_start3A_568 = tpu.memref_slice %arg2[%add3A_336, %dma_start3A_566, %dma_start3A_567] : memref<4x10112x64xf32, #tpu.memory_space<hbm>> -> memref<1x10112x64xf32, #tpu.memory_space<hbm>>
        %dma_start3A_569 = tpu.memref_squeeze %dma_start3A_568 : memref<1x10112x64xf32, #tpu.memory_space<hbm>> -> memref<10112x64xf32, #tpu.memory_space<hbm>>
        %dma_start3A_570 = arith.constant 0 : i32
        %dma_start3A_571 = arith.constant 0 : i32
        %dma_start3A_572 = tpu.memref_slice %dma_start3A_569[%dma_start3A_570, %dma_start3A_571] : memref<10112x64xf32, #tpu.memory_space<hbm>> -> memref<10112x64xf32, #tpu.memory_space<hbm>>
        tpu.enqueue_indirect_dma source(%dma_start3A_572 : memref<10112x64xf32, #tpu.memory_space<hbm>>) target(%dma_start3A_562 : memref<80x64xf32, #tpu.memory_space<vmem>>) offsets(%dma_start3A_565 : memref<80xi32, #tpu.memory_space<vmem>>) semaphore(%arg20 : memref<!tpu.dma_semaphore, #tpu.memory_space<semaphore_mem>>)
      } else {
      }
    }
    %scan3A_389 = arith.constant 62 : i32
    %dma_wait3A_390 = arith.constant 124 : i32
    %dma_wait3A_391 = arith.constant 0 : i32
    %dma_wait3A_392 = arith.constant 0 : i32
    %dma_wait3A_393 = arith.constant 0 : i32
    %dma_wait3A_394 = tpu.memref_slice %arg14[%dma_wait3A_391, %dma_wait3A_392, %dma_wait3A_393] : memref<2x80x64xf32, #tpu.memory_space<vmem>> -> memref<1x80x64xf32, #tpu.memory_space<vmem>>
    %dma_wait3A_395 = tpu.memref_squeeze %dma_wait3A_394 : memref<1x80x64xf32, #tpu.memory_space<vmem>> -> memref<80x64xf32, #tpu.memory_space<vmem>>
    %dma_wait3A_396 = arith.constant 0 : i32
    %dma_wait3A_397 = tpu.memref_slice %arg9[%dma_wait3A_390, %dma_wait3A_396] : memref<125x80xi32, #tpu.memory_space<vmem>> -> memref<1x80xi32, #tpu.memory_space<vmem>>
    %dma_wait3A_398 = tpu.memref_squeeze %dma_wait3A_397 : memref<1x80xi32, #tpu.memory_space<vmem>> -> memref<80xi32, #tpu.memory_space<vmem>>
    %dma_wait3A_399 = arith.constant 0 : i32
    %dma_wait3A_400 = arith.constant 0 : i32
    %dma_wait3A_401 = tpu.memref_slice %arg2[%add3A_336, %dma_wait3A_399, %dma_wait3A_400] : memref<4x10112x64xf32, #tpu.memory_space<hbm>> -> memref<1x10112x64xf32, #tpu.memory_space<hbm>>
    %dma_wait3A_402 = tpu.memref_squeeze %dma_wait3A_401 : memref<1x10112x64xf32, #tpu.memory_space<hbm>> -> memref<10112x64xf32, #tpu.memory_space<hbm>>
    %dma_wait3A_403 = arith.constant 0 : i32
    %dma_wait3A_404 = arith.constant 0 : i32
    %dma_wait3A_405 = tpu.memref_slice %dma_wait3A_402[%dma_wait3A_403, %dma_wait3A_404] : memref<10112x64xf32, #tpu.memory_space<hbm>> -> memref<10112x64xf32, #tpu.memory_space<hbm>>
    tpu.wait_indirect_dma semaphore(%arg19 : memref<!tpu.dma_semaphore, #tpu.memory_space<semaphore_mem>>) src(%dma_wait3A_405 : memref<10112x64xf32, #tpu.memory_space<hbm>>) dst(%dma_wait3A_395 : memref<80x64xf32, #tpu.memory_space<vmem>>)
    %broadcast_in_dim3A_406 = arith.constant 0 : i32
    %broadcast_in_dim3A_407 = vector.broadcast %broadcast_in_dim3A_406 : i32 to vector<16xi32>
    %add3A_408 = arith.constant 124 : i32
    %add3A_409 = vector.broadcast %add3A_408 : i32 to vector<16xi32>
    %add3A_410 = arith.addi %broadcast_in_dim3A_407, %add3A_409 : vector<16xi32>
    %scan3A_411 = arith.constant 0 : i32
    %scan3A_412 = arith.constant 0 : i32
    %scan3A_413 = arith.constant 0 : i32
    %scan3A_414 = arith.constant 20 : i32
    %scan3A_415 = arith.addi %scan3A_413, %scan3A_414 : i32
    %scan3A_416 = arith.constant 1 : i32
    scf.for %scan3A_446 = %scan3A_413 to %scan3A_415 step %scan3A_416  : i32 {
      %mul3A_447 = arith.constant 4 : i32
      %mul3A_448 = arith.muli %scan3A_446, %mul3A_447 : i32
      %broadcast_in_dim3A_449 = arith.constant 0 : i32
      %broadcast_in_dim3A_450 = vector.broadcast %broadcast_in_dim3A_449 : i32 to vector<16xi32>
      %add3A_451 = arith.constant 0 : i32
      %add3A_452 = arith.addi %mul3A_448, %add3A_451 : i32
      %add3A_453 = vector.broadcast %add3A_452 : i32 to vector<16xi32>
      %add3A_454 = arith.addi %broadcast_in_dim3A_450, %add3A_453 : vector<16xi32>
      %gather3A = tpu.vector_load_idx %arg11[%add3A_410, %add3A_454] : memref<125x80xf32, #tpu.memory_space<vmem>>[vector<16xi32>, vector<16xi32>], vector<16xf32>,
      %add3A_455 = arith.constant 0 : i32
      %add3A_456 = arith.addi %mul3A_448, %add3A_455 : i32
      %get3A_457 = arith.constant 0 : i32
      %get3A_458 = arith.constant 0 : i32
      %get3A_459 = tpu.memref_slice %arg14[%scan3A_412, %get3A_457, %get3A_458] : memref<2x80x64xf32, #tpu.memory_space<vmem>> -> memref<1x80x64xf32, #tpu.memory_space<vmem>>
      %get3A_460 = tpu.memref_squeeze %get3A_459 : memref<1x80x64xf32, #tpu.memory_space<vmem>> -> memref<80x64xf32, #tpu.memory_space<vmem>>
      %get3A_461 = arith.index_cast %add3A_456 : i32 to index
      %get3A_462 = arith.constant 0 : index
      %get3A_463 = tpu.vector_load %get3A_460[%get3A_461, %get3A_462] {strides = array<i32>} : memref<80x64xf32, #tpu.memory_space<vmem>>, vector<16xf32>,
      %mul3A_464 = arith.mulf %get3A_463, %gather3A : vector<16xf32>
      %add3A_465 = arith.constant 0 : i32
      %add3A_466 = arith.addi %mul3A_448, %add3A_465 : i32
      %swap3A_467 = arith.constant 0 : i32
      %swap3A_468 = arith.constant 0 : i32
      %swap3A_469 = tpu.memref_slice %arg14[%scan3A_412, %swap3A_467, %swap3A_468] : memref<2x80x64xf32, #tpu.memory_space<vmem>> -> memref<1x80x64xf32, #tpu.memory_space<vmem>>
      %swap3A_470 = tpu.memref_squeeze %swap3A_469 : memref<1x80x64xf32, #tpu.memory_space<vmem>> -> memref<80x64xf32, #tpu.memory_space<vmem>>
      %swap3A_471 = arith.index_cast %add3A_466 : i32 to index
      %swap3A_472 = arith.constant 0 : index
      %swap3A_473 = tpu.vector_load %swap3A_470[%swap3A_471, %swap3A_472] {strides = array<i32>} : memref<80x64xf32, #tpu.memory_space<vmem>>, vector<16xf32>,
      tpu.vector_store %swap3A_470[%swap3A_471, %swap3A_472], %mul3A_464 {strides = array<i32>} : memref<80x64xf32, #tpu.memory_space<vmem>>, vector<16xf32>,
      %add3A_474 = arith.constant 0 : i32
      %add3A_475 = arith.addi %mul3A_448, %add3A_474 : i32
      %get3A_476 = arith.constant 0 : i32
      %get3A_477 = arith.constant 0 : i32
      %get3A_478 = tpu.memref_slice %arg14[%scan3A_412, %get3A_476, %get3A_477] : memref<2x80x64xf32, #tpu.memory_space<vmem>> -> memref<1x80x64xf32, #tpu.memory_space<vmem>>
      %get3A_479 = tpu.memref_squeeze %get3A_478 : memref<1x80x64xf32, #tpu.memory_space<vmem>> -> memref<80x64xf32, #tpu.memory_space<vmem>>
      %get3A_480 = arith.index_cast %add3A_475 : i32 to index
      %get3A_481 = arith.constant 16 : index
      %get3A_482 = tpu.vector_load %get3A_479[%get3A_480, %get3A_481] {strides = array<i32>} : memref<80x64xf32, #tpu.memory_space<vmem>>, vector<16xf32>,
      %mul3A_483 = arith.mulf %get3A_482, %gather3A : vector<16xf32>
      %add3A_484 = arith.constant 0 : i32
      %add3A_485 = arith.addi %mul3A_448, %add3A_484 : i32
      %swap3A_486 = arith.constant 0 : i32
      %swap3A_487 = arith.constant 0 : i32
      %swap3A_488 = tpu.memref_slice %arg14[%scan3A_412, %swap3A_486, %swap3A_487] : memref<2x80x64xf32, #tpu.memory_space<vmem>> -> memref<1x80x64xf32, #tpu.memory_space<vmem>>
      %swap3A_489 = tpu.memref_squeeze %swap3A_488 : memref<1x80x64xf32, #tpu.memory_space<vmem>> -> memref<80x64xf32, #tpu.memory_space<vmem>>
      %swap3A_490 = arith.index_cast %add3A_485 : i32 to index
      %swap3A_491 = arith.constant 16 : index
      %swap3A_492 = tpu.vector_load %swap3A_489[%swap3A_490, %swap3A_491] {strides = array<i32>} : memref<80x64xf32, #tpu.memory_space<vmem>>, vector<16xf32>,
      tpu.vector_store %swap3A_489[%swap3A_490, %swap3A_491], %mul3A_483 {strides = array<i32>} : memref<80x64xf32, #tpu.memory_space<vmem>>, vector<16xf32>,
      %add3A_493 = arith.constant 0 : i32
      %add3A_494 = arith.addi %mul3A_448, %add3A_493 : i32
      %get3A_495 = arith.constant 0 : i32
      %get3A_496 = arith.constant 0 : i32
      %get3A_497 = tpu.memref_slice %arg14[%scan3A_412, %get3A_495, %get3A_496] : memref<2x80x64xf32, #tpu.memory_space<vmem>> -> memref<1x80x64xf32, #tpu.memory_space<vmem>>
      %get3A_498 = tpu.memref_squeeze %get3A_497 : memref<1x80x64xf32, #tpu.memory_space<vmem>> -> memref<80x64xf32, #tpu.memory_space<vmem>>
      %get3A_499 = arith.index_cast %add3A_494 : i32 to index
      %get3A_500 = arith.constant 32 : index
      %get3A_501 = tpu.vector_load %get3A_498[%get3A_499, %get3A_500] {strides = array<i32>} : memref<80x64xf32, #tpu.memory_space<vmem>>, vector<16xf32>,
      %mul3A_502 = arith.mulf %get3A_501, %gather3A : vector<16xf32>
      %add3A_503 = arith.constant 0 : i32
      %add3A_504 = arith.addi %mul3A_448, %add3A_503 : i32
      %swap3A_505 = arith.constant 0 : i32
      %swap3A_506 = arith.constant 0 : i32
      %swap3A_507 = tpu.memref_slice %arg14[%scan3A_412, %swap3A_505, %swap3A_506] : memref<2x80x64xf32, #tpu.memory_space<vmem>> -> memref<1x80x64xf32, #tpu.memory_space<vmem>>
      %swap3A_508 = tpu.memref_squeeze %swap3A_507 : memref<1x80x64xf32, #tpu.memory_space<vmem>> -> memref<80x64xf32, #tpu.memory_space<vmem>>
      %swap3A_509 = arith.index_cast %add3A_504 : i32 to index
      %swap3A_510 = arith.constant 32 : index
      %swap3A_511 = tpu.vector_load %swap3A_508[%swap3A_509, %swap3A_510] {strides = array<i32>} : memref<80x64xf32, #tpu.memory_space<vmem>>, vector<16xf32>,
      tpu.vector_store %swap3A_508[%swap3A_509, %swap3A_510], %mul3A_502 {strides = array<i32>} : memref<80x64xf32, #tpu.memory_space<vmem>>, vector<16xf32>,
      %add3A_512 = arith.constant 0 : i32
      %add3A_513 = arith.addi %mul3A_448, %add3A_512 : i32
      %get3A_514 = arith.constant 0 : i32
      %get3A_515 = arith.constant 0 : i32
      %get3A_516 = tpu.memref_slice %arg14[%scan3A_412, %get3A_514, %get3A_515] : memref<2x80x64xf32, #tpu.memory_space<vmem>> -> memref<1x80x64xf32, #tpu.memory_space<vmem>>
      %get3A_517 = tpu.memref_squeeze %get3A_516 : memref<1x80x64xf32, #tpu.memory_space<vmem>> -> memref<80x64xf32, #tpu.memory_space<vmem>>
      %get3A_518 = arith.index_cast %add3A_513 : i32 to index
      %get3A_519 = arith.constant 48 : index
      %get3A_520 = tpu.vector_load %get3A_517[%get3A_518, %get3A_519] {strides = array<i32>} : memref<80x64xf32, #tpu.memory_space<vmem>>, vector<16xf32>,
      %mul3A_521 = arith.mulf %get3A_520, %gather3A : vector<16xf32>
      %add3A_522 = arith.constant 0 : i32
      %add3A_523 = arith.addi %mul3A_448, %add3A_522 : i32
      %swap3A_524 = arith.constant 0 : i32
      %swap3A_525 = arith.constant 0 : i32
      %swap3A_526 = tpu.memref_slice %arg14[%scan3A_412, %swap3A_524, %swap3A_525] : memref<2x80x64xf32, #tpu.memory_space<vmem>> -> memref<1x80x64xf32, #tpu.memory_space<vmem>>
      %swap3A_527 = tpu.memref_squeeze %swap3A_526 : memref<1x80x64xf32, #tpu.memory_space<vmem>> -> memref<80x64xf32, #tpu.memory_space<vmem>>
      %swap3A_528 = arith.index_cast %add3A_523 : i32 to index
      %swap3A_529 = arith.constant 48 : index
      %swap3A_530 = tpu.vector_load %swap3A_527[%swap3A_528, %swap3A_529] {strides = array<i32>} : memref<80x64xf32, #tpu.memory_space<vmem>>, vector<16xf32>,
      tpu.vector_store %swap3A_527[%swap3A_528, %swap3A_529], %mul3A_521 {strides = array<i32>} : memref<80x64xf32, #tpu.memory_space<vmem>>, vector<16xf32>,
      %broadcast_in_dim3A_531 = arith.constant 0 : i32
      %broadcast_in_dim3A_532 = vector.broadcast %broadcast_in_dim3A_531 : i32 to vector<16xi32>
      %add3A_533 = arith.constant 1 : i32
      %add3A_534 = arith.addi %mul3A_448, %add3A_533 : i32
      %add3A_535 = vector.broadcast %add3A_534 : i32 to vector<16xi32>
      %add3A_536 = arith.addi %broadcast_in_dim3A_532, %add3A_535 : vector<16xi32>
      %gather3A_537 = tpu.vector_load_idx %arg11[%add3A_410, %add3A_536] : memref<125x80xf32, #tpu.memory_space<vmem>>[vector<16xi32>, vector<16xi32>], vector<16xf32>,
      %add3A_538 = arith.constant 1 : i32
      %add3A_539 = arith.addi %mul3A_448, %add3A_538 : i32
      %get3A_540 = arith.constant 0 : i32
      %get3A_541 = arith.constant 0 : i32
      %get3A_542 = tpu.memref_slice %arg14[%scan3A_412, %get3A_540, %get3A_541] : memref<2x80x64xf32, #tpu.memory_space<vmem>> -> memref<1x80x64xf32, #tpu.memory_space<vmem>>
      %get3A_543 = tpu.memref_squeeze %get3A_542 : memref<1x80x64xf32, #tpu.memory_space<vmem>> -> memref<80x64xf32, #tpu.memory_space<vmem>>
      %get3A_544 = arith.index_cast %add3A_539 : i32 to index
      %get3A_545 = arith.constant 0 : index
      %get3A_546 = tpu.vector_load %get3A_543[%get3A_544, %get3A_545] {strides = array<i32>} : memref<80x64xf32, #tpu.memory_space<vmem>>, vector<16xf32>,
      %mul3A_547 = arith.mulf %get3A_546, %gather3A_537 : vector<16xf32>
      %add3A_548 = arith.constant 1 : i32
      %add3A_549 = arith.addi %mul3A_448, %add3A_548 : i32
      %swap3A_550 = arith.constant 0 : i32
      %swap3A_551 = arith.constant 0 : i32
      %swap3A_552 = tpu.memref_slice %arg14[%scan3A_412, %swap3A_550, %swap3A_551] : memref<2x80x64xf32, #tpu.memory_space<vmem>> -> memref<1x80x64xf32, #tpu.memory_space<vmem>>
      %swap3A_553 = tpu.memref_squeeze %swap3A_552 : memref<1x80x64xf32, #tpu.memory_space<vmem>> -> memref<80x64xf32, #tpu.memory_space<vmem>>
      %swap3A_554 = arith.index_cast %add3A_549 : i32 to index
      %swap3A_555 = arith.constant 0 : index
      %swap3A_556 = tpu.vector_load %swap3A_553[%swap3A_554, %swap3A_555] {strides = array<i32>} : memref<80x64xf32, #tpu.memory_space<vmem>>, vector<16xf32>,
      tpu.vector_store %swap3A_553[%swap3A_554, %swap3A_555], %mul3A_547 {strides = array<i32>} : memref<80x64xf32, #tpu.memory_space<vmem>>, vector<16xf32>,
      %add3A_557 = arith.constant 1 : i32
      %add3A_558 = arith.addi %mul3A_448, %add3A_557 : i32
      %get3A_559 = arith.constant 0 : i32
      %get3A_560 = arith.constant 0 : i32
      %get3A_561 = tpu.memref_slice %arg14[%scan3A_412, %get3A_559, %get3A_560] : memref<2x80x64xf32, #tpu.memory_space<vmem>> -> memref<1x80x64xf32, #tpu.memory_space<vmem>>
      %get3A_562 = tpu.memref_squeeze %get3A_561 : memref<1x80x64xf32, #tpu.memory_space<vmem>> -> memref<80x64xf32, #tpu.memory_space<vmem>>
      %get3A_563 = arith.index_cast %add3A_558 : i32 to index
      %get3A_564 = arith.constant 16 : index
      %get3A_565 = tpu.vector_load %get3A_562[%get3A_563, %get3A_564] {strides = array<i32>} : memref<80x64xf32, #tpu.memory_space<vmem>>, vector<16xf32>,
      %mul3A_566 = arith.mulf %get3A_565, %gather3A_537 : vector<16xf32>
      %add3A_567 = arith.constant 1 : i32
      %add3A_568 = arith.addi %mul3A_448, %add3A_567 : i32
      %swap3A_569 = arith.constant 0 : i32
      %swap3A_570 = arith.constant 0 : i32
      %swap3A_571 = tpu.memref_slice %arg14[%scan3A_412, %swap3A_569, %swap3A_570] : memref<2x80x64xf32, #tpu.memory_space<vmem>> -> memref<1x80x64xf32, #tpu.memory_space<vmem>>
      %swap3A_572 = tpu.memref_squeeze %swap3A_571 : memref<1x80x64xf32, #tpu.memory_space<vmem>> -> memref<80x64xf32, #tpu.memory_space<vmem>>
      %swap3A_573 = arith.index_cast %add3A_568 : i32 to index
      %swap3A_574 = arith.constant 16 : index
      %swap3A_575 = tpu.vector_load %swap3A_572[%swap3A_573, %swap3A_574] {strides = array<i32>} : memref<80x64xf32, #tpu.memory_space<vmem>>, vector<16xf32>,
      tpu.vector_store %swap3A_572[%swap3A_573, %swap3A_574], %mul3A_566 {strides = array<i32>} : memref<80x64xf32, #tpu.memory_space<vmem>>, vector<16xf32>,
      %add3A_576 = arith.constant 1 : i32
      %add3A_577 = arith.addi %mul3A_448, %add3A_576 : i32
      %get3A_578 = arith.constant 0 : i32
      %get3A_579 = arith.constant 0 : i32
      %get3A_580 = tpu.memref_slice %arg14[%scan3A_412, %get3A_578, %get3A_579] : memref<2x80x64xf32, #tpu.memory_space<vmem>> -> memref<1x80x64xf32, #tpu.memory_space<vmem>>
      %get3A_581 = tpu.memref_squeeze %get3A_580 : memref<1x80x64xf32, #tpu.memory_space<vmem>> -> memref<80x64xf32, #tpu.memory_space<vmem>>
      %get3A_582 = arith.index_cast %add3A_577 : i32 to index
      %get3A_583 = arith.constant 32 : index
      %get3A_584 = tpu.vector_load %get3A_581[%get3A_582, %get3A_583] {strides = array<i32>} : memref<80x64xf32, #tpu.memory_space<vmem>>, vector<16xf32>,
      %mul3A_585 = arith.mulf %get3A_584, %gather3A_537 : vector<16xf32>
      %add3A_586 = arith.constant 1 : i32
      %add3A_587 = arith.addi %mul3A_448, %add3A_586 : i32
      %swap3A_588 = arith.constant 0 : i32
      %swap3A_589 = arith.constant 0 : i32
      %swap3A_590 = tpu.memref_slice %arg14[%scan3A_412, %swap3A_588, %swap3A_589] : memref<2x80x64xf32, #tpu.memory_space<vmem>> -> memref<1x80x64xf32, #tpu.memory_space<vmem>>
      %swap3A_591 = tpu.memref_squeeze %swap3A_590 : memref<1x80x64xf32, #tpu.memory_space<vmem>> -> memref<80x64xf32, #tpu.memory_space<vmem>>
      %swap3A_592 = arith.index_cast %add3A_587 : i32 to index
      %swap3A_593 = arith.constant 32 : index
      %swap3A_594 = tpu.vector_load %swap3A_591[%swap3A_592, %swap3A_593] {strides = array<i32>} : memref<80x64xf32, #tpu.memory_space<vmem>>, vector<16xf32>,
      tpu.vector_store %swap3A_591[%swap3A_592, %swap3A_593], %mul3A_585 {strides = array<i32>} : memref<80x64xf32, #tpu.memory_space<vmem>>, vector<16xf32>,
      %add3A_595 = arith.constant 1 : i32
      %add3A_596 = arith.addi %mul3A_448, %add3A_595 : i32
      %get3A_597 = arith.constant 0 : i32
      %get3A_598 = arith.constant 0 : i32
      %get3A_599 = tpu.memref_slice %arg14[%scan3A_412, %get3A_597, %get3A_598] : memref<2x80x64xf32, #tpu.memory_space<vmem>> -> memref<1x80x64xf32, #tpu.memory_space<vmem>>
      %get3A_600 = tpu.memref_squeeze %get3A_599 : memref<1x80x64xf32, #tpu.memory_space<vmem>> -> memref<80x64xf32, #tpu.memory_space<vmem>>
      %get3A_601 = arith.index_cast %add3A_596 : i32 to index
      %get3A_602 = arith.constant 48 : index
      %get3A_603 = tpu.vector_load %get3A_600[%get3A_601, %get3A_602] {strides = array<i32>} : memref<80x64xf32, #tpu.memory_space<vmem>>, vector<16xf32>,
      %mul3A_604 = arith.mulf %get3A_603, %gather3A_537 : vector<16xf32>
      %add3A_605 = arith.constant 1 : i32
      %add3A_606 = arith.addi %mul3A_448, %add3A_605 : i32
      %swap3A_607 = arith.constant 0 : i32
      %swap3A_608 = arith.constant 0 : i32
      %swap3A_609 = tpu.memref_slice %arg14[%scan3A_412, %swap3A_607, %swap3A_608] : memref<2x80x64xf32, #tpu.memory_space<vmem>> -> memref<1x80x64xf32, #tpu.memory_space<vmem>>
      %swap3A_610 = tpu.memref_squeeze %swap3A_609 : memref<1x80x64xf32, #tpu.memory_space<vmem>> -> memref<80x64xf32, #tpu.memory_space<vmem>>
      %swap3A_611 = arith.index_cast %add3A_606 : i32 to index
      %swap3A_612 = arith.constant 48 : index
      %swap3A_613 = tpu.vector_load %swap3A_610[%swap3A_611, %swap3A_612] {strides = array<i32>} : memref<80x64xf32, #tpu.memory_space<vmem>>, vector<16xf32>,
      tpu.vector_store %swap3A_610[%swap3A_611, %swap3A_612], %mul3A_604 {strides = array<i32>} : memref<80x64xf32, #tpu.memory_space<vmem>>, vector<16xf32>,
      %broadcast_in_dim3A_614 = arith.constant 0 : i32
      %broadcast_in_dim3A_615 = vector.broadcast %broadcast_in_dim3A_614 : i32 to vector<16xi32>
      %add3A_616 = arith.constant 2 : i32
      %add3A_617 = arith.addi %mul3A_448, %add3A_616 : i32
      %add3A_618 = vector.broadcast %add3A_617 : i32 to vector<16xi32>
      %add3A_619 = arith.addi %broadcast_in_dim3A_615, %add3A_618 : vector<16xi32>
      %gather3A_620 = tpu.vector_load_idx %arg11[%add3A_410, %add3A_619] : memref<125x80xf32, #tpu.memory_space<vmem>>[vector<16xi32>, vector<16xi32>], vector<16xf32>,
      %add3A_621 = arith.constant 2 : i32
      %add3A_622 = arith.addi %mul3A_448, %add3A_621 : i32
      %get3A_623 = arith.constant 0 : i32
      %get3A_624 = arith.constant 0 : i32
      %get3A_625 = tpu.memref_slice %arg14[%scan3A_412, %get3A_623, %get3A_624] : memref<2x80x64xf32, #tpu.memory_space<vmem>> -> memref<1x80x64xf32, #tpu.memory_space<vmem>>
      %get3A_626 = tpu.memref_squeeze %get3A_625 : memref<1x80x64xf32, #tpu.memory_space<vmem>> -> memref<80x64xf32, #tpu.memory_space<vmem>>
      %get3A_627 = arith.index_cast %add3A_622 : i32 to index
      %get3A_628 = arith.constant 0 : index
      %get3A_629 = tpu.vector_load %get3A_626[%get3A_627, %get3A_628] {strides = array<i32>} : memref<80x64xf32, #tpu.memory_space<vmem>>, vector<16xf32>,
      %mul3A_630 = arith.mulf %get3A_629, %gather3A_620 : vector<16xf32>
      %add3A_631 = arith.constant 2 : i32
      %add3A_632 = arith.addi %mul3A_448, %add3A_631 : i32
      %swap3A_633 = arith.constant 0 : i32
      %swap3A_634 = arith.constant 0 : i32
      %swap3A_635 = tpu.memref_slice %arg14[%scan3A_412, %swap3A_633, %swap3A_634] : memref<2x80x64xf32, #tpu.memory_space<vmem>> -> memref<1x80x64xf32, #tpu.memory_space<vmem>>
      %swap3A_636 = tpu.memref_squeeze %swap3A_635 : memref<1x80x64xf32, #tpu.memory_space<vmem>> -> memref<80x64xf32, #tpu.memory_space<vmem>>
      %swap3A_637 = arith.index_cast %add3A_632 : i32 to index
      %swap3A_638 = arith.constant 0 : index
      %swap3A_639 = tpu.vector_load %swap3A_636[%swap3A_637, %swap3A_638] {strides = array<i32>} : memref<80x64xf32, #tpu.memory_space<vmem>>, vector<16xf32>,
      tpu.vector_store %swap3A_636[%swap3A_637, %swap3A_638], %mul3A_630 {strides = array<i32>} : memref<80x64xf32, #tpu.memory_space<vmem>>, vector<16xf32>,
      %add3A_640 = arith.constant 2 : i32
      %add3A_641 = arith.addi %mul3A_448, %add3A_640 : i32
      %get3A_642 = arith.constant 0 : i32
      %get3A_643 = arith.constant 0 : i32
      %get3A_644 = tpu.memref_slice %arg14[%scan3A_412, %get3A_642, %get3A_643] : memref<2x80x64xf32, #tpu.memory_space<vmem>> -> memref<1x80x64xf32, #tpu.memory_space<vmem>>
      %get3A_645 = tpu.memref_squeeze %get3A_644 : memref<1x80x64xf32, #tpu.memory_space<vmem>> -> memref<80x64xf32, #tpu.memory_space<vmem>>
      %get3A_646 = arith.index_cast %add3A_641 : i32 to index
      %get3A_647 = arith.constant 16 : index
      %get3A_648 = tpu.vector_load %get3A_645[%get3A_646, %get3A_647] {strides = array<i32>} : memref<80x64xf32, #tpu.memory_space<vmem>>, vector<16xf32>,
      %mul3A_649 = arith.mulf %get3A_648, %gather3A_620 : vector<16xf32>
      %add3A_650 = arith.constant 2 : i32
      %add3A_651 = arith.addi %mul3A_448, %add3A_650 : i32
      %swap3A_652 = arith.constant 0 : i32
      %swap3A_653 = arith.constant 0 : i32
      %swap3A_654 = tpu.memref_slice %arg14[%scan3A_412, %swap3A_652, %swap3A_653] : memref<2x80x64xf32, #tpu.memory_space<vmem>> -> memref<1x80x64xf32, #tpu.memory_space<vmem>>
      %swap3A_655 = tpu.memref_squeeze %swap3A_654 : memref<1x80x64xf32, #tpu.memory_space<vmem>> -> memref<80x64xf32, #tpu.memory_space<vmem>>
      %swap3A_656 = arith.index_cast %add3A_651 : i32 to index
      %swap3A_657 = arith.constant 16 : index
      %swap3A_658 = tpu.vector_load %swap3A_655[%swap3A_656, %swap3A_657] {strides = array<i32>} : memref<80x64xf32, #tpu.memory_space<vmem>>, vector<16xf32>,
      tpu.vector_store %swap3A_655[%swap3A_656, %swap3A_657], %mul3A_649 {strides = array<i32>} : memref<80x64xf32, #tpu.memory_space<vmem>>, vector<16xf32>,
      %add3A_659 = arith.constant 2 : i32
      %add3A_660 = arith.addi %mul3A_448, %add3A_659 : i32
      %get3A_661 = arith.constant 0 : i32
      %get3A_662 = arith.constant 0 : i32
      %get3A_663 = tpu.memref_slice %arg14[%scan3A_412, %get3A_661, %get3A_662] : memref<2x80x64xf32, #tpu.memory_space<vmem>> -> memref<1x80x64xf32, #tpu.memory_space<vmem>>
      %get3A_664 = tpu.memref_squeeze %get3A_663 : memref<1x80x64xf32, #tpu.memory_space<vmem>> -> memref<80x64xf32, #tpu.memory_space<vmem>>
      %get3A_665 = arith.index_cast %add3A_660 : i32 to index
      %get3A_666 = arith.constant 32 : index
      %get3A_667 = tpu.vector_load %get3A_664[%get3A_665, %get3A_666] {strides = array<i32>} : memref<80x64xf32, #tpu.memory_space<vmem>>, vector<16xf32>,
      %mul3A_668 = arith.mulf %get3A_667, %gather3A_620 : vector<16xf32>
      %add3A_669 = arith.constant 2 : i32
      %add3A_670 = arith.addi %mul3A_448, %add3A_669 : i32
      %swap3A_671 = arith.constant 0 : i32
      %swap3A_672 = arith.constant 0 : i32
      %swap3A_673 = tpu.memref_slice %arg14[%scan3A_412, %swap3A_671, %swap3A_672] : memref<2x80x64xf32, #tpu.memory_space<vmem>> -> memref<1x80x64xf32, #tpu.memory_space<vmem>>
      %swap3A_674 = tpu.memref_squeeze %swap3A_673 : memref<1x80x64xf32, #tpu.memory_space<vmem>> -> memref<80x64xf32, #tpu.memory_space<vmem>>
      %swap3A_675 = arith.index_cast %add3A_670 : i32 to index
      %swap3A_676 = arith.constant 32 : index
      %swap3A_677 = tpu.vector_load %swap3A_674[%swap3A_675, %swap3A_676] {strides = array<i32>} : memref<80x64xf32, #tpu.memory_space<vmem>>, vector<16xf32>,
      tpu.vector_store %swap3A_674[%swap3A_675, %swap3A_676], %mul3A_668 {strides = array<i32>} : memref<80x64xf32, #tpu.memory_space<vmem>>, vector<16xf32>,
      %add3A_678 = arith.constant 2 : i32
      %add3A_679 = arith.addi %mul3A_448, %add3A_678 : i32
      %get3A_680 = arith.constant 0 : i32
      %get3A_681 = arith.constant 0 : i32
      %get3A_682 = tpu.memref_slice %arg14[%scan3A_412, %get3A_680, %get3A_681] : memref<2x80x64xf32, #tpu.memory_space<vmem>> -> memref<1x80x64xf32, #tpu.memory_space<vmem>>
      %get3A_683 = tpu.memref_squeeze %get3A_682 : memref<1x80x64xf32, #tpu.memory_space<vmem>> -> memref<80x64xf32, #tpu.memory_space<vmem>>
      %get3A_684 = arith.index_cast %add3A_679 : i32 to index
      %get3A_685 = arith.constant 48 : index
      %get3A_686 = tpu.vector_load %get3A_683[%get3A_684, %get3A_685] {strides = array<i32>} : memref<80x64xf32, #tpu.memory_space<vmem>>, vector<16xf32>,
      %mul3A_687 = arith.mulf %get3A_686, %gather3A_620 : vector<16xf32>
      %add3A_688 = arith.constant 2 : i32
      %add3A_689 = arith.addi %mul3A_448, %add3A_688 : i32
      %swap3A_690 = arith.constant 0 : i32
      %swap3A_691 = arith.constant 0 : i32
      %swap3A_692 = tpu.memref_slice %arg14[%scan3A_412, %swap3A_690, %swap3A_691] : memref<2x80x64xf32, #tpu.memory_space<vmem>> -> memref<1x80x64xf32, #tpu.memory_space<vmem>>
      %swap3A_693 = tpu.memref_squeeze %swap3A_692 : memref<1x80x64xf32, #tpu.memory_space<vmem>> -> memref<80x64xf32, #tpu.memory_space<vmem>>
      %swap3A_694 = arith.index_cast %add3A_689 : i32 to index
      %swap3A_695 = arith.constant 48 : index
      %swap3A_696 = tpu.vector_load %swap3A_693[%swap3A_694, %swap3A_695] {strides = array<i32>} : memref<80x64xf32, #tpu.memory_space<vmem>>, vector<16xf32>,
      tpu.vector_store %swap3A_693[%swap3A_694, %swap3A_695], %mul3A_687 {strides = array<i32>} : memref<80x64xf32, #tpu.memory_space<vmem>>, vector<16xf32>,
      %broadcast_in_dim3A_697 = arith.constant 0 : i32
      %broadcast_in_dim3A_698 = vector.broadcast %broadcast_in_dim3A_697 : i32 to vector<16xi32>
      %add3A_699 = arith.constant 3 : i32
      %add3A_700 = arith.addi %mul3A_448, %add3A_699 : i32
      %add3A_701 = vector.broadcast %add3A_700 : i32 to vector<16xi32>
      %add3A_702 = arith.addi %broadcast_in_dim3A_698, %add3A_701 : vector<16xi32>
      %gather3A_703 = tpu.vector_load_idx %arg11[%add3A_410, %add3A_702] : memref<125x80xf32, #tpu.memory_space<vmem>>[vector<16xi32>, vector<16xi32>], vector<16xf32>,
      %add3A_704 = arith.constant 3 : i32
      %add3A_705 = arith.addi %mul3A_448, %add3A_704 : i32
      %get3A_706 = arith.constant 0 : i32
      %get3A_707 = arith.constant 0 : i32
      %get3A_708 = tpu.memref_slice %arg14[%scan3A_412, %get3A_706, %get3A_707] : memref<2x80x64xf32, #tpu.memory_space<vmem>> -> memref<1x80x64xf32, #tpu.memory_space<vmem>>
      %get3A_709 = tpu.memref_squeeze %get3A_708 : memref<1x80x64xf32, #tpu.memory_space<vmem>> -> memref<80x64xf32, #tpu.memory_space<vmem>>
      %get3A_710 = arith.index_cast %add3A_705 : i32 to index
      %get3A_711 = arith.constant 0 : index
      %get3A_712 = tpu.vector_load %get3A_709[%get3A_710, %get3A_711] {strides = array<i32>} : memref<80x64xf32, #tpu.memory_space<vmem>>, vector<16xf32>,
      %mul3A_713 = arith.mulf %get3A_712, %gather3A_703 : vector<16xf32>
      %add3A_714 = arith.constant 3 : i32
      %add3A_715 = arith.addi %mul3A_448, %add3A_714 : i32
      %swap3A_716 = arith.constant 0 : i32
      %swap3A_717 = arith.constant 0 : i32
      %swap3A_718 = tpu.memref_slice %arg14[%scan3A_412, %swap3A_716, %swap3A_717] : memref<2x80x64xf32, #tpu.memory_space<vmem>> -> memref<1x80x64xf32, #tpu.memory_space<vmem>>
      %swap3A_719 = tpu.memref_squeeze %swap3A_718 : memref<1x80x64xf32, #tpu.memory_space<vmem>> -> memref<80x64xf32, #tpu.memory_space<vmem>>
      %swap3A_720 = arith.index_cast %add3A_715 : i32 to index
      %swap3A_721 = arith.constant 0 : index
      %swap3A_722 = tpu.vector_load %swap3A_719[%swap3A_720, %swap3A_721] {strides = array<i32>} : memref<80x64xf32, #tpu.memory_space<vmem>>, vector<16xf32>,
      tpu.vector_store %swap3A_719[%swap3A_720, %swap3A_721], %mul3A_713 {strides = array<i32>} : memref<80x64xf32, #tpu.memory_space<vmem>>, vector<16xf32>,
      %add3A_723 = arith.constant 3 : i32
      %add3A_724 = arith.addi %mul3A_448, %add3A_723 : i32
      %get3A_725 = arith.constant 0 : i32
      %get3A_726 = arith.constant 0 : i32
      %get3A_727 = tpu.memref_slice %arg14[%scan3A_412, %get3A_725, %get3A_726] : memref<2x80x64xf32, #tpu.memory_space<vmem>> -> memref<1x80x64xf32, #tpu.memory_space<vmem>>
      %get3A_728 = tpu.memref_squeeze %get3A_727 : memref<1x80x64xf32, #tpu.memory_space<vmem>> -> memref<80x64xf32, #tpu.memory_space<vmem>>
      %get3A_729 = arith.index_cast %add3A_724 : i32 to index
      %get3A_730 = arith.constant 16 : index
      %get3A_731 = tpu.vector_load %get3A_728[%get3A_729, %get3A_730] {strides = array<i32>} : memref<80x64xf32, #tpu.memory_space<vmem>>, vector<16xf32>,
      %mul3A_732 = arith.mulf %get3A_731, %gather3A_703 : vector<16xf32>
      %add3A_733 = arith.constant 3 : i32
      %add3A_734 = arith.addi %mul3A_448, %add3A_733 : i32
      %swap3A_735 = arith.constant 0 : i32
      %swap3A_736 = arith.constant 0 : i32
      %swap3A_737 = tpu.memref_slice %arg14[%scan3A_412, %swap3A_735, %swap3A_736] : memref<2x80x64xf32, #tpu.memory_space<vmem>> -> memref<1x80x64xf32, #tpu.memory_space<vmem>>
      %swap3A_738 = tpu.memref_squeeze %swap3A_737 : memref<1x80x64xf32, #tpu.memory_space<vmem>> -> memref<80x64xf32, #tpu.memory_space<vmem>>
      %swap3A_739 = arith.index_cast %add3A_734 : i32 to index
      %swap3A_740 = arith.constant 16 : index
      %swap3A_741 = tpu.vector_load %swap3A_738[%swap3A_739, %swap3A_740] {strides = array<i32>} : memref<80x64xf32, #tpu.memory_space<vmem>>, vector<16xf32>,
      tpu.vector_store %swap3A_738[%swap3A_739, %swap3A_740], %mul3A_732 {strides = array<i32>} : memref<80x64xf32, #tpu.memory_space<vmem>>, vector<16xf32>,
      %add3A_742 = arith.constant 3 : i32
      %add3A_743 = arith.addi %mul3A_448, %add3A_742 : i32
      %get3A_744 = arith.constant 0 : i32
      %get3A_745 = arith.constant 0 : i32
      %get3A_746 = tpu.memref_slice %arg14[%scan3A_412, %get3A_744, %get3A_745] : memref<2x80x64xf32, #tpu.memory_space<vmem>> -> memref<1x80x64xf32, #tpu.memory_space<vmem>>
      %get3A_747 = tpu.memref_squeeze %get3A_746 : memref<1x80x64xf32, #tpu.memory_space<vmem>> -> memref<80x64xf32, #tpu.memory_space<vmem>>
      %get3A_748 = arith.index_cast %add3A_743 : i32 to index
      %get3A_749 = arith.constant 32 : index
      %get3A_750 = tpu.vector_load %get3A_747[%get3A_748, %get3A_749] {strides = array<i32>} : memref<80x64xf32, #tpu.memory_space<vmem>>, vector<16xf32>,
      %mul3A_751 = arith.mulf %get3A_750, %gather3A_703 : vector<16xf32>
      %add3A_752 = arith.constant 3 : i32
      %add3A_753 = arith.addi %mul3A_448, %add3A_752 : i32
      %swap3A_754 = arith.constant 0 : i32
      %swap3A_755 = arith.constant 0 : i32
      %swap3A_756 = tpu.memref_slice %arg14[%scan3A_412, %swap3A_754, %swap3A_755] : memref<2x80x64xf32, #tpu.memory_space<vmem>> -> memref<1x80x64xf32, #tpu.memory_space<vmem>>
      %swap3A_757 = tpu.memref_squeeze %swap3A_756 : memref<1x80x64xf32, #tpu.memory_space<vmem>> -> memref<80x64xf32, #tpu.memory_space<vmem>>
      %swap3A_758 = arith.index_cast %add3A_753 : i32 to index
      %swap3A_759 = arith.constant 32 : index
      %swap3A_760 = tpu.vector_load %swap3A_757[%swap3A_758, %swap3A_759] {strides = array<i32>} : memref<80x64xf32, #tpu.memory_space<vmem>>, vector<16xf32>,
      tpu.vector_store %swap3A_757[%swap3A_758, %swap3A_759], %mul3A_751 {strides = array<i32>} : memref<80x64xf32, #tpu.memory_space<vmem>>, vector<16xf32>,
      %add3A_761 = arith.constant 3 : i32
      %add3A_762 = arith.addi %mul3A_448, %add3A_761 : i32
      %get3A_763 = arith.constant 0 : i32
      %get3A_764 = arith.constant 0 : i32
      %get3A_765 = tpu.memref_slice %arg14[%scan3A_412, %get3A_763, %get3A_764] : memref<2x80x64xf32, #tpu.memory_space<vmem>> -> memref<1x80x64xf32, #tpu.memory_space<vmem>>
      %get3A_766 = tpu.memref_squeeze %get3A_765 : memref<1x80x64xf32, #tpu.memory_space<vmem>> -> memref<80x64xf32, #tpu.memory_space<vmem>>
      %get3A_767 = arith.index_cast %add3A_762 : i32 to index
      %get3A_768 = arith.constant 48 : index
      %get3A_769 = tpu.vector_load %get3A_766[%get3A_767, %get3A_768] {strides = array<i32>} : memref<80x64xf32, #tpu.memory_space<vmem>>, vector<16xf32>,
      %mul3A_770 = arith.mulf %get3A_769, %gather3A_703 : vector<16xf32>
      %add3A_771 = arith.constant 3 : i32
      %add3A_772 = arith.addi %mul3A_448, %add3A_771 : i32
      %swap3A_773 = arith.constant 0 : i32
      %swap3A_774 = arith.constant 0 : i32
      %swap3A_775 = tpu.memref_slice %arg14[%scan3A_412, %swap3A_773, %swap3A_774] : memref<2x80x64xf32, #tpu.memory_space<vmem>> -> memref<1x80x64xf32, #tpu.memory_space<vmem>>
      %swap3A_776 = tpu.memref_squeeze %swap3A_775 : memref<1x80x64xf32, #tpu.memory_space<vmem>> -> memref<80x64xf32, #tpu.memory_space<vmem>>
      %swap3A_777 = arith.index_cast %add3A_772 : i32 to index
      %swap3A_778 = arith.constant 48 : index
      %swap3A_779 = tpu.vector_load %swap3A_776[%swap3A_777, %swap3A_778] {strides = array<i32>} : memref<80x64xf32, #tpu.memory_space<vmem>>, vector<16xf32>,
      tpu.vector_store %swap3A_776[%swap3A_777, %swap3A_778], %mul3A_770 {strides = array<i32>} : memref<80x64xf32, #tpu.memory_space<vmem>>, vector<16xf32>,
    }
    %scan3A_417 = arith.constant 20 : i32
    %dma_start3A_418 = arith.constant 0 : i32
    %dma_start3A_419 = arith.constant 124 : i32
    %dma_start3A_420 = arith.constant 0 : i32
    %dma_start3A_421 = arith.constant 0 : i32
    %dma_start3A_422 = tpu.memref_slice %arg14[%dma_start3A_418, %dma_start3A_420, %dma_start3A_421] : memref<2x80x64xf32, #tpu.memory_space<vmem>> -> memref<1x80x64xf32, #tpu.memory_space<vmem>>
    %dma_start3A_423 = tpu.memref_squeeze %dma_start3A_422 : memref<1x80x64xf32, #tpu.memory_space<vmem>> -> memref<80x64xf32, #tpu.memory_space<vmem>>
    %dma_start3A_424 = arith.constant 0 : i32
    %dma_start3A_425 = tpu.memref_slice %arg8[%dma_start3A_419, %dma_start3A_424] : memref<125x80xi32, #tpu.memory_space<vmem>> -> memref<1x80xi32, #tpu.memory_space<vmem>>
    %dma_start3A_426 = tpu.memref_squeeze %dma_start3A_425 : memref<1x80xi32, #tpu.memory_space<vmem>> -> memref<80xi32, #tpu.memory_space<vmem>>
    %dma_start3A_427 = arith.constant 0 : i32
    %dma_start3A_428 = arith.constant 0 : i32
    %dma_start3A_429 = tpu.memref_slice %arg17[%dma_start3A_427, %dma_start3A_428] : memref<10112x64xf32, #tpu.memory_space<vmem_shared>> -> memref<10112x64xf32, #tpu.memory_space<vmem_shared>>
    tpu.enqueue_indirect_dma source(%dma_start3A_423 : memref<80x64xf32, #tpu.memory_space<vmem>>) target(%dma_start3A_429 : memref<10112x64xf32, #tpu.memory_space<vmem_shared>>) offsets(%dma_start3A_426 : memref<80xi32, #tpu.memory_space<vmem>>) semaphore(%arg21 : memref<!tpu.dma_semaphore, #tpu.memory_space<semaphore_mem>>) {add = true}
    %dma_wait3A_430 = arith.constant 0 : i32
    %dma_wait3A_431 = arith.constant 124 : i32
    %dma_wait3A_432 = arith.constant 0 : i32
    %dma_wait3A_433 = arith.constant 0 : i32
    %dma_wait3A_434 = tpu.memref_slice %arg14[%dma_wait3A_430, %dma_wait3A_432, %dma_wait3A_433] : memref<2x80x64xf32, #tpu.memory_space<vmem>> -> memref<1x80x64xf32, #tpu.memory_space<vmem>>
    %dma_wait3A_435 = tpu.memref_squeeze %dma_wait3A_434 : memref<1x80x64xf32, #tpu.memory_space<vmem>> -> memref<80x64xf32, #tpu.memory_space<vmem>>
    %dma_wait3A_436 = arith.constant 0 : i32
    %dma_wait3A_437 = tpu.memref_slice %arg8[%dma_wait3A_431, %dma_wait3A_436] : memref<125x80xi32, #tpu.memory_space<vmem>> -> memref<1x80xi32, #tpu.memory_space<vmem>>
    %dma_wait3A_438 = tpu.memref_squeeze %dma_wait3A_437 : memref<1x80xi32, #tpu.memory_space<vmem>> -> memref<80xi32, #tpu.memory_space<vmem>>
    %dma_wait3A_439 = arith.constant 0 : i32
    %dma_wait3A_440 = arith.constant 0 : i32
    %dma_wait3A_441 = tpu.memref_slice %arg17[%dma_wait3A_439, %dma_wait3A_440] : memref<10112x64xf32, #tpu.memory_space<vmem_shared>> -> memref<10112x64xf32, #tpu.memory_space<vmem_shared>>
    tpu.wait_indirect_dma semaphore(%arg21 : memref<!tpu.dma_semaphore, #tpu.memory_space<semaphore_mem>>) src(%dma_wait3A_435 : memref<80x64xf32, #tpu.memory_space<vmem>>) dst(%dma_wait3A_441 : memref<10112x64xf32, #tpu.memory_space<vmem_shared>>)
    %barrier3A_442 = arith.constant 0 : index
    tpu.barrier barrier_id(%barrier3A_442)
    %mul3A_443 = arith.constant 632 : i32
    %mul3A_444 = arith.muli %arg1, %mul3A_443 : i32
    %multiple_of3A_445 = tpu.assume_multiple %mul3A_444, 8 : i32
    "tpu.region"() ({
      %run_scoped3A_446 = tpu.sem_alloc : memref<!tpu.dma_semaphore, #tpu.memory_space<semaphore_mem>>
      %dma_start3A_447 = tpu.memref_slice %arg7[%multiple_of3A_445, %multiple_of3A_332] : memref<10112x256xf32, #tpu.memory_space<hbm>> -> memref<632x64xf32, #tpu.memory_space<hbm>>
      %dma_start3A_448 = arith.constant 0 : i32
      %dma_start3A_449 = tpu.memref_slice %arg17[%multiple_of3A_445, %dma_start3A_448] : memref<10112x64xf32, #tpu.memory_space<vmem_shared>> -> memref<632x64xf32, #tpu.memory_space<vmem_shared>>
      tpu.enqueue_dma source(%dma_start3A_449 : memref<632x64xf32, #tpu.memory_space<vmem_shared>>) target(%dma_start3A_447 : memref<632x64xf32, #tpu.memory_space<hbm>>) target_semaphore(%run_scoped3A_446 : memref<!tpu.dma_semaphore, #tpu.memory_space<semaphore_mem>>)
      %dma_wait3A_450 = tpu.memref_slice %arg7[%multiple_of3A_445, %multiple_of3A_332] : memref<10112x256xf32, #tpu.memory_space<hbm>> -> memref<632x64xf32, #tpu.memory_space<hbm>>
      %dma_wait3A_451 = arith.constant 0 : i32
      %dma_wait3A_452 = tpu.memref_slice %arg17[%multiple_of3A_445, %dma_wait3A_451] : memref<10112x64xf32, #tpu.memory_space<vmem_shared>> -> memref<632x64xf32, #tpu.memory_space<vmem_shared>>
      tpu.wait_dma2 semaphore(%run_scoped3A_446 : memref<!tpu.dma_semaphore, #tpu.memory_space<semaphore_mem>>) src(%dma_wait3A_452 : memref<632x64xf32, #tpu.memory_space<vmem_shared>>) dst(%dma_wait3A_450 : memref<632x64xf32, #tpu.memory_space<hbm>>)
      tpu.yield
    }) : () -> ()
    return
  }
}

module attributes {stable_mosaic.version = 14 : i64} {
  func.func @_prep_body(%arg0: memref<10000x256xf32, #tpu.memory_space<vmem>>, %arg1: memref<2x256xf32, #tpu.memory_space<vmem>>, %arg2: memref<2x10112xf32, #tpu.memory_space<vmem>>, %arg3: memref<4x10112x64xf32, #tpu.memory_space<vmem>>) attributes {dimension_semantics = [], scalar_prefetch = 0 : i64, scratch_operands = 0 : i64, tpu.core_type = #tpu.core_type<tc>} {
    %get3A = arith.constant 0 : index
    %get3A_0 = arith.constant 0 : index
    %get3A_1 = vector.load %arg0[%get3A, %get3A_0] : memref<10000x256xf32, #tpu.memory_space<vmem>>, vector<10000x256xf32>
    %get3A_2 = arith.constant 0 : index
    %get3A_3 = arith.constant 0 : index
    %get3A_4 = vector.load %arg1[%get3A_2, %get3A_3] : memref<2x256xf32, #tpu.memory_space<vmem>>, vector<2x256xf32>
    %dot_general3A = arith.constant dense<0.000000e+00> : vector<2x10000xf32>
    %dot_general3A_5 = tpu.matmul %get3A_4, %get3A_1, %dot_general3A {dimension_numbers = #tpu.dot_dimension_numbers<[1], [1], [0], [0], [0, 0, 1, 0], [], []>, transpose_lhs_hint = false} : vector<2x256xf32>, vector<10000x256xf32>, vector<2x10000xf32> -> vector<2x10000xf32>
    %swap3A = arith.constant 0 : index
    %swap3A_6 = arith.constant 0 : index
    %swap3A_7 = vector.load %arg2[%swap3A, %swap3A_6] : memref<2x10112xf32, #tpu.memory_space<vmem>>, vector<2x10000xf32>
    tpu.vector_store %arg2[%swap3A, %swap3A_6], %dot_general3A_5 {strides = array<i32>} : memref<2x10112xf32, #tpu.memory_space<vmem>>, vector<2x10000xf32>,
    %slice3A = vector.extract_strided_slice %get3A_1 {offsets = [0, 0], sizes = [10000, 64], strides = [1, 1]} : vector<10000x256xf32> to vector<10000x64xf32>
    %swap3A_8 = arith.constant 0 : index
    %swap3A_9 = arith.constant 0 : index
    %swap3A_10 = arith.constant 0 : index
    %swap3A_11 = vector.load %arg3[%swap3A_8, %swap3A_9, %swap3A_10] : memref<4x10112x64xf32, #tpu.memory_space<vmem>>, vector<1x10000x64xf32>
    %swap3A_12 = vector.shape_cast %swap3A_11 : vector<1x10000x64xf32> to vector<10000x64xf32>
    %swap3A_13 = vector.shape_cast %slice3A : vector<10000x64xf32> to vector<1x10000x64xf32>
    tpu.vector_store %arg3[%swap3A_8, %swap3A_9, %swap3A_10], %swap3A_13 {strides = array<i32>} : memref<4x10112x64xf32, #tpu.memory_space<vmem>>, vector<1x10000x64xf32>,
    %slice3A_14 = vector.extract_strided_slice %get3A_1 {offsets = [0, 64], sizes = [10000, 64], strides = [1, 1]} : vector<10000x256xf32> to vector<10000x64xf32>
    %swap3A_15 = arith.constant 1 : index
    %swap3A_16 = arith.constant 0 : index
    %swap3A_17 = arith.constant 0 : index
    %swap3A_18 = vector.load %arg3[%swap3A_15, %swap3A_16, %swap3A_17] : memref<4x10112x64xf32, #tpu.memory_space<vmem>>, vector<1x10000x64xf32>
    %swap3A_19 = vector.shape_cast %swap3A_18 : vector<1x10000x64xf32> to vector<10000x64xf32>
    %swap3A_20 = vector.shape_cast %slice3A_14 : vector<10000x64xf32> to vector<1x10000x64xf32>
    tpu.vector_store %arg3[%swap3A_15, %swap3A_16, %swap3A_17], %swap3A_20 {strides = array<i32>} : memref<4x10112x64xf32, #tpu.memory_space<vmem>>, vector<1x10000x64xf32>,
    %slice3A_21 = vector.extract_strided_slice %get3A_1 {offsets = [0, 128], sizes = [10000, 64], strides = [1, 1]} : vector<10000x256xf32> to vector<10000x64xf32>
    %swap3A_22 = arith.constant 2 : index
    %swap3A_23 = arith.constant 0 : index
    %swap3A_24 = arith.constant 0 : index
    %swap3A_25 = vector.load %arg3[%swap3A_22, %swap3A_23, %swap3A_24] : memref<4x10112x64xf32, #tpu.memory_space<vmem>>, vector<1x10000x64xf32>
    %swap3A_26 = vector.shape_cast %swap3A_25 : vector<1x10000x64xf32> to vector<10000x64xf32>
    %swap3A_27 = vector.shape_cast %slice3A_21 : vector<10000x64xf32> to vector<1x10000x64xf32>
    tpu.vector_store %arg3[%swap3A_22, %swap3A_23, %swap3A_24], %swap3A_27 {strides = array<i32>} : memref<4x10112x64xf32, #tpu.memory_space<vmem>>, vector<1x10000x64xf32>,
    %slice3A_28 = vector.extract_strided_slice %get3A_1 {offsets = [0, 192], sizes = [10000, 64], strides = [1, 1]} : vector<10000x256xf32> to vector<10000x64xf32>
    %swap3A_29 = arith.constant 3 : index
    %swap3A_30 = arith.constant 0 : index
    %swap3A_31 = arith.constant 0 : index
    %swap3A_32 = vector.load %arg3[%swap3A_29, %swap3A_30, %swap3A_31] : memref<4x10112x64xf32, #tpu.memory_space<vmem>>, vector<1x10000x64xf32>
    %swap3A_33 = vector.shape_cast %swap3A_32 : vector<1x10000x64xf32> to vector<10000x64xf32>
    %swap3A_34 = vector.shape_cast %slice3A_28 : vector<10000x64xf32> to vector<1x10000x64xf32>
    tpu.vector_store %arg3[%swap3A_29, %swap3A_30, %swap3A_31], %swap3A_34 {strides = array<i32>} : memref<4x10112x64xf32, #tpu.memory_space<vmem>>, vector<1x10000x64xf32>,
    return
  }
}

</mosaic_0001>

<sc_bundles>
// kernel: kernel.4.cloned.1.call-start
scs
__scs_entry_jumppad:
0x0: {  	(pc) =	sbr.rel $0x88, $3  }
0x1: {  	(tag) =	ssettag $0x0;
	lr =	simm.s32 $0x1  }
0x2: {  	[smem:$0x3F9D] =	sst lr;
	_ =	strace $0xD0000000  }
0x3: {  	_ = 	snop  }
0x4: {  	_ = 	snop  }
0x5: {  	_ = 	snop  }
0x6: {  	_ = 	snop  }
0x7: {  	_ = 	snop  }
__scs_overlays_trampoline_lowered:
0x8: {  	[smem:$0x3FAC] =	sst s0  }
0x9: {  	[smem:$0x3FAD] =	sst s1  }
0xa: {  	[smem:$0x3FAE] =	sst s2  }
0xb: {  	[smem:$0x3FAF] =	sst s3  }
0xc: {  	[smem:$0x3FB0] =	sst s4  }
0xd: {  	[smem:$0x3FB1] =	sst s5  }
0xe: {  	[smem:$0x3FB2] =	sst s6  }
0xf: {  	[smem:$0x3FB3] =	sst s7  }
0x10: {  	[smem:$0x3FB4] =	sst s8  }
0x11: {  	[smem:$0x3FB5] =	sst s9;
	s0 =	simm.s32 @!p0 $0x0  }
0x12: {  	s1 =	sld [smem:$0x3F9B];
	s0 =	simm.s32 @p0 $0x1  }
0x13: {  	[smem:$0x3FB6] =	sst s0;
	s0 =	simm.s32 @!p1 $0x0  }
0x14: {  	s2 =	sld [smem:$0x3F9A];
	s0 =	simm.s32 @p1 $0x1  }
0x15: {  	[smem:$0x3FB7] =	sst s0;
	s0 =	simm.s32 @!p2 $0x0  }
0x16: {  	s3 =	sld [smem:$0x3FDB];
	s0 =	simm.s32 @p2 $0x1  }
0x17: {  	s4 =	simm.s32 $0x1BF5;
	[smem:$0x3FB9] =	sst s0  }
0x18: {  	s0 =	sld [smem:$0x3F9C];
	_ =	swait.ge [sflag:s4], $0x0  }
0x19: {  	s7 =	sld [smem:$0x3F9D]  }
0x1a: {  	s8 =	sadd.s32 $0xFFFFE003, lr  }
0x1b: {  	s9 =	sadd.s32 $0xFFFFFEF7, lr;
	s5 =	simm.s32 $0xFFFFFFFF;
	p2 =	slt.u32 s8, $0xFFFFF086  }
0x1c: {  	p1 =	slt.u32 s9, $0xF7A;
	s5 =	simm.s32 @!p2 $0x0  }
0x1d: {  	s5 =	simm.s32 @p1 $0x1;
	p0 =	seq.s32 s7, s2  }
0x1e: {  	s7 =	smul.u32 @!p0 $0xF7A, s2;
	p2 =	seq.s32 @!p0 s5, $0x0  }
0x1f: {  	s9 =	smul.u32 $0xF7A, s1;
	s8 =	simm.s32 @!p0 $0x1BF5;
	p2 =	por !p2, p0  }
0x20: {  	[sflag:s8] =	ssyncset.s32 @!p0 $0xFFFFF086;
	s6 =	sadd.s32 @!p0 s3, s7;
	s7 =	simm.s32 @!p0 $0x108  }
0x21: {  	s3 =	sadd.s32 s3, s9;
	s6 =	sadd.s32 @!p0 $0x88, s6;
	s7 =	simm.s32 @p2 $0x1082  }
0x22: {  	[simem:s7], [sflag:s8] =	dma.local @!p0 [hbm:s6], $0xF7A  }
0x23: {  	s9 =	sor.u32 $0xD0000000, s2;
	s6 =	simm.s32 $0x108;
	_ =	swait.ge @!p0 [sflag:s8], $0x0  }
0x24: {  	s3 =	sadd.s32 $0x88, s3;
	s6 =	simm.s32 @!p1 $0x1082;
	[sflag:s4] =	ssyncset.s32 $0xFFFFF086  }
0x25: {  	[simem:s6], [sflag:s4] =	dma.local [hbm:s3], $0xF7A  }
0x26: {  	[smem:$0x3F9D] =	sst s1;
	(tag) =	ssettag s2;
	_ =	strace s9  }
0x27: {  	s1 =	sld [smem:$0x3FAD]  }
0x28: {  	s2 =	sld [smem:$0x3FAE]  }
0x29: {  	s4 =	sld [smem:$0x3FB0]  }
0x2a: {  	p0 =	seq.s32 s5, $0x0;
	s5 =	sld [smem:$0x3FB1]  }
0x2b: {  	s6 =	sld [smem:$0x3FB2]  }
0x2c: {  	s7 =	sld [smem:$0x3FB3]  }
0x2d: {  	s3 =	simm.s32 $0x108;
	s8 =	sld [smem:$0x3FB4]  }
0x2e: {  	s3 =	simm.s32 @!p0 $0x1082;
	s9 =	sld [smem:$0x3FB5]  }
0x2f: {  	lr =	sadd.s32 s0, s3;
	s0 =	sld [smem:$0x3FAC]  }
0x30: {  	s3 =	sld [smem:$0x3FAF]  }
0x31: {  	[smem:$0x3FB8] =	sst s10  }
0x32: {  	s10 =	sld [smem:$0x3FB6];
	_ =	sdelay $0x3  }
0x33: {  	p0 =	seq.s32 s10, $0x1;
	s10 =	sld [smem:$0x3FB8];
	_ =	sdelay $0x3  }
0x34: {  	[smem:$0x3FB8] =	sst s10  }
0x35: {  	s10 =	sld [smem:$0x3FB7];
	_ =	sdelay $0x3  }
0x36: {  	p1 =	seq.s32 s10, $0x1;
	s10 =	sld [smem:$0x3FB8];
	_ =	sdelay $0x3  }
0x37: {  	[smem:$0x3FB8] =	sst s10  }
0x38: {  	s10 =	sld [smem:$0x3FB9]  }
0x39: {  	_ = 	snop;
	(pc) =	sbr.ind lr, $3  }
0x3a: {  	_ = 	snop  }
0x3b: {  	_ = 	snop  }
0x3c: {  	p2 =	seq.s32 s10, $0x1;
	s10 =	sld [smem:$0x3FB8]  }
0x3d: {  	_ =	shalt  }
0x3e: {  	_ =	shalt  }
0x3f: {  	_ =	shalt  }
0x40: {  	_ =	shalt  }
0x41: {  	_ =	shalt  }
0x42: {  	_ =	shalt  }
0x43: {  	_ =	shalt  }
0x44: {  	_ =	shalt  }
0x45: {  	_ =	shalt  }
0x46: {  	_ =	shalt  }
0x47: {  	_ =	shalt  }
0x48: {  	_ =	shalt  }
0x49: {  	_ =	shalt  }
0x4a: {  	_ =	shalt  }
0x4b: {  	_ =	shalt  }
0x4c: {  	_ =	shalt  }
0x4d: {  	_ =	shalt  }
0x4e: {  	_ =	shalt  }
0x4f: {  	_ =	shalt  }
0x50: {  	_ =	shalt  }
0x51: {  	_ =	shalt  }
0x52: {  	_ =	shalt  }
0x53: {  	_ =	shalt  }
0x54: {  	_ =	shalt  }
0x55: {  	_ =	shalt  }
0x56: {  	_ =	shalt  }
0x57: {  	_ =	shalt  }
0x58: {  	_ =	shalt  }
0x59: {  	_ =	shalt  }
0x5a: {  	_ =	shalt  }
0x5b: {  	_ =	shalt  }
0x5c: {  	_ =	shalt  }
0x5d: {  	_ =	shalt  }
0x5e: {  	_ =	shalt  }
0x5f: {  	_ =	shalt  }
0x60: {  	_ =	shalt  }
0x61: {  	_ =	shalt  }
0x62: {  	_ =	shalt  }
0x63: {  	_ =	shalt  }
0x64: {  	_ =	shalt  }
0x65: {  	_ =	shalt  }
0x66: {  	_ =	shalt  }
0x67: {  	_ =	shalt  }
0x68: {  	_ =	shalt  }
0x69: {  	_ =	shalt  }
0x6a: {  	_ =	shalt  }
0x6b: {  	_ =	shalt  }
0x6c: {  	_ =	shalt  }
0x6d: {  	_ =	shalt  }
0x6e: {  	_ =	shalt  }
0x6f: {  	_ =	shalt  }
0x70: {  	_ =	shalt  }
0x71: {  	_ =	shalt  }
0x72: {  	_ =	shalt  }
0x73: {  	_ =	shalt  }
0x74: {  	_ =	shalt  }
0x75: {  	_ =	shalt  }
0x76: {  	_ =	shalt  }
0x77: {  	_ =	shalt  }
0x78: {  	_ =	shalt  }
0x79: {  	_ =	shalt  }
0x7a: {  	_ =	shalt  }
0x7b: {  	_ =	shalt  }
0x7c: {  	_ =	shalt  }
0x7d: {  	_ =	shalt  }
0x7e: {  	_ =	shalt  }
0x7f: {  	_ =	shalt  }
0x80: {  	_ =	shalt  }
0x81: {  	_ =	shalt  }
0x82: {  	_ =	shalt  }
0x83: {  	_ =	shalt  }
0x84: {  	_ =	shalt  }
0x85: {  	_ =	shalt  }
0x86: {  	_ =	shalt  }
0x87: {  	_ =	shalt  }
.Lfunc_end0:
.L_simem_size_0:
called_computation_lowered:
.L_overlay_start_0:
0x88: {  	s2 =	sld [smem:$0x3FD9]  }
0x89: {  	s3 =	sld [smem:$0x3FFE];
	_ =	sdelay $0x1  }
0x8a: {  	s1 =	srdreg.scid  }
0x8b: {  	s0 =	sand.u32 $0x1, s1  }
0x8c: {  	s17 =	sshll.u32 s0, $0xA;
	s2 =	sadd.s32 s3, s2  }
0x8d: {  	s2 =	sadd.s32 s2, s17  }
0x8e: {  	[smem:$0x3FC4] =	sst s2  }
0x8f: {  	_ = 	snop  }
0x90: {  	s2 =	sld [smem:$0x3FC7]  }
0x91: {  	s18 =	sld [smem:$0x3FD0];
	(tm) =	ssettm $0x1  }
0x92: {  	s4 =	sld [smem:$0x3FFB];
	_ =	sdelay $0x3  }
0x93: {  	_ =	strace s4  }
0x94: {  	s4 =	sld [smem:$0x3FFC];
	_ =	sdelay $0x3  }
0x95: {  	_ =	strace s4  }
0x96: {  	s4 =	sld [smem:$0x3FFD];
	_ =	sdelay $0x3  }
0x97: {  	_ =	strace s4  }
0x98: {  	_ =	strace $0x8FFFFFFF  }
0x99: {  	s19 =	sld [smem:$0x3FDB];
	_ =	sdelay $0x1  }
0x9a: {  	s5 =	simm.s32 $_scs_section_size  }
0x9b: {  	s6 =	simm.s32 $_size__tile_overlayer_lowered;
	s7 =	simm.s32 $_tile_overlayer_lowered  }
0x9c: {  	s22 =	simm.s32 $0x1BFF;
	s21 =	sshll.u32 s7, $0x1;
	s4 =	sadd.s32 s5, s19  }
0x9d: {  	s8 =	simm.s32 $0x0;
	s20 =	sshll.u32 s6, $0x1;
	s6 =	sadd.s32 s21, s4  }
0x9e: {  	[timem:s8], [sflag:s22] =	dma.local [hbm:s6], s20  }
0x9f: {  	_ =	swait.ge [sflag:s22], s20  }
0xa0: {  	s5 =	ssub.s32 $0x0, s20;
	[sflag:s22] =	ssyncset.done $0x0  }
0xa1: {  	[sflag:s22] =	ssyncadd.s32 s5;
	_ =	sdelay $0x1  }
0xa2: {  	s23 =	simm.s32 $0x1B8B  }
0xa3: {  	_ =	swait.ge [sflag:s23], $0x1  }
0xa4: {  	[sflag:s23] =	ssyncset.done $0x0  }
0xa5: {  	s25 =	simm.s32 $0x1B8E;
	s24 =	sld [smem:$0x3FFE];
	[sflag:s23] =	ssyncadd.s32 $0xFFFFFFFF  }
0xa6: {  	s26 =	simm.s32 $execute0_lowered;
	[smem:$0x3FD2] =	sst s25  }
0xa7: {  	s6 =	sshll.u32 s26, $0x1;
	_ =	strace $0x80000046;
	[dreg:$0x1] =	wrdreg $0xFFFFFFFF  }
0xa8: {  	s28 =	simm.s32 $_size_execute0_lowered;
	s4 =	sadd.s32 s4, s6;
	[dreg:$0x0] =	wrdreg $0x0  }
0xa9: {  	s6 =	sshll.u32 s28, $0x1;
	[dreg:$0x2] =	wrdreg s4  }
0xaa: {  	[dreg:$0x3] =	wrdreg s6  }
0xab: {  	[dreg:$0x4] =	wrdreg $0xC0  }
0xac: {  	_ =	task [dreg:s8], $0x5FFFF  }
0xad: {  	[dreg:$0x1] =	wrdreg $0xFFFFFFFF  }
0xae: {  	[dreg:$0x0] =	wrdreg $0x60  }
0xaf: {  	[dreg:$0x2] =	wrdreg s24  }
0xb0: {  	[dreg:$0x3] =	wrdreg s18  }
0xb1: {  	[dreg:$0x4] =	wrdreg s2  }
0xb2: {  	[dreg:$0x5] =	wrdreg $0x1B4400  }
0xb3: {  	[dreg:$0x6] =	wrdreg $0x116400  }
0xb4: {  	[dreg:$0x7] =	wrdreg $0x9  }
0xb5: {  	_ =	task.clear_ibuf [dreg:s8], $0x8FFFF;
	_ =	strace $0x90000046  }
0xb6: {  	s29 =	simm.s32 $0x9;
	_ =	strace $0x80000048  }
0xb7: {  	_ =	swait.ge [sflag:s29], $0x1  }
0xb8: {  	[sflag:s29] =	ssyncadd.s32 $0xFFFFFFFF  }
0xb9: {  	_ =	strace $0x90000048  }
0xba: {  	_ =	sfence  }
0xbb: {  	s30 =	sld [smem:$0x0];
	_ =	sdelay $0x2  }
0xbc: {  	s31 =	sshll.u32 s1, $0xD;
	s1 =	sshrl.u32 s1, $0x2  }
0xbd: {  	s3 =	sand.u32 $0x4000, s31;
	s1 =	sadd.s32 s1, s30  }
0xbe: {  	s0 =	sor.u32 s3, s0;
	s1 =	sshll.u32 s1, $0x11  }
0xbf: {  	s0 =	sor.u32 s1, s0  }
0xc0: {  	s0 =	sadd.s32 $0x8F2B, s0  }
0xc1: {  	[sflag:s0] =	ssyncadd.remote.s32 $0x1  }
0xc2: {  	_ =	sfence.sel $0xFFFF  }
0xc3: {  	[dreg:$0x0] =	wrdreg $0xFFFFFFFF;
	(pc) =	sbr.abs _section_cstart, $3  }
0xc4: {  	[dreg:$0x1] =	wrdreg $0xFFFFFFFF  }
0xc5: {  	_ =	task.clear_ibuf [dreg:s8], $0x2FFFF;
	_ =	strace $0x9FFFFFFF  }
0xc6: {  	(tm) =	ssettm $0x7FFFFFFF  }
0xc7: {  	_ =	shalt  }
tec
execute0_lowered:
.L_overlay_start_1:
0x0: {  	(tag) =	ssettag $0x1  }
0x1: {  	s12 =	rddreg [dreg:$0x0]  }
0x2: {  	s0 =	rddreg [dreg:$0x1]  }
0x3: {  	s1 =	rddreg [dreg:$0x2]  }
0x4: {  	s13 =	rddreg [dreg:$0x3]  }
0x5: {  	s4 =	rddreg [dreg:$0x4];
	s2 =	srdreg.scid;
	s5 =	simm.s32 $0x0  }
0x6: {  	s11 =	stileid.u32;
	s28 =	simm.s32 $0x50;
	s29 =	simm.s32 $0xEB40  }
0x7: {  	s31 =	simm.s32 $0xFF40;
	s30 =	simm.s32 $0x0;
	s2 =	sand.u32 $0x1, s2  }
0x8: {  	[smem:$0x7FF] =	sst s5;
	s3 =	smul.u32 $0x4E2, s11;
	s7 =	sadd.s32 $0x9E000, s12  }
0x9: {  	s10 =	sadd.s32 $0x5A00, s12;
	s14 =	sshll.u32 s11, $0x4;
	s16 =	sadd.s32 $0x4F0, s12  }
0xa: {  	s19 =	sadd.s32 $0x100, s13;
	_ =	strace $0x80000047;
	[dreg:$0x9] =	wrdreg s16  }
0xb: {  	s11 =	smul.u32 $0x27800, s11;
	s6 =	ssub.s32 $0x2, s2;
	[dreg:$0xb] =	wrdreg s19  }
0xc: {  	s20 =	sshllo.u32 s2, $0x1;
	s21 =	smul.u32 $0x27800, s2;
	s2 =	sshll.u32 s2, $0x7  }
0xd: {  	s19 =	simm.s32 $0x5;
	s8 =	sshrl.u32 s6, $0x1;
	s9 =	sadd.s32 s3, s12  }
0xe: {  	s0 =	sadd.s32 s0, s3;
	s15 =	sadd.s32 s1, s3;
	s18 =	sshrl.u32 s11, $0x2  }
0xf: {  	s22 =	sshll.u32 s20, $0x6;
	s2 =	sor.u32 s2, s11;
	[dreg:$0x7] =	wrdreg s0  }
0x10: {  	s6 =	ssub.s32 s6, s8;
	s9 =	sadd.s32 $0xA00, s9;
	[dreg:$0x8] =	wrdreg s15  }
0x11: {  	s0 =	smul.u32 $0x13C00, s20;
	s3 =	sor.u32 s11, s22;
	s23 =	sshrl.u32 s2, $0x3  }
0x12: {  	s20 =	simm.s32 $0x2710;
	s22 =	simm.s32 $0x9C40;
	s2 =	simm.s32 $0x3  }
0x13: {  	[dreg:$0x6] =	wrdreg s9;
	s9 =	sadd.s32 s14, s13;
	s13 =	sadd.s32 s18, s4  }
0x14: {  	s14 =	sadd.s32 s7, s21;
	s24 =	sshrl.u32 s3, $0x3;
	s1 =	sadd.s32 s10, s23  }
0x15: {  	s26 =	smax.u32 s6, $0x1;
	s23 =	simm.s32 $0xC3C0;
	s21 =	simm.s32 $0x2  }
0x16: {  	s17 =	sadd.s32 $0x100, s9;
	[dreg:$0xc] =	wrdreg s1;
	s16 =	sadd.s32 s7, s0  }
0x17: {  	s25 =	sadd.s32 s10, s24;
	[dreg:$0xe] =	wrdreg s26;
	s24 =	simm.s32 $0x11540  }
0x18: {  	s26 =	simm.s32 $0x1;
	s0 =	simm.s32 $0x7530;
	[dreg:$0xa] =	wrdreg s17  }
0x19: {  	v0 =	vimm.f32 $0.0e+00;
	s1 =	simm.s32 $0x4;
	[dreg:$0xd] =	wrdreg s25;
	s25 =	simm.s32 $0x11340  }
.LBB2_1:
0x1a: {  	s3 =	rddreg [dreg:$0x6]  }
0x1b: {  	[tilespmem:s5], [sflag:$0x5] =	stream.linear.gather [hbm4b:s3+s5], $0x2710, $0x38;
	[tilespmem:$0x1B460] =	vst v63  }
0x1c: {  	_ =	swait.ge [sflag:s19], $0x2710  }
0x1d: {  	[sflag:s19] =	ssyncset.done $0x0  }
0x1e: {  	s12 =	rddreg [dreg:$0x7];
	[sflag:s19] =	ssyncadd.s32 $0xFFFFD8F0  }
0x1f: {  	[tilespmem:s20], [sflag:$0x5] =	stream.linear.gather [hbm4b:s12+s5], $0x2710, $0x38;
	[tilespmem:$0x1B460] =	vst v63  }
0x20: {  	_ =	swait.ge [sflag:s19], $0x2710  }
0x21: {  	[sflag:s19] =	ssyncset.done $0x0  }
0x22: {  	s6 =	simm.s32 $0x4E20;
	s15 =	rddreg [dreg:$0x8];
	[sflag:s19] =	ssyncadd.s32 $0xFFFFD8F0  }
0x23: {  	[tilespmem:s6], [sflag:$0x5] =	stream.linear.gather [hbm4b:s15+s5], $0x2710, $0x38;
	[tilespmem:$0x1B460] =	vst v63  }
0x24: {  	_ =	swait.ge [sflag:s19], $0x2710  }
0x25: {  	[sflag:s19] =	ssyncset.done $0x0  }
0x26: {  	[sflag:s19] =	ssyncadd.s32 $0xFFFFD8F0  }
0x27: {  	s17 =	rddreg [dreg:$0x0]  }
0x28: {  	[tilespmem:s22], [sflag:$0x5] =	stream.linear.gather [hbm4b:s17+s5], $0x2780, $0x38;
	[tilespmem:$0x1B460] =	vst v63  }
0x29: {  	_ =	swait.ge [sflag:s19], $0x2780  }
0x2a: {  	[sflag:s19] =	ssyncset.done $0x0  }
0x2b: {  	s18 =	rddreg [dreg:$0x9];
	[sflag:s19] =	ssyncadd.s32 $0xFFFFD880  }
0x2c: {  	[tilespmem:s23], [sflag:$0x5] =	stream.linear.gather [hbm4b:s18+s5], $0x2780, $0x38;
	[tilespmem:$0x1B460] =	vst v63  }
0x2d: {  	_ =	swait.ge [sflag:s19], $0x2780  }
0x2e: {  	[sflag:s19] =	ssyncset.done $0x0  }
0x2f: {  	[sflag:s19] =	ssyncadd.s32 $0xFFFFD880  }
0x30: {  	[tilespmem:$0x11340] =	vst v0  }
0x31: {  	[tilespmem:$0x11350] =	vst v0  }
0x32: {  	[tilespmem:$0x11360] =	vst v0  }
0x33: {  	[tilespmem:$0x11370] =	vst v0  }
0x34: {  	[tilespmem:$0x11380] =	vst v0  }
0x35: {  	[tilespmem:$0x11390] =	vst v0  }
0x36: {  	[tilespmem:$0x113A0] =	vst v0  }
0x37: {  	[tilespmem:$0x113B0] =	vst v0  }
0x38: {  	[tilespmem:$0x113C0] =	vst v0  }
0x39: {  	[tilespmem:$0x113D0] =	vst v0  }
0x3a: {  	[tilespmem:$0x113E0] =	vst v0  }
0x3b: {  	[tilespmem:$0x113F0] =	vst v0  }
0x3c: {  	[tilespmem:$0x11400] =	vst v0  }
0x3d: {  	[tilespmem:$0x11410] =	vst v0  }
0x3e: {  	[tilespmem:$0x11420] =	vst v0  }
0x3f: {  	[tilespmem:$0x11430] =	vst v0  }
0x40: {  	[tilespmem:$0x11440] =	vst v0  }
0x41: {  	[tilespmem:$0x11450] =	vst v0  }
0x42: {  	[tilespmem:$0x11460] =	vst v0  }
0x43: {  	[tilespmem:$0x11470] =	vst v0  }
0x44: {  	[tilespmem:$0x11480] =	vst v0  }
0x45: {  	[tilespmem:$0x11490] =	vst v0  }
0x46: {  	[tilespmem:$0x114A0] =	vst v0  }
0x47: {  	[tilespmem:$0x114B0] =	vst v0  }
0x48: {  	[tilespmem:$0x114C0] =	vst v0  }
0x49: {  	[tilespmem:$0x114D0] =	vst v0  }
0x4a: {  	[tilespmem:$0x114E0] =	vst v0  }
0x4b: {  	[tilespmem:$0x114F0] =	vst v0  }
0x4c: {  	[tilespmem:$0x11500] =	vst v0  }
0x4d: {  	[tilespmem:$0x11510] =	vst v0  }
0x4e: {  	[tilespmem:$0x11520] =	vst v0  }
0x4f: {  	s3 =	simm.s32 $0x0;
	[tilespmem:$0x11530] =	vst v0  }
0x50: {  	v1 =	vld [tilespmem:s3+$0x0]  }
0x51: {  	v2 =	vld [tilespmem:s3+$0x2710];
	_ =	sdelay $0x6  }
0x52: {  	v1 =	vld.idx.msk [tilespmem:v1+s22+$0x0], $0xffff  }
0x53: {  	v2 =	vld.idx.msk [tilespmem:v2+s23+$0x0], $0xffff;
	_ =	sdelay $0x2  }
0x54: {  	v3 =	vld [tilespmem:s3+$0x10]  }
0x55: {  	v4 =	vld [tilespmem:s3+$0x2720]  }
0x56: {  	v1 =	vadd.f32 v2, v1;
	_ =	sdelay $0x1  }
0x57: {  	v2 =	vmul.f32 $2.000000030e-01, v1  }
0x58: {  	vm0 =	vge.f32 v1, $0.0e+00  }
0x59: {  	v1 =	vsel vm0, v1, v2  }
0x5a: {  	[tilespmem:s3+$0x7530] =	vst v1  }
0x5b: {  	v2 =	vld.idx.msk [tilespmem:v3+s22+$0x0], $0xffff  }
0x5c: {  	v3 =	vld.idx.msk [tilespmem:v4+s23+$0x0], $0xffff;
	_ =	sdelay $0x2  }
0x5d: {  	v4 =	vld [tilespmem:s3+$0x20]  }
0x5e: {  	v5 =	vld [tilespmem:s3+$0x2730]  }
0x5f: {  	v2 =	vadd.f32 v3, v2;
	_ =	sdelay $0x1  }
0x60: {  	v3 =	vmul.f32 $2.000000030e-01, v2  }
0x61: {  	vm13 =	vge.f32 v2, $0.0e+00  }
0x62: {  	v2 =	vsel vm13, v2, v3  }
0x63: {  	[tilespmem:s3+$0x7540] =	vst v2  }
0x64: {  	v3 =	vld.idx.msk [tilespmem:v4+s22+$0x0], $0xffff  }
0x65: {  	v4 =	vld.idx.msk [tilespmem:v5+s23+$0x0], $0xffff;
	_ =	sdelay $0x2  }
0x66: {  	v5 =	vld [tilespmem:s3+$0x30]  }
0x67: {  	v6 =	vld [tilespmem:s3+$0x2740]  }
0x68: {  	v3 =	vadd.f32 v4, v3;
	_ =	sdelay $0x1  }
0x69: {  	v4 =	vmul.f32 $2.000000030e-01, v3  }
0x6a: {  	vm14 =	vge.f32 v3, $0.0e+00  }
0x6b: {  	v3 =	vsel vm14, v3, v4  }
0x6c: {  	[tilespmem:s3+$0x7550] =	vst v3  }
0x6d: {  	v4 =	vld.idx.msk [tilespmem:v5+s22+$0x0], $0xffff  }
0x6e: {  	v5 =	vld.idx.msk [tilespmem:v6+s23+$0x0], $0xffff;
	_ =	sdelay $0x2  }
0x6f: {  	v6 =	vld [tilespmem:s3+$0x40]  }
0x70: {  	v7 =	vld [tilespmem:s3+$0x2750]  }
0x71: {  	v4 =	vadd.f32 v5, v4;
	_ =	sdelay $0x1  }
0x72: {  	v5 =	vmul.f32 $2.000000030e-01, v4  }
0x73: {  	vm15 =	vge.f32 v4, $0.0e+00  }
0x74: {  	v8 =	vsel vm15, v4, v5  }
0x75: {  	[tilespmem:s3+$0x7560] =	vst v8  }
0x76: {  	v5 =	vimm.f32 $-3.000000010e+38;
	v4 =	vld.idx.msk [tilespmem:v6+s22+$0x0], $0xffff  }
0x77: {  	v1 =	vmax.f32 v5, v1;
	v5 =	vld.idx.msk [tilespmem:v7+s23+$0x0], $0xffff;
	_ =	sdelay $0x1  }
0x78: {  	s8 =	simm.s32 $0x50;
	v1 =	vmax.f32 v1, v2  }
0x79: {  	v2 =	vld [tilespmem:s8+$0x0];
	v1 =	vmax.f32 v1, v3  }
0x7a: {  	s6 =	simm.s32 $0x280;
	v3 =	vld [tilespmem:s8+$0x2710];
	v1 =	vmax.f32 v1, v8  }
.LBB2_2:
0x7b: {  	p0 =	sne.s32 s6, $0x9B00;
	v4 =	vadd.f32 v5, v4;
	s7 =	smov.u32 s6;
	s6 =	sadd.s32 $0x140, s6  }
0x7c: {  	_ = 	snop  }
0x7d: {  	vm0 =	vge.f32 v4, $0.0e+00;
	v5 =	vmul.f32 $2.000000030e-01, v4;
	_ =	sdelay $0x1  }
0x7e: {  	v4 =	vsel vm0, v4, v5  }
0x7f: {  	[tilespmem:s3+$0x7570] =	vst v4;
	v1 =	vmax.f32 v1, v4;
	s3 =	smov.u32 s8  }
0x80: {  	v2 =	vld.idx.msk [tilespmem:v2+s22+$0x0], $0xffff  }
0x81: {  	v3 =	vld.idx.msk [tilespmem:v3+s23+$0x0], $0xffff;
	_ =	sdelay $0x2  }
0x82: {  	v4 =	vld [tilespmem:s3+$0x2720]  }
0x83: {  	v5 =	vld [tilespmem:s3+$0x10];
	_ =	sdelay $0x1  }
0x84: {  	v2 =	vadd.f32 v3, v2;
	_ =	sdelay $0x1  }
0x85: {  	vm0 =	vge.f32 v2, $0.0e+00;
	v3 =	vmul.f32 $2.000000030e-01, v2;
	_ =	sdelay $0x1  }
0x86: {  	v2 =	vsel vm0, v2, v3  }
0x87: {  	[tilespmem:s3+$0x7530] =	vst v2  }
0x88: {  	v3 =	vld.idx.msk [tilespmem:v5+s22+$0x0], $0xffff  }
0x89: {  	v4 =	vld.idx.msk [tilespmem:v4+s23+$0x0], $0xffff;
	_ =	sdelay $0x2  }
0x8a: {  	v5 =	vld [tilespmem:s3+$0x2730]  }
0x8b: {  	v6 =	vld [tilespmem:s3+$0x20];
	_ =	sdelay $0x1  }
0x8c: {  	v3 =	vadd.f32 v4, v3;
	_ =	sdelay $0x1  }
0x8d: {  	vm0 =	vge.f32 v3, $0.0e+00;
	v4 =	vmul.f32 $2.000000030e-01, v3;
	_ =	sdelay $0x1  }
0x8e: {  	v3 =	vsel vm0, v3, v4  }
0x8f: {  	[tilespmem:s3+$0x7540] =	vst v3  }
0x90: {  	v4 =	vld.idx.msk [tilespmem:v6+s22+$0x0], $0xffff  }
0x91: {  	v5 =	vld.idx.msk [tilespmem:v5+s23+$0x0], $0xffff;
	_ =	sdelay $0x2  }
0x92: {  	v6 =	vld [tilespmem:s3+$0x2740]  }
0x93: {  	v7 =	vld [tilespmem:s3+$0x30];
	_ =	sdelay $0x1  }
0x94: {  	v4 =	vadd.f32 v5, v4;
	_ =	sdelay $0x1  }
0x95: {  	vm0 =	vge.f32 v4, $0.0e+00;
	v5 =	vmul.f32 $2.000000030e-01, v4;
	_ =	sdelay $0x1  }
0x96: {  	v8 =	vsel vm0, v4, v5  }
0x97: {  	[tilespmem:s3+$0x7550] =	vst v8  }
0x98: {  	v4 =	vld.idx.msk [tilespmem:v7+s22+$0x0], $0xffff  }
0x99: {  	v5 =	vld.idx.msk [tilespmem:v6+s23+$0x0], $0xffff;
	_ =	sdelay $0x2  }
0x9a: {  	v6 =	vld [tilespmem:s3+$0x2750]  }
0x9b: {  	v7 =	vld [tilespmem:s3+$0x40];
	_ =	sdelay $0x1  }
0x9c: {  	v4 =	vadd.f32 v5, v4;
	_ =	sdelay $0x1  }
0x9d: {  	vm0 =	vge.f32 v4, $0.0e+00;
	v5 =	vmul.f32 $2.000000030e-01, v4;
	_ =	sdelay $0x1  }
0x9e: {  	v9 =	vsel vm0, v4, v5  }
0x9f: {  	[tilespmem:s3+$0x7560] =	vst v9  }
0xa0: {  	v4 =	vld.idx.msk [tilespmem:v7+s22+$0x0], $0xffff  }
0xa1: {  	v5 =	vld.idx.msk [tilespmem:v6+s23+$0x0], $0xffff  }
.Ltmp0:
0xa2: {  	(pc) =	sbr.rel @p0 .LBB2_2-.Ltmp0, $4  }
0xa3: {  	v1 =	vmax.f32 v1, v2  }
0xa4: {  	s8 =	sshra.s32 s7, $0x2;
	v1 =	vmax.f32 v1, v3  }
0xa5: {  	v1 =	vmax.f32 v1, v8;
	v2 =	vld [tilespmem:s8+$0x0]  }
0xa6: {  	v1 =	vmax.f32 v1, v9;
	v3 =	vld [tilespmem:s8+$0x2710]  }
0xa7: {  	_ = 	snop  }
0xa8: {  	v4 =	vadd.f32 v5, v4;
	_ =	sdelay $0x1  }
0xa9: {  	v5 =	vmul.f32 $2.000000030e-01, v4  }
0xaa: {  	vm0 =	vge.f32 v4, $0.0e+00  }
0xab: {  	v4 =	vsel vm0, v4, v5  }
0xac: {  	[tilespmem:s3+$0x7570] =	vst v4  }
0xad: {  	v2 =	vld.idx.msk [tilespmem:v2+s22+$0x0], $0xffff  }
0xae: {  	v3 =	vld.idx.msk [tilespmem:v3+s23+$0x0], $0xffff;
	_ =	sdelay $0x2  }
0xaf: {  	v5 =	vld [tilespmem:s8+$0x10]  }
0xb0: {  	v6 =	vld [tilespmem:s8+$0x2720]  }
0xb1: {  	v2 =	vadd.f32 v3, v2;
	_ =	sdelay $0x1  }
0xb2: {  	v3 =	vmul.f32 $2.000000030e-01, v2  }
0xb3: {  	vm11 =	vge.f32 v2, $0.0e+00  }
0xb4: {  	v2 =	vsel vm11, v2, v3  }
0xb5: {  	[tilespmem:s8+$0x7530] =	vst v2  }
0xb6: {  	v3 =	vld.idx.msk [tilespmem:v5+s22+$0x0], $0xffff  }
0xb7: {  	v5 =	vld.idx.msk [tilespmem:v6+s23+$0x0], $0xffff;
	_ =	sdelay $0x2  }
0xb8: {  	v6 =	vld [tilespmem:s8+$0x20]  }
0xb9: {  	v7 =	vld [tilespmem:s8+$0x2730]  }
0xba: {  	v3 =	vadd.f32 v5, v3;
	_ =	sdelay $0x1  }
0xbb: {  	v5 =	vmul.f32 $2.000000030e-01, v3  }
0xbc: {  	vm12 =	vge.f32 v3, $0.0e+00  }
0xbd: {  	v3 =	vsel vm12, v3, v5  }
0xbe: {  	[tilespmem:s8+$0x7540] =	vst v3  }
0xbf: {  	v5 =	vld.idx.msk [tilespmem:v6+s22+$0x0], $0xffff  }
0xc0: {  	v6 =	vld.idx.msk [tilespmem:v7+s23+$0x0], $0xffff;
	_ =	sdelay $0x2  }
0xc1: {  	v7 =	vld [tilespmem:s8+$0x30]  }
0xc2: {  	v8 =	vld [tilespmem:s8+$0x2740]  }
0xc3: {  	v5 =	vadd.f32 v6, v5;
	_ =	sdelay $0x1  }
0xc4: {  	v6 =	vmul.f32 $2.000000030e-01, v5  }
0xc5: {  	vm13 =	vge.f32 v5, $0.0e+00  }
0xc6: {  	v5 =	vsel vm13, v5, v6  }
0xc7: {  	[tilespmem:s8+$0x7550] =	vst v5  }
0xc8: {  	v6 =	vld.idx.msk [tilespmem:v7+s22+$0x0], $0xffff  }
0xc9: {  	v7 =	vld.idx.msk [tilespmem:v8+s23+$0x0], $0xffff;
	_ =	sdelay $0x2  }
0xca: {  	v8 =	vld [tilespmem:s8+$0x40]  }
0xcb: {  	v9 =	vld [tilespmem:s8+$0x2750]  }
0xcc: {  	v6 =	vadd.f32 v7, v6;
	_ =	sdelay $0x1  }
0xcd: {  	v7 =	vmul.f32 $2.000000030e-01, v6  }
0xce: {  	vm14 =	vge.f32 v6, $0.0e+00  }
0xcf: {  	v6 =	vsel vm14, v6, v7  }
0xd0: {  	[tilespmem:s8+$0x7560] =	vst v6  }
0xd1: {  	v7 =	vld.idx.msk [tilespmem:v8+s22+$0x0], $0xffff  }
0xd2: {  	v8 =	vld.idx.msk [tilespmem:v9+s23+$0x0], $0xffff;
	_ =	sdelay $0x4  }
0xd3: {  	v1 =	vmax.f32 v1, v4;
	v4 =	vadd.f32 v8, v7  }
0xd4: {  	v1 =	vmax.f32 v1, v2  }
0xd5: {  	v1 =	vmax.f32 v1, v3;
	v2 =	vmul.f32 $2.000000030e-01, v4  }
0xd6: {  	v1 =	vmax.f32 v1, v5;
	vm15 =	vge.f32 v4, $0.0e+00  }
0xd7: {  	v1 =	vmax.f32 v1, v6;
	v2 =	vsel vm15, v4, v2  }
0xd8: {  	[tilespmem:s8+$0x7570] =	vst v2;
	v1 =	vmax.f32 v1, v2  }
0xd9: {  	[tilespmem:$0x11540] =	vst v1  }
0xda: {  	[spmem:s9] =	stream.linear.scatter [tilespmem:s24], [sflag:$0x5], $0x10, $0x38;
	[tilespmem:$0x1B460] =	vst v63  }
0xdb: {  	_ =	swait.ge [sflag:s19], $0x10  }
0xdc: {  	[sflag:s19] =	ssyncset.done $0x0  }
0xdd: {  	[sflag:s19] =	ssyncadd.s32 $0xFFFFFFF0  }
0xde: {  	[bflag:$0x0] =	sbarrier.arrive $0xFFFF  }
0xdf: {  	s18 =	rddreg [dreg:$0x3]  }
0xe0: {  	[tilespmem:s24], [sflag:$0x5] =	stream.linear.gather [spmem:s18], $0x100, $0x38;
	[tilespmem:$0x1B460] =	vst v63  }
0xe1: {  	_ =	swait.ge [sflag:s19], $0x100  }
0xe2: {  	[sflag:s19] =	ssyncset.done $0x0  }
0xe3: {  	[sflag:s19] =	ssyncadd.s32 $0xFFFFFF00  }
0xe4: {  	v1 =	vld [tilespmem:$0x11540]  }
0xe5: {  	v2 =	vld [tilespmem:$0x11550]  }
0xe6: {  	v3 =	vld [tilespmem:$0x11560]  }
0xe7: {  	v4 =	vld [tilespmem:$0x11570]  }
0xe8: {  	v5 =	vld [tilespmem:$0x11580]  }
0xe9: {  	v6 =	vld [tilespmem:$0x11590]  }
0xea: {  	v1 =	vmax.f32 v1, v2;
	v2 =	vld [tilespmem:$0x115A0]  }
0xeb: {  	v1 =	vmax.f32 v1, v3;
	v3 =	vld [tilespmem:$0x115B0]  }
0xec: {  	v1 =	vmax.f32 v1, v4;
	v4 =	vld [tilespmem:$0x115C0]  }
0xed: {  	v1 =	vmax.f32 v1, v5;
	v5 =	vld [tilespmem:$0x115D0]  }
0xee: {  	v1 =	vmax.f32 v1, v6;
	v6 =	vld [tilespmem:$0x115E0]  }
0xef: {  	v1 =	vmax.f32 v1, v2;
	v2 =	vld [tilespmem:$0x115F0]  }
0xf0: {  	v1 =	vmax.f32 v1, v3;
	v3 =	vld [tilespmem:$0x11600]  }
0xf1: {  	v1 =	vmax.f32 v1, v4;
	v4 =	vld [tilespmem:$0x11610]  }
0xf2: {  	v1 =	vmax.f32 v1, v5;
	v5 =	vld [tilespmem:$0x11620]  }
0xf3: {  	v1 =	vmax.f32 v1, v6;
	v6 =	vld [tilespmem:$0x11630]  }
0xf4: {  	v1 =	vmax.f32 v1, v2  }
0xf5: {  	v1 =	vmax.f32 v1, v3  }
0xf6: {  	v1 =	vmax.f32 v1, v4  }
0xf7: {  	v1 =	vmax.f32 v1, v5  }
0xf8: {  	v1 =	vmax.f32 v1, v6  }
0xf9: {  	(xrf0) =	vmax.scan.msk.f32 $0xffff, v1;
	_ =	sdelay $0x2  }
0xfa: {  	s3 =	simm.s32 $0x0  }
0xfb: {  	v2 =	vld [tilespmem:s3+$0x7530];
	_ =	sdelay $0x1  }
0xfc: {  	v1, _, _ =	vpop (xrf0)  }
0xfd: {  	v3 =	vld [tilespmem:s3+$0x7570];
	v1 =	vbroadcast v1, $0xF;
	_ =	sdelay $0x1  }
0xfe: {  	v2 =	vsub.f32 v2, v1;
	_ =	sdelay $0x1  }
0xff: {  	v4 =	vld [tilespmem:s3+$0x7560];
	v2 =	vmul.f32 $1.442695020e+00, v2  }
0x100: {  	v5 =	vld [tilespmem:s3+$0x7550];
	v3 =	vsub.f32 v3, v1  }
0x101: {  	(erf) = vpow2.f32 v2;
	v2 =	vld [tilespmem:s3+$0x7540]  }
0x102: {  	v3 =	vmul.f32 $1.442695020e+00, v3;
	_ =	sdelay $0x1  }
0x103: {  	(erf) = vpow2.f32 v3;
	v3 =	vsub.f32 v4, v1  }
0x104: {  	v4 =	vsub.f32 v5, v1  }
0x105: {  	v3 =	vmul.f32 $1.442695020e+00, v3;
	v2 =	vsub.f32 v2, v1  }
0x106: {  	v4 =	vmul.f32 $1.442695020e+00, v4  }
0x107: {  	(erf) = vpow2.f32 v3;
	v2 =	vmul.f32 $1.442695020e+00, v2  }
0x108: {  	(erf) = vpow2.f32 v4  }
0x109: {  	v9 =	vpop (erf);
	(erf) = vpow2.f32 v2  }
0x10a: {  	v8 =	vld [tilespmem:s3+$0x4E20]  }
0x10b: {  	v7 =	vld [tilespmem:s3+$0x4E60]  }
0x10c: {  	v6 =	vld [tilespmem:s3+$0x4E50]  }
0x10d: {  	v5 =	vld [tilespmem:s3+$0x4E40]  }
0x10e: {  	v3 =	vimm.f32 $0.0e+00;
	v4 =	vld [tilespmem:s3+$0x4E30]  }
0x10f: {  	s6 =	simm.s32 $0x140;
	s7 =	simm.s32 $0x280;
	v3 =	vadd.f32 v9, v3;
	v8 =	vmul.f32 v9, v8;
	v2 =	vpop (erf)  }
.LBB2_4:
0x110: {  	p0 =	sne.s32 s7, $0x9B00;
	v11 =	vmul.f32 v2, v7;
	v9 =	vpop (erf)  }
0x111: {  	s8 =	sshra.s32 s6, $0x2;
	s6 =	smov.u32 s7;
	[tilespmem:s3+$0x7530] =	vst v8;
	v6 =	vmul.f32 v9, v6;
	v8 =	vpop (erf)  }
0x112: {  	v10 =	vld [tilespmem:s8+$0x7530];
	v5 =	vmul.f32 v8, v5;
	[tilespmem:s3+$0x7570] =	vst v11;
	v7 =	vpop (erf)  }
0x113: {  	v11 =	vld [tilespmem:s8+$0x7570];
	v3 =	vadd.f32 v7, v3;
	v4 =	vmul.f32 v7, v4;
	[tilespmem:s3+$0x7560] =	vst v6  }
0x114: {  	v6 =	vld [tilespmem:s8+$0x7560];
	[tilespmem:s3+$0x7550] =	vst v5  }
0x115: {  	v5 =	vld [tilespmem:s8+$0x7550];
	[tilespmem:s3+$0x7540] =	vst v4;
	v3 =	vadd.f32 v8, v3;
	s3 =	smov.u32 s8  }
0x116: {  	v4 =	vld [tilespmem:s3+$0x7540]  }
0x117: {  	v7 =	vsub.f32 v10, v1;
	v3 =	vadd.f32 v9, v3  }
0x118: {  	v8 =	vsub.f32 v11, v1  }
0x119: {  	v7 =	vmul.f32 $1.442695020e+00, v7;
	v6 =	vsub.f32 v6, v1;
	v2 =	vadd.f32 v2, v3  }
0x11a: {  	v3 =	vsub.f32 v5, v1;
	v5 =	vmul.f32 $1.442695020e+00, v8  }
0x11b: {  	v4 =	vsub.f32 v4, v1;
	v6 =	vmul.f32 $1.442695020e+00, v6;
	(erf) = vpow2.f32 v7  }
0x11c: {  	v3 =	vmul.f32 $1.442695020e+00, v3;
	(erf) = vpow2.f32 v5  }
0x11d: {  	v4 =	vmul.f32 $1.442695020e+00, v4;
	(erf) = vpow2.f32 v6  }
0x11e: {  	(erf) = vpow2.f32 v3  }
0x11f: {  	(erf) = vpow2.f32 v4  }
0x120: {  	v8 =	vld [tilespmem:s3+$0x4E20]  }
.Ltmp1:
0x121: {  	v7 =	vld [tilespmem:s3+$0x4E60];
	(pc) =	sbr.rel @p0 .LBB2_4-.Ltmp1, $4  }
0x122: {  	v6 =	vld [tilespmem:s3+$0x4E50]  }
0x123: {  	v5 =	vld [tilespmem:s3+$0x4E40]  }
0x124: {  	v4 =	vld [tilespmem:s3+$0x4E30];
	v9 =	vpop (erf)  }
0x125: {  	s7 =	sadd.s32 $0x140, s7;
	v3 =	vadd.f32 v9, v2;
	v8 =	vmul.f32 v9, v8;
	v2 =	vpop (erf)  }
0x126: {  	v7 =	vmul.f32 v2, v7;
	v59 =	vpop (erf)  }
0x127: {  	v6 =	vmul.f32 v59, v6;
	_ =	sdelay $0x1  }
0x128: {  	s6 =	sshra.s32 s6, $0x2;
	[tilespmem:s3+$0x7530] =	vst v8  }
0x129: {  	v9 =	vld [tilespmem:s6+$0x7530];
	[tilespmem:s3+$0x7570] =	vst v7;
	v7 =	vpop (erf)  }
0x12a: {  	v10 =	vld [tilespmem:s6+$0x7570];
	[tilespmem:s3+$0x7560] =	vst v6;
	v5 =	vmul.f32 v7, v5;
	v6 =	vpop (erf)  }
0x12b: {  	v4 =	vmul.f32 v6, v4  }
0x12c: {  	v11 =	vld [tilespmem:s6+$0x7560];
	[tilespmem:s3+$0x7550] =	vst v5  }
0x12d: {  	v5 =	vld [tilespmem:s6+$0x7550];
	[tilespmem:s3+$0x7540] =	vst v4  }
0x12e: {  	v4 =	vld [tilespmem:s6+$0x7540]  }
0x12f: {  	v9 =	vsub.f32 v9, v1  }
0x130: {  	v10 =	vsub.f32 v10, v1  }
0x131: {  	v9 =	vmul.f32 $1.442695020e+00, v9;
	v11 =	vsub.f32 v11, v1  }
0x132: {  	v10 =	vmul.f32 $1.442695020e+00, v10;
	v5 =	vsub.f32 v5, v1  }
0x133: {  	(erf) = vpow2.f32 v9;
	v1 =	vsub.f32 v4, v1;
	v4 =	vmul.f32 $1.442695020e+00, v11  }
0x134: {  	(erf) = vpow2.f32 v10;
	v5 =	vmul.f32 $1.442695020e+00, v5  }
0x135: {  	v1 =	vmul.f32 $1.442695020e+00, v1;
	(erf) = vpow2.f32 v4  }
0x136: {  	(erf) = vpow2.f32 v5  }
0x137: {  	v3 =	vadd.f32 v6, v3;
	(erf) = vpow2.f32 v1;
	_ =	sdelay $0x1  }
0x138: {  	v1 =	vadd.f32 v7, v3;
	_ =	sdelay $0x1  }
0x139: {  	v1 =	vadd.f32 v59, v1  }
0x13a: {  	v3 =	vpop (erf)  }
0x13b: {  	v4 =	vpop (erf);
	v1 =	vadd.f32 v2, v1;
	v2 =	vld [tilespmem:s6+$0x4E20]  }
0x13c: {  	v5 =	vld [tilespmem:s6+$0x4E60];
	v6 =	vpop (erf)  }
0x13d: {  	v61 =	vld [tilespmem:s6+$0x4E40];
	v1 =	vadd.f32 v3, v1;
	v60 =	vpop (erf)  }
0x13e: {  	v7 =	vld [tilespmem:s6+$0x4E50];
	v62 =	vpop (erf)  }
0x13f: {  	v63 =	vld [tilespmem:s6+$0x4E30];
	v1 =	vadd.f32 v62, v1  }
0x140: {  	v2 =	vmul.f32 v3, v2  }
0x141: {  	v3 =	vmul.f32 v4, v5;
	v1 =	vadd.f32 v60, v1  }
0x142: {  	v5 =	vmul.f32 v60, v61;
	[tilespmem:s6+$0x7530] =	vst v2  }
0x143: {  	v2 =	vmul.f32 v6, v7;
	[tilespmem:s6+$0x7570] =	vst v3;
	v1 =	vadd.f32 v6, v1  }
0x144: {  	v3 =	vmul.f32 v62, v63;
	[tilespmem:s6+$0x7550] =	vst v5  }
0x145: {  	[tilespmem:s6+$0x7560] =	vst v2;
	v1 =	vadd.f32 v4, v1  }
0x146: {  	[tilespmem:s6+$0x7540] =	vst v3  }
0x147: {  	s17 =	rddreg [dreg:$0xa];
	[tilespmem:$0x11540] =	vst v1  }
0x148: {  	[spmem:s17] =	stream.linear.scatter [tilespmem:s24], [sflag:$0x5], $0x10, $0x38;
	[tilespmem:$0x1B460] =	vst v63  }
0x149: {  	_ =	swait.ge [sflag:s19], $0x10  }
0x14a: {  	[sflag:s19] =	ssyncset.done $0x0  }
0x14b: {  	[sflag:s19] =	ssyncadd.s32 $0xFFFFFFF0  }
0x14c: {  	[bflag:$0x0] =	sbarrier.arrive $0xFFFF  }
0x14d: {  	s18 =	rddreg [dreg:$0xb]  }
0x14e: {  	[tilespmem:s24], [sflag:$0x5] =	stream.linear.gather [spmem:s18], $0x100, $0x38;
	[tilespmem:$0x1B460] =	vst v63  }
0x14f: {  	_ =	swait.ge [sflag:s19], $0x100  }
0x150: {  	[sflag:s19] =	ssyncset.done $0x0  }
0x151: {  	[sflag:s19] =	ssyncadd.s32 $0xFFFFFF00  }
0x152: {  	v1 =	vld [tilespmem:$0x11540]  }
0x153: {  	v2 =	vld [tilespmem:$0x11550];
	_ =	sdelay $0x1  }
0x154: {  	v3 =	vld [tilespmem:$0x11560];
	_ =	sdelay $0x1  }
0x155: {  	v4 =	vld [tilespmem:$0x11570]  }
0x156: {  	v1 =	vadd.f32 v2, v1  }
0x157: {  	v2 =	vld [tilespmem:$0x11580]  }
0x158: {  	v1 =	vadd.f32 v3, v1  }
0x159: {  	v3 =	vld [tilespmem:$0x11590]  }
0x15a: {  	v1 =	vadd.f32 v4, v1  }
0x15b: {  	v4 =	vld [tilespmem:$0x115A0]  }
0x15c: {  	v1 =	vadd.f32 v2, v1  }
0x15d: {  	v2 =	vld [tilespmem:$0x115B0]  }
0x15e: {  	v1 =	vadd.f32 v3, v1  }
0x15f: {  	v3 =	vld [tilespmem:$0x115C0]  }
0x160: {  	v1 =	vadd.f32 v4, v1  }
0x161: {  	v4 =	vld [tilespmem:$0x115D0]  }
0x162: {  	v1 =	vadd.f32 v2, v1  }
0x163: {  	v2 =	vld [tilespmem:$0x115E0]  }
0x164: {  	v1 =	vadd.f32 v3, v1  }
0x165: {  	v3 =	vld [tilespmem:$0x115F0]  }
0x166: {  	v1 =	vadd.f32 v4, v1  }
0x167: {  	v4 =	vld [tilespmem:$0x11600]  }
0x168: {  	v1 =	vadd.f32 v2, v1  }
0x169: {  	v2 =	vld [tilespmem:$0x11610]  }
0x16a: {  	v1 =	vadd.f32 v3, v1  }
0x16b: {  	v3 =	vld [tilespmem:$0x11620]  }
0x16c: {  	v1 =	vadd.f32 v4, v1  }
0x16d: {  	v4 =	vld [tilespmem:$0x11630]  }
0x16e: {  	v1 =	vadd.f32 v2, v1;
	_ =	sdelay $0x1  }
0x16f: {  	v1 =	vadd.f32 v3, v1;
	_ =	sdelay $0x1  }
0x170: {  	v1 =	vadd.f32 v4, v1;
	_ =	sdelay $0x1  }
0x171: {  	(xrf2) =	vadd.scan.msk.f32 $0xffff, v1;
	_ =	sdelay $0x9  }
0x172: {  	v1, _, _ =	vpop (xrf2)  }
0x173: {  	v1 =	vadd.f32 $0.0e+00, v1;
	_ =	sdelay $0x1  }
0x174: {  	v1 =	vbroadcast v1, $0xF;
	_ =	sdelay $0x1  }
0x175: {  	(erf) = vrcp.f32 v1;
	_ =	sdelay $0x4  }
0x176: {  	s6 =	simm.s32 $0x0  }
0x177: {  	v2 =	vld [tilespmem:s6+$0x7530]  }
0x178: {  	v5 =	vld [tilespmem:s6+$0x7540]  }
0x179: {  	v3 =	vld [tilespmem:s6+$0x7550]  }
0x17a: {  	s7 =	simm.s32 $0x140;
	s3 =	simm.s32 $0x0;
	v4 =	vld [tilespmem:s6+$0x7560];
	v1 =	vpop (erf)  }
.LBB2_6:
0x17b: {  	p0 =	sne.s32 s7, $0x9B00;
	v6 =	vld [tilespmem:s6+$0x7570]  }
0x17c: {  	v2 =	vmul.f32 v2, v1  }
0x17d: {  	v5 =	vmul.f32 v5, v1  }
.Ltmp2:
0x17e: {  	s8 =	sshra.s32 s7, $0x2;
	[tilespmem:s6+$0x7530] =	vst v2;
	v3 =	vmul.f32 v3, v1;
	(pc) =	sbr.rel @p0 .LBB2_6-.Ltmp2, $4  }
0x17f: {  	v2 =	vld [tilespmem:s8+$0x7530];
	[tilespmem:s6+$0x7540] =	vst v5;
	v4 =	vmul.f32 v4, v1  }
0x180: {  	v5 =	vld [tilespmem:s8+$0x7540];
	[tilespmem:s6+$0x7550] =	vst v3;
	v6 =	vmul.f32 v6, v1  }
0x181: {  	v3 =	vld [tilespmem:s8+$0x7550];
	[tilespmem:s6+$0x7560] =	vst v4  }
0x182: {  	s7 =	sadd.s32 $0x140, s7;
	v4 =	vld [tilespmem:s8+$0x7560];
	[tilespmem:s6+$0x7570] =	vst v6;
	s6 =	smov.u32 s8  }
0x183: {  	v6 =	vld [tilespmem:s6+$0x7570]  }
0x184: {  	v2 =	vmul.f32 v2, v1  }
0x185: {  	v5 =	vmul.f32 v5, v1  }
0x186: {  	[tilespmem:s6+$0x7530] =	vst v2;
	v2 =	vmul.f32 v3, v1  }
0x187: {  	[tilespmem:s6+$0x7540] =	vst v5;
	v3 =	vmul.f32 v4, v1  }
0x188: {  	[tilespmem:s6+$0x7550] =	vst v2;
	v1 =	vmul.f32 v6, v1  }
0x189: {  	[tilespmem:s6+$0x7560] =	vst v3  }
0x18a: {  	[tilespmem:s6+$0x7570] =	vst v1  }
.LBB2_8:
0x18b: {  	p0 =	sne.s32 s3, $0x27000  }
.Ltmp3:
0x18c: {  	_ = 	snop;
	(pc) =	sbr.rel @p0 .LBB2_8-.Ltmp3, $4  }
0x18d: {  	_ = 	snop  }
0x18e: {  	s6 =	sshra.s32 s3, $0x2  }
0x18f: {  	s3 =	sadd.s32 $0x800, s3;
	s6 =	sadd.s32 s6, s13  }
0x190: {  	[spmem:s6] =	stream.linear.scatter [tilespmem:s25], [sflag:$0x1], $0x200, $0x38;
	[tilespmem:$0x1B460] =	vst v63  }
0x191: {  	_ =	swait.ge [sflag:s26], $0x200  }
0x192: {  	s3 =	simm.s32 $0x4E;
	[sflag:s26] =	ssyncset.done $0x0  }
.LBB2_10:
0x193: {  	p0 =	sne.s32 s3, $0x1;
	s3 =	sadd.s32 $0xFFFFFFFF, s3;
	[sflag:s26] =	ssyncadd.s32 $0xFFFFFE00  }
.Ltmp4:
0x194: {  	(pc) =	sbr.rel @p0 .LBB2_10-.Ltmp4, $3  }
0x195: {  	_ =	sdelay $0x1  }
0x196: {  	_ =	swait.ge [sflag:s26], $0x200  }
0x197: {  	[sflag:s26] =	ssyncset.done $0x0  }
0x198: {  	[sflag:s26] =	ssyncadd.s32 $0xFFFFFE00  }
0x199: {  	[bflag:$0x0] =	sbarrier.arrive $0xFFFF  }
0x19a: {  	[tilespmem:s29], [sflag:$0x1] =	stream.indirect.gather [hbm4b:s14+s28], $0x40, s20, s28, $0xb8;
	[tilespmem:$0x1B460] =	vst v63  }
0x19b: {  	s3 =	simm.s32 $0x2760;
	s8 =	simm.s32 $0x0  }
0x19c: {  	[tilespmem:s31], [sflag:$0x2] =	stream.indirect.gather [hbm4b:s14+s28], $0x40, s3, s28, $0xb8;
	[tilespmem:$0x1B460] =	vst v63  }
.LBB2_12:
0x19d: {  	s10 =	sshll.u32 s8, $0x1  }
0x19e: {  	v1 =	vmov s10  }
0x19f: {  	v1 =	vmul.u32 $0x50, v1  }
0x1a0: {  	s3 =	simm.s32 $0x0  }
0x1a1: {  	v2 =	vmov s3;
	v1 =	vbroadcast v1, $0x0  }
0x1a2: {  	v3 =	vand.u32 $0x78, v2  }
0x1a3: {  	v2 =	vand.u32 $0x4, v2;
	v3 =	vadd.s32 v1, v3  }
0x1a4: {  	v2 =	vor.u32 v2, v3  }
0x1a5: {  	_ =	swait.ge [sflag:s26], $0x1400  }
0x1a6: {  	[sflag:s26] =	ssyncset.done $0x0  }
0x1a7: {  	s3 =	simm.s32 $0xEBC0;
	[sflag:s26] =	ssyncadd.s32 $0xFFFFEC00  }
0x1a8: {  	v3 =	vld [tilespmem:s3+$0xFFFFFFB0]  }
0x1a9: {  	v2 =	vld.idx.msk [tilespmem:v2+s0+$0x0], $0xffff  }
0x1aa: {  	v4 =	vld [tilespmem:s3+$0xFFFFFF80]  }
0x1ab: {  	s6 =	simm.s32 $0x1;
	v5 =	vld [tilespmem:s3+$0xFFFFFF90]  }
0x1ac: {  	v7 =	vmov s6;
	v6 =	vld [tilespmem:s3+$0xFFFFFFA0]  }
0x1ad: {  	v8 =	vand.u32 $0x78, v7  }
0x1ae: {  	v7 =	vand.u32 $0x5, v7;
	v8 =	vadd.s32 v1, v8;
	v3 =	vmul.f32 v3, v2  }
0x1af: {  	v7 =	vor.u32 v7, v8;
	v4 =	vmul.f32 v4, v2  }
0x1b0: {  	v5 =	vmul.f32 v5, v2;
	[tilespmem:s3+$0xFFFFFFB0] =	vst v3  }
0x1b1: {  	v2 =	vmul.f32 v6, v2;
	[tilespmem:s3+$0xFFFFFF80] =	vst v4  }
0x1b2: {  	[tilespmem:s3+$0xFFFFFF90] =	vst v5  }
0x1b3: {  	[tilespmem:s3+$0xFFFFFFA0] =	vst v2;
	v3 =	vld [tilespmem:s3+$0xFFFFFFC0]  }
0x1b4: {  	v2 =	vld.idx.msk [tilespmem:v7+s0+$0x0], $0xffff  }
0x1b5: {  	v4 =	vld [tilespmem:s3+$0xFFFFFFD0]  }
0x1b6: {  	s17 =	simm.s32 $0x2;
	v5 =	vld [tilespmem:s3+$0xFFFFFFF0]  }
0x1b7: {  	v59 =	vmov s17;
	v58 =	vld [tilespmem:s3+$0xFFFFFFE0]  }
0x1b8: {  	v60 =	vand.u32 $0x78, v59  }
0x1b9: {  	v8 =	vadd.s32 v1, v60;
	v7 =	vand.u32 $0x6, v59;
	v3 =	vmul.f32 v3, v2  }
0x1ba: {  	v7 =	vor.u32 v7, v8;
	v4 =	vmul.f32 v4, v2  }
0x1bb: {  	v5 =	vmul.f32 v5, v2;
	[tilespmem:s3+$0xFFFFFFC0] =	vst v3  }
0x1bc: {  	v2 =	vmul.f32 v58, v2;
	[tilespmem:s3+$0xFFFFFFD0] =	vst v4  }
0x1bd: {  	v61 =	vld [tilespmem:s3+$0x20];
	[tilespmem:s3+$0xFFFFFFF0] =	vst v5  }
0x1be: {  	[tilespmem:s3+$0xFFFFFFE0] =	vst v2;
	v3 =	vld [tilespmem:s3+$0x0]  }
0x1bf: {  	v2 =	vld.idx.msk [tilespmem:v7+s0+$0x0], $0xffff  }
0x1c0: {  	v4 =	vld [tilespmem:s3+$0x10]  }
0x1c1: {  	v5 =	vld [tilespmem:s3+$0x30]  }
0x1c2: {  	s18 =	simm.s32 $0x3  }
0x1c3: {  	v62 =	vmov s18  }
0x1c4: {  	v63 =	vand.u32 $0x78, v62;
	v3 =	vmul.f32 v3, v2  }
0x1c5: {  	v8 =	vadd.s32 v1, v63;
	v7 =	vand.u32 $0x7, v62;
	v4 =	vmul.f32 v4, v2  }
0x1c6: {  	v5 =	vmul.f32 v5, v2;
	[tilespmem:s3+$0x0] =	vst v3;
	v3 =	vmul.f32 v61, v2;
	v2 =	vor.u32 v7, v8  }
0x1c7: {  	[tilespmem:s3+$0x10] =	vst v4  }
0x1c8: {  	s7 =	simm.s32 $0xEBC0;
	s6 =	simm.s32 $0x7;
	[tilespmem:s3+$0x30] =	vst v5  }
.LBB2_13:
0x1c9: {  	p0 =	sne.s32 s6, $0x4F  }
0x1ca: {  	[tilespmem:s3+$0x20] =	vst v3;
	v3 =	vld [tilespmem:s3+$0x70];
	s7 =	sadd.s32 $0x100, s7;
	s11 =	smov.u32 s6;
	s6 =	sadd.s32 $0x4, s6  }
0x1cb: {  	v2 =	vld.idx.msk [tilespmem:v2+s0+$0x0], $0xffff  }
0x1cc: {  	v4 =	vld [tilespmem:s3+$0x40]  }
0x1cd: {  	v5 =	vld [tilespmem:s3+$0x50]  }
0x1ce: {  	s12 =	sadd.s32 $0xFFFFFFFD, s11;
	v6 =	vld [tilespmem:s3+$0x60]  }
0x1cf: {  	v7 =	vmov s12  }
0x1d0: {  	v8 =	vand.u32 $0x78, v7  }
0x1d1: {  	v7 =	vand.u32 $0x4, v7;
	v8 =	vadd.s32 v1, v8;
	v4 =	vmul.f32 v4, v2  }
0x1d2: {  	v7 =	vor.u32 v7, v8;
	v3 =	vmul.f32 v3, v2;
	v5 =	vmul.f32 v5, v2  }
0x1d3: {  	[tilespmem:s3+$0x40] =	vst v4;
	v2 =	vmul.f32 v6, v2  }
0x1d4: {  	[tilespmem:s3+$0x70] =	vst v3  }
0x1d5: {  	v3 =	vld [tilespmem:s7+$0xFFFFFFA0];
	[tilespmem:s3+$0x50] =	vst v5  }
0x1d6: {  	v4 =	vld [tilespmem:s7+$0xFFFFFFB0];
	[tilespmem:s3+$0x60] =	vst v2;
	s3 =	smov.u32 s7  }
0x1d7: {  	v2 =	vld.idx.msk [tilespmem:v7+s0+$0x0], $0xffff  }
0x1d8: {  	v5 =	vld [tilespmem:s7+$0xFFFFFF80]  }
0x1d9: {  	v6 =	vld [tilespmem:s7+$0xFFFFFF90]  }
0x1da: {  	s12 =	sadd.s32 $0xFFFFFFFE, s11  }
0x1db: {  	v7 =	vmov s12  }
0x1dc: {  	v8 =	vand.u32 $0x78, v7;
	v7 =	vand.u32 $0x5, v7  }
0x1dd: {  	v8 =	vadd.s32 v1, v8;
	v4 =	vmul.f32 v4, v2;
	v5 =	vmul.f32 v5, v2  }
0x1de: {  	v6 =	vmul.f32 v6, v2;
	v2 =	vmul.f32 v3, v2;
	v3 =	vor.u32 v7, v8  }
0x1df: {  	[tilespmem:s7+$0xFFFFFFB0] =	vst v4  }
0x1e0: {  	[tilespmem:s7+$0xFFFFFF80] =	vst v5  }
0x1e1: {  	[tilespmem:s7+$0xFFFFFF90] =	vst v6;
	v4 =	vld [tilespmem:s7+$0xFFFFFFF0]  }
0x1e2: {  	[tilespmem:s7+$0xFFFFFFA0] =	vst v2;
	v2 =	vld [tilespmem:s7+$0xFFFFFFD0]  }
0x1e3: {  	v3 =	vld.idx.msk [tilespmem:v3+s0+$0x0], $0xffff  }
0x1e4: {  	v5 =	vld [tilespmem:s7+$0xFFFFFFC0]  }
0x1e5: {  	v6 =	vld [tilespmem:s7+$0xFFFFFFE0]  }
0x1e6: {  	s12 =	sadd.s32 $0xFFFFFFFF, s11  }
0x1e7: {  	v7 =	vmov s12  }
0x1e8: {  	v8 =	vand.u32 $0x78, v7;
	v7 =	vand.u32 $0x6, v7  }
0x1e9: {  	v8 =	vadd.s32 v1, v8;
	v2 =	vmul.f32 v2, v3;
	v5 =	vmul.f32 v5, v3  }
0x1ea: {  	v6 =	vmul.f32 v6, v3;
	v3 =	vmul.f32 v4, v3;
	v4 =	vor.u32 v7, v8  }
0x1eb: {  	[tilespmem:s7+$0xFFFFFFC0] =	vst v5  }
0x1ec: {  	[tilespmem:s7+$0xFFFFFFD0] =	vst v2  }
0x1ed: {  	[tilespmem:s7+$0xFFFFFFF0] =	vst v3;
	v2 =	vld [tilespmem:s7+$0x30]  }
0x1ee: {  	[tilespmem:s7+$0xFFFFFFE0] =	vst v6;
	v3 =	vld [tilespmem:s7+$0x10]  }
0x1ef: {  	v4 =	vld.idx.msk [tilespmem:v4+s0+$0x0], $0xffff  }
0x1f0: {  	v5 =	vld [tilespmem:s7+$0x0]  }
0x1f1: {  	v6 =	vld [tilespmem:s7+$0x20];
	_ =	sdelay $0x1  }
0x1f2: {  	v7 =	vmov s11  }
0x1f3: {  	v8 =	vand.u32 $0x78, v7;
	v7 =	vand.u32 $0x7, v7  }
.Ltmp5:
0x1f4: {  	v8 =	vadd.s32 v1, v8;
	v9 =	vmul.f32 v3, v4;
	v5 =	vmul.f32 v5, v4;
	(pc) =	sbr.rel @p0 .LBB2_13-.Ltmp5, $4  }
0x1f5: {  	v3 =	vmul.f32 v6, v4;
	v4 =	vmul.f32 v2, v4;
	v2 =	vor.u32 v7, v8  }
0x1f6: {  	[tilespmem:s7+$0x0] =	vst v5  }
0x1f7: {  	[tilespmem:s7+$0x10] =	vst v9  }
0x1f8: {  	[tilespmem:s7+$0x30] =	vst v4  }
0x1f9: {  	_ =	sdelay $0x2  }
0x1fa: {  	[tilespmem:s3+$0x20] =	vst v3  }
0x1fb: {  	v1 =	vld.idx.msk [tilespmem:v2+s0+$0x0], $0xffff  }
0x1fc: {  	v2 =	vld [tilespmem:s3+$0x40]  }
0x1fd: {  	v3 =	vld [tilespmem:s3+$0x70]  }
0x1fe: {  	v4 =	vld [tilespmem:s3+$0x50]  }
0x1ff: {  	v5 =	vld [tilespmem:s3+$0x60]  }
0x200: {  	s11 =	sor.u32 $0x1, s10  }
0x201: {  	v6 =	vmov s11;
	v2 =	vmul.f32 v2, v1  }
0x202: {  	v6 =	vmul.u32 $0x50, v6;
	v3 =	vmul.f32 v3, v1  }
0x203: {  	s6 =	simm.s32 $0x0;
	v4 =	vmul.f32 v4, v1;
	[tilespmem:s3+$0x40] =	vst v2  }
0x204: {  	s7 =	smul.u32 $0x280, s8;
	v2 =	vmul.f32 v5, v1;
	[tilespmem:s3+$0x70] =	vst v3;
	v1 =	vbroadcast v6, $0x0;
	v3 =	vmov s6  }
0x205: {  	[tilespmem:s3+$0x50] =	vst v4;
	v4 =	vand.u32 $0x78, v3  }
0x206: {  	s10 =	sshra.s32 s7, $0x2;
	[tilespmem:s3+$0x60] =	vst v2;
	v2 =	vand.u32 $0x4, v3;
	v3 =	vadd.s32 v1, v4  }
0x207: {  	[spmem:s4] =	stream.indirect.scatter.add.f32 [tilespmem:s29], [sflag:$0x3], $0x40, s10, s28, $0xb8;
	v2 =	vor.u32 v2, v3;
	[tilespmem:$0x1B460] =	vst v63  }
0x208: {  	_ =	swait.ge [sflag:s21], $0x1400  }
0x209: {  	[sflag:s21] =	ssyncset.done $0x0  }
0x20a: {  	s3 =	simm.s32 $0x10030;
	[sflag:s21] =	ssyncadd.s32 $0xFFFFEC00  }
0x20b: {  	v3 =	vld [tilespmem:s3+$0xFFFFFF40]  }
0x20c: {  	v2 =	vld.idx.msk [tilespmem:v2+s0+$0x0], $0xffff  }
0x20d: {  	v4 =	vld [tilespmem:s3+$0xFFFFFF10]  }
0x20e: {  	s15 =	simm.s32 $0x1;
	v5 =	vld [tilespmem:s3+$0xFFFFFF20]  }
0x20f: {  	v7 =	vmov s15;
	v57 =	vld [tilespmem:s3+$0xFFFFFF30]  }
0x210: {  	v8 =	vand.u32 $0x78, v7  }
0x211: {  	v7 =	vand.u32 $0x5, v7;
	v8 =	vadd.s32 v1, v8;
	v3 =	vmul.f32 v3, v2  }
0x212: {  	v7 =	vor.u32 v7, v8;
	v4 =	vmul.f32 v4, v2  }
0x213: {  	v5 =	vmul.f32 v5, v2;
	[tilespmem:s3+$0xFFFFFF40] =	vst v3  }
0x214: {  	v2 =	vmul.f32 v57, v2;
	[tilespmem:s3+$0xFFFFFF10] =	vst v4  }
0x215: {  	[tilespmem:s3+$0xFFFFFF20] =	vst v5  }
0x216: {  	[tilespmem:s3+$0xFFFFFF30] =	vst v2;
	v3 =	vld [tilespmem:s3+$0xFFFFFF50]  }
0x217: {  	v2 =	vld.idx.msk [tilespmem:v7+s0+$0x0], $0xffff  }
0x218: {  	v4 =	vld [tilespmem:s3+$0xFFFFFF60]  }
0x219: {  	s17 =	simm.s32 $0x2;
	v5 =	vld [tilespmem:s3+$0xFFFFFF80]  }
0x21a: {  	v59 =	vmov s17;
	v58 =	vld [tilespmem:s3+$0xFFFFFF70]  }
0x21b: {  	v60 =	vand.u32 $0x78, v59  }
0x21c: {  	v8 =	vadd.s32 v1, v60;
	v7 =	vand.u32 $0x6, v59;
	v3 =	vmul.f32 v3, v2  }
0x21d: {  	v7 =	vor.u32 v7, v8;
	v4 =	vmul.f32 v4, v2  }
0x21e: {  	v5 =	vmul.f32 v5, v2;
	[tilespmem:s3+$0xFFFFFF50] =	vst v3  }
0x21f: {  	v2 =	vmul.f32 v58, v2;
	[tilespmem:s3+$0xFFFFFF60] =	vst v4  }
0x220: {  	v61 =	vld [tilespmem:s3+$0xFFFFFFB0];
	[tilespmem:s3+$0xFFFFFF80] =	vst v5  }
0x221: {  	[tilespmem:s3+$0xFFFFFF70] =	vst v2;
	v3 =	vld [tilespmem:s3+$0xFFFFFF90]  }
0x222: {  	v2 =	vld.idx.msk [tilespmem:v7+s0+$0x0], $0xffff  }
0x223: {  	v4 =	vld [tilespmem:s3+$0xFFFFFFA0]  }
0x224: {  	v5 =	vld [tilespmem:s3+$0xFFFFFFC0]  }
0x225: {  	s18 =	simm.s32 $0x3  }
0x226: {  	v62 =	vmov s18  }
0x227: {  	v63 =	vand.u32 $0x78, v62;
	v3 =	vmul.f32 v3, v2  }
0x228: {  	v8 =	vadd.s32 v1, v63;
	v7 =	vand.u32 $0x7, v62;
	v4 =	vmul.f32 v4, v2  }
0x229: {  	v5 =	vmul.f32 v5, v2;
	[tilespmem:s3+$0xFFFFFF90] =	vst v3;
	v3 =	vmul.f32 v61, v2;
	v2 =	vor.u32 v7, v8  }
0x22a: {  	[tilespmem:s3+$0xFFFFFFA0] =	vst v4  }
0x22b: {  	s7 =	simm.s32 $0x10030;
	s6 =	simm.s32 $0x7;
	[tilespmem:s3+$0xFFFFFFC0] =	vst v5  }
.LBB2_15:
0x22c: {  	p0 =	sne.s32 s6, $0x4F  }
0x22d: {  	[tilespmem:s3+$0xFFFFFFB0] =	vst v3;
	v3 =	vld [tilespmem:s3+$0x0];
	s7 =	sadd.s32 $0x100, s7;
	s12 =	smov.u32 s6;
	s6 =	sadd.s32 $0x4, s6  }
0x22e: {  	v2 =	vld.idx.msk [tilespmem:v2+s0+$0x0], $0xffff  }
0x22f: {  	v4 =	vld [tilespmem:s3+$0xFFFFFFD0]  }
0x230: {  	v5 =	vld [tilespmem:s3+$0xFFFFFFE0]  }
0x231: {  	s15 =	sadd.s32 $0xFFFFFFFD, s12;
	v6 =	vld [tilespmem:s3+$0xFFFFFFF0]  }
0x232: {  	v7 =	vmov s15  }
0x233: {  	v8 =	vand.u32 $0x78, v7  }
0x234: {  	v7 =	vand.u32 $0x4, v7;
	v8 =	vadd.s32 v1, v8;
	v4 =	vmul.f32 v4, v2  }
0x235: {  	v7 =	vor.u32 v7, v8;
	v3 =	vmul.f32 v3, v2;
	v5 =	vmul.f32 v5, v2  }
0x236: {  	[tilespmem:s3+$0xFFFFFFD0] =	vst v4;
	v2 =	vmul.f32 v6, v2  }
0x237: {  	[tilespmem:s3+$0x0] =	vst v3  }
0x238: {  	v3 =	vld [tilespmem:s7+$0xFFFFFF30];
	[tilespmem:s3+$0xFFFFFFE0] =	vst v5  }
0x239: {  	v4 =	vld [tilespmem:s7+$0xFFFFFF40];
	[tilespmem:s3+$0xFFFFFFF0] =	vst v2;
	s3 =	smov.u32 s7  }
0x23a: {  	v2 =	vld.idx.msk [tilespmem:v7+s0+$0x0], $0xffff  }
0x23b: {  	v5 =	vld [tilespmem:s7+$0xFFFFFF10]  }
0x23c: {  	v6 =	vld [tilespmem:s7+$0xFFFFFF20]  }
0x23d: {  	s15 =	sadd.s32 $0xFFFFFFFE, s12  }
0x23e: {  	v7 =	vmov s15  }
0x23f: {  	v8 =	vand.u32 $0x78, v7;
	v7 =	vand.u32 $0x5, v7  }
0x240: {  	v8 =	vadd.s32 v1, v8;
	v4 =	vmul.f32 v4, v2;
	v5 =	vmul.f32 v5, v2  }
0x241: {  	v6 =	vmul.f32 v6, v2;
	v2 =	vmul.f32 v3, v2;
	v3 =	vor.u32 v7, v8  }
0x242: {  	[tilespmem:s7+$0xFFFFFF40] =	vst v4  }
0x243: {  	[tilespmem:s7+$0xFFFFFF10] =	vst v5  }
0x244: {  	[tilespmem:s7+$0xFFFFFF20] =	vst v6;
	v4 =	vld [tilespmem:s7+$0xFFFFFF80]  }
0x245: {  	[tilespmem:s7+$0xFFFFFF30] =	vst v2;
	v2 =	vld [tilespmem:s7+$0xFFFFFF60]  }
0x246: {  	v3 =	vld.idx.msk [tilespmem:v3+s0+$0x0], $0xffff  }
0x247: {  	v5 =	vld [tilespmem:s7+$0xFFFFFF50]  }
0x248: {  	v6 =	vld [tilespmem:s7+$0xFFFFFF70]  }
0x249: {  	s15 =	sadd.s32 $0xFFFFFFFF, s12  }
0x24a: {  	v7 =	vmov s15  }
0x24b: {  	v8 =	vand.u32 $0x78, v7;
	v7 =	vand.u32 $0x6, v7  }
0x24c: {  	v8 =	vadd.s32 v1, v8;
	v2 =	vmul.f32 v2, v3;
	v5 =	vmul.f32 v5, v3  }
0x24d: {  	v6 =	vmul.f32 v6, v3;
	v3 =	vmul.f32 v4, v3;
	v4 =	vor.u32 v7, v8  }
0x24e: {  	[tilespmem:s7+$0xFFFFFF50] =	vst v5  }
0x24f: {  	[tilespmem:s7+$0xFFFFFF60] =	vst v2  }
0x250: {  	[tilespmem:s7+$0xFFFFFF80] =	vst v3;
	v2 =	vld [tilespmem:s7+$0xFFFFFFC0]  }
0x251: {  	[tilespmem:s7+$0xFFFFFF70] =	vst v6;
	v3 =	vld [tilespmem:s7+$0xFFFFFFA0]  }
0x252: {  	v4 =	vld.idx.msk [tilespmem:v4+s0+$0x0], $0xffff  }
0x253: {  	v5 =	vld [tilespmem:s7+$0xFFFFFF90]  }
0x254: {  	v6 =	vld [tilespmem:s7+$0xFFFFFFB0];
	_ =	sdelay $0x1  }
0x255: {  	v7 =	vmov s12  }
0x256: {  	v8 =	vand.u32 $0x78, v7;
	v7 =	vand.u32 $0x7, v7  }
.Ltmp6:
0x257: {  	v8 =	vadd.s32 v1, v8;
	v9 =	vmul.f32 v3, v4;
	v5 =	vmul.f32 v5, v4;
	(pc) =	sbr.rel @p0 .LBB2_15-.Ltmp6, $4  }
0x258: {  	v3 =	vmul.f32 v6, v4;
	v4 =	vmul.f32 v2, v4;
	v2 =	vor.u32 v7, v8  }
0x259: {  	[tilespmem:s7+$0xFFFFFF90] =	vst v5  }
0x25a: {  	[tilespmem:s7+$0xFFFFFFA0] =	vst v9  }
0x25b: {  	[tilespmem:s7+$0xFFFFFFC0] =	vst v4  }
0x25c: {  	_ =	sdelay $0x2  }
0x25d: {  	[tilespmem:s3+$0xFFFFFFB0] =	vst v3  }
0x25e: {  	v1 =	vld.idx.msk [tilespmem:v2+s0+$0x0], $0xffff  }
0x25f: {  	v2 =	vld [tilespmem:s3+$0xFFFFFFD0]  }
0x260: {  	v3 =	vld [tilespmem:s3+$0x0]  }
0x261: {  	v4 =	vld [tilespmem:s3+$0xFFFFFFE0]  }
0x262: {  	v5 =	vld [tilespmem:s3+$0xFFFFFFF0];
	_ =	sdelay $0x1  }
0x263: {  	v2 =	vmul.f32 v2, v1  }
0x264: {  	v3 =	vmul.f32 v3, v1  }
0x265: {  	v4 =	vmul.f32 v4, v1;
	[tilespmem:s3+$0xFFFFFFD0] =	vst v2  }
0x266: {  	s6 =	smul.u32 $0x140, s11;
	v1 =	vmul.f32 v5, v1;
	[tilespmem:s3+$0x0] =	vst v3  }
0x267: {  	[tilespmem:s3+$0xFFFFFFE0] =	vst v4  }
0x268: {  	s17 =	sshra.s32 s6, $0x2;
	[tilespmem:s3+$0xFFFFFFF0] =	vst v1  }
0x269: {  	[spmem:s4] =	stream.indirect.scatter.add.f32 [tilespmem:s31], [sflag:$0x4], $0x40, s17, s28, $0xb8;
	[tilespmem:$0x1B460] =	vst v63  }
0x26a: {  	_ =	swait.ge [sflag:s2], $0x1400  }
0x26b: {  	p0 =	seq.s32 s8, $0x3D;
	[sflag:s2] =	ssyncset.done $0x0  }
.Ltmp7:
0x26c: {  	s18 =	sadd.s32 $0x27B0, s10;
	[sflag:s2] =	ssyncadd.s32 $0xFFFFEC00;
	(pc) =	sbr.rel @p0 .LBB2_18-.Ltmp7, $4  }
0x26d: {  	[tilespmem:s29], [sflag:$0x1] =	stream.indirect.gather [hbm4b:s14+s28], $0x40, s18, s28, $0xb8;
	[tilespmem:$0x1B460] =	vst v63  }
0x26e: {  	_ =	swait.ge [sflag:s1], $0x1400  }
0x26f: {  	[sflag:s1] =	ssyncset.done $0x0  }
0x270: {  	[sflag:s1] =	ssyncadd.s32 $0xFFFFEC00  }
.Ltmp8:
0x271: {  	(pc) =	sbr.rel .LBB2_12-.Ltmp8, $3  }
0x272: {  	_ =	sdelay $0x1  }
0x273: {  	s3 =	sadd.s32 $0x2800, s10;
	s8 =	sadd.s32 $0x1, s8  }
0x274: {  	[tilespmem:s31], [sflag:$0x2] =	stream.indirect.gather [hbm4b:s14+s28], $0x40, s3, s28, $0xb8;
	[tilespmem:$0x1B460] =	vst v63  }
.LBB2_18:
0x275: {  	s3 =	simm.s32 $0x0  }
0x276: {  	v1 =	vmov s3  }
0x277: {  	v1 =	vand.u32 $0x7C, v1  }
0x278: {  	v1 =	vadd.s32 $0x26C0, v1  }
0x279: {  	_ =	swait.ge [sflag:s26], $0x1400  }
0x27a: {  	[sflag:s26] =	ssyncset.done $0x0  }
0x27b: {  	s3 =	simm.s32 $0xEBC0;
	[sflag:s26] =	ssyncadd.s32 $0xFFFFEC00  }
0x27c: {  	v2 =	vld [tilespmem:s3+$0xFFFFFFB0]  }
0x27d: {  	v1 =	vld.idx.msk [tilespmem:v1+s0+$0x0], $0xffff  }
0x27e: {  	v3 =	vld [tilespmem:s3+$0xFFFFFF80]  }
0x27f: {  	v4 =	vld [tilespmem:s3+$0xFFFFFF90]  }
0x280: {  	s6 =	simm.s32 $0x1;
	v5 =	vld [tilespmem:s3+$0xFFFFFFA0]  }
0x281: {  	v6 =	vmov s6  }
0x282: {  	v6 =	vand.u32 $0x7D, v6;
	v2 =	vmul.f32 v2, v1  }
0x283: {  	v6 =	vadd.s32 $0x26C0, v6;
	v3 =	vmul.f32 v3, v1  }
0x284: {  	v4 =	vmul.f32 v4, v1;
	[tilespmem:s3+$0xFFFFFFB0] =	vst v2  }
0x285: {  	v1 =	vmul.f32 v5, v1;
	[tilespmem:s3+$0xFFFFFF80] =	vst v3  }
0x286: {  	[tilespmem:s3+$0xFFFFFF90] =	vst v4  }
0x287: {  	[tilespmem:s3+$0xFFFFFFA0] =	vst v1;
	v2 =	vld [tilespmem:s3+$0xFFFFFFC0]  }
0x288: {  	v1 =	vld.idx.msk [tilespmem:v6+s0+$0x0], $0xffff  }
0x289: {  	v3 =	vld [tilespmem:s3+$0xFFFFFFF0]  }
0x28a: {  	v4 =	vld [tilespmem:s3+$0xFFFFFFD0]  }
0x28b: {  	s17 =	simm.s32 $0x2;
	v5 =	vld [tilespmem:s3+$0xFFFFFFE0]  }
0x28c: {  	v63 =	vmov s17  }
0x28d: {  	v6 =	vand.u32 $0x7E, v63;
	v2 =	vmul.f32 v2, v1  }
0x28e: {  	v6 =	vadd.s32 $0x26C0, v6;
	v3 =	vmul.f32 v3, v1  }
0x28f: {  	v4 =	vmul.f32 v4, v1;
	[tilespmem:s3+$0xFFFFFFC0] =	vst v2  }
0x290: {  	v1 =	vmul.f32 v5, v1;
	[tilespmem:s3+$0xFFFFFFF0] =	vst v3  }
0x291: {  	[tilespmem:s3+$0xFFFFFFD0] =	vst v4  }
0x292: {  	[tilespmem:s3+$0xFFFFFFE0] =	vst v1;
	v1 =	vld [tilespmem:s3+$0x0]  }
0x293: {  	v2 =	vld.idx.msk [tilespmem:v6+s0+$0x0], $0xffff;
	_ =	sdelay $0x1  }
0x294: {  	v3 =	vld [tilespmem:s3+$0x30]  }
0x295: {  	v5 =	vld [tilespmem:s3+$0x10]  }
0x296: {  	v4 =	vld [tilespmem:s3+$0x20]  }
0x297: {  	v1 =	vmul.f32 v1, v2  }
0x298: {  	s18 =	simm.s32 $0x3  }
0x299: {  	v3 =	vmul.f32 v3, v2;
	[tilespmem:s3+$0x0] =	vst v1;
	v1 =	vmov s18  }
0x29a: {  	v1 =	vand.u32 $0x7F, v1  }
0x29b: {  	v4 =	vmul.f32 v4, v2;
	[tilespmem:s3+$0x30] =	vst v3;
	v3 =	vmul.f32 v5, v2;
	v2 =	vadd.s32 $0x26C0, v1;
	_ =	sdelay $0x1  }
0x29c: {  	s7 =	simm.s32 $0xEBC0;
	s6 =	simm.s32 $0x7;
	[tilespmem:s3+$0x20] =	vst v4;
	v1 =	vld [tilespmem:s3+$0x40]  }
.LBB2_19:
0x29d: {  	p0 =	sne.s32 s6, $0x4F  }
0x29e: {  	[tilespmem:s3+$0x10] =	vst v3;
	v3 =	vld [tilespmem:s3+$0x70];
	s7 =	sadd.s32 $0x100, s7;
	s8 =	smov.u32 s6;
	s6 =	sadd.s32 $0x4, s6  }
0x29f: {  	v2 =	vld.idx.msk [tilespmem:v2+s0+$0x0], $0xffff  }
0x2a0: {  	v4 =	vld [tilespmem:s3+$0x50]  }
0x2a1: {  	v5 =	vld [tilespmem:s3+$0x60];
	_ =	sdelay $0x1  }
0x2a2: {  	s10 =	sadd.s32 $0xFFFFFFFD, s8  }
0x2a3: {  	v6 =	vmov s10  }
0x2a4: {  	v6 =	vand.u32 $0x7C, v6;
	v1 =	vmul.f32 v1, v2;
	v4 =	vmul.f32 v4, v2  }
0x2a5: {  	v6 =	vadd.s32 $0x26C0, v6;
	v5 =	vmul.f32 v5, v2;
	v2 =	vmul.f32 v3, v2  }
0x2a6: {  	[tilespmem:s3+$0x40] =	vst v1  }
0x2a7: {  	[tilespmem:s3+$0x50] =	vst v4  }
0x2a8: {  	v1 =	vld [tilespmem:s7+$0xFFFFFFA0];
	[tilespmem:s3+$0x70] =	vst v2  }
0x2a9: {  	v2 =	vld [tilespmem:s7+$0xFFFFFFB0];
	[tilespmem:s3+$0x60] =	vst v5;
	s3 =	smov.u32 s7  }
0x2aa: {  	v3 =	vld.idx.msk [tilespmem:v6+s0+$0x0], $0xffff  }
0x2ab: {  	v4 =	vld [tilespmem:s7+$0xFFFFFF80]  }
0x2ac: {  	v5 =	vld [tilespmem:s7+$0xFFFFFF90];
	_ =	sdelay $0x1  }
0x2ad: {  	s10 =	sadd.s32 $0xFFFFFFFE, s8  }
0x2ae: {  	v6 =	vmov s10  }
0x2af: {  	v6 =	vand.u32 $0x7D, v6;
	v2 =	vmul.f32 v2, v3;
	v4 =	vmul.f32 v4, v3  }
0x2b0: {  	v1 =	vmul.f32 v1, v3;
	v5 =	vmul.f32 v5, v3;
	v3 =	vadd.s32 $0x26C0, v6  }
0x2b1: {  	[tilespmem:s7+$0xFFFFFFB0] =	vst v2  }
0x2b2: {  	[tilespmem:s7+$0xFFFFFF80] =	vst v4  }
0x2b3: {  	[tilespmem:s7+$0xFFFFFF90] =	vst v5;
	v2 =	vld [tilespmem:s7+$0xFFFFFFF0]  }
0x2b4: {  	[tilespmem:s7+$0xFFFFFFA0] =	vst v1;
	v1 =	vld [tilespmem:s7+$0xFFFFFFD0]  }
0x2b5: {  	v3 =	vld.idx.msk [tilespmem:v3+s0+$0x0], $0xffff  }
0x2b6: {  	v4 =	vld [tilespmem:s7+$0xFFFFFFC0]  }
0x2b7: {  	v5 =	vld [tilespmem:s7+$0xFFFFFFE0];
	_ =	sdelay $0x1  }
0x2b8: {  	s10 =	sadd.s32 $0xFFFFFFFF, s8  }
0x2b9: {  	v6 =	vmov s10  }
0x2ba: {  	v6 =	vand.u32 $0x7E, v6;
	v1 =	vmul.f32 v1, v3;
	v4 =	vmul.f32 v4, v3  }
0x2bb: {  	v2 =	vmul.f32 v2, v3;
	v5 =	vmul.f32 v5, v3;
	v3 =	vadd.s32 $0x26C0, v6  }
0x2bc: {  	[tilespmem:s7+$0xFFFFFFC0] =	vst v4  }
0x2bd: {  	[tilespmem:s7+$0xFFFFFFF0] =	vst v2  }
0x2be: {  	[tilespmem:s7+$0xFFFFFFD0] =	vst v1;
	v1 =	vld [tilespmem:s7+$0x30]  }
0x2bf: {  	[tilespmem:s7+$0xFFFFFFE0] =	vst v5;
	v2 =	vld [tilespmem:s7+$0x0]  }
0x2c0: {  	v4 =	vld.idx.msk [tilespmem:v3+s0+$0x0], $0xffff  }
0x2c1: {  	v3 =	vld [tilespmem:s7+$0x10]  }
0x2c2: {  	v5 =	vld [tilespmem:s7+$0x20];
	_ =	sdelay $0x2  }
0x2c3: {  	v6 =	vmov s8  }
.Ltmp9:
0x2c4: {  	v7 =	vmul.f32 v2, v4;
	v2 =	vand.u32 $0x7F, v6;
	v3 =	vmul.f32 v3, v4;
	(pc) =	sbr.rel @p0 .LBB2_19-.Ltmp9, $4  }
0x2c5: {  	v1 =	vmul.f32 v1, v4;
	v2 =	vadd.s32 $0x26C0, v2;
	v5 =	vmul.f32 v5, v4  }
0x2c6: {  	[tilespmem:s7+$0x0] =	vst v7  }
0x2c7: {  	[tilespmem:s7+$0x30] =	vst v1  }
0x2c8: {  	[tilespmem:s7+$0x20] =	vst v5;
	v1 =	vld [tilespmem:s7+$0x40]  }
0x2c9: {  	_ =	sdelay $0x2  }
0x2ca: {  	[tilespmem:s3+$0x10] =	vst v3  }
0x2cb: {  	v2 =	vld.idx.msk [tilespmem:v2+s0+$0x0], $0xffff  }
0x2cc: {  	v3 =	vld [tilespmem:s3+$0x50]  }
0x2cd: {  	v4 =	vld [tilespmem:s3+$0x70]  }
0x2ce: {  	v5 =	vld [tilespmem:s3+$0x60];
	_ =	sdelay $0x1  }
0x2cf: {  	v1 =	vmul.f32 v1, v2  }
0x2d0: {  	v3 =	vmul.f32 v3, v2  }
0x2d1: {  	v4 =	vmul.f32 v4, v2;
	[tilespmem:s3+$0x40] =	vst v1  }
0x2d2: {  	v1 =	vmul.f32 v5, v2;
	[tilespmem:s3+$0x50] =	vst v3  }
0x2d3: {  	[tilespmem:s3+$0x70] =	vst v4  }
0x2d4: {  	s15 =	simm.s32 $0x26C0;
	[tilespmem:s3+$0x60] =	vst v1  }
0x2d5: {  	[spmem:s4] =	stream.indirect.scatter.add.f32 [tilespmem:s29], [sflag:$0x3], $0x40, s15, s28, $0xb8;
	[tilespmem:$0x1B460] =	vst v63  }
0x2d6: {  	_ =	swait.ge [sflag:s2], $0x1400  }
0x2d7: {  	[sflag:s2] =	ssyncset.done $0x0  }
0x2d8: {  	s17 =	stileid.u32;
	s10 =	sshrl.u32 s13, $0x3;
	[sflag:s2] =	ssyncadd.s32 $0xFFFFEC00  }
0x2d9: {  	s6 =	simm.s32 $0x20;
	s3 =	sshll.u32 s17, $0x6;
	[bflag:$0x0] =	sbarrier.arrive $0xFFFF  }
0x2da: {  	s7 =	simm.s32 $0x8;
	s8 =	sor.u32 $0x1C05, s3;
	s18 =	rddreg [dreg:$0xc]  }
0x2db: {  	[hbm:s18@s6], [sflag:s8] =	dma.strided [spmem:s10@s7], $0x13C0, s26, $0x8   }
0x2dc: {  	_ =	swait.ge [sflag:s19], $0x13C0  }
0x2dd: {  	[sflag:s19] =	ssyncset.done $0x0  }
0x2de: {  	s3 =	simm.s32 $0x0;
	[sflag:s19] =	ssyncadd.s32 $0xFFFFEC40  }
.LBB2_21:
0x2df: {  	p0 =	sne.s32 s3, $0x27000  }
.Ltmp10:
0x2e0: {  	_ = 	snop;
	(pc) =	sbr.rel @p0 .LBB2_21-.Ltmp10, $4  }
0x2e1: {  	_ = 	snop  }
0x2e2: {  	s6 =	sshra.s32 s3, $0x2  }
0x2e3: {  	s3 =	sadd.s32 $0x800, s3;
	s6 =	sadd.s32 s6, s13  }
0x2e4: {  	[spmem:s6] =	stream.linear.scatter [tilespmem:s25], [sflag:$0x1], $0x200, $0x38;
	[tilespmem:$0x1B460] =	vst v63  }
0x2e5: {  	_ =	swait.ge [sflag:s26], $0x200  }
0x2e6: {  	s3 =	simm.s32 $0x4E;
	[sflag:s26] =	ssyncset.done $0x0  }
.LBB2_23:
0x2e7: {  	p0 =	sne.s32 s3, $0x1;
	s3 =	sadd.s32 $0xFFFFFFFF, s3;
	[sflag:s26] =	ssyncadd.s32 $0xFFFFFE00  }
.Ltmp11:
0x2e8: {  	(pc) =	sbr.rel @p0 .LBB2_23-.Ltmp11, $3  }
0x2e9: {  	_ =	sdelay $0x1  }
0x2ea: {  	_ =	swait.ge [sflag:s26], $0x200  }
0x2eb: {  	[sflag:s26] =	ssyncset.done $0x0  }
0x2ec: {  	[sflag:s26] =	ssyncadd.s32 $0xFFFFFE00  }
0x2ed: {  	[bflag:$0x0] =	sbarrier.arrive $0xFFFF  }
0x2ee: {  	[tilespmem:s29], [sflag:$0x1] =	stream.indirect.gather [hbm4b:s16+s28], $0x40, s20, s28, $0xb8;
	[tilespmem:$0x1B460] =	vst v63  }
0x2ef: {  	s3 =	simm.s32 $0x2760;
	s11 =	simm.s32 $0x0  }
0x2f0: {  	[tilespmem:s31], [sflag:$0x2] =	stream.indirect.gather [hbm4b:s16+s28], $0x40, s3, s28, $0xb8;
	[tilespmem:$0x1B460] =	vst v63  }
.LBB2_25:
0x2f1: {  	s3 =	sshll.u32 s11, $0x1  }
0x2f2: {  	v1 =	vmov s3  }
0x2f3: {  	v1 =	vmul.u32 $0x50, v1  }
0x2f4: {  	s6 =	simm.s32 $0x0  }
0x2f5: {  	v2 =	vmov s6;
	v1 =	vbroadcast v1, $0x0  }
0x2f6: {  	v3 =	vand.u32 $0x78, v2  }
0x2f7: {  	v2 =	vand.u32 $0x4, v2;
	v3 =	vadd.s32 v1, v3  }
0x2f8: {  	v2 =	vor.u32 v2, v3  }
0x2f9: {  	_ =	swait.ge [sflag:s26], $0x1400  }
0x2fa: {  	[sflag:s26] =	ssyncset.done $0x0  }
0x2fb: {  	s12 =	simm.s32 $0xEBC0;
	[sflag:s26] =	ssyncadd.s32 $0xFFFFEC00  }
0x2fc: {  	v3 =	vld [tilespmem:s12+$0xFFFFFFB0]  }
0x2fd: {  	v2 =	vld.idx.msk [tilespmem:v2+s0+$0x0], $0xffff  }
0x2fe: {  	v4 =	vld [tilespmem:s12+$0xFFFFFF80]  }
0x2ff: {  	s15 =	simm.s32 $0x1;
	v5 =	vld [tilespmem:s12+$0xFFFFFF90]  }
0x300: {  	v7 =	vmov s15;
	v6 =	vld [tilespmem:s12+$0xFFFFFFA0]  }
0x301: {  	v8 =	vand.u32 $0x78, v7  }
0x302: {  	v7 =	vand.u32 $0x5, v7;
	v8 =	vadd.s32 v1, v8;
	v3 =	vmul.f32 v3, v2  }
0x303: {  	v7 =	vor.u32 v7, v8;
	v4 =	vmul.f32 v4, v2  }
0x304: {  	v5 =	vmul.f32 v5, v2;
	[tilespmem:s12+$0xFFFFFFB0] =	vst v3  }
0x305: {  	v2 =	vmul.f32 v6, v2;
	[tilespmem:s12+$0xFFFFFF80] =	vst v4  }
0x306: {  	[tilespmem:s12+$0xFFFFFF90] =	vst v5  }
0x307: {  	[tilespmem:s12+$0xFFFFFFA0] =	vst v2;
	v3 =	vld [tilespmem:s12+$0xFFFFFFC0]  }
0x308: {  	v2 =	vld.idx.msk [tilespmem:v7+s0+$0x0], $0xffff  }
0x309: {  	v4 =	vld [tilespmem:s12+$0xFFFFFFD0]  }
0x30a: {  	s17 =	simm.s32 $0x2;
	v5 =	vld [tilespmem:s12+$0xFFFFFFF0]  }
0x30b: {  	v59 =	vmov s17;
	v58 =	vld [tilespmem:s12+$0xFFFFFFE0]  }
0x30c: {  	v60 =	vand.u32 $0x78, v59  }
0x30d: {  	v8 =	vadd.s32 v1, v60;
	v7 =	vand.u32 $0x6, v59;
	v3 =	vmul.f32 v3, v2  }
0x30e: {  	v7 =	vor.u32 v7, v8;
	v4 =	vmul.f32 v4, v2  }
0x30f: {  	v5 =	vmul.f32 v5, v2;
	[tilespmem:s12+$0xFFFFFFC0] =	vst v3  }
0x310: {  	v2 =	vmul.f32 v58, v2;
	[tilespmem:s12+$0xFFFFFFD0] =	vst v4  }
0x311: {  	v61 =	vld [tilespmem:s12+$0x20];
	[tilespmem:s12+$0xFFFFFFF0] =	vst v5  }
0x312: {  	[tilespmem:s12+$0xFFFFFFE0] =	vst v2;
	v3 =	vld [tilespmem:s12+$0x0]  }
0x313: {  	v2 =	vld.idx.msk [tilespmem:v7+s0+$0x0], $0xffff  }
0x314: {  	v4 =	vld [tilespmem:s12+$0x10]  }
0x315: {  	v5 =	vld [tilespmem:s12+$0x30]  }
0x316: {  	s18 =	simm.s32 $0x3  }
0x317: {  	v62 =	vmov s18  }
0x318: {  	v63 =	vand.u32 $0x78, v62;
	v3 =	vmul.f32 v3, v2  }
0x319: {  	v8 =	vadd.s32 v1, v63;
	v7 =	vand.u32 $0x7, v62;
	v4 =	vmul.f32 v4, v2  }
0x31a: {  	v5 =	vmul.f32 v5, v2;
	[tilespmem:s12+$0x0] =	vst v3;
	v3 =	vmul.f32 v61, v2;
	v2 =	vor.u32 v7, v8  }
0x31b: {  	[tilespmem:s12+$0x10] =	vst v4  }
0x31c: {  	s7 =	simm.s32 $0xEBC0;
	s6 =	simm.s32 $0x7;
	[tilespmem:s12+$0x30] =	vst v5  }
.LBB2_26:
0x31d: {  	p0 =	sne.s32 s6, $0x4F  }
0x31e: {  	[tilespmem:s12+$0x20] =	vst v3;
	v3 =	vld [tilespmem:s12+$0x70];
	s7 =	sadd.s32 $0x100, s7;
	s15 =	smov.u32 s6;
	s6 =	sadd.s32 $0x4, s6  }
0x31f: {  	v2 =	vld.idx.msk [tilespmem:v2+s0+$0x0], $0xffff  }
0x320: {  	v4 =	vld [tilespmem:s12+$0x40]  }
0x321: {  	v5 =	vld [tilespmem:s12+$0x50]  }
0x322: {  	s17 =	sadd.s32 $0xFFFFFFFD, s15;
	v6 =	vld [tilespmem:s12+$0x60]  }
0x323: {  	v7 =	vmov s17  }
0x324: {  	v8 =	vand.u32 $0x78, v7  }
0x325: {  	v7 =	vand.u32 $0x4, v7;
	v8 =	vadd.s32 v1, v8;
	v4 =	vmul.f32 v4, v2  }
0x326: {  	v7 =	vor.u32 v7, v8;
	v3 =	vmul.f32 v3, v2;
	v5 =	vmul.f32 v5, v2  }
0x327: {  	[tilespmem:s12+$0x40] =	vst v4;
	v2 =	vmul.f32 v6, v2  }
0x328: {  	[tilespmem:s12+$0x70] =	vst v3  }
0x329: {  	v3 =	vld [tilespmem:s7+$0xFFFFFFA0];
	[tilespmem:s12+$0x50] =	vst v5  }
0x32a: {  	v4 =	vld [tilespmem:s7+$0xFFFFFFB0];
	[tilespmem:s12+$0x60] =	vst v2;
	s12 =	smov.u32 s7  }
0x32b: {  	v2 =	vld.idx.msk [tilespmem:v7+s0+$0x0], $0xffff  }
0x32c: {  	v5 =	vld [tilespmem:s7+$0xFFFFFF80]  }
0x32d: {  	v6 =	vld [tilespmem:s7+$0xFFFFFF90]  }
0x32e: {  	s17 =	sadd.s32 $0xFFFFFFFE, s15  }
0x32f: {  	v7 =	vmov s17  }
0x330: {  	v8 =	vand.u32 $0x78, v7;
	v7 =	vand.u32 $0x5, v7  }
0x331: {  	v8 =	vadd.s32 v1, v8;
	v4 =	vmul.f32 v4, v2;
	v5 =	vmul.f32 v5, v2  }
0x332: {  	v6 =	vmul.f32 v6, v2;
	v2 =	vmul.f32 v3, v2;
	v3 =	vor.u32 v7, v8  }
0x333: {  	[tilespmem:s7+$0xFFFFFFB0] =	vst v4  }
0x334: {  	[tilespmem:s7+$0xFFFFFF80] =	vst v5  }
0x335: {  	[tilespmem:s7+$0xFFFFFF90] =	vst v6;
	v4 =	vld [tilespmem:s7+$0xFFFFFFF0]  }
0x336: {  	[tilespmem:s7+$0xFFFFFFA0] =	vst v2;
	v2 =	vld [tilespmem:s7+$0xFFFFFFD0]  }
0x337: {  	v3 =	vld.idx.msk [tilespmem:v3+s0+$0x0], $0xffff  }
0x338: {  	v5 =	vld [tilespmem:s7+$0xFFFFFFC0]  }
0x339: {  	v6 =	vld [tilespmem:s7+$0xFFFFFFE0]  }
0x33a: {  	s17 =	sadd.s32 $0xFFFFFFFF, s15  }
0x33b: {  	v7 =	vmov s17  }
0x33c: {  	v8 =	vand.u32 $0x78, v7;
	v7 =	vand.u32 $0x6, v7  }
0x33d: {  	v8 =	vadd.s32 v1, v8;
	v2 =	vmul.f32 v2, v3;
	v5 =	vmul.f32 v5, v3  }
0x33e: {  	v6 =	vmul.f32 v6, v3;
	v3 =	vmul.f32 v4, v3;
	v4 =	vor.u32 v7, v8  }
0x33f: {  	[tilespmem:s7+$0xFFFFFFC0] =	vst v5  }
0x340: {  	[tilespmem:s7+$0xFFFFFFD0] =	vst v2  }
0x341: {  	[tilespmem:s7+$0xFFFFFFF0] =	vst v3;
	v2 =	vld [tilespmem:s7+$0x30]  }
0x342: {  	[tilespmem:s7+$0xFFFFFFE0] =	vst v6;
	v3 =	vld [tilespmem:s7+$0x10]  }
0x343: {  	v4 =	vld.idx.msk [tilespmem:v4+s0+$0x0], $0xffff  }
0x344: {  	v5 =	vld [tilespmem:s7+$0x0]  }
0x345: {  	v6 =	vld [tilespmem:s7+$0x20];
	_ =	sdelay $0x1  }
0x346: {  	v7 =	vmov s15  }
0x347: {  	v8 =	vand.u32 $0x78, v7;
	v7 =	vand.u32 $0x7, v7  }
.Ltmp12:
0x348: {  	v8 =	vadd.s32 v1, v8;
	v9 =	vmul.f32 v3, v4;
	v5 =	vmul.f32 v5, v4;
	(pc) =	sbr.rel @p0 .LBB2_26-.Ltmp12, $4  }
0x349: {  	v3 =	vmul.f32 v6, v4;
	v4 =	vmul.f32 v2, v4;
	v2 =	vor.u32 v7, v8  }
0x34a: {  	[tilespmem:s7+$0x0] =	vst v5  }
0x34b: {  	[tilespmem:s7+$0x10] =	vst v9  }
0x34c: {  	[tilespmem:s7+$0x30] =	vst v4  }
0x34d: {  	_ =	sdelay $0x2  }
0x34e: {  	[tilespmem:s12+$0x20] =	vst v3  }
0x34f: {  	v1 =	vld.idx.msk [tilespmem:v2+s0+$0x0], $0xffff  }
0x350: {  	v2 =	vld [tilespmem:s12+$0x40]  }
0x351: {  	v3 =	vld [tilespmem:s12+$0x70]  }
0x352: {  	v4 =	vld [tilespmem:s12+$0x50]  }
0x353: {  	v5 =	vld [tilespmem:s12+$0x60]  }
0x354: {  	s3 =	sor.u32 $0x1, s3  }
0x355: {  	v6 =	vmov s3;
	v2 =	vmul.f32 v2, v1  }
0x356: {  	v6 =	vmul.u32 $0x50, v6;
	v3 =	vmul.f32 v3, v1  }
0x357: {  	s6 =	simm.s32 $0x0;
	v4 =	vmul.f32 v4, v1;
	[tilespmem:s12+$0x40] =	vst v2  }
0x358: {  	s7 =	smul.u32 $0x280, s11;
	v2 =	vmul.f32 v5, v1;
	[tilespmem:s12+$0x70] =	vst v3;
	v1 =	vbroadcast v6, $0x0;
	v3 =	vmov s6  }
0x359: {  	[tilespmem:s12+$0x50] =	vst v4;
	v4 =	vand.u32 $0x78, v3  }
0x35a: {  	[tilespmem:s12+$0x60] =	vst v2;
	s12 =	sshra.s32 s7, $0x2;
	v2 =	vand.u32 $0x4, v3;
	v3 =	vadd.s32 v1, v4  }
0x35b: {  	[spmem:s4] =	stream.indirect.scatter.add.f32 [tilespmem:s29], [sflag:$0x3], $0x40, s12, s28, $0xb8;
	v2 =	vor.u32 v2, v3;
	[tilespmem:$0x1B460] =	vst v63  }
0x35c: {  	_ =	swait.ge [sflag:s21], $0x1400  }
0x35d: {  	[sflag:s21] =	ssyncset.done $0x0  }
0x35e: {  	s6 =	simm.s32 $0x10030;
	[sflag:s21] =	ssyncadd.s32 $0xFFFFEC00  }
0x35f: {  	v3 =	vld [tilespmem:s6+$0xFFFFFF40]  }
0x360: {  	v2 =	vld.idx.msk [tilespmem:v2+s0+$0x0], $0xffff  }
0x361: {  	v4 =	vld [tilespmem:s6+$0xFFFFFF10]  }
0x362: {  	s15 =	simm.s32 $0x1;
	v5 =	vld [tilespmem:s6+$0xFFFFFF20]  }
0x363: {  	v7 =	vmov s15;
	v57 =	vld [tilespmem:s6+$0xFFFFFF30]  }
0x364: {  	v8 =	vand.u32 $0x78, v7  }
0x365: {  	v7 =	vand.u32 $0x5, v7;
	v8 =	vadd.s32 v1, v8;
	v3 =	vmul.f32 v3, v2  }
0x366: {  	v7 =	vor.u32 v7, v8;
	v4 =	vmul.f32 v4, v2  }
0x367: {  	v5 =	vmul.f32 v5, v2;
	[tilespmem:s6+$0xFFFFFF40] =	vst v3  }
0x368: {  	v2 =	vmul.f32 v57, v2;
	[tilespmem:s6+$0xFFFFFF10] =	vst v4  }
0x369: {  	[tilespmem:s6+$0xFFFFFF20] =	vst v5  }
0x36a: {  	[tilespmem:s6+$0xFFFFFF30] =	vst v2;
	v3 =	vld [tilespmem:s6+$0xFFFFFF50]  }
0x36b: {  	v2 =	vld.idx.msk [tilespmem:v7+s0+$0x0], $0xffff  }
0x36c: {  	v4 =	vld [tilespmem:s6+$0xFFFFFF60]  }
0x36d: {  	s17 =	simm.s32 $0x2;
	v5 =	vld [tilespmem:s6+$0xFFFFFF80]  }
0x36e: {  	v59 =	vmov s17;
	v58 =	vld [tilespmem:s6+$0xFFFFFF70]  }
0x36f: {  	v60 =	vand.u32 $0x78, v59  }
0x370: {  	v8 =	vadd.s32 v1, v60;
	v7 =	vand.u32 $0x6, v59;
	v3 =	vmul.f32 v3, v2  }
0x371: {  	v7 =	vor.u32 v7, v8;
	v4 =	vmul.f32 v4, v2  }
0x372: {  	v5 =	vmul.f32 v5, v2;
	[tilespmem:s6+$0xFFFFFF50] =	vst v3  }
0x373: {  	v2 =	vmul.f32 v58, v2;
	[tilespmem:s6+$0xFFFFFF60] =	vst v4  }
0x374: {  	v61 =	vld [tilespmem:s6+$0xFFFFFFB0];
	[tilespmem:s6+$0xFFFFFF80] =	vst v5  }
0x375: {  	[tilespmem:s6+$0xFFFFFF70] =	vst v2;
	v3 =	vld [tilespmem:s6+$0xFFFFFF90]  }
0x376: {  	v2 =	vld.idx.msk [tilespmem:v7+s0+$0x0], $0xffff  }
0x377: {  	v4 =	vld [tilespmem:s6+$0xFFFFFFA0]  }
0x378: {  	v5 =	vld [tilespmem:s6+$0xFFFFFFC0]  }
0x379: {  	s18 =	simm.s32 $0x3  }
0x37a: {  	v62 =	vmov s18  }
0x37b: {  	v63 =	vand.u32 $0x78, v62;
	v3 =	vmul.f32 v3, v2  }
0x37c: {  	v8 =	vadd.s32 v1, v63;
	v7 =	vand.u32 $0x7, v62;
	v4 =	vmul.f32 v4, v2  }
0x37d: {  	v5 =	vmul.f32 v5, v2;
	[tilespmem:s6+$0xFFFFFF90] =	vst v3;
	v3 =	vmul.f32 v61, v2;
	v2 =	vor.u32 v7, v8  }
0x37e: {  	[tilespmem:s6+$0xFFFFFFA0] =	vst v4  }
0x37f: {  	s15 =	simm.s32 $0x10030;
	s7 =	simm.s32 $0x7;
	[tilespmem:s6+$0xFFFFFFC0] =	vst v5  }
.LBB2_28:
0x380: {  	p0 =	sne.s32 s7, $0x4F  }
0x381: {  	[tilespmem:s6+$0xFFFFFFB0] =	vst v3;
	v3 =	vld [tilespmem:s6+$0x0];
	s15 =	sadd.s32 $0x100, s15;
	s17 =	smov.u32 s7;
	s7 =	sadd.s32 $0x4, s7  }
0x382: {  	v2 =	vld.idx.msk [tilespmem:v2+s0+$0x0], $0xffff  }
0x383: {  	v4 =	vld [tilespmem:s6+$0xFFFFFFD0]  }
0x384: {  	v5 =	vld [tilespmem:s6+$0xFFFFFFE0]  }
0x385: {  	s18 =	sadd.s32 $0xFFFFFFFD, s17;
	v6 =	vld [tilespmem:s6+$0xFFFFFFF0]  }
0x386: {  	v7 =	vmov s18  }
0x387: {  	v8 =	vand.u32 $0x78, v7  }
0x388: {  	v7 =	vand.u32 $0x4, v7;
	v8 =	vadd.s32 v1, v8;
	v4 =	vmul.f32 v4, v2  }
0x389: {  	v7 =	vor.u32 v7, v8;
	v3 =	vmul.f32 v3, v2;
	v5 =	vmul.f32 v5, v2  }
0x38a: {  	[tilespmem:s6+$0xFFFFFFD0] =	vst v4;
	v2 =	vmul.f32 v6, v2  }
0x38b: {  	[tilespmem:s6+$0x0] =	vst v3  }
0x38c: {  	v3 =	vld [tilespmem:s15+$0xFFFFFF30];
	[tilespmem:s6+$0xFFFFFFE0] =	vst v5  }
0x38d: {  	v4 =	vld [tilespmem:s15+$0xFFFFFF40];
	[tilespmem:s6+$0xFFFFFFF0] =	vst v2;
	s6 =	smov.u32 s15  }
0x38e: {  	v2 =	vld.idx.msk [tilespmem:v7+s0+$0x0], $0xffff  }
0x38f: {  	v5 =	vld [tilespmem:s15+$0xFFFFFF10]  }
0x390: {  	v6 =	vld [tilespmem:s15+$0xFFFFFF20]  }
0x391: {  	s18 =	sadd.s32 $0xFFFFFFFE, s17  }
0x392: {  	v7 =	vmov s18  }
0x393: {  	v8 =	vand.u32 $0x78, v7;
	v7 =	vand.u32 $0x5, v7  }
0x394: {  	v8 =	vadd.s32 v1, v8;
	v4 =	vmul.f32 v4, v2;
	v5 =	vmul.f32 v5, v2  }
0x395: {  	v6 =	vmul.f32 v6, v2;
	v2 =	vmul.f32 v3, v2;
	v3 =	vor.u32 v7, v8  }
0x396: {  	[tilespmem:s15+$0xFFFFFF40] =	vst v4  }
0x397: {  	[tilespmem:s15+$0xFFFFFF10] =	vst v5  }
0x398: {  	[tilespmem:s15+$0xFFFFFF20] =	vst v6;
	v4 =	vld [tilespmem:s15+$0xFFFFFF80]  }
0x399: {  	[tilespmem:s15+$0xFFFFFF30] =	vst v2;
	v2 =	vld [tilespmem:s15+$0xFFFFFF60]  }
0x39a: {  	v3 =	vld.idx.msk [tilespmem:v3+s0+$0x0], $0xffff  }
0x39b: {  	v5 =	vld [tilespmem:s15+$0xFFFFFF50]  }
0x39c: {  	v6 =	vld [tilespmem:s15+$0xFFFFFF70]  }
0x39d: {  	s18 =	sadd.s32 $0xFFFFFFFF, s17  }
0x39e: {  	v7 =	vmov s18  }
0x39f: {  	v8 =	vand.u32 $0x78, v7;
	v7 =	vand.u32 $0x6, v7  }
0x3a0: {  	v8 =	vadd.s32 v1, v8;
	v2 =	vmul.f32 v2, v3;
	v5 =	vmul.f32 v5, v3  }
0x3a1: {  	v6 =	vmul.f32 v6, v3;
	v3 =	vmul.f32 v4, v3;
	v4 =	vor.u32 v7, v8  }
0x3a2: {  	[tilespmem:s15+$0xFFFFFF50] =	vst v5  }
0x3a3: {  	[tilespmem:s15+$0xFFFFFF60] =	vst v2  }
0x3a4: {  	[tilespmem:s15+$0xFFFFFF80] =	vst v3;
	v2 =	vld [tilespmem:s15+$0xFFFFFFC0]  }
0x3a5: {  	[tilespmem:s15+$0xFFFFFF70] =	vst v6;
	v3 =	vld [tilespmem:s15+$0xFFFFFFA0]  }
0x3a6: {  	v4 =	vld.idx.msk [tilespmem:v4+s0+$0x0], $0xffff  }
0x3a7: {  	v5 =	vld [tilespmem:s15+$0xFFFFFF90]  }
0x3a8: {  	v6 =	vld [tilespmem:s15+$0xFFFFFFB0];
	_ =	sdelay $0x1  }
0x3a9: {  	v7 =	vmov s17  }
0x3aa: {  	v8 =	vand.u32 $0x78, v7;
	v7 =	vand.u32 $0x7, v7  }
.Ltmp13:
0x3ab: {  	v8 =	vadd.s32 v1, v8;
	v9 =	vmul.f32 v3, v4;
	v5 =	vmul.f32 v5, v4;
	(pc) =	sbr.rel @p0 .LBB2_28-.Ltmp13, $4  }
0x3ac: {  	v3 =	vmul.f32 v6, v4;
	v4 =	vmul.f32 v2, v4;
	v2 =	vor.u32 v7, v8  }
0x3ad: {  	[tilespmem:s15+$0xFFFFFF90] =	vst v5  }
0x3ae: {  	[tilespmem:s15+$0xFFFFFFA0] =	vst v9  }
0x3af: {  	[tilespmem:s15+$0xFFFFFFC0] =	vst v4  }
0x3b0: {  	_ =	sdelay $0x2  }
0x3b1: {  	[tilespmem:s6+$0xFFFFFFB0] =	vst v3  }
0x3b2: {  	v1 =	vld.idx.msk [tilespmem:v2+s0+$0x0], $0xffff  }
0x3b3: {  	v2 =	vld [tilespmem:s6+$0xFFFFFFD0]  }
0x3b4: {  	v3 =	vld [tilespmem:s6+$0x0]  }
0x3b5: {  	v4 =	vld [tilespmem:s6+$0xFFFFFFE0]  }
0x3b6: {  	v5 =	vld [tilespmem:s6+$0xFFFFFFF0];
	_ =	sdelay $0x1  }
0x3b7: {  	v2 =	vmul.f32 v2, v1  }
0x3b8: {  	v3 =	vmul.f32 v3, v1  }
0x3b9: {  	v4 =	vmul.f32 v4, v1;
	[tilespmem:s6+$0xFFFFFFD0] =	vst v2  }
0x3ba: {  	s3 =	smul.u32 $0x140, s3;
	v1 =	vmul.f32 v5, v1;
	[tilespmem:s6+$0x0] =	vst v3  }
0x3bb: {  	[tilespmem:s6+$0xFFFFFFE0] =	vst v4  }
0x3bc: {  	s3 =	sshra.s32 s3, $0x2;
	[tilespmem:s6+$0xFFFFFFF0] =	vst v1  }
0x3bd: {  	[spmem:s4] =	stream.indirect.scatter.add.f32 [tilespmem:s31], [sflag:$0x4], $0x40, s3, s28, $0xb8;
	[tilespmem:$0x1B460] =	vst v63  }
0x3be: {  	_ =	swait.ge [sflag:s2], $0x1400  }
0x3bf: {  	p0 =	seq.s32 s11, $0x3D;
	[sflag:s2] =	ssyncset.done $0x0  }
.Ltmp14:
0x3c0: {  	s18 =	sadd.s32 $0x27B0, s12;
	[sflag:s2] =	ssyncadd.s32 $0xFFFFEC00;
	(pc) =	sbr.rel @p0 .LBB2_31-.Ltmp14, $4  }
0x3c1: {  	[tilespmem:s29], [sflag:$0x1] =	stream.indirect.gather [hbm4b:s16+s28], $0x40, s18, s28, $0xb8;
	[tilespmem:$0x1B460] =	vst v63  }
0x3c2: {  	_ =	swait.ge [sflag:s1], $0x1400  }
0x3c3: {  	[sflag:s1] =	ssyncset.done $0x0  }
0x3c4: {  	[sflag:s1] =	ssyncadd.s32 $0xFFFFEC00  }
.Ltmp15:
0x3c5: {  	(pc) =	sbr.rel .LBB2_25-.Ltmp15, $3  }
0x3c6: {  	_ =	sdelay $0x1  }
0x3c7: {  	s3 =	sadd.s32 $0x2800, s12;
	s11 =	sadd.s32 $0x1, s11  }
0x3c8: {  	[tilespmem:s31], [sflag:$0x2] =	stream.indirect.gather [hbm4b:s16+s28], $0x40, s3, s28, $0xb8;
	[tilespmem:$0x1B460] =	vst v63  }
.LBB2_31:
0x3c9: {  	s3 =	simm.s32 $0x0  }
0x3ca: {  	v1 =	vmov s3  }
0x3cb: {  	v1 =	vand.u32 $0x7C, v1  }
0x3cc: {  	v1 =	vadd.s32 $0x26C0, v1  }
0x3cd: {  	_ =	swait.ge [sflag:s26], $0x1400  }
0x3ce: {  	[sflag:s26] =	ssyncset.done $0x0  }
0x3cf: {  	s3 =	simm.s32 $0xEBC0;
	[sflag:s26] =	ssyncadd.s32 $0xFFFFEC00  }
0x3d0: {  	v2 =	vld [tilespmem:s3+$0xFFFFFFB0]  }
0x3d1: {  	v1 =	vld.idx.msk [tilespmem:v1+s0+$0x0], $0xffff  }
0x3d2: {  	v3 =	vld [tilespmem:s3+$0xFFFFFF80]  }
0x3d3: {  	v4 =	vld [tilespmem:s3+$0xFFFFFF90]  }
0x3d4: {  	s6 =	simm.s32 $0x1;
	v5 =	vld [tilespmem:s3+$0xFFFFFFA0]  }
0x3d5: {  	v6 =	vmov s6  }
0x3d6: {  	v6 =	vand.u32 $0x7D, v6;
	v2 =	vmul.f32 v2, v1  }
0x3d7: {  	v6 =	vadd.s32 $0x26C0, v6;
	v3 =	vmul.f32 v3, v1  }
0x3d8: {  	v4 =	vmul.f32 v4, v1;
	[tilespmem:s3+$0xFFFFFFB0] =	vst v2  }
0x3d9: {  	v1 =	vmul.f32 v5, v1;
	[tilespmem:s3+$0xFFFFFF80] =	vst v3  }
0x3da: {  	[tilespmem:s3+$0xFFFFFF90] =	vst v4  }
0x3db: {  	[tilespmem:s3+$0xFFFFFFA0] =	vst v1;
	v2 =	vld [tilespmem:s3+$0xFFFFFFC0]  }
0x3dc: {  	v1 =	vld.idx.msk [tilespmem:v6+s0+$0x0], $0xffff  }
0x3dd: {  	v3 =	vld [tilespmem:s3+$0xFFFFFFF0]  }
0x3de: {  	v4 =	vld [tilespmem:s3+$0xFFFFFFD0]  }
0x3df: {  	s17 =	simm.s32 $0x2;
	v5 =	vld [tilespmem:s3+$0xFFFFFFE0]  }
0x3e0: {  	v63 =	vmov s17  }
0x3e1: {  	v6 =	vand.u32 $0x7E, v63;
	v2 =	vmul.f32 v2, v1  }
0x3e2: {  	v6 =	vadd.s32 $0x26C0, v6;
	v3 =	vmul.f32 v3, v1  }
0x3e3: {  	v4 =	vmul.f32 v4, v1;
	[tilespmem:s3+$0xFFFFFFC0] =	vst v2  }
0x3e4: {  	v1 =	vmul.f32 v5, v1;
	[tilespmem:s3+$0xFFFFFFF0] =	vst v3  }
0x3e5: {  	[tilespmem:s3+$0xFFFFFFD0] =	vst v4  }
0x3e6: {  	[tilespmem:s3+$0xFFFFFFE0] =	vst v1;
	v1 =	vld [tilespmem:s3+$0x0]  }
0x3e7: {  	v2 =	vld.idx.msk [tilespmem:v6+s0+$0x0], $0xffff;
	_ =	sdelay $0x1  }
0x3e8: {  	v3 =	vld [tilespmem:s3+$0x30]  }
0x3e9: {  	v5 =	vld [tilespmem:s3+$0x10]  }
0x3ea: {  	v4 =	vld [tilespmem:s3+$0x20]  }
0x3eb: {  	v1 =	vmul.f32 v1, v2  }
0x3ec: {  	s18 =	simm.s32 $0x3  }
0x3ed: {  	v3 =	vmul.f32 v3, v2;
	[tilespmem:s3+$0x0] =	vst v1;
	v1 =	vmov s18  }
0x3ee: {  	v1 =	vand.u32 $0x7F, v1  }
0x3ef: {  	v4 =	vmul.f32 v4, v2;
	[tilespmem:s3+$0x30] =	vst v3;
	v3 =	vmul.f32 v5, v2;
	v2 =	vadd.s32 $0x26C0, v1;
	_ =	sdelay $0x1  }
0x3f0: {  	s7 =	simm.s32 $0xEBC0;
	s6 =	simm.s32 $0x7;
	[tilespmem:s3+$0x20] =	vst v4;
	v1 =	vld [tilespmem:s3+$0x40]  }
.LBB2_32:
0x3f1: {  	p0 =	sne.s32 s6, $0x4F  }
0x3f2: {  	[tilespmem:s3+$0x10] =	vst v3;
	v3 =	vld [tilespmem:s3+$0x70];
	s7 =	sadd.s32 $0x100, s7;
	s11 =	smov.u32 s6;
	s6 =	sadd.s32 $0x4, s6  }
0x3f3: {  	v2 =	vld.idx.msk [tilespmem:v2+s0+$0x0], $0xffff  }
0x3f4: {  	v4 =	vld [tilespmem:s3+$0x50]  }
0x3f5: {  	v5 =	vld [tilespmem:s3+$0x60];
	_ =	sdelay $0x1  }
0x3f6: {  	s12 =	sadd.s32 $0xFFFFFFFD, s11  }
0x3f7: {  	v6 =	vmov s12  }
0x3f8: {  	v6 =	vand.u32 $0x7C, v6;
	v1 =	vmul.f32 v1, v2;
	v4 =	vmul.f32 v4, v2  }
0x3f9: {  	v6 =	vadd.s32 $0x26C0, v6;
	v5 =	vmul.f32 v5, v2;
	v2 =	vmul.f32 v3, v2  }
0x3fa: {  	[tilespmem:s3+$0x40] =	vst v1  }
0x3fb: {  	[tilespmem:s3+$0x50] =	vst v4  }
0x3fc: {  	v1 =	vld [tilespmem:s7+$0xFFFFFFA0];
	[tilespmem:s3+$0x70] =	vst v2  }
0x3fd: {  	v2 =	vld [tilespmem:s7+$0xFFFFFFB0];
	[tilespmem:s3+$0x60] =	vst v5;
	s3 =	smov.u32 s7  }
0x3fe: {  	v3 =	vld.idx.msk [tilespmem:v6+s0+$0x0], $0xffff  }
0x3ff: {  	v4 =	vld [tilespmem:s7+$0xFFFFFF80]  }
0x400: {  	v5 =	vld [tilespmem:s7+$0xFFFFFF90];
	_ =	sdelay $0x1  }
0x401: {  	s12 =	sadd.s32 $0xFFFFFFFE, s11  }
0x402: {  	v6 =	vmov s12  }
0x403: {  	v6 =	vand.u32 $0x7D, v6;
	v2 =	vmul.f32 v2, v3;
	v4 =	vmul.f32 v4, v3  }
0x404: {  	v1 =	vmul.f32 v1, v3;
	v5 =	vmul.f32 v5, v3;
	v3 =	vadd.s32 $0x26C0, v6  }
0x405: {  	[tilespmem:s7+$0xFFFFFFB0] =	vst v2  }
0x406: {  	[tilespmem:s7+$0xFFFFFF80] =	vst v4  }
0x407: {  	[tilespmem:s7+$0xFFFFFF90] =	vst v5;
	v2 =	vld [tilespmem:s7+$0xFFFFFFF0]  }
0x408: {  	[tilespmem:s7+$0xFFFFFFA0] =	vst v1;
	v1 =	vld [tilespmem:s7+$0xFFFFFFD0]  }
0x409: {  	v3 =	vld.idx.msk [tilespmem:v3+s0+$0x0], $0xffff  }
0x40a: {  	v4 =	vld [tilespmem:s7+$0xFFFFFFC0]  }
0x40b: {  	v5 =	vld [tilespmem:s7+$0xFFFFFFE0];
	_ =	sdelay $0x1  }
0x40c: {  	s12 =	sadd.s32 $0xFFFFFFFF, s11  }
0x40d: {  	v6 =	vmov s12  }
0x40e: {  	v6 =	vand.u32 $0x7E, v6;
	v1 =	vmul.f32 v1, v3;
	v4 =	vmul.f32 v4, v3  }
0x40f: {  	v2 =	vmul.f32 v2, v3;
	v5 =	vmul.f32 v5, v3;
	v3 =	vadd.s32 $0x26C0, v6  }
0x410: {  	[tilespmem:s7+$0xFFFFFFC0] =	vst v4  }
0x411: {  	[tilespmem:s7+$0xFFFFFFF0] =	vst v2  }
0x412: {  	[tilespmem:s7+$0xFFFFFFD0] =	vst v1;
	v1 =	vld [tilespmem:s7+$0x30]  }
0x413: {  	[tilespmem:s7+$0xFFFFFFE0] =	vst v5;
	v2 =	vld [tilespmem:s7+$0x0]  }
0x414: {  	v4 =	vld.idx.msk [tilespmem:v3+s0+$0x0], $0xffff  }
0x415: {  	v3 =	vld [tilespmem:s7+$0x10]  }
0x416: {  	v5 =	vld [tilespmem:s7+$0x20];
	_ =	sdelay $0x2  }
0x417: {  	v6 =	vmov s11  }
.Ltmp16:
0x418: {  	v7 =	vmul.f32 v2, v4;
	v2 =	vand.u32 $0x7F, v6;
	v3 =	vmul.f32 v3, v4;
	(pc) =	sbr.rel @p0 .LBB2_32-.Ltmp16, $4  }
0x419: {  	v1 =	vmul.f32 v1, v4;
	v2 =	vadd.s32 $0x26C0, v2;
	v5 =	vmul.f32 v5, v4  }
0x41a: {  	[tilespmem:s7+$0x0] =	vst v7  }
0x41b: {  	[tilespmem:s7+$0x30] =	vst v1  }
0x41c: {  	[tilespmem:s7+$0x20] =	vst v5;
	v1 =	vld [tilespmem:s7+$0x40]  }
0x41d: {  	_ =	sdelay $0x2  }
0x41e: {  	[tilespmem:s3+$0x10] =	vst v3  }
0x41f: {  	v2 =	vld.idx.msk [tilespmem:v2+s0+$0x0], $0xffff  }
0x420: {  	v3 =	vld [tilespmem:s3+$0x50]  }
0x421: {  	v4 =	vld [tilespmem:s3+$0x70]  }
0x422: {  	v5 =	vld [tilespmem:s3+$0x60];
	_ =	sdelay $0x1  }
0x423: {  	v1 =	vmul.f32 v1, v2  }
0x424: {  	v3 =	vmul.f32 v3, v2  }
0x425: {  	v4 =	vmul.f32 v4, v2;
	[tilespmem:s3+$0x40] =	vst v1  }
0x426: {  	v1 =	vmul.f32 v5, v2;
	[tilespmem:s3+$0x50] =	vst v3  }
0x427: {  	[tilespmem:s3+$0x70] =	vst v4  }
0x428: {  	s15 =	simm.s32 $0x26C0;
	[tilespmem:s3+$0x60] =	vst v1  }
0x429: {  	[spmem:s4] =	stream.indirect.scatter.add.f32 [tilespmem:s29], [sflag:$0x3], $0x40, s15, s28, $0xb8;
	[tilespmem:$0x1B460] =	vst v63  }
0x42a: {  	_ =	swait.ge [sflag:s2], $0x1400  }
0x42b: {  	[sflag:s2] =	ssyncset.done $0x0  }
0x42c: {  	[sflag:s2] =	ssyncadd.s32 $0xFFFFEC00  }
0x42d: {  	[bflag:$0x0] =	sbarrier.arrive $0xFFFF  }
0x42e: {  	s6 =	simm.s32 $0x20;
	s7 =	simm.s32 $0x8;
	s17 =	rddreg [dreg:$0xd]  }
0x42f: {  	[hbm:s17@s6], [sflag:s8] =	dma.strided [spmem:s10@s7], $0x13C0, s26, $0x8   }
0x430: {  	_ =	swait.ge [sflag:s19], $0x13C0  }
0x431: {  	s30 =	sadd.s32 $0x1, s30;
	s18 =	rddreg [dreg:$0xe]  }
0x432: {  	p0 =	sne.s32 s30, s18  }
.Ltmp17:
0x433: {  	_ = 	snop;
	(pc) =	sbr.rel @p0 .LBB2_1-.Ltmp17, $3  }
0x434: {  	_ =	sdelay $0x1  }
0x435: {  	[sflag:s19] =	ssyncset.done $0x0  }
0x436: {  	[sflag:s19] =	ssyncadd.s32 $0xFFFFEC40  }
0x437: {  	_ =	sfence.sel $0x180000  }
0x438: {  	[bflag:$0x0] =	sbarrier.arrive $0xFFFF  }
0x439: {  	_ =	strace $0x90000047  }
0x43a: {  	s0 =	stileid.u32;
	[bflag:$0x2] =	sbarrier.arrive $0xFFFF  }
0x43b: {  	p0 =	sne.s32 s0, $0x0;
	s0 =	rddreg [dreg:$0x5]  }
0x43c: {  	s0 =	sadd.s32 @!p0 $0x100000, s0  }
0x43d: {  	[sflag:s0] =	ssyncadd.tile.s32 @!p0 $0x1;
	_ =	shalt  }
.Lfunc_end2:
_tile_overlayer_lowered:
.L_overlay_start_2:
0x43e: {  	(tag) =	ssettag $0x2  }
0x43f: {  	s0 =	rddreg [dreg:$0x0];
	s2 =	stileid.u32  }
0x440: {  	s1 =	rddreg [dreg:$0x1];
	p0 =	sne.s32 s2, $0x0  }
0x441: {  	s3 =	rddreg [dreg:$0x2];
	[bflag:$0x3] =	sbarrier.arrive $0xFFFF;
	s2 =	simm.s32 @!p0 $0x1C05  }
0x442: {  	[timem:s3], [sflag:s2] =	dma.local @!p0 [hbm:s0], s1  }
0x443: {  	s0 =	simm.s32 @!p0 $0x5  }
0x444: {  	_ =	swait.ge @!p0 [sflag:s0], s1  }
0x445: {  	s1 =	ssub.s32 @!p0 $0x0, s1;
	[sflag:s0] =	ssyncset.done @!p0 $0x0  }
0x446: {  	[sflag:s0] =	ssyncadd.s32 @!p0 s1  }
0x447: {  	[bflag:$0x3] =	sbarrier.arrive $0xFFFF  }
0x448: {  	_ =	shalt  }

</sc_bundles>
